<compile_context>
chip_gen: v7x
topology: tpu7x:2x2x1
jax: 0.10.2.dev20260603
libtpu: 0.0.44.dev20260713+nightly
codegen_flags: <defaults>
</compile_context>

<pallas_src>
import functools

import jax
import jax.numpy as jnp
from jax import lax
from jax.experimental import pallas as pl
from jax.experimental.pallas import tpu as pltpu
from jax.experimental.pallas import tpu_sc as plsc

N_EXPERTS = 8
D_INPUT = 1024
M = 2048
TOPK = 8
THETA = 0.5
BATCH = 1024

B_TILE = 1024


def _expert_body(x_ref, keys_ref, masked_ref, fam_ref, y_ref, g_ref,
                 xn_ref, kn_ref):
    e = pl.program_id(0)

    @pl.when(e == 0)
    def _():
        xblk = x_ref[...]
        nrm = jnp.sqrt(jnp.sum(xblk * xblk, axis=1, keepdims=True)) + 1e-9
        xn_ref[...] = (xblk / nrm).astype(jnp.bfloat16)

    keys = keys_ref[0]
    nrm = jnp.sqrt(jnp.sum(keys * keys, axis=1, keepdims=True)) + 1e-9
    kn_ref[...] = (keys / nrm).astype(jnp.bfloat16)

    xn = xn_ref[...]
    halves = [
        lax.dot_general(
            xn, kn_ref[pl.ds(h * (M // 2), M // 2), :],
            (((1,), (1,)), ((), ())),
            preferred_element_type=jnp.float32,
        )
        for h in range(2)
    ]

    CH, CW = 16, M // 16
    SUB = 64

    def _sortnet(v, pairs):
        v = list(v)
        for i, j in pairs:
            hi = jnp.maximum(v[i], v[j])
            lo = jnp.minimum(v[i], v[j])
            v[i], v[j] = hi, lo
        return v

    _S8 = [(0, 1), (2, 3), (4, 5), (6, 7),
           (0, 2), (1, 3), (4, 6), (5, 7),
           (1, 2), (5, 6),
           (0, 4), (1, 5), (2, 6), (3, 7),
           (2, 4), (3, 5),
           (1, 2), (3, 4), (5, 6)]
    _B8 = [(0, 4), (1, 5), (2, 6), (3, 7),
           (0, 2), (1, 3), (4, 6), (5, 7),
           (0, 1), (2, 3), (4, 5), (6, 7)]

    tv_parts = [[] for _ in range(TOPK)]
    for rt in range(B_TILE // SUB):
        r0 = rt * SUB
        ch = [halves[c // 8][r0:r0 + SUB, (c % 8) * CW:(c % 8 + 1) * CW]
              for c in range(CH)]
        s1 = _sortnet(ch[:8], _S8)
        s2 = _sortnet(ch[8:], _S8)
        bit = [jnp.maximum(s1[i], s2[7 - i]) for i in range(8)]
        stk = _sortnet(bit, _B8)
        for i in range(TOPK):
            m = jnp.max(stk[0], axis=1, keepdims=True)
            tv_parts[i].append(m)
            if i < TOPK - 1:
                cond = stk[0] == m
                for d in range(7 - i):
                    stk[d] = jnp.where(cond, stk[d + 1], stk[d])

    tv = [jnp.concatenate(p, axis=0) for p in tv_parts]
    kth = tv[-1]
    fam = sum(tv) / TOPK
    exps = [jnp.exp(t - tv[0]) for t in tv]
    z = sum(exps)
    y = sum(ev * t for ev, t in zip(exps, tv)) / z
    g = (fam > THETA).astype(jnp.float32)

    for h in range(2):
        masked_ref[0, :, pl.ds(h * (M // 2), M // 2)] = jnp.where(
            halves[h] >= kth, halves[h], -jnp.inf)

    fam_ref[0] = fam
    y_ref[0] = y
    g_ref[0] = g


@jax.jit
def kernel(x, keys, v):
    masked, fam_e, y_e, g_e = pl.pallas_call(
        _expert_body,
        grid=(N_EXPERTS,),
        in_specs=[
            pl.BlockSpec((BATCH, D_INPUT), lambda e: (0, 0)),
            pl.BlockSpec((1, M, D_INPUT), lambda e: (e, 0, 0)),
        ],
        out_specs=[
            pl.BlockSpec((1, B_TILE, M), lambda e: (e, 0, 0)),
            pl.BlockSpec((1, BATCH, 1), lambda e: (e, 0, 0)),
            pl.BlockSpec((1, BATCH, 1), lambda e: (e, 0, 0)),
            pl.BlockSpec((1, BATCH, 1), lambda e: (e, 0, 0)),
        ],
        out_shape=[
            jax.ShapeDtypeStruct((N_EXPERTS, BATCH, M), jnp.float32),
            jax.ShapeDtypeStruct((N_EXPERTS, BATCH, 1), jnp.float32),
            jax.ShapeDtypeStruct((N_EXPERTS, BATCH, 1), jnp.float32),
            jax.ShapeDtypeStruct((N_EXPERTS, BATCH, 1), jnp.float32),
        ],
        scratch_shapes=[
            pltpu.VMEM((BATCH, D_INPUT), jnp.bfloat16),
            pltpu.VMEM((M, D_INPUT), jnp.bfloat16),
        ],
        compiler_params=pltpu.CompilerParams(
            vmem_limit_bytes=64 * 1024 * 1024),
    )(x, keys)

    winner, max_fam, y, g = _route_sc_call(
        fam_e.reshape(N_EXPERTS, BATCH),
        y_e.reshape(N_EXPERTS, BATCH),
        g_e.reshape(N_EXPERTS, BATCH))

    return (winner, max_fam, y, g, masked)


_NC, _NS, _L = 2, 16, 16
_NW = _NC * _NS
_BPW = BATCH // _NW


def _route_sc_body(fam_hbm, y_hbm, g_hbm, w_hbm, mf_hbm, yo_hbm, go_hbm,
                   fam_v, y_v, g_v, w_st, mf_st, yo_st, go_st):
    wid = lax.axis_index("s") * _NC + lax.axis_index("c")
    base = wid * _BPW
    for ee in range(N_EXPERTS):
        pltpu.sync_copy(fam_hbm.at[ee, pl.ds(base, _BPW)], fam_v.at[ee])
        pltpu.sync_copy(y_hbm.at[ee, pl.ds(base, _BPW)], y_v.at[ee])
        pltpu.sync_copy(g_hbm.at[ee, pl.ds(base, _BPW)], g_v.at[ee])
    for v in range(_BPW // _L):
        sl = pl.ds(v * _L, _L)
        wmax = fam_v[0, sl]
        widx = jnp.zeros((_L,), jnp.int32)
        ysel = y_v[0, sl]
        gsel = g_v[0, sl]
        for e in range(1, N_EXPERTS):
            f = fam_v[e, sl]
            m = f > wmax
            wmax = jnp.where(m, f, wmax)
            widx = jnp.where(m, jnp.full((_L,), e, jnp.int32), widx)
            ysel = jnp.where(m, y_v[e, sl], ysel)
            gsel = jnp.where(m, g_v[e, sl], gsel)
        w_st[sl] = widx
        mf_st[sl] = wmax
        yo_st[sl] = ysel
        go_st[sl] = gsel
    pltpu.sync_copy(w_st, w_hbm.at[pl.ds(base, _BPW)])
    pltpu.sync_copy(mf_st, mf_hbm.at[pl.ds(base, _BPW)])
    pltpu.sync_copy(yo_st, yo_hbm.at[pl.ds(base, _BPW)])
    pltpu.sync_copy(go_st, go_hbm.at[pl.ds(base, _BPW)])


def _route_sc_call(fam, y_e, g_e):
    return pl.kernel(
        _route_sc_body,
        mesh=plsc.VectorSubcoreMesh(core_axis_name="c", subcore_axis_name="s"),
        out_type=[
            jax.ShapeDtypeStruct((BATCH,), jnp.int32),
            jax.ShapeDtypeStruct((BATCH,), jnp.float32),
            jax.ShapeDtypeStruct((BATCH,), jnp.float32),
            jax.ShapeDtypeStruct((BATCH,), jnp.float32),
        ],
        scratch_types=[
            pltpu.VMEM((N_EXPERTS, _BPW), jnp.float32),
            pltpu.VMEM((N_EXPERTS, _BPW), jnp.float32),
            pltpu.VMEM((N_EXPERTS, _BPW), jnp.float32),
            pltpu.VMEM((_BPW,), jnp.int32),
            pltpu.VMEM((_BPW,), jnp.float32),
            pltpu.VMEM((_BPW,), jnp.float32),
            pltpu.VMEM((_BPW,), jnp.float32),
        ],
    )(fam, y_e, g_e)

# --- scband reference (transcript-rebuilt; emitter-appended) ---
"""Pipeline reference for scband-mo-re-19670950216287 (READ-ONLY COPY).

The authoritative reference and input builder live on the scoring server;
editing this copy changes nothing except your own understanding.
"""

import jax, jax.numpy as jnp
import numpy as np

N_EXPERTS = 8
D_INPUT = 1024
M = 2048
N_CLASSES = 10
TOPK = 8
THETA = 0.5
BATCH = 1024


def setup_inputs(seed: int = 0) -> dict:
    key = jax.random.key(seed)
    k1, k2 = jax.random.split(key, 2)
    x = jax.random.normal(k1, (BATCH, D_INPUT), dtype=jnp.float32)
    # Learned key memories for each RPerceptron expert, row-normalized as in _normalize_keys()
    keys = jax.random.normal(k2, (N_EXPERTS, M, D_INPUT), dtype=jnp.float32)
    keys = keys / (jnp.linalg.norm(keys, axis=-1, keepdims=True) + 1e-9)
    # Stable-voting-head class counts (buffer; used only by predict, kept for fidelity)
    v = jnp.zeros((N_EXPERTS, N_CLASSES), dtype=jnp.float32)
    return {"x": x, "keys": keys, "v": v}


def reference(x, keys, v):
    # --- RPerceptron.forward for all experts, vectorized over the expert axis ---
    xn = x / (jnp.linalg.norm(x, axis=-1, keepdims=True) + 1e-9)
    kn = keys / (jnp.linalg.norm(keys, axis=-1, keepdims=True) + 1e-9)
    # cosine similarity scores of every sample against every expert's key memory
    scores = jnp.einsum('bd,emd->ebm', xn, kn)              # [E, B, M]
    topv, topi = jax.lax.top_k(scores, TOPK)                # [E, B, K]
    fam = jnp.mean(topv, axis=-1)                           # familiarity f, [E, B]
    attn = jax.nn.softmax(topv, axis=-1)                    # attention over top-k keys
    y_e = jnp.sum(attn * topv, axis=-1)                     # expert readout y, [E, B]
    g_e = (fam > THETA).astype(jnp.float32)                 # gate g, [E, B]
    # masked score matrix: -inf everywhere except top-k entries (res[4])
    kth = topv[..., -1:]
    masked_scores = jnp.where(scores >= kth, scores, -jnp.inf)  # [E, B, M]
    # --- MoRE routing: winner-take-all over experts by familiarity ---
    max_fam = jnp.max(fam, axis=0)                          # [B]
    winner_experts = jnp.argmax(fam, axis=0)                # [B]
    bidx = jnp.arange(x.shape[0])
    y = y_e[winner_experts, bidx]                           # [B]
    g = g_e[winner_experts, bidx]                           # [B]
    # health entropy h (side-effect signal in torch; computed the same way here)
    p = jax.nn.softmax(topv, axis=-1)
    h = -jnp.sum(p * jnp.log(p + 1e-9), axis=-1)            # [E, B]
    _h_win = h[winner_experts, bidx]
    return (winner_experts, max_fam, y, g, masked_scores)

if __name__ == "__main__":
    import jax
    _d = setup_inputs()
    print(jax.jit(kernel)(*tuple(_d.values())))

</pallas_src>

<mosaic_0001>
#map = affine_map<(d0, d1) -> (0, 0)>
#map1 = affine_map<(d0, d1) -> (0)>
module attributes {stable_mosaic.version = 14 : i64} {
  func.func @_route_sc_body(%arg0: i32, %arg1: i32, %arg2: memref<8x1024xf32, #tpu.memory_space<hbm>>, %arg3: memref<8x1024xf32, #tpu.memory_space<hbm>>, %arg4: memref<8x1024xf32, #tpu.memory_space<hbm>>, %arg5: memref<1024xi32, #tpu.memory_space<hbm>>, %arg6: memref<1024xf32, #tpu.memory_space<hbm>>, %arg7: memref<1024xf32, #tpu.memory_space<hbm>>, %arg8: memref<1024xf32, #tpu.memory_space<hbm>>, %arg9: memref<8x32xf32, #tpu.memory_space<vmem>>, %arg10: memref<8x32xf32, #tpu.memory_space<vmem>>, %arg11: memref<8x32xf32, #tpu.memory_space<vmem>>, %arg12: memref<32xi32, #tpu.memory_space<vmem>>, %arg13: memref<32xf32, #tpu.memory_space<vmem>>, %arg14: memref<32xf32, #tpu.memory_space<vmem>>, %arg15: memref<32xf32, #tpu.memory_space<vmem>>) attributes {dimension_semantics = [#tpu.dimension_semantics<core_parallel>, #tpu.dimension_semantics<subcore_parallel>], iteration_bounds = array<i64: 2, 16>, scalar_prefetch = 0 : i64, scratch_operands = 7 : i64, tpu.core_type = #tpu.core_type<sc_vector_subcore>, window_params = [{transform_indices = #map}, {transform_indices = #map}, {transform_indices = #map}, {transform_indices = #map1}, {transform_indices = #map1}, {transform_indices = #map1}, {transform_indices = #map1}]} {
    %mul3A = arith.constant 2 : i32
    %mul3A_0 = arith.muli %arg1, %mul3A : i32
    %add3A = arith.addi %mul3A_0, %arg0 : i32
    %mul3A_1 = arith.constant 32 : i32
    %mul3A_2 = arith.muli %add3A, %mul3A_1 : i32
    %run_scoped3A = arith.constant 0 : i32
    %run_scoped3A_3 = arith.constant 0 : i32
    "tpu.region"() ({
      %run_scoped3A_419 = tpu.sem_alloc : memref<!tpu.dma_semaphore, #tpu.memory_space<semaphore_mem>>
      %dma_start3A = arith.constant 0 : i32
      %dma_start3A_420 = tpu.memref_slice %arg9[%run_scoped3A_3, %dma_start3A] : memref<8x32xf32, #tpu.memory_space<vmem>> -> memref<1x32xf32, #tpu.memory_space<vmem>>
      %dma_start3A_421 = tpu.memref_squeeze %dma_start3A_420 : memref<1x32xf32, #tpu.memory_space<vmem>> -> memref<32xf32, #tpu.memory_space<vmem>>
      %dma_start3A_422 = tpu.memref_slice %arg2[%run_scoped3A, %mul3A_2] : memref<8x1024xf32, #tpu.memory_space<hbm>> -> memref<1x32xf32, #tpu.memory_space<hbm>>
      %dma_start3A_423 = tpu.memref_squeeze %dma_start3A_422 : memref<1x32xf32, #tpu.memory_space<hbm>> -> memref<32xf32, #tpu.memory_space<hbm>>
      %dma_start3A_424 = arith.constant 0 : i32
      %dma_start3A_425 = tpu.memref_slice %arg9[%run_scoped3A_3, %dma_start3A_424] : memref<8x32xf32, #tpu.memory_space<vmem>> -> memref<1x32xf32, #tpu.memory_space<vmem>>
      %dma_start3A_426 = tpu.memref_squeeze %dma_start3A_425 : memref<1x32xf32, #tpu.memory_space<vmem>> -> memref<32xf32, #tpu.memory_space<vmem>>
      %dma_start3A_427 = tpu.memref_slice %arg2[%run_scoped3A, %mul3A_2] : memref<8x1024xf32, #tpu.memory_space<hbm>> -> memref<1x32xf32, #tpu.memory_space<hbm>>
      %dma_start3A_428 = tpu.memref_squeeze %dma_start3A_427 : memref<1x32xf32, #tpu.memory_space<hbm>> -> memref<32xf32, #tpu.memory_space<hbm>>
      tpu.enqueue_dma source(%dma_start3A_428 : memref<32xf32, #tpu.memory_space<hbm>>) target(%dma_start3A_426 : memref<32xf32, #tpu.memory_space<vmem>>) target_semaphore(%run_scoped3A_419 : memref<!tpu.dma_semaphore, #tpu.memory_space<semaphore_mem>>)
      %dma_wait3A = arith.constant 0 : i32
      %dma_wait3A_429 = tpu.memref_slice %arg9[%run_scoped3A_3, %dma_wait3A] : memref<8x32xf32, #tpu.memory_space<vmem>> -> memref<1x32xf32, #tpu.memory_space<vmem>>
      %dma_wait3A_430 = tpu.memref_squeeze %dma_wait3A_429 : memref<1x32xf32, #tpu.memory_space<vmem>> -> memref<32xf32, #tpu.memory_space<vmem>>
      %dma_wait3A_431 = tpu.memref_slice %arg2[%run_scoped3A, %mul3A_2] : memref<8x1024xf32, #tpu.memory_space<hbm>> -> memref<1x32xf32, #tpu.memory_space<hbm>>
      %dma_wait3A_432 = tpu.memref_squeeze %dma_wait3A_431 : memref<1x32xf32, #tpu.memory_space<hbm>> -> memref<32xf32, #tpu.memory_space<hbm>>
      %dma_wait3A_433 = arith.constant 0 : i32
      %dma_wait3A_434 = tpu.memref_slice %arg9[%run_scoped3A_3, %dma_wait3A_433] : memref<8x32xf32, #tpu.memory_space<vmem>> -> memref<1x32xf32, #tpu.memory_space<vmem>>
      %dma_wait3A_435 = tpu.memref_squeeze %dma_wait3A_434 : memref<1x32xf32, #tpu.memory_space<vmem>> -> memref<32xf32, #tpu.memory_space<vmem>>
      %dma_wait3A_436 = tpu.memref_slice %arg2[%run_scoped3A, %mul3A_2] : memref<8x1024xf32, #tpu.memory_space<hbm>> -> memref<1x32xf32, #tpu.memory_space<hbm>>
      %dma_wait3A_437 = tpu.memref_squeeze %dma_wait3A_436 : memref<1x32xf32, #tpu.memory_space<hbm>> -> memref<32xf32, #tpu.memory_space<hbm>>
      tpu.wait_dma2 semaphore(%run_scoped3A_419 : memref<!tpu.dma_semaphore, #tpu.memory_space<semaphore_mem>>) src(%dma_wait3A_437 : memref<32xf32, #tpu.memory_space<hbm>>) dst(%dma_wait3A_435 : memref<32xf32, #tpu.memory_space<vmem>>)
      tpu.yield
    }) : () -> ()
    %run_scoped3A_4 = arith.constant 0 : i32
    %run_scoped3A_5 = arith.constant 0 : i32
    "tpu.region"() ({
      %run_scoped3A_419 = tpu.sem_alloc : memref<!tpu.dma_semaphore, #tpu.memory_space<semaphore_mem>>
      %dma_start3A = arith.constant 0 : i32
      %dma_start3A_420 = tpu.memref_slice %arg10[%run_scoped3A_5, %dma_start3A] : memref<8x32xf32, #tpu.memory_space<vmem>> -> memref<1x32xf32, #tpu.memory_space<vmem>>
      %dma_start3A_421 = tpu.memref_squeeze %dma_start3A_420 : memref<1x32xf32, #tpu.memory_space<vmem>> -> memref<32xf32, #tpu.memory_space<vmem>>
      %dma_start3A_422 = tpu.memref_slice %arg3[%run_scoped3A_4, %mul3A_2] : memref<8x1024xf32, #tpu.memory_space<hbm>> -> memref<1x32xf32, #tpu.memory_space<hbm>>
      %dma_start3A_423 = tpu.memref_squeeze %dma_start3A_422 : memref<1x32xf32, #tpu.memory_space<hbm>> -> memref<32xf32, #tpu.memory_space<hbm>>
      %dma_start3A_424 = arith.constant 0 : i32
      %dma_start3A_425 = tpu.memref_slice %arg10[%run_scoped3A_5, %dma_start3A_424] : memref<8x32xf32, #tpu.memory_space<vmem>> -> memref<1x32xf32, #tpu.memory_space<vmem>>
      %dma_start3A_426 = tpu.memref_squeeze %dma_start3A_425 : memref<1x32xf32, #tpu.memory_space<vmem>> -> memref<32xf32, #tpu.memory_space<vmem>>
      %dma_start3A_427 = tpu.memref_slice %arg3[%run_scoped3A_4, %mul3A_2] : memref<8x1024xf32, #tpu.memory_space<hbm>> -> memref<1x32xf32, #tpu.memory_space<hbm>>
      %dma_start3A_428 = tpu.memref_squeeze %dma_start3A_427 : memref<1x32xf32, #tpu.memory_space<hbm>> -> memref<32xf32, #tpu.memory_space<hbm>>
      tpu.enqueue_dma source(%dma_start3A_428 : memref<32xf32, #tpu.memory_space<hbm>>) target(%dma_start3A_426 : memref<32xf32, #tpu.memory_space<vmem>>) target_semaphore(%run_scoped3A_419 : memref<!tpu.dma_semaphore, #tpu.memory_space<semaphore_mem>>)
      %dma_wait3A = arith.constant 0 : i32
      %dma_wait3A_429 = tpu.memref_slice %arg10[%run_scoped3A_5, %dma_wait3A] : memref<8x32xf32, #tpu.memory_space<vmem>> -> memref<1x32xf32, #tpu.memory_space<vmem>>
      %dma_wait3A_430 = tpu.memref_squeeze %dma_wait3A_429 : memref<1x32xf32, #tpu.memory_space<vmem>> -> memref<32xf32, #tpu.memory_space<vmem>>
      %dma_wait3A_431 = tpu.memref_slice %arg3[%run_scoped3A_4, %mul3A_2] : memref<8x1024xf32, #tpu.memory_space<hbm>> -> memref<1x32xf32, #tpu.memory_space<hbm>>
      %dma_wait3A_432 = tpu.memref_squeeze %dma_wait3A_431 : memref<1x32xf32, #tpu.memory_space<hbm>> -> memref<32xf32, #tpu.memory_space<hbm>>
      %dma_wait3A_433 = arith.constant 0 : i32
      %dma_wait3A_434 = tpu.memref_slice %arg10[%run_scoped3A_5, %dma_wait3A_433] : memref<8x32xf32, #tpu.memory_space<vmem>> -> memref<1x32xf32, #tpu.memory_space<vmem>>
      %dma_wait3A_435 = tpu.memref_squeeze %dma_wait3A_434 : memref<1x32xf32, #tpu.memory_space<vmem>> -> memref<32xf32, #tpu.memory_space<vmem>>
      %dma_wait3A_436 = tpu.memref_slice %arg3[%run_scoped3A_4, %mul3A_2] : memref<8x1024xf32, #tpu.memory_space<hbm>> -> memref<1x32xf32, #tpu.memory_space<hbm>>
      %dma_wait3A_437 = tpu.memref_squeeze %dma_wait3A_436 : memref<1x32xf32, #tpu.memory_space<hbm>> -> memref<32xf32, #tpu.memory_space<hbm>>
      tpu.wait_dma2 semaphore(%run_scoped3A_419 : memref<!tpu.dma_semaphore, #tpu.memory_space<semaphore_mem>>) src(%dma_wait3A_437 : memref<32xf32, #tpu.memory_space<hbm>>) dst(%dma_wait3A_435 : memref<32xf32, #tpu.memory_space<vmem>>)
      tpu.yield
    }) : () -> ()
    %run_scoped3A_6 = arith.constant 0 : i32
    %run_scoped3A_7 = arith.constant 0 : i32
    "tpu.region"() ({
      %run_scoped3A_419 = tpu.sem_alloc : memref<!tpu.dma_semaphore, #tpu.memory_space<semaphore_mem>>
      %dma_start3A = arith.constant 0 : i32
      %dma_start3A_420 = tpu.memref_slice %arg11[%run_scoped3A_7, %dma_start3A] : memref<8x32xf32, #tpu.memory_space<vmem>> -> memref<1x32xf32, #tpu.memory_space<vmem>>
      %dma_start3A_421 = tpu.memref_squeeze %dma_start3A_420 : memref<1x32xf32, #tpu.memory_space<vmem>> -> memref<32xf32, #tpu.memory_space<vmem>>
      %dma_start3A_422 = tpu.memref_slice %arg4[%run_scoped3A_6, %mul3A_2] : memref<8x1024xf32, #tpu.memory_space<hbm>> -> memref<1x32xf32, #tpu.memory_space<hbm>>
      %dma_start3A_423 = tpu.memref_squeeze %dma_start3A_422 : memref<1x32xf32, #tpu.memory_space<hbm>> -> memref<32xf32, #tpu.memory_space<hbm>>
      %dma_start3A_424 = arith.constant 0 : i32
      %dma_start3A_425 = tpu.memref_slice %arg11[%run_scoped3A_7, %dma_start3A_424] : memref<8x32xf32, #tpu.memory_space<vmem>> -> memref<1x32xf32, #tpu.memory_space<vmem>>
      %dma_start3A_426 = tpu.memref_squeeze %dma_start3A_425 : memref<1x32xf32, #tpu.memory_space<vmem>> -> memref<32xf32, #tpu.memory_space<vmem>>
      %dma_start3A_427 = tpu.memref_slice %arg4[%run_scoped3A_6, %mul3A_2] : memref<8x1024xf32, #tpu.memory_space<hbm>> -> memref<1x32xf32, #tpu.memory_space<hbm>>
      %dma_start3A_428 = tpu.memref_squeeze %dma_start3A_427 : memref<1x32xf32, #tpu.memory_space<hbm>> -> memref<32xf32, #tpu.memory_space<hbm>>
      tpu.enqueue_dma source(%dma_start3A_428 : memref<32xf32, #tpu.memory_space<hbm>>) target(%dma_start3A_426 : memref<32xf32, #tpu.memory_space<vmem>>) target_semaphore(%run_scoped3A_419 : memref<!tpu.dma_semaphore, #tpu.memory_space<semaphore_mem>>)
      %dma_wait3A = arith.constant 0 : i32
      %dma_wait3A_429 = tpu.memref_slice %arg11[%run_scoped3A_7, %dma_wait3A] : memref<8x32xf32, #tpu.memory_space<vmem>> -> memref<1x32xf32, #tpu.memory_space<vmem>>
      %dma_wait3A_430 = tpu.memref_squeeze %dma_wait3A_429 : memref<1x32xf32, #tpu.memory_space<vmem>> -> memref<32xf32, #tpu.memory_space<vmem>>
      %dma_wait3A_431 = tpu.memref_slice %arg4[%run_scoped3A_6, %mul3A_2] : memref<8x1024xf32, #tpu.memory_space<hbm>> -> memref<1x32xf32, #tpu.memory_space<hbm>>
      %dma_wait3A_432 = tpu.memref_squeeze %dma_wait3A_431 : memref<1x32xf32, #tpu.memory_space<hbm>> -> memref<32xf32, #tpu.memory_space<hbm>>
      %dma_wait3A_433 = arith.constant 0 : i32
      %dma_wait3A_434 = tpu.memref_slice %arg11[%run_scoped3A_7, %dma_wait3A_433] : memref<8x32xf32, #tpu.memory_space<vmem>> -> memref<1x32xf32, #tpu.memory_space<vmem>>
      %dma_wait3A_435 = tpu.memref_squeeze %dma_wait3A_434 : memref<1x32xf32, #tpu.memory_space<vmem>> -> memref<32xf32, #tpu.memory_space<vmem>>
      %dma_wait3A_436 = tpu.memref_slice %arg4[%run_scoped3A_6, %mul3A_2] : memref<8x1024xf32, #tpu.memory_space<hbm>> -> memref<1x32xf32, #tpu.memory_space<hbm>>
      %dma_wait3A_437 = tpu.memref_squeeze %dma_wait3A_436 : memref<1x32xf32, #tpu.memory_space<hbm>> -> memref<32xf32, #tpu.memory_space<hbm>>
      tpu.wait_dma2 semaphore(%run_scoped3A_419 : memref<!tpu.dma_semaphore, #tpu.memory_space<semaphore_mem>>) src(%dma_wait3A_437 : memref<32xf32, #tpu.memory_space<hbm>>) dst(%dma_wait3A_435 : memref<32xf32, #tpu.memory_space<vmem>>)
      tpu.yield
    }) : () -> ()
    %run_scoped3A_8 = arith.constant 1 : i32
    %run_scoped3A_9 = arith.constant 1 : i32
    "tpu.region"() ({
      %run_scoped3A_419 = tpu.sem_alloc : memref<!tpu.dma_semaphore, #tpu.memory_space<semaphore_mem>>
      %dma_start3A = arith.constant 0 : i32
      %dma_start3A_420 = tpu.memref_slice %arg9[%run_scoped3A_9, %dma_start3A] : memref<8x32xf32, #tpu.memory_space<vmem>> -> memref<1x32xf32, #tpu.memory_space<vmem>>
      %dma_start3A_421 = tpu.memref_squeeze %dma_start3A_420 : memref<1x32xf32, #tpu.memory_space<vmem>> -> memref<32xf32, #tpu.memory_space<vmem>>
      %dma_start3A_422 = tpu.memref_slice %arg2[%run_scoped3A_8, %mul3A_2] : memref<8x1024xf32, #tpu.memory_space<hbm>> -> memref<1x32xf32, #tpu.memory_space<hbm>>
      %dma_start3A_423 = tpu.memref_squeeze %dma_start3A_422 : memref<1x32xf32, #tpu.memory_space<hbm>> -> memref<32xf32, #tpu.memory_space<hbm>>
      %dma_start3A_424 = arith.constant 0 : i32
      %dma_start3A_425 = tpu.memref_slice %arg9[%run_scoped3A_9, %dma_start3A_424] : memref<8x32xf32, #tpu.memory_space<vmem>> -> memref<1x32xf32, #tpu.memory_space<vmem>>
      %dma_start3A_426 = tpu.memref_squeeze %dma_start3A_425 : memref<1x32xf32, #tpu.memory_space<vmem>> -> memref<32xf32, #tpu.memory_space<vmem>>
      %dma_start3A_427 = tpu.memref_slice %arg2[%run_scoped3A_8, %mul3A_2] : memref<8x1024xf32, #tpu.memory_space<hbm>> -> memref<1x32xf32, #tpu.memory_space<hbm>>
      %dma_start3A_428 = tpu.memref_squeeze %dma_start3A_427 : memref<1x32xf32, #tpu.memory_space<hbm>> -> memref<32xf32, #tpu.memory_space<hbm>>
      tpu.enqueue_dma source(%dma_start3A_428 : memref<32xf32, #tpu.memory_space<hbm>>) target(%dma_start3A_426 : memref<32xf32, #tpu.memory_space<vmem>>) target_semaphore(%run_scoped3A_419 : memref<!tpu.dma_semaphore, #tpu.memory_space<semaphore_mem>>)
      %dma_wait3A = arith.constant 0 : i32
      %dma_wait3A_429 = tpu.memref_slice %arg9[%run_scoped3A_9, %dma_wait3A] : memref<8x32xf32, #tpu.memory_space<vmem>> -> memref<1x32xf32, #tpu.memory_space<vmem>>
      %dma_wait3A_430 = tpu.memref_squeeze %dma_wait3A_429 : memref<1x32xf32, #tpu.memory_space<vmem>> -> memref<32xf32, #tpu.memory_space<vmem>>
      %dma_wait3A_431 = tpu.memref_slice %arg2[%run_scoped3A_8, %mul3A_2] : memref<8x1024xf32, #tpu.memory_space<hbm>> -> memref<1x32xf32, #tpu.memory_space<hbm>>
      %dma_wait3A_432 = tpu.memref_squeeze %dma_wait3A_431 : memref<1x32xf32, #tpu.memory_space<hbm>> -> memref<32xf32, #tpu.memory_space<hbm>>
      %dma_wait3A_433 = arith.constant 0 : i32
      %dma_wait3A_434 = tpu.memref_slice %arg9[%run_scoped3A_9, %dma_wait3A_433] : memref<8x32xf32, #tpu.memory_space<vmem>> -> memref<1x32xf32, #tpu.memory_space<vmem>>
      %dma_wait3A_435 = tpu.memref_squeeze %dma_wait3A_434 : memref<1x32xf32, #tpu.memory_space<vmem>> -> memref<32xf32, #tpu.memory_space<vmem>>
      %dma_wait3A_436 = tpu.memref_slice %arg2[%run_scoped3A_8, %mul3A_2] : memref<8x1024xf32, #tpu.memory_space<hbm>> -> memref<1x32xf32, #tpu.memory_space<hbm>>
      %dma_wait3A_437 = tpu.memref_squeeze %dma_wait3A_436 : memref<1x32xf32, #tpu.memory_space<hbm>> -> memref<32xf32, #tpu.memory_space<hbm>>
      tpu.wait_dma2 semaphore(%run_scoped3A_419 : memref<!tpu.dma_semaphore, #tpu.memory_space<semaphore_mem>>) src(%dma_wait3A_437 : memref<32xf32, #tpu.memory_space<hbm>>) dst(%dma_wait3A_435 : memref<32xf32, #tpu.memory_space<vmem>>)
      tpu.yield
    }) : () -> ()
    %run_scoped3A_10 = arith.constant 1 : i32
    %run_scoped3A_11 = arith.constant 1 : i32
    "tpu.region"() ({
      %run_scoped3A_419 = tpu.sem_alloc : memref<!tpu.dma_semaphore, #tpu.memory_space<semaphore_mem>>
      %dma_start3A = arith.constant 0 : i32
      %dma_start3A_420 = tpu.memref_slice %arg10[%run_scoped3A_11, %dma_start3A] : memref<8x32xf32, #tpu.memory_space<vmem>> -> memref<1x32xf32, #tpu.memory_space<vmem>>
      %dma_start3A_421 = tpu.memref_squeeze %dma_start3A_420 : memref<1x32xf32, #tpu.memory_space<vmem>> -> memref<32xf32, #tpu.memory_space<vmem>>
      %dma_start3A_422 = tpu.memref_slice %arg3[%run_scoped3A_10, %mul3A_2] : memref<8x1024xf32, #tpu.memory_space<hbm>> -> memref<1x32xf32, #tpu.memory_space<hbm>>
      %dma_start3A_423 = tpu.memref_squeeze %dma_start3A_422 : memref<1x32xf32, #tpu.memory_space<hbm>> -> memref<32xf32, #tpu.memory_space<hbm>>
      %dma_start3A_424 = arith.constant 0 : i32
      %dma_start3A_425 = tpu.memref_slice %arg10[%run_scoped3A_11, %dma_start3A_424] : memref<8x32xf32, #tpu.memory_space<vmem>> -> memref<1x32xf32, #tpu.memory_space<vmem>>
      %dma_start3A_426 = tpu.memref_squeeze %dma_start3A_425 : memref<1x32xf32, #tpu.memory_space<vmem>> -> memref<32xf32, #tpu.memory_space<vmem>>
      %dma_start3A_427 = tpu.memref_slice %arg3[%run_scoped3A_10, %mul3A_2] : memref<8x1024xf32, #tpu.memory_space<hbm>> -> memref<1x32xf32, #tpu.memory_space<hbm>>
      %dma_start3A_428 = tpu.memref_squeeze %dma_start3A_427 : memref<1x32xf32, #tpu.memory_space<hbm>> -> memref<32xf32, #tpu.memory_space<hbm>>
      tpu.enqueue_dma source(%dma_start3A_428 : memref<32xf32, #tpu.memory_space<hbm>>) target(%dma_start3A_426 : memref<32xf32, #tpu.memory_space<vmem>>) target_semaphore(%run_scoped3A_419 : memref<!tpu.dma_semaphore, #tpu.memory_space<semaphore_mem>>)
      %dma_wait3A = arith.constant 0 : i32
      %dma_wait3A_429 = tpu.memref_slice %arg10[%run_scoped3A_11, %dma_wait3A] : memref<8x32xf32, #tpu.memory_space<vmem>> -> memref<1x32xf32, #tpu.memory_space<vmem>>
      %dma_wait3A_430 = tpu.memref_squeeze %dma_wait3A_429 : memref<1x32xf32, #tpu.memory_space<vmem>> -> memref<32xf32, #tpu.memory_space<vmem>>
      %dma_wait3A_431 = tpu.memref_slice %arg3[%run_scoped3A_10, %mul3A_2] : memref<8x1024xf32, #tpu.memory_space<hbm>> -> memref<1x32xf32, #tpu.memory_space<hbm>>
      %dma_wait3A_432 = tpu.memref_squeeze %dma_wait3A_431 : memref<1x32xf32, #tpu.memory_space<hbm>> -> memref<32xf32, #tpu.memory_space<hbm>>
      %dma_wait3A_433 = arith.constant 0 : i32
      %dma_wait3A_434 = tpu.memref_slice %arg10[%run_scoped3A_11, %dma_wait3A_433] : memref<8x32xf32, #tpu.memory_space<vmem>> -> memref<1x32xf32, #tpu.memory_space<vmem>>
      %dma_wait3A_435 = tpu.memref_squeeze %dma_wait3A_434 : memref<1x32xf32, #tpu.memory_space<vmem>> -> memref<32xf32, #tpu.memory_space<vmem>>
      %dma_wait3A_436 = tpu.memref_slice %arg3[%run_scoped3A_10, %mul3A_2] : memref<8x1024xf32, #tpu.memory_space<hbm>> -> memref<1x32xf32, #tpu.memory_space<hbm>>
      %dma_wait3A_437 = tpu.memref_squeeze %dma_wait3A_436 : memref<1x32xf32, #tpu.memory_space<hbm>> -> memref<32xf32, #tpu.memory_space<hbm>>
      tpu.wait_dma2 semaphore(%run_scoped3A_419 : memref<!tpu.dma_semaphore, #tpu.memory_space<semaphore_mem>>) src(%dma_wait3A_437 : memref<32xf32, #tpu.memory_space<hbm>>) dst(%dma_wait3A_435 : memref<32xf32, #tpu.memory_space<vmem>>)
      tpu.yield
    }) : () -> ()
    %run_scoped3A_12 = arith.constant 1 : i32
    %run_scoped3A_13 = arith.constant 1 : i32
    "tpu.region"() ({
      %run_scoped3A_419 = tpu.sem_alloc : memref<!tpu.dma_semaphore, #tpu.memory_space<semaphore_mem>>
      %dma_start3A = arith.constant 0 : i32
      %dma_start3A_420 = tpu.memref_slice %arg11[%run_scoped3A_13, %dma_start3A] : memref<8x32xf32, #tpu.memory_space<vmem>> -> memref<1x32xf32, #tpu.memory_space<vmem>>
      %dma_start3A_421 = tpu.memref_squeeze %dma_start3A_420 : memref<1x32xf32, #tpu.memory_space<vmem>> -> memref<32xf32, #tpu.memory_space<vmem>>
      %dma_start3A_422 = tpu.memref_slice %arg4[%run_scoped3A_12, %mul3A_2] : memref<8x1024xf32, #tpu.memory_space<hbm>> -> memref<1x32xf32, #tpu.memory_space<hbm>>
      %dma_start3A_423 = tpu.memref_squeeze %dma_start3A_422 : memref<1x32xf32, #tpu.memory_space<hbm>> -> memref<32xf32, #tpu.memory_space<hbm>>
      %dma_start3A_424 = arith.constant 0 : i32
      %dma_start3A_425 = tpu.memref_slice %arg11[%run_scoped3A_13, %dma_start3A_424] : memref<8x32xf32, #tpu.memory_space<vmem>> -> memref<1x32xf32, #tpu.memory_space<vmem>>
      %dma_start3A_426 = tpu.memref_squeeze %dma_start3A_425 : memref<1x32xf32, #tpu.memory_space<vmem>> -> memref<32xf32, #tpu.memory_space<vmem>>
      %dma_start3A_427 = tpu.memref_slice %arg4[%run_scoped3A_12, %mul3A_2] : memref<8x1024xf32, #tpu.memory_space<hbm>> -> memref<1x32xf32, #tpu.memory_space<hbm>>
      %dma_start3A_428 = tpu.memref_squeeze %dma_start3A_427 : memref<1x32xf32, #tpu.memory_space<hbm>> -> memref<32xf32, #tpu.memory_space<hbm>>
      tpu.enqueue_dma source(%dma_start3A_428 : memref<32xf32, #tpu.memory_space<hbm>>) target(%dma_start3A_426 : memref<32xf32, #tpu.memory_space<vmem>>) target_semaphore(%run_scoped3A_419 : memref<!tpu.dma_semaphore, #tpu.memory_space<semaphore_mem>>)
      %dma_wait3A = arith.constant 0 : i32
      %dma_wait3A_429 = tpu.memref_slice %arg11[%run_scoped3A_13, %dma_wait3A] : memref<8x32xf32, #tpu.memory_space<vmem>> -> memref<1x32xf32, #tpu.memory_space<vmem>>
      %dma_wait3A_430 = tpu.memref_squeeze %dma_wait3A_429 : memref<1x32xf32, #tpu.memory_space<vmem>> -> memref<32xf32, #tpu.memory_space<vmem>>
      %dma_wait3A_431 = tpu.memref_slice %arg4[%run_scoped3A_12, %mul3A_2] : memref<8x1024xf32, #tpu.memory_space<hbm>> -> memref<1x32xf32, #tpu.memory_space<hbm>>
      %dma_wait3A_432 = tpu.memref_squeeze %dma_wait3A_431 : memref<1x32xf32, #tpu.memory_space<hbm>> -> memref<32xf32, #tpu.memory_space<hbm>>
      %dma_wait3A_433 = arith.constant 0 : i32
      %dma_wait3A_434 = tpu.memref_slice %arg11[%run_scoped3A_13, %dma_wait3A_433] : memref<8x32xf32, #tpu.memory_space<vmem>> -> memref<1x32xf32, #tpu.memory_space<vmem>>
      %dma_wait3A_435 = tpu.memref_squeeze %dma_wait3A_434 : memref<1x32xf32, #tpu.memory_space<vmem>> -> memref<32xf32, #tpu.memory_space<vmem>>
      %dma_wait3A_436 = tpu.memref_slice %arg4[%run_scoped3A_12, %mul3A_2] : memref<8x1024xf32, #tpu.memory_space<hbm>> -> memref<1x32xf32, #tpu.memory_space<hbm>>
      %dma_wait3A_437 = tpu.memref_squeeze %dma_wait3A_436 : memref<1x32xf32, #tpu.memory_space<hbm>> -> memref<32xf32, #tpu.memory_space<hbm>>
      tpu.wait_dma2 semaphore(%run_scoped3A_419 : memref<!tpu.dma_semaphore, #tpu.memory_space<semaphore_mem>>) src(%dma_wait3A_437 : memref<32xf32, #tpu.memory_space<hbm>>) dst(%dma_wait3A_435 : memref<32xf32, #tpu.memory_space<vmem>>)
      tpu.yield
    }) : () -> ()
    %run_scoped3A_14 = arith.constant 2 : i32
    %run_scoped3A_15 = arith.constant 2 : i32
    "tpu.region"() ({
      %run_scoped3A_419 = tpu.sem_alloc : memref<!tpu.dma_semaphore, #tpu.memory_space<semaphore_mem>>
      %dma_start3A = arith.constant 0 : i32
      %dma_start3A_420 = tpu.memref_slice %arg9[%run_scoped3A_15, %dma_start3A] : memref<8x32xf32, #tpu.memory_space<vmem>> -> memref<1x32xf32, #tpu.memory_space<vmem>>
      %dma_start3A_421 = tpu.memref_squeeze %dma_start3A_420 : memref<1x32xf32, #tpu.memory_space<vmem>> -> memref<32xf32, #tpu.memory_space<vmem>>
      %dma_start3A_422 = tpu.memref_slice %arg2[%run_scoped3A_14, %mul3A_2] : memref<8x1024xf32, #tpu.memory_space<hbm>> -> memref<1x32xf32, #tpu.memory_space<hbm>>
      %dma_start3A_423 = tpu.memref_squeeze %dma_start3A_422 : memref<1x32xf32, #tpu.memory_space<hbm>> -> memref<32xf32, #tpu.memory_space<hbm>>
      %dma_start3A_424 = arith.constant 0 : i32
      %dma_start3A_425 = tpu.memref_slice %arg9[%run_scoped3A_15, %dma_start3A_424] : memref<8x32xf32, #tpu.memory_space<vmem>> -> memref<1x32xf32, #tpu.memory_space<vmem>>
      %dma_start3A_426 = tpu.memref_squeeze %dma_start3A_425 : memref<1x32xf32, #tpu.memory_space<vmem>> -> memref<32xf32, #tpu.memory_space<vmem>>
      %dma_start3A_427 = tpu.memref_slice %arg2[%run_scoped3A_14, %mul3A_2] : memref<8x1024xf32, #tpu.memory_space<hbm>> -> memref<1x32xf32, #tpu.memory_space<hbm>>
      %dma_start3A_428 = tpu.memref_squeeze %dma_start3A_427 : memref<1x32xf32, #tpu.memory_space<hbm>> -> memref<32xf32, #tpu.memory_space<hbm>>
      tpu.enqueue_dma source(%dma_start3A_428 : memref<32xf32, #tpu.memory_space<hbm>>) target(%dma_start3A_426 : memref<32xf32, #tpu.memory_space<vmem>>) target_semaphore(%run_scoped3A_419 : memref<!tpu.dma_semaphore, #tpu.memory_space<semaphore_mem>>)
      %dma_wait3A = arith.constant 0 : i32
      %dma_wait3A_429 = tpu.memref_slice %arg9[%run_scoped3A_15, %dma_wait3A] : memref<8x32xf32, #tpu.memory_space<vmem>> -> memref<1x32xf32, #tpu.memory_space<vmem>>
      %dma_wait3A_430 = tpu.memref_squeeze %dma_wait3A_429 : memref<1x32xf32, #tpu.memory_space<vmem>> -> memref<32xf32, #tpu.memory_space<vmem>>
      %dma_wait3A_431 = tpu.memref_slice %arg2[%run_scoped3A_14, %mul3A_2] : memref<8x1024xf32, #tpu.memory_space<hbm>> -> memref<1x32xf32, #tpu.memory_space<hbm>>
      %dma_wait3A_432 = tpu.memref_squeeze %dma_wait3A_431 : memref<1x32xf32, #tpu.memory_space<hbm>> -> memref<32xf32, #tpu.memory_space<hbm>>
      %dma_wait3A_433 = arith.constant 0 : i32
      %dma_wait3A_434 = tpu.memref_slice %arg9[%run_scoped3A_15, %dma_wait3A_433] : memref<8x32xf32, #tpu.memory_space<vmem>> -> memref<1x32xf32, #tpu.memory_space<vmem>>
      %dma_wait3A_435 = tpu.memref_squeeze %dma_wait3A_434 : memref<1x32xf32, #tpu.memory_space<vmem>> -> memref<32xf32, #tpu.memory_space<vmem>>
      %dma_wait3A_436 = tpu.memref_slice %arg2[%run_scoped3A_14, %mul3A_2] : memref<8x1024xf32, #tpu.memory_space<hbm>> -> memref<1x32xf32, #tpu.memory_space<hbm>>
      %dma_wait3A_437 = tpu.memref_squeeze %dma_wait3A_436 : memref<1x32xf32, #tpu.memory_space<hbm>> -> memref<32xf32, #tpu.memory_space<hbm>>
      tpu.wait_dma2 semaphore(%run_scoped3A_419 : memref<!tpu.dma_semaphore, #tpu.memory_space<semaphore_mem>>) src(%dma_wait3A_437 : memref<32xf32, #tpu.memory_space<hbm>>) dst(%dma_wait3A_435 : memref<32xf32, #tpu.memory_space<vmem>>)
      tpu.yield
    }) : () -> ()
    %run_scoped3A_16 = arith.constant 2 : i32
    %run_scoped3A_17 = arith.constant 2 : i32
    "tpu.region"() ({
      %run_scoped3A_419 = tpu.sem_alloc : memref<!tpu.dma_semaphore, #tpu.memory_space<semaphore_mem>>
      %dma_start3A = arith.constant 0 : i32
      %dma_start3A_420 = tpu.memref_slice %arg10[%run_scoped3A_17, %dma_start3A] : memref<8x32xf32, #tpu.memory_space<vmem>> -> memref<1x32xf32, #tpu.memory_space<vmem>>
      %dma_start3A_421 = tpu.memref_squeeze %dma_start3A_420 : memref<1x32xf32, #tpu.memory_space<vmem>> -> memref<32xf32, #tpu.memory_space<vmem>>
      %dma_start3A_422 = tpu.memref_slice %arg3[%run_scoped3A_16, %mul3A_2] : memref<8x1024xf32, #tpu.memory_space<hbm>> -> memref<1x32xf32, #tpu.memory_space<hbm>>
      %dma_start3A_423 = tpu.memref_squeeze %dma_start3A_422 : memref<1x32xf32, #tpu.memory_space<hbm>> -> memref<32xf32, #tpu.memory_space<hbm>>
      %dma_start3A_424 = arith.constant 0 : i32
      %dma_start3A_425 = tpu.memref_slice %arg10[%run_scoped3A_17, %dma_start3A_424] : memref<8x32xf32, #tpu.memory_space<vmem>> -> memref<1x32xf32, #tpu.memory_space<vmem>>
      %dma_start3A_426 = tpu.memref_squeeze %dma_start3A_425 : memref<1x32xf32, #tpu.memory_space<vmem>> -> memref<32xf32, #tpu.memory_space<vmem>>
      %dma_start3A_427 = tpu.memref_slice %arg3[%run_scoped3A_16, %mul3A_2] : memref<8x1024xf32, #tpu.memory_space<hbm>> -> memref<1x32xf32, #tpu.memory_space<hbm>>
      %dma_start3A_428 = tpu.memref_squeeze %dma_start3A_427 : memref<1x32xf32, #tpu.memory_space<hbm>> -> memref<32xf32, #tpu.memory_space<hbm>>
      tpu.enqueue_dma source(%dma_start3A_428 : memref<32xf32, #tpu.memory_space<hbm>>) target(%dma_start3A_426 : memref<32xf32, #tpu.memory_space<vmem>>) target_semaphore(%run_scoped3A_419 : memref<!tpu.dma_semaphore, #tpu.memory_space<semaphore_mem>>)
      %dma_wait3A = arith.constant 0 : i32
      %dma_wait3A_429 = tpu.memref_slice %arg10[%run_scoped3A_17, %dma_wait3A] : memref<8x32xf32, #tpu.memory_space<vmem>> -> memref<1x32xf32, #tpu.memory_space<vmem>>
      %dma_wait3A_430 = tpu.memref_squeeze %dma_wait3A_429 : memref<1x32xf32, #tpu.memory_space<vmem>> -> memref<32xf32, #tpu.memory_space<vmem>>
      %dma_wait3A_431 = tpu.memref_slice %arg3[%run_scoped3A_16, %mul3A_2] : memref<8x1024xf32, #tpu.memory_space<hbm>> -> memref<1x32xf32, #tpu.memory_space<hbm>>
      %dma_wait3A_432 = tpu.memref_squeeze %dma_wait3A_431 : memref<1x32xf32, #tpu.memory_space<hbm>> -> memref<32xf32, #tpu.memory_space<hbm>>
      %dma_wait3A_433 = arith.constant 0 : i32
      %dma_wait3A_434 = tpu.memref_slice %arg10[%run_scoped3A_17, %dma_wait3A_433] : memref<8x32xf32, #tpu.memory_space<vmem>> -> memref<1x32xf32, #tpu.memory_space<vmem>>
      %dma_wait3A_435 = tpu.memref_squeeze %dma_wait3A_434 : memref<1x32xf32, #tpu.memory_space<vmem>> -> memref<32xf32, #tpu.memory_space<vmem>>
      %dma_wait3A_436 = tpu.memref_slice %arg3[%run_scoped3A_16, %mul3A_2] : memref<8x1024xf32, #tpu.memory_space<hbm>> -> memref<1x32xf32, #tpu.memory_space<hbm>>
      %dma_wait3A_437 = tpu.memref_squeeze %dma_wait3A_436 : memref<1x32xf32, #tpu.memory_space<hbm>> -> memref<32xf32, #tpu.memory_space<hbm>>
      tpu.wait_dma2 semaphore(%run_scoped3A_419 : memref<!tpu.dma_semaphore, #tpu.memory_space<semaphore_mem>>) src(%dma_wait3A_437 : memref<32xf32, #tpu.memory_space<hbm>>) dst(%dma_wait3A_435 : memref<32xf32, #tpu.memory_space<vmem>>)
      tpu.yield
    }) : () -> ()
    %run_scoped3A_18 = arith.constant 2 : i32
    %run_scoped3A_19 = arith.constant 2 : i32
    "tpu.region"() ({
      %run_scoped3A_419 = tpu.sem_alloc : memref<!tpu.dma_semaphore, #tpu.memory_space<semaphore_mem>>
      %dma_start3A = arith.constant 0 : i32
      %dma_start3A_420 = tpu.memref_slice %arg11[%run_scoped3A_19, %dma_start3A] : memref<8x32xf32, #tpu.memory_space<vmem>> -> memref<1x32xf32, #tpu.memory_space<vmem>>
      %dma_start3A_421 = tpu.memref_squeeze %dma_start3A_420 : memref<1x32xf32, #tpu.memory_space<vmem>> -> memref<32xf32, #tpu.memory_space<vmem>>
      %dma_start3A_422 = tpu.memref_slice %arg4[%run_scoped3A_18, %mul3A_2] : memref<8x1024xf32, #tpu.memory_space<hbm>> -> memref<1x32xf32, #tpu.memory_space<hbm>>
      %dma_start3A_423 = tpu.memref_squeeze %dma_start3A_422 : memref<1x32xf32, #tpu.memory_space<hbm>> -> memref<32xf32, #tpu.memory_space<hbm>>
      %dma_start3A_424 = arith.constant 0 : i32
      %dma_start3A_425 = tpu.memref_slice %arg11[%run_scoped3A_19, %dma_start3A_424] : memref<8x32xf32, #tpu.memory_space<vmem>> -> memref<1x32xf32, #tpu.memory_space<vmem>>
      %dma_start3A_426 = tpu.memref_squeeze %dma_start3A_425 : memref<1x32xf32, #tpu.memory_space<vmem>> -> memref<32xf32, #tpu.memory_space<vmem>>
      %dma_start3A_427 = tpu.memref_slice %arg4[%run_scoped3A_18, %mul3A_2] : memref<8x1024xf32, #tpu.memory_space<hbm>> -> memref<1x32xf32, #tpu.memory_space<hbm>>
      %dma_start3A_428 = tpu.memref_squeeze %dma_start3A_427 : memref<1x32xf32, #tpu.memory_space<hbm>> -> memref<32xf32, #tpu.memory_space<hbm>>
      tpu.enqueue_dma source(%dma_start3A_428 : memref<32xf32, #tpu.memory_space<hbm>>) target(%dma_start3A_426 : memref<32xf32, #tpu.memory_space<vmem>>) target_semaphore(%run_scoped3A_419 : memref<!tpu.dma_semaphore, #tpu.memory_space<semaphore_mem>>)
      %dma_wait3A = arith.constant 0 : i32
      %dma_wait3A_429 = tpu.memref_slice %arg11[%run_scoped3A_19, %dma_wait3A] : memref<8x32xf32, #tpu.memory_space<vmem>> -> memref<1x32xf32, #tpu.memory_space<vmem>>
      %dma_wait3A_430 = tpu.memref_squeeze %dma_wait3A_429 : memref<1x32xf32, #tpu.memory_space<vmem>> -> memref<32xf32, #tpu.memory_space<vmem>>
      %dma_wait3A_431 = tpu.memref_slice %arg4[%run_scoped3A_18, %mul3A_2] : memref<8x1024xf32, #tpu.memory_space<hbm>> -> memref<1x32xf32, #tpu.memory_space<hbm>>
      %dma_wait3A_432 = tpu.memref_squeeze %dma_wait3A_431 : memref<1x32xf32, #tpu.memory_space<hbm>> -> memref<32xf32, #tpu.memory_space<hbm>>
      %dma_wait3A_433 = arith.constant 0 : i32
      %dma_wait3A_434 = tpu.memref_slice %arg11[%run_scoped3A_19, %dma_wait3A_433] : memref<8x32xf32, #tpu.memory_space<vmem>> -> memref<1x32xf32, #tpu.memory_space<vmem>>
      %dma_wait3A_435 = tpu.memref_squeeze %dma_wait3A_434 : memref<1x32xf32, #tpu.memory_space<vmem>> -> memref<32xf32, #tpu.memory_space<vmem>>
      %dma_wait3A_436 = tpu.memref_slice %arg4[%run_scoped3A_18, %mul3A_2] : memref<8x1024xf32, #tpu.memory_space<hbm>> -> memref<1x32xf32, #tpu.memory_space<hbm>>
      %dma_wait3A_437 = tpu.memref_squeeze %dma_wait3A_436 : memref<1x32xf32, #tpu.memory_space<hbm>> -> memref<32xf32, #tpu.memory_space<hbm>>
      tpu.wait_dma2 semaphore(%run_scoped3A_419 : memref<!tpu.dma_semaphore, #tpu.memory_space<semaphore_mem>>) src(%dma_wait3A_437 : memref<32xf32, #tpu.memory_space<hbm>>) dst(%dma_wait3A_435 : memref<32xf32, #tpu.memory_space<vmem>>)
      tpu.yield
    }) : () -> ()
    %run_scoped3A_20 = arith.constant 3 : i32
    %run_scoped3A_21 = arith.constant 3 : i32
    "tpu.region"() ({
      %run_scoped3A_419 = tpu.sem_alloc : memref<!tpu.dma_semaphore, #tpu.memory_space<semaphore_mem>>
      %dma_start3A = arith.constant 0 : i32
      %dma_start3A_420 = tpu.memref_slice %arg9[%run_scoped3A_21, %dma_start3A] : memref<8x32xf32, #tpu.memory_space<vmem>> -> memref<1x32xf32, #tpu.memory_space<vmem>>
      %dma_start3A_421 = tpu.memref_squeeze %dma_start3A_420 : memref<1x32xf32, #tpu.memory_space<vmem>> -> memref<32xf32, #tpu.memory_space<vmem>>
      %dma_start3A_422 = tpu.memref_slice %arg2[%run_scoped3A_20, %mul3A_2] : memref<8x1024xf32, #tpu.memory_space<hbm>> -> memref<1x32xf32, #tpu.memory_space<hbm>>
      %dma_start3A_423 = tpu.memref_squeeze %dma_start3A_422 : memref<1x32xf32, #tpu.memory_space<hbm>> -> memref<32xf32, #tpu.memory_space<hbm>>
      %dma_start3A_424 = arith.constant 0 : i32
      %dma_start3A_425 = tpu.memref_slice %arg9[%run_scoped3A_21, %dma_start3A_424] : memref<8x32xf32, #tpu.memory_space<vmem>> -> memref<1x32xf32, #tpu.memory_space<vmem>>
      %dma_start3A_426 = tpu.memref_squeeze %dma_start3A_425 : memref<1x32xf32, #tpu.memory_space<vmem>> -> memref<32xf32, #tpu.memory_space<vmem>>
      %dma_start3A_427 = tpu.memref_slice %arg2[%run_scoped3A_20, %mul3A_2] : memref<8x1024xf32, #tpu.memory_space<hbm>> -> memref<1x32xf32, #tpu.memory_space<hbm>>
      %dma_start3A_428 = tpu.memref_squeeze %dma_start3A_427 : memref<1x32xf32, #tpu.memory_space<hbm>> -> memref<32xf32, #tpu.memory_space<hbm>>
      tpu.enqueue_dma source(%dma_start3A_428 : memref<32xf32, #tpu.memory_space<hbm>>) target(%dma_start3A_426 : memref<32xf32, #tpu.memory_space<vmem>>) target_semaphore(%run_scoped3A_419 : memref<!tpu.dma_semaphore, #tpu.memory_space<semaphore_mem>>)
      %dma_wait3A = arith.constant 0 : i32
      %dma_wait3A_429 = tpu.memref_slice %arg9[%run_scoped3A_21, %dma_wait3A] : memref<8x32xf32, #tpu.memory_space<vmem>> -> memref<1x32xf32, #tpu.memory_space<vmem>>
      %dma_wait3A_430 = tpu.memref_squeeze %dma_wait3A_429 : memref<1x32xf32, #tpu.memory_space<vmem>> -> memref<32xf32, #tpu.memory_space<vmem>>
      %dma_wait3A_431 = tpu.memref_slice %arg2[%run_scoped3A_20, %mul3A_2] : memref<8x1024xf32, #tpu.memory_space<hbm>> -> memref<1x32xf32, #tpu.memory_space<hbm>>
      %dma_wait3A_432 = tpu.memref_squeeze %dma_wait3A_431 : memref<1x32xf32, #tpu.memory_space<hbm>> -> memref<32xf32, #tpu.memory_space<hbm>>
      %dma_wait3A_433 = arith.constant 0 : i32
      %dma_wait3A_434 = tpu.memref_slice %arg9[%run_scoped3A_21, %dma_wait3A_433] : memref<8x32xf32, #tpu.memory_space<vmem>> -> memref<1x32xf32, #tpu.memory_space<vmem>>
      %dma_wait3A_435 = tpu.memref_squeeze %dma_wait3A_434 : memref<1x32xf32, #tpu.memory_space<vmem>> -> memref<32xf32, #tpu.memory_space<vmem>>
      %dma_wait3A_436 = tpu.memref_slice %arg2[%run_scoped3A_20, %mul3A_2] : memref<8x1024xf32, #tpu.memory_space<hbm>> -> memref<1x32xf32, #tpu.memory_space<hbm>>
      %dma_wait3A_437 = tpu.memref_squeeze %dma_wait3A_436 : memref<1x32xf32, #tpu.memory_space<hbm>> -> memref<32xf32, #tpu.memory_space<hbm>>
      tpu.wait_dma2 semaphore(%run_scoped3A_419 : memref<!tpu.dma_semaphore, #tpu.memory_space<semaphore_mem>>) src(%dma_wait3A_437 : memref<32xf32, #tpu.memory_space<hbm>>) dst(%dma_wait3A_435 : memref<32xf32, #tpu.memory_space<vmem>>)
      tpu.yield
    }) : () -> ()
    %run_scoped3A_22 = arith.constant 3 : i32
    %run_scoped3A_23 = arith.constant 3 : i32
    "tpu.region"() ({
      %run_scoped3A_419 = tpu.sem_alloc : memref<!tpu.dma_semaphore, #tpu.memory_space<semaphore_mem>>
      %dma_start3A = arith.constant 0 : i32
      %dma_start3A_420 = tpu.memref_slice %arg10[%run_scoped3A_23, %dma_start3A] : memref<8x32xf32, #tpu.memory_space<vmem>> -> memref<1x32xf32, #tpu.memory_space<vmem>>
      %dma_start3A_421 = tpu.memref_squeeze %dma_start3A_420 : memref<1x32xf32, #tpu.memory_space<vmem>> -> memref<32xf32, #tpu.memory_space<vmem>>
      %dma_start3A_422 = tpu.memref_slice %arg3[%run_scoped3A_22, %mul3A_2] : memref<8x1024xf32, #tpu.memory_space<hbm>> -> memref<1x32xf32, #tpu.memory_space<hbm>>
      %dma_start3A_423 = tpu.memref_squeeze %dma_start3A_422 : memref<1x32xf32, #tpu.memory_space<hbm>> -> memref<32xf32, #tpu.memory_space<hbm>>
      %dma_start3A_424 = arith.constant 0 : i32
      %dma_start3A_425 = tpu.memref_slice %arg10[%run_scoped3A_23, %dma_start3A_424] : memref<8x32xf32, #tpu.memory_space<vmem>> -> memref<1x32xf32, #tpu.memory_space<vmem>>
      %dma_start3A_426 = tpu.memref_squeeze %dma_start3A_425 : memref<1x32xf32, #tpu.memory_space<vmem>> -> memref<32xf32, #tpu.memory_space<vmem>>
      %dma_start3A_427 = tpu.memref_slice %arg3[%run_scoped3A_22, %mul3A_2] : memref<8x1024xf32, #tpu.memory_space<hbm>> -> memref<1x32xf32, #tpu.memory_space<hbm>>
      %dma_start3A_428 = tpu.memref_squeeze %dma_start3A_427 : memref<1x32xf32, #tpu.memory_space<hbm>> -> memref<32xf32, #tpu.memory_space<hbm>>
      tpu.enqueue_dma source(%dma_start3A_428 : memref<32xf32, #tpu.memory_space<hbm>>) target(%dma_start3A_426 : memref<32xf32, #tpu.memory_space<vmem>>) target_semaphore(%run_scoped3A_419 : memref<!tpu.dma_semaphore, #tpu.memory_space<semaphore_mem>>)
      %dma_wait3A = arith.constant 0 : i32
      %dma_wait3A_429 = tpu.memref_slice %arg10[%run_scoped3A_23, %dma_wait3A] : memref<8x32xf32, #tpu.memory_space<vmem>> -> memref<1x32xf32, #tpu.memory_space<vmem>>
      %dma_wait3A_430 = tpu.memref_squeeze %dma_wait3A_429 : memref<1x32xf32, #tpu.memory_space<vmem>> -> memref<32xf32, #tpu.memory_space<vmem>>
      %dma_wait3A_431 = tpu.memref_slice %arg3[%run_scoped3A_22, %mul3A_2] : memref<8x1024xf32, #tpu.memory_space<hbm>> -> memref<1x32xf32, #tpu.memory_space<hbm>>
      %dma_wait3A_432 = tpu.memref_squeeze %dma_wait3A_431 : memref<1x32xf32, #tpu.memory_space<hbm>> -> memref<32xf32, #tpu.memory_space<hbm>>
      %dma_wait3A_433 = arith.constant 0 : i32
      %dma_wait3A_434 = tpu.memref_slice %arg10[%run_scoped3A_23, %dma_wait3A_433] : memref<8x32xf32, #tpu.memory_space<vmem>> -> memref<1x32xf32, #tpu.memory_space<vmem>>
      %dma_wait3A_435 = tpu.memref_squeeze %dma_wait3A_434 : memref<1x32xf32, #tpu.memory_space<vmem>> -> memref<32xf32, #tpu.memory_space<vmem>>
      %dma_wait3A_436 = tpu.memref_slice %arg3[%run_scoped3A_22, %mul3A_2] : memref<8x1024xf32, #tpu.memory_space<hbm>> -> memref<1x32xf32, #tpu.memory_space<hbm>>
      %dma_wait3A_437 = tpu.memref_squeeze %dma_wait3A_436 : memref<1x32xf32, #tpu.memory_space<hbm>> -> memref<32xf32, #tpu.memory_space<hbm>>
      tpu.wait_dma2 semaphore(%run_scoped3A_419 : memref<!tpu.dma_semaphore, #tpu.memory_space<semaphore_mem>>) src(%dma_wait3A_437 : memref<32xf32, #tpu.memory_space<hbm>>) dst(%dma_wait3A_435 : memref<32xf32, #tpu.memory_space<vmem>>)
      tpu.yield
    }) : () -> ()
    %run_scoped3A_24 = arith.constant 3 : i32
    %run_scoped3A_25 = arith.constant 3 : i32
    "tpu.region"() ({
      %run_scoped3A_419 = tpu.sem_alloc : memref<!tpu.dma_semaphore, #tpu.memory_space<semaphore_mem>>
      %dma_start3A = arith.constant 0 : i32
      %dma_start3A_420 = tpu.memref_slice %arg11[%run_scoped3A_25, %dma_start3A] : memref<8x32xf32, #tpu.memory_space<vmem>> -> memref<1x32xf32, #tpu.memory_space<vmem>>
      %dma_start3A_421 = tpu.memref_squeeze %dma_start3A_420 : memref<1x32xf32, #tpu.memory_space<vmem>> -> memref<32xf32, #tpu.memory_space<vmem>>
      %dma_start3A_422 = tpu.memref_slice %arg4[%run_scoped3A_24, %mul3A_2] : memref<8x1024xf32, #tpu.memory_space<hbm>> -> memref<1x32xf32, #tpu.memory_space<hbm>>
      %dma_start3A_423 = tpu.memref_squeeze %dma_start3A_422 : memref<1x32xf32, #tpu.memory_space<hbm>> -> memref<32xf32, #tpu.memory_space<hbm>>
      %dma_start3A_424 = arith.constant 0 : i32
      %dma_start3A_425 = tpu.memref_slice %arg11[%run_scoped3A_25, %dma_start3A_424] : memref<8x32xf32, #tpu.memory_space<vmem>> -> memref<1x32xf32, #tpu.memory_space<vmem>>
      %dma_start3A_426 = tpu.memref_squeeze %dma_start3A_425 : memref<1x32xf32, #tpu.memory_space<vmem>> -> memref<32xf32, #tpu.memory_space<vmem>>
      %dma_start3A_427 = tpu.memref_slice %arg4[%run_scoped3A_24, %mul3A_2] : memref<8x1024xf32, #tpu.memory_space<hbm>> -> memref<1x32xf32, #tpu.memory_space<hbm>>
      %dma_start3A_428 = tpu.memref_squeeze %dma_start3A_427 : memref<1x32xf32, #tpu.memory_space<hbm>> -> memref<32xf32, #tpu.memory_space<hbm>>
      tpu.enqueue_dma source(%dma_start3A_428 : memref<32xf32, #tpu.memory_space<hbm>>) target(%dma_start3A_426 : memref<32xf32, #tpu.memory_space<vmem>>) target_semaphore(%run_scoped3A_419 : memref<!tpu.dma_semaphore, #tpu.memory_space<semaphore_mem>>)
      %dma_wait3A = arith.constant 0 : i32
      %dma_wait3A_429 = tpu.memref_slice %arg11[%run_scoped3A_25, %dma_wait3A] : memref<8x32xf32, #tpu.memory_space<vmem>> -> memref<1x32xf32, #tpu.memory_space<vmem>>
      %dma_wait3A_430 = tpu.memref_squeeze %dma_wait3A_429 : memref<1x32xf32, #tpu.memory_space<vmem>> -> memref<32xf32, #tpu.memory_space<vmem>>
      %dma_wait3A_431 = tpu.memref_slice %arg4[%run_scoped3A_24, %mul3A_2] : memref<8x1024xf32, #tpu.memory_space<hbm>> -> memref<1x32xf32, #tpu.memory_space<hbm>>
      %dma_wait3A_432 = tpu.memref_squeeze %dma_wait3A_431 : memref<1x32xf32, #tpu.memory_space<hbm>> -> memref<32xf32, #tpu.memory_space<hbm>>
      %dma_wait3A_433 = arith.constant 0 : i32
      %dma_wait3A_434 = tpu.memref_slice %arg11[%run_scoped3A_25, %dma_wait3A_433] : memref<8x32xf32, #tpu.memory_space<vmem>> -> memref<1x32xf32, #tpu.memory_space<vmem>>
      %dma_wait3A_435 = tpu.memref_squeeze %dma_wait3A_434 : memref<1x32xf32, #tpu.memory_space<vmem>> -> memref<32xf32, #tpu.memory_space<vmem>>
      %dma_wait3A_436 = tpu.memref_slice %arg4[%run_scoped3A_24, %mul3A_2] : memref<8x1024xf32, #tpu.memory_space<hbm>> -> memref<1x32xf32, #tpu.memory_space<hbm>>
      %dma_wait3A_437 = tpu.memref_squeeze %dma_wait3A_436 : memref<1x32xf32, #tpu.memory_space<hbm>> -> memref<32xf32, #tpu.memory_space<hbm>>
      tpu.wait_dma2 semaphore(%run_scoped3A_419 : memref<!tpu.dma_semaphore, #tpu.memory_space<semaphore_mem>>) src(%dma_wait3A_437 : memref<32xf32, #tpu.memory_space<hbm>>) dst(%dma_wait3A_435 : memref<32xf32, #tpu.memory_space<vmem>>)
      tpu.yield
    }) : () -> ()
    %run_scoped3A_26 = arith.constant 4 : i32
    %run_scoped3A_27 = arith.constant 4 : i32
    "tpu.region"() ({
      %run_scoped3A_419 = tpu.sem_alloc : memref<!tpu.dma_semaphore, #tpu.memory_space<semaphore_mem>>
      %dma_start3A = arith.constant 0 : i32
      %dma_start3A_420 = tpu.memref_slice %arg9[%run_scoped3A_27, %dma_start3A] : memref<8x32xf32, #tpu.memory_space<vmem>> -> memref<1x32xf32, #tpu.memory_space<vmem>>
      %dma_start3A_421 = tpu.memref_squeeze %dma_start3A_420 : memref<1x32xf32, #tpu.memory_space<vmem>> -> memref<32xf32, #tpu.memory_space<vmem>>
      %dma_start3A_422 = tpu.memref_slice %arg2[%run_scoped3A_26, %mul3A_2] : memref<8x1024xf32, #tpu.memory_space<hbm>> -> memref<1x32xf32, #tpu.memory_space<hbm>>
      %dma_start3A_423 = tpu.memref_squeeze %dma_start3A_422 : memref<1x32xf32, #tpu.memory_space<hbm>> -> memref<32xf32, #tpu.memory_space<hbm>>
      %dma_start3A_424 = arith.constant 0 : i32
      %dma_start3A_425 = tpu.memref_slice %arg9[%run_scoped3A_27, %dma_start3A_424] : memref<8x32xf32, #tpu.memory_space<vmem>> -> memref<1x32xf32, #tpu.memory_space<vmem>>
      %dma_start3A_426 = tpu.memref_squeeze %dma_start3A_425 : memref<1x32xf32, #tpu.memory_space<vmem>> -> memref<32xf32, #tpu.memory_space<vmem>>
      %dma_start3A_427 = tpu.memref_slice %arg2[%run_scoped3A_26, %mul3A_2] : memref<8x1024xf32, #tpu.memory_space<hbm>> -> memref<1x32xf32, #tpu.memory_space<hbm>>
      %dma_start3A_428 = tpu.memref_squeeze %dma_start3A_427 : memref<1x32xf32, #tpu.memory_space<hbm>> -> memref<32xf32, #tpu.memory_space<hbm>>
      tpu.enqueue_dma source(%dma_start3A_428 : memref<32xf32, #tpu.memory_space<hbm>>) target(%dma_start3A_426 : memref<32xf32, #tpu.memory_space<vmem>>) target_semaphore(%run_scoped3A_419 : memref<!tpu.dma_semaphore, #tpu.memory_space<semaphore_mem>>)
      %dma_wait3A = arith.constant 0 : i32
      %dma_wait3A_429 = tpu.memref_slice %arg9[%run_scoped3A_27, %dma_wait3A] : memref<8x32xf32, #tpu.memory_space<vmem>> -> memref<1x32xf32, #tpu.memory_space<vmem>>
      %dma_wait3A_430 = tpu.memref_squeeze %dma_wait3A_429 : memref<1x32xf32, #tpu.memory_space<vmem>> -> memref<32xf32, #tpu.memory_space<vmem>>
      %dma_wait3A_431 = tpu.memref_slice %arg2[%run_scoped3A_26, %mul3A_2] : memref<8x1024xf32, #tpu.memory_space<hbm>> -> memref<1x32xf32, #tpu.memory_space<hbm>>
      %dma_wait3A_432 = tpu.memref_squeeze %dma_wait3A_431 : memref<1x32xf32, #tpu.memory_space<hbm>> -> memref<32xf32, #tpu.memory_space<hbm>>
      %dma_wait3A_433 = arith.constant 0 : i32
      %dma_wait3A_434 = tpu.memref_slice %arg9[%run_scoped3A_27, %dma_wait3A_433] : memref<8x32xf32, #tpu.memory_space<vmem>> -> memref<1x32xf32, #tpu.memory_space<vmem>>
      %dma_wait3A_435 = tpu.memref_squeeze %dma_wait3A_434 : memref<1x32xf32, #tpu.memory_space<vmem>> -> memref<32xf32, #tpu.memory_space<vmem>>
      %dma_wait3A_436 = tpu.memref_slice %arg2[%run_scoped3A_26, %mul3A_2] : memref<8x1024xf32, #tpu.memory_space<hbm>> -> memref<1x32xf32, #tpu.memory_space<hbm>>
      %dma_wait3A_437 = tpu.memref_squeeze %dma_wait3A_436 : memref<1x32xf32, #tpu.memory_space<hbm>> -> memref<32xf32, #tpu.memory_space<hbm>>
      tpu.wait_dma2 semaphore(%run_scoped3A_419 : memref<!tpu.dma_semaphore, #tpu.memory_space<semaphore_mem>>) src(%dma_wait3A_437 : memref<32xf32, #tpu.memory_space<hbm>>) dst(%dma_wait3A_435 : memref<32xf32, #tpu.memory_space<vmem>>)
      tpu.yield
    }) : () -> ()
    %run_scoped3A_28 = arith.constant 4 : i32
    %run_scoped3A_29 = arith.constant 4 : i32
    "tpu.region"() ({
      %run_scoped3A_419 = tpu.sem_alloc : memref<!tpu.dma_semaphore, #tpu.memory_space<semaphore_mem>>
      %dma_start3A = arith.constant 0 : i32
      %dma_start3A_420 = tpu.memref_slice %arg10[%run_scoped3A_29, %dma_start3A] : memref<8x32xf32, #tpu.memory_space<vmem>> -> memref<1x32xf32, #tpu.memory_space<vmem>>
      %dma_start3A_421 = tpu.memref_squeeze %dma_start3A_420 : memref<1x32xf32, #tpu.memory_space<vmem>> -> memref<32xf32, #tpu.memory_space<vmem>>
      %dma_start3A_422 = tpu.memref_slice %arg3[%run_scoped3A_28, %mul3A_2] : memref<8x1024xf32, #tpu.memory_space<hbm>> -> memref<1x32xf32, #tpu.memory_space<hbm>>
      %dma_start3A_423 = tpu.memref_squeeze %dma_start3A_422 : memref<1x32xf32, #tpu.memory_space<hbm>> -> memref<32xf32, #tpu.memory_space<hbm>>
      %dma_start3A_424 = arith.constant 0 : i32
      %dma_start3A_425 = tpu.memref_slice %arg10[%run_scoped3A_29, %dma_start3A_424] : memref<8x32xf32, #tpu.memory_space<vmem>> -> memref<1x32xf32, #tpu.memory_space<vmem>>
      %dma_start3A_426 = tpu.memref_squeeze %dma_start3A_425 : memref<1x32xf32, #tpu.memory_space<vmem>> -> memref<32xf32, #tpu.memory_space<vmem>>
      %dma_start3A_427 = tpu.memref_slice %arg3[%run_scoped3A_28, %mul3A_2] : memref<8x1024xf32, #tpu.memory_space<hbm>> -> memref<1x32xf32, #tpu.memory_space<hbm>>
      %dma_start3A_428 = tpu.memref_squeeze %dma_start3A_427 : memref<1x32xf32, #tpu.memory_space<hbm>> -> memref<32xf32, #tpu.memory_space<hbm>>
      tpu.enqueue_dma source(%dma_start3A_428 : memref<32xf32, #tpu.memory_space<hbm>>) target(%dma_start3A_426 : memref<32xf32, #tpu.memory_space<vmem>>) target_semaphore(%run_scoped3A_419 : memref<!tpu.dma_semaphore, #tpu.memory_space<semaphore_mem>>)
      %dma_wait3A = arith.constant 0 : i32
      %dma_wait3A_429 = tpu.memref_slice %arg10[%run_scoped3A_29, %dma_wait3A] : memref<8x32xf32, #tpu.memory_space<vmem>> -> memref<1x32xf32, #tpu.memory_space<vmem>>
      %dma_wait3A_430 = tpu.memref_squeeze %dma_wait3A_429 : memref<1x32xf32, #tpu.memory_space<vmem>> -> memref<32xf32, #tpu.memory_space<vmem>>
      %dma_wait3A_431 = tpu.memref_slice %arg3[%run_scoped3A_28, %mul3A_2] : memref<8x1024xf32, #tpu.memory_space<hbm>> -> memref<1x32xf32, #tpu.memory_space<hbm>>
      %dma_wait3A_432 = tpu.memref_squeeze %dma_wait3A_431 : memref<1x32xf32, #tpu.memory_space<hbm>> -> memref<32xf32, #tpu.memory_space<hbm>>
      %dma_wait3A_433 = arith.constant 0 : i32
      %dma_wait3A_434 = tpu.memref_slice %arg10[%run_scoped3A_29, %dma_wait3A_433] : memref<8x32xf32, #tpu.memory_space<vmem>> -> memref<1x32xf32, #tpu.memory_space<vmem>>
      %dma_wait3A_435 = tpu.memref_squeeze %dma_wait3A_434 : memref<1x32xf32, #tpu.memory_space<vmem>> -> memref<32xf32, #tpu.memory_space<vmem>>
      %dma_wait3A_436 = tpu.memref_slice %arg3[%run_scoped3A_28, %mul3A_2] : memref<8x1024xf32, #tpu.memory_space<hbm>> -> memref<1x32xf32, #tpu.memory_space<hbm>>
      %dma_wait3A_437 = tpu.memref_squeeze %dma_wait3A_436 : memref<1x32xf32, #tpu.memory_space<hbm>> -> memref<32xf32, #tpu.memory_space<hbm>>
      tpu.wait_dma2 semaphore(%run_scoped3A_419 : memref<!tpu.dma_semaphore, #tpu.memory_space<semaphore_mem>>) src(%dma_wait3A_437 : memref<32xf32, #tpu.memory_space<hbm>>) dst(%dma_wait3A_435 : memref<32xf32, #tpu.memory_space<vmem>>)
      tpu.yield
    }) : () -> ()
    %run_scoped3A_30 = arith.constant 4 : i32
    %run_scoped3A_31 = arith.constant 4 : i32
    "tpu.region"() ({
      %run_scoped3A_419 = tpu.sem_alloc : memref<!tpu.dma_semaphore, #tpu.memory_space<semaphore_mem>>
      %dma_start3A = arith.constant 0 : i32
      %dma_start3A_420 = tpu.memref_slice %arg11[%run_scoped3A_31, %dma_start3A] : memref<8x32xf32, #tpu.memory_space<vmem>> -> memref<1x32xf32, #tpu.memory_space<vmem>>
      %dma_start3A_421 = tpu.memref_squeeze %dma_start3A_420 : memref<1x32xf32, #tpu.memory_space<vmem>> -> memref<32xf32, #tpu.memory_space<vmem>>
      %dma_start3A_422 = tpu.memref_slice %arg4[%run_scoped3A_30, %mul3A_2] : memref<8x1024xf32, #tpu.memory_space<hbm>> -> memref<1x32xf32, #tpu.memory_space<hbm>>
      %dma_start3A_423 = tpu.memref_squeeze %dma_start3A_422 : memref<1x32xf32, #tpu.memory_space<hbm>> -> memref<32xf32, #tpu.memory_space<hbm>>
      %dma_start3A_424 = arith.constant 0 : i32
      %dma_start3A_425 = tpu.memref_slice %arg11[%run_scoped3A_31, %dma_start3A_424] : memref<8x32xf32, #tpu.memory_space<vmem>> -> memref<1x32xf32, #tpu.memory_space<vmem>>
      %dma_start3A_426 = tpu.memref_squeeze %dma_start3A_425 : memref<1x32xf32, #tpu.memory_space<vmem>> -> memref<32xf32, #tpu.memory_space<vmem>>
      %dma_start3A_427 = tpu.memref_slice %arg4[%run_scoped3A_30, %mul3A_2] : memref<8x1024xf32, #tpu.memory_space<hbm>> -> memref<1x32xf32, #tpu.memory_space<hbm>>
      %dma_start3A_428 = tpu.memref_squeeze %dma_start3A_427 : memref<1x32xf32, #tpu.memory_space<hbm>> -> memref<32xf32, #tpu.memory_space<hbm>>
      tpu.enqueue_dma source(%dma_start3A_428 : memref<32xf32, #tpu.memory_space<hbm>>) target(%dma_start3A_426 : memref<32xf32, #tpu.memory_space<vmem>>) target_semaphore(%run_scoped3A_419 : memref<!tpu.dma_semaphore, #tpu.memory_space<semaphore_mem>>)
      %dma_wait3A = arith.constant 0 : i32
      %dma_wait3A_429 = tpu.memref_slice %arg11[%run_scoped3A_31, %dma_wait3A] : memref<8x32xf32, #tpu.memory_space<vmem>> -> memref<1x32xf32, #tpu.memory_space<vmem>>
      %dma_wait3A_430 = tpu.memref_squeeze %dma_wait3A_429 : memref<1x32xf32, #tpu.memory_space<vmem>> -> memref<32xf32, #tpu.memory_space<vmem>>
      %dma_wait3A_431 = tpu.memref_slice %arg4[%run_scoped3A_30, %mul3A_2] : memref<8x1024xf32, #tpu.memory_space<hbm>> -> memref<1x32xf32, #tpu.memory_space<hbm>>
      %dma_wait3A_432 = tpu.memref_squeeze %dma_wait3A_431 : memref<1x32xf32, #tpu.memory_space<hbm>> -> memref<32xf32, #tpu.memory_space<hbm>>
      %dma_wait3A_433 = arith.constant 0 : i32
      %dma_wait3A_434 = tpu.memref_slice %arg11[%run_scoped3A_31, %dma_wait3A_433] : memref<8x32xf32, #tpu.memory_space<vmem>> -> memref<1x32xf32, #tpu.memory_space<vmem>>
      %dma_wait3A_435 = tpu.memref_squeeze %dma_wait3A_434 : memref<1x32xf32, #tpu.memory_space<vmem>> -> memref<32xf32, #tpu.memory_space<vmem>>
      %dma_wait3A_436 = tpu.memref_slice %arg4[%run_scoped3A_30, %mul3A_2] : memref<8x1024xf32, #tpu.memory_space<hbm>> -> memref<1x32xf32, #tpu.memory_space<hbm>>
      %dma_wait3A_437 = tpu.memref_squeeze %dma_wait3A_436 : memref<1x32xf32, #tpu.memory_space<hbm>> -> memref<32xf32, #tpu.memory_space<hbm>>
      tpu.wait_dma2 semaphore(%run_scoped3A_419 : memref<!tpu.dma_semaphore, #tpu.memory_space<semaphore_mem>>) src(%dma_wait3A_437 : memref<32xf32, #tpu.memory_space<hbm>>) dst(%dma_wait3A_435 : memref<32xf32, #tpu.memory_space<vmem>>)
      tpu.yield
    }) : () -> ()
    %run_scoped3A_32 = arith.constant 5 : i32
    %run_scoped3A_33 = arith.constant 5 : i32
    "tpu.region"() ({
      %run_scoped3A_419 = tpu.sem_alloc : memref<!tpu.dma_semaphore, #tpu.memory_space<semaphore_mem>>
      %dma_start3A = arith.constant 0 : i32
      %dma_start3A_420 = tpu.memref_slice %arg9[%run_scoped3A_33, %dma_start3A] : memref<8x32xf32, #tpu.memory_space<vmem>> -> memref<1x32xf32, #tpu.memory_space<vmem>>
      %dma_start3A_421 = tpu.memref_squeeze %dma_start3A_420 : memref<1x32xf32, #tpu.memory_space<vmem>> -> memref<32xf32, #tpu.memory_space<vmem>>
      %dma_start3A_422 = tpu.memref_slice %arg2[%run_scoped3A_32, %mul3A_2] : memref<8x1024xf32, #tpu.memory_space<hbm>> -> memref<1x32xf32, #tpu.memory_space<hbm>>
      %dma_start3A_423 = tpu.memref_squeeze %dma_start3A_422 : memref<1x32xf32, #tpu.memory_space<hbm>> -> memref<32xf32, #tpu.memory_space<hbm>>
      %dma_start3A_424 = arith.constant 0 : i32
      %dma_start3A_425 = tpu.memref_slice %arg9[%run_scoped3A_33, %dma_start3A_424] : memref<8x32xf32, #tpu.memory_space<vmem>> -> memref<1x32xf32, #tpu.memory_space<vmem>>
      %dma_start3A_426 = tpu.memref_squeeze %dma_start3A_425 : memref<1x32xf32, #tpu.memory_space<vmem>> -> memref<32xf32, #tpu.memory_space<vmem>>
      %dma_start3A_427 = tpu.memref_slice %arg2[%run_scoped3A_32, %mul3A_2] : memref<8x1024xf32, #tpu.memory_space<hbm>> -> memref<1x32xf32, #tpu.memory_space<hbm>>
      %dma_start3A_428 = tpu.memref_squeeze %dma_start3A_427 : memref<1x32xf32, #tpu.memory_space<hbm>> -> memref<32xf32, #tpu.memory_space<hbm>>
      tpu.enqueue_dma source(%dma_start3A_428 : memref<32xf32, #tpu.memory_space<hbm>>) target(%dma_start3A_426 : memref<32xf32, #tpu.memory_space<vmem>>) target_semaphore(%run_scoped3A_419 : memref<!tpu.dma_semaphore, #tpu.memory_space<semaphore_mem>>)
      %dma_wait3A = arith.constant 0 : i32
      %dma_wait3A_429 = tpu.memref_slice %arg9[%run_scoped3A_33, %dma_wait3A] : memref<8x32xf32, #tpu.memory_space<vmem>> -> memref<1x32xf32, #tpu.memory_space<vmem>>
      %dma_wait3A_430 = tpu.memref_squeeze %dma_wait3A_429 : memref<1x32xf32, #tpu.memory_space<vmem>> -> memref<32xf32, #tpu.memory_space<vmem>>
      %dma_wait3A_431 = tpu.memref_slice %arg2[%run_scoped3A_32, %mul3A_2] : memref<8x1024xf32, #tpu.memory_space<hbm>> -> memref<1x32xf32, #tpu.memory_space<hbm>>
      %dma_wait3A_432 = tpu.memref_squeeze %dma_wait3A_431 : memref<1x32xf32, #tpu.memory_space<hbm>> -> memref<32xf32, #tpu.memory_space<hbm>>
      %dma_wait3A_433 = arith.constant 0 : i32
      %dma_wait3A_434 = tpu.memref_slice %arg9[%run_scoped3A_33, %dma_wait3A_433] : memref<8x32xf32, #tpu.memory_space<vmem>> -> memref<1x32xf32, #tpu.memory_space<vmem>>
      %dma_wait3A_435 = tpu.memref_squeeze %dma_wait3A_434 : memref<1x32xf32, #tpu.memory_space<vmem>> -> memref<32xf32, #tpu.memory_space<vmem>>
      %dma_wait3A_436 = tpu.memref_slice %arg2[%run_scoped3A_32, %mul3A_2] : memref<8x1024xf32, #tpu.memory_space<hbm>> -> memref<1x32xf32, #tpu.memory_space<hbm>>
      %dma_wait3A_437 = tpu.memref_squeeze %dma_wait3A_436 : memref<1x32xf32, #tpu.memory_space<hbm>> -> memref<32xf32, #tpu.memory_space<hbm>>
      tpu.wait_dma2 semaphore(%run_scoped3A_419 : memref<!tpu.dma_semaphore, #tpu.memory_space<semaphore_mem>>) src(%dma_wait3A_437 : memref<32xf32, #tpu.memory_space<hbm>>) dst(%dma_wait3A_435 : memref<32xf32, #tpu.memory_space<vmem>>)
      tpu.yield
    }) : () -> ()
    %run_scoped3A_34 = arith.constant 5 : i32
    %run_scoped3A_35 = arith.constant 5 : i32
    "tpu.region"() ({
      %run_scoped3A_419 = tpu.sem_alloc : memref<!tpu.dma_semaphore, #tpu.memory_space<semaphore_mem>>
      %dma_start3A = arith.constant 0 : i32
      %dma_start3A_420 = tpu.memref_slice %arg10[%run_scoped3A_35, %dma_start3A] : memref<8x32xf32, #tpu.memory_space<vmem>> -> memref<1x32xf32, #tpu.memory_space<vmem>>
      %dma_start3A_421 = tpu.memref_squeeze %dma_start3A_420 : memref<1x32xf32, #tpu.memory_space<vmem>> -> memref<32xf32, #tpu.memory_space<vmem>>
      %dma_start3A_422 = tpu.memref_slice %arg3[%run_scoped3A_34, %mul3A_2] : memref<8x1024xf32, #tpu.memory_space<hbm>> -> memref<1x32xf32, #tpu.memory_space<hbm>>
      %dma_start3A_423 = tpu.memref_squeeze %dma_start3A_422 : memref<1x32xf32, #tpu.memory_space<hbm>> -> memref<32xf32, #tpu.memory_space<hbm>>
      %dma_start3A_424 = arith.constant 0 : i32
      %dma_start3A_425 = tpu.memref_slice %arg10[%run_scoped3A_35, %dma_start3A_424] : memref<8x32xf32, #tpu.memory_space<vmem>> -> memref<1x32xf32, #tpu.memory_space<vmem>>
      %dma_start3A_426 = tpu.memref_squeeze %dma_start3A_425 : memref<1x32xf32, #tpu.memory_space<vmem>> -> memref<32xf32, #tpu.memory_space<vmem>>
      %dma_start3A_427 = tpu.memref_slice %arg3[%run_scoped3A_34, %mul3A_2] : memref<8x1024xf32, #tpu.memory_space<hbm>> -> memref<1x32xf32, #tpu.memory_space<hbm>>
      %dma_start3A_428 = tpu.memref_squeeze %dma_start3A_427 : memref<1x32xf32, #tpu.memory_space<hbm>> -> memref<32xf32, #tpu.memory_space<hbm>>
      tpu.enqueue_dma source(%dma_start3A_428 : memref<32xf32, #tpu.memory_space<hbm>>) target(%dma_start3A_426 : memref<32xf32, #tpu.memory_space<vmem>>) target_semaphore(%run_scoped3A_419 : memref<!tpu.dma_semaphore, #tpu.memory_space<semaphore_mem>>)
      %dma_wait3A = arith.constant 0 : i32
      %dma_wait3A_429 = tpu.memref_slice %arg10[%run_scoped3A_35, %dma_wait3A] : memref<8x32xf32, #tpu.memory_space<vmem>> -> memref<1x32xf32, #tpu.memory_space<vmem>>
      %dma_wait3A_430 = tpu.memref_squeeze %dma_wait3A_429 : memref<1x32xf32, #tpu.memory_space<vmem>> -> memref<32xf32, #tpu.memory_space<vmem>>
      %dma_wait3A_431 = tpu.memref_slice %arg3[%run_scoped3A_34, %mul3A_2] : memref<8x1024xf32, #tpu.memory_space<hbm>> -> memref<1x32xf32, #tpu.memory_space<hbm>>
      %dma_wait3A_432 = tpu.memref_squeeze %dma_wait3A_431 : memref<1x32xf32, #tpu.memory_space<hbm>> -> memref<32xf32, #tpu.memory_space<hbm>>
      %dma_wait3A_433 = arith.constant 0 : i32
      %dma_wait3A_434 = tpu.memref_slice %arg10[%run_scoped3A_35, %dma_wait3A_433] : memref<8x32xf32, #tpu.memory_space<vmem>> -> memref<1x32xf32, #tpu.memory_space<vmem>>
      %dma_wait3A_435 = tpu.memref_squeeze %dma_wait3A_434 : memref<1x32xf32, #tpu.memory_space<vmem>> -> memref<32xf32, #tpu.memory_space<vmem>>
      %dma_wait3A_436 = tpu.memref_slice %arg3[%run_scoped3A_34, %mul3A_2] : memref<8x1024xf32, #tpu.memory_space<hbm>> -> memref<1x32xf32, #tpu.memory_space<hbm>>
      %dma_wait3A_437 = tpu.memref_squeeze %dma_wait3A_436 : memref<1x32xf32, #tpu.memory_space<hbm>> -> memref<32xf32, #tpu.memory_space<hbm>>
      tpu.wait_dma2 semaphore(%run_scoped3A_419 : memref<!tpu.dma_semaphore, #tpu.memory_space<semaphore_mem>>) src(%dma_wait3A_437 : memref<32xf32, #tpu.memory_space<hbm>>) dst(%dma_wait3A_435 : memref<32xf32, #tpu.memory_space<vmem>>)
      tpu.yield
    }) : () -> ()
    %run_scoped3A_36 = arith.constant 5 : i32
    %run_scoped3A_37 = arith.constant 5 : i32
    "tpu.region"() ({
      %run_scoped3A_419 = tpu.sem_alloc : memref<!tpu.dma_semaphore, #tpu.memory_space<semaphore_mem>>
      %dma_start3A = arith.constant 0 : i32
      %dma_start3A_420 = tpu.memref_slice %arg11[%run_scoped3A_37, %dma_start3A] : memref<8x32xf32, #tpu.memory_space<vmem>> -> memref<1x32xf32, #tpu.memory_space<vmem>>
      %dma_start3A_421 = tpu.memref_squeeze %dma_start3A_420 : memref<1x32xf32, #tpu.memory_space<vmem>> -> memref<32xf32, #tpu.memory_space<vmem>>
      %dma_start3A_422 = tpu.memref_slice %arg4[%run_scoped3A_36, %mul3A_2] : memref<8x1024xf32, #tpu.memory_space<hbm>> -> memref<1x32xf32, #tpu.memory_space<hbm>>
      %dma_start3A_423 = tpu.memref_squeeze %dma_start3A_422 : memref<1x32xf32, #tpu.memory_space<hbm>> -> memref<32xf32, #tpu.memory_space<hbm>>
      %dma_start3A_424 = arith.constant 0 : i32
      %dma_start3A_425 = tpu.memref_slice %arg11[%run_scoped3A_37, %dma_start3A_424] : memref<8x32xf32, #tpu.memory_space<vmem>> -> memref<1x32xf32, #tpu.memory_space<vmem>>
      %dma_start3A_426 = tpu.memref_squeeze %dma_start3A_425 : memref<1x32xf32, #tpu.memory_space<vmem>> -> memref<32xf32, #tpu.memory_space<vmem>>
      %dma_start3A_427 = tpu.memref_slice %arg4[%run_scoped3A_36, %mul3A_2] : memref<8x1024xf32, #tpu.memory_space<hbm>> -> memref<1x32xf32, #tpu.memory_space<hbm>>
      %dma_start3A_428 = tpu.memref_squeeze %dma_start3A_427 : memref<1x32xf32, #tpu.memory_space<hbm>> -> memref<32xf32, #tpu.memory_space<hbm>>
      tpu.enqueue_dma source(%dma_start3A_428 : memref<32xf32, #tpu.memory_space<hbm>>) target(%dma_start3A_426 : memref<32xf32, #tpu.memory_space<vmem>>) target_semaphore(%run_scoped3A_419 : memref<!tpu.dma_semaphore, #tpu.memory_space<semaphore_mem>>)
      %dma_wait3A = arith.constant 0 : i32
      %dma_wait3A_429 = tpu.memref_slice %arg11[%run_scoped3A_37, %dma_wait3A] : memref<8x32xf32, #tpu.memory_space<vmem>> -> memref<1x32xf32, #tpu.memory_space<vmem>>
      %dma_wait3A_430 = tpu.memref_squeeze %dma_wait3A_429 : memref<1x32xf32, #tpu.memory_space<vmem>> -> memref<32xf32, #tpu.memory_space<vmem>>
      %dma_wait3A_431 = tpu.memref_slice %arg4[%run_scoped3A_36, %mul3A_2] : memref<8x1024xf32, #tpu.memory_space<hbm>> -> memref<1x32xf32, #tpu.memory_space<hbm>>
      %dma_wait3A_432 = tpu.memref_squeeze %dma_wait3A_431 : memref<1x32xf32, #tpu.memory_space<hbm>> -> memref<32xf32, #tpu.memory_space<hbm>>
      %dma_wait3A_433 = arith.constant 0 : i32
      %dma_wait3A_434 = tpu.memref_slice %arg11[%run_scoped3A_37, %dma_wait3A_433] : memref<8x32xf32, #tpu.memory_space<vmem>> -> memref<1x32xf32, #tpu.memory_space<vmem>>
      %dma_wait3A_435 = tpu.memref_squeeze %dma_wait3A_434 : memref<1x32xf32, #tpu.memory_space<vmem>> -> memref<32xf32, #tpu.memory_space<vmem>>
      %dma_wait3A_436 = tpu.memref_slice %arg4[%run_scoped3A_36, %mul3A_2] : memref<8x1024xf32, #tpu.memory_space<hbm>> -> memref<1x32xf32, #tpu.memory_space<hbm>>
      %dma_wait3A_437 = tpu.memref_squeeze %dma_wait3A_436 : memref<1x32xf32, #tpu.memory_space<hbm>> -> memref<32xf32, #tpu.memory_space<hbm>>
      tpu.wait_dma2 semaphore(%run_scoped3A_419 : memref<!tpu.dma_semaphore, #tpu.memory_space<semaphore_mem>>) src(%dma_wait3A_437 : memref<32xf32, #tpu.memory_space<hbm>>) dst(%dma_wait3A_435 : memref<32xf32, #tpu.memory_space<vmem>>)
      tpu.yield
    }) : () -> ()
    %run_scoped3A_38 = arith.constant 6 : i32
    %run_scoped3A_39 = arith.constant 6 : i32
    "tpu.region"() ({
      %run_scoped3A_419 = tpu.sem_alloc : memref<!tpu.dma_semaphore, #tpu.memory_space<semaphore_mem>>
      %dma_start3A = arith.constant 0 : i32
      %dma_start3A_420 = tpu.memref_slice %arg9[%run_scoped3A_39, %dma_start3A] : memref<8x32xf32, #tpu.memory_space<vmem>> -> memref<1x32xf32, #tpu.memory_space<vmem>>
      %dma_start3A_421 = tpu.memref_squeeze %dma_start3A_420 : memref<1x32xf32, #tpu.memory_space<vmem>> -> memref<32xf32, #tpu.memory_space<vmem>>
      %dma_start3A_422 = tpu.memref_slice %arg2[%run_scoped3A_38, %mul3A_2] : memref<8x1024xf32, #tpu.memory_space<hbm>> -> memref<1x32xf32, #tpu.memory_space<hbm>>
      %dma_start3A_423 = tpu.memref_squeeze %dma_start3A_422 : memref<1x32xf32, #tpu.memory_space<hbm>> -> memref<32xf32, #tpu.memory_space<hbm>>
      %dma_start3A_424 = arith.constant 0 : i32
      %dma_start3A_425 = tpu.memref_slice %arg9[%run_scoped3A_39, %dma_start3A_424] : memref<8x32xf32, #tpu.memory_space<vmem>> -> memref<1x32xf32, #tpu.memory_space<vmem>>
      %dma_start3A_426 = tpu.memref_squeeze %dma_start3A_425 : memref<1x32xf32, #tpu.memory_space<vmem>> -> memref<32xf32, #tpu.memory_space<vmem>>
      %dma_start3A_427 = tpu.memref_slice %arg2[%run_scoped3A_38, %mul3A_2] : memref<8x1024xf32, #tpu.memory_space<hbm>> -> memref<1x32xf32, #tpu.memory_space<hbm>>
      %dma_start3A_428 = tpu.memref_squeeze %dma_start3A_427 : memref<1x32xf32, #tpu.memory_space<hbm>> -> memref<32xf32, #tpu.memory_space<hbm>>
      tpu.enqueue_dma source(%dma_start3A_428 : memref<32xf32, #tpu.memory_space<hbm>>) target(%dma_start3A_426 : memref<32xf32, #tpu.memory_space<vmem>>) target_semaphore(%run_scoped3A_419 : memref<!tpu.dma_semaphore, #tpu.memory_space<semaphore_mem>>)
      %dma_wait3A = arith.constant 0 : i32
      %dma_wait3A_429 = tpu.memref_slice %arg9[%run_scoped3A_39, %dma_wait3A] : memref<8x32xf32, #tpu.memory_space<vmem>> -> memref<1x32xf32, #tpu.memory_space<vmem>>
      %dma_wait3A_430 = tpu.memref_squeeze %dma_wait3A_429 : memref<1x32xf32, #tpu.memory_space<vmem>> -> memref<32xf32, #tpu.memory_space<vmem>>
      %dma_wait3A_431 = tpu.memref_slice %arg2[%run_scoped3A_38, %mul3A_2] : memref<8x1024xf32, #tpu.memory_space<hbm>> -> memref<1x32xf32, #tpu.memory_space<hbm>>
      %dma_wait3A_432 = tpu.memref_squeeze %dma_wait3A_431 : memref<1x32xf32, #tpu.memory_space<hbm>> -> memref<32xf32, #tpu.memory_space<hbm>>
      %dma_wait3A_433 = arith.constant 0 : i32
      %dma_wait3A_434 = tpu.memref_slice %arg9[%run_scoped3A_39, %dma_wait3A_433] : memref<8x32xf32, #tpu.memory_space<vmem>> -> memref<1x32xf32, #tpu.memory_space<vmem>>
      %dma_wait3A_435 = tpu.memref_squeeze %dma_wait3A_434 : memref<1x32xf32, #tpu.memory_space<vmem>> -> memref<32xf32, #tpu.memory_space<vmem>>
      %dma_wait3A_436 = tpu.memref_slice %arg2[%run_scoped3A_38, %mul3A_2] : memref<8x1024xf32, #tpu.memory_space<hbm>> -> memref<1x32xf32, #tpu.memory_space<hbm>>
      %dma_wait3A_437 = tpu.memref_squeeze %dma_wait3A_436 : memref<1x32xf32, #tpu.memory_space<hbm>> -> memref<32xf32, #tpu.memory_space<hbm>>
      tpu.wait_dma2 semaphore(%run_scoped3A_419 : memref<!tpu.dma_semaphore, #tpu.memory_space<semaphore_mem>>) src(%dma_wait3A_437 : memref<32xf32, #tpu.memory_space<hbm>>) dst(%dma_wait3A_435 : memref<32xf32, #tpu.memory_space<vmem>>)
      tpu.yield
    }) : () -> ()
    %run_scoped3A_40 = arith.constant 6 : i32
    %run_scoped3A_41 = arith.constant 6 : i32
    "tpu.region"() ({
      %run_scoped3A_419 = tpu.sem_alloc : memref<!tpu.dma_semaphore, #tpu.memory_space<semaphore_mem>>
      %dma_start3A = arith.constant 0 : i32
      %dma_start3A_420 = tpu.memref_slice %arg10[%run_scoped3A_41, %dma_start3A] : memref<8x32xf32, #tpu.memory_space<vmem>> -> memref<1x32xf32, #tpu.memory_space<vmem>>
      %dma_start3A_421 = tpu.memref_squeeze %dma_start3A_420 : memref<1x32xf32, #tpu.memory_space<vmem>> -> memref<32xf32, #tpu.memory_space<vmem>>
      %dma_start3A_422 = tpu.memref_slice %arg3[%run_scoped3A_40, %mul3A_2] : memref<8x1024xf32, #tpu.memory_space<hbm>> -> memref<1x32xf32, #tpu.memory_space<hbm>>
      %dma_start3A_423 = tpu.memref_squeeze %dma_start3A_422 : memref<1x32xf32, #tpu.memory_space<hbm>> -> memref<32xf32, #tpu.memory_space<hbm>>
      %dma_start3A_424 = arith.constant 0 : i32
      %dma_start3A_425 = tpu.memref_slice %arg10[%run_scoped3A_41, %dma_start3A_424] : memref<8x32xf32, #tpu.memory_space<vmem>> -> memref<1x32xf32, #tpu.memory_space<vmem>>
      %dma_start3A_426 = tpu.memref_squeeze %dma_start3A_425 : memref<1x32xf32, #tpu.memory_space<vmem>> -> memref<32xf32, #tpu.memory_space<vmem>>
      %dma_start3A_427 = tpu.memref_slice %arg3[%run_scoped3A_40, %mul3A_2] : memref<8x1024xf32, #tpu.memory_space<hbm>> -> memref<1x32xf32, #tpu.memory_space<hbm>>
      %dma_start3A_428 = tpu.memref_squeeze %dma_start3A_427 : memref<1x32xf32, #tpu.memory_space<hbm>> -> memref<32xf32, #tpu.memory_space<hbm>>
      tpu.enqueue_dma source(%dma_start3A_428 : memref<32xf32, #tpu.memory_space<hbm>>) target(%dma_start3A_426 : memref<32xf32, #tpu.memory_space<vmem>>) target_semaphore(%run_scoped3A_419 : memref<!tpu.dma_semaphore, #tpu.memory_space<semaphore_mem>>)
      %dma_wait3A = arith.constant 0 : i32
      %dma_wait3A_429 = tpu.memref_slice %arg10[%run_scoped3A_41, %dma_wait3A] : memref<8x32xf32, #tpu.memory_space<vmem>> -> memref<1x32xf32, #tpu.memory_space<vmem>>
      %dma_wait3A_430 = tpu.memref_squeeze %dma_wait3A_429 : memref<1x32xf32, #tpu.memory_space<vmem>> -> memref<32xf32, #tpu.memory_space<vmem>>
      %dma_wait3A_431 = tpu.memref_slice %arg3[%run_scoped3A_40, %mul3A_2] : memref<8x1024xf32, #tpu.memory_space<hbm>> -> memref<1x32xf32, #tpu.memory_space<hbm>>
      %dma_wait3A_432 = tpu.memref_squeeze %dma_wait3A_431 : memref<1x32xf32, #tpu.memory_space<hbm>> -> memref<32xf32, #tpu.memory_space<hbm>>
      %dma_wait3A_433 = arith.constant 0 : i32
      %dma_wait3A_434 = tpu.memref_slice %arg10[%run_scoped3A_41, %dma_wait3A_433] : memref<8x32xf32, #tpu.memory_space<vmem>> -> memref<1x32xf32, #tpu.memory_space<vmem>>
      %dma_wait3A_435 = tpu.memref_squeeze %dma_wait3A_434 : memref<1x32xf32, #tpu.memory_space<vmem>> -> memref<32xf32, #tpu.memory_space<vmem>>
      %dma_wait3A_436 = tpu.memref_slice %arg3[%run_scoped3A_40, %mul3A_2] : memref<8x1024xf32, #tpu.memory_space<hbm>> -> memref<1x32xf32, #tpu.memory_space<hbm>>
      %dma_wait3A_437 = tpu.memref_squeeze %dma_wait3A_436 : memref<1x32xf32, #tpu.memory_space<hbm>> -> memref<32xf32, #tpu.memory_space<hbm>>
      tpu.wait_dma2 semaphore(%run_scoped3A_419 : memref<!tpu.dma_semaphore, #tpu.memory_space<semaphore_mem>>) src(%dma_wait3A_437 : memref<32xf32, #tpu.memory_space<hbm>>) dst(%dma_wait3A_435 : memref<32xf32, #tpu.memory_space<vmem>>)
      tpu.yield
    }) : () -> ()
    %run_scoped3A_42 = arith.constant 6 : i32
    %run_scoped3A_43 = arith.constant 6 : i32
    "tpu.region"() ({
      %run_scoped3A_419 = tpu.sem_alloc : memref<!tpu.dma_semaphore, #tpu.memory_space<semaphore_mem>>
      %dma_start3A = arith.constant 0 : i32
      %dma_start3A_420 = tpu.memref_slice %arg11[%run_scoped3A_43, %dma_start3A] : memref<8x32xf32, #tpu.memory_space<vmem>> -> memref<1x32xf32, #tpu.memory_space<vmem>>
      %dma_start3A_421 = tpu.memref_squeeze %dma_start3A_420 : memref<1x32xf32, #tpu.memory_space<vmem>> -> memref<32xf32, #tpu.memory_space<vmem>>
      %dma_start3A_422 = tpu.memref_slice %arg4[%run_scoped3A_42, %mul3A_2] : memref<8x1024xf32, #tpu.memory_space<hbm>> -> memref<1x32xf32, #tpu.memory_space<hbm>>
      %dma_start3A_423 = tpu.memref_squeeze %dma_start3A_422 : memref<1x32xf32, #tpu.memory_space<hbm>> -> memref<32xf32, #tpu.memory_space<hbm>>
      %dma_start3A_424 = arith.constant 0 : i32
      %dma_start3A_425 = tpu.memref_slice %arg11[%run_scoped3A_43, %dma_start3A_424] : memref<8x32xf32, #tpu.memory_space<vmem>> -> memref<1x32xf32, #tpu.memory_space<vmem>>
      %dma_start3A_426 = tpu.memref_squeeze %dma_start3A_425 : memref<1x32xf32, #tpu.memory_space<vmem>> -> memref<32xf32, #tpu.memory_space<vmem>>
      %dma_start3A_427 = tpu.memref_slice %arg4[%run_scoped3A_42, %mul3A_2] : memref<8x1024xf32, #tpu.memory_space<hbm>> -> memref<1x32xf32, #tpu.memory_space<hbm>>
      %dma_start3A_428 = tpu.memref_squeeze %dma_start3A_427 : memref<1x32xf32, #tpu.memory_space<hbm>> -> memref<32xf32, #tpu.memory_space<hbm>>
      tpu.enqueue_dma source(%dma_start3A_428 : memref<32xf32, #tpu.memory_space<hbm>>) target(%dma_start3A_426 : memref<32xf32, #tpu.memory_space<vmem>>) target_semaphore(%run_scoped3A_419 : memref<!tpu.dma_semaphore, #tpu.memory_space<semaphore_mem>>)
      %dma_wait3A = arith.constant 0 : i32
      %dma_wait3A_429 = tpu.memref_slice %arg11[%run_scoped3A_43, %dma_wait3A] : memref<8x32xf32, #tpu.memory_space<vmem>> -> memref<1x32xf32, #tpu.memory_space<vmem>>
      %dma_wait3A_430 = tpu.memref_squeeze %dma_wait3A_429 : memref<1x32xf32, #tpu.memory_space<vmem>> -> memref<32xf32, #tpu.memory_space<vmem>>
      %dma_wait3A_431 = tpu.memref_slice %arg4[%run_scoped3A_42, %mul3A_2] : memref<8x1024xf32, #tpu.memory_space<hbm>> -> memref<1x32xf32, #tpu.memory_space<hbm>>
      %dma_wait3A_432 = tpu.memref_squeeze %dma_wait3A_431 : memref<1x32xf32, #tpu.memory_space<hbm>> -> memref<32xf32, #tpu.memory_space<hbm>>
      %dma_wait3A_433 = arith.constant 0 : i32
      %dma_wait3A_434 = tpu.memref_slice %arg11[%run_scoped3A_43, %dma_wait3A_433] : memref<8x32xf32, #tpu.memory_space<vmem>> -> memref<1x32xf32, #tpu.memory_space<vmem>>
      %dma_wait3A_435 = tpu.memref_squeeze %dma_wait3A_434 : memref<1x32xf32, #tpu.memory_space<vmem>> -> memref<32xf32, #tpu.memory_space<vmem>>
      %dma_wait3A_436 = tpu.memref_slice %arg4[%run_scoped3A_42, %mul3A_2] : memref<8x1024xf32, #tpu.memory_space<hbm>> -> memref<1x32xf32, #tpu.memory_space<hbm>>
      %dma_wait3A_437 = tpu.memref_squeeze %dma_wait3A_436 : memref<1x32xf32, #tpu.memory_space<hbm>> -> memref<32xf32, #tpu.memory_space<hbm>>
      tpu.wait_dma2 semaphore(%run_scoped3A_419 : memref<!tpu.dma_semaphore, #tpu.memory_space<semaphore_mem>>) src(%dma_wait3A_437 : memref<32xf32, #tpu.memory_space<hbm>>) dst(%dma_wait3A_435 : memref<32xf32, #tpu.memory_space<vmem>>)
      tpu.yield
    }) : () -> ()
    %run_scoped3A_44 = arith.constant 7 : i32
    %run_scoped3A_45 = arith.constant 7 : i32
    "tpu.region"() ({
      %run_scoped3A_419 = tpu.sem_alloc : memref<!tpu.dma_semaphore, #tpu.memory_space<semaphore_mem>>
      %dma_start3A = arith.constant 0 : i32
      %dma_start3A_420 = tpu.memref_slice %arg9[%run_scoped3A_45, %dma_start3A] : memref<8x32xf32, #tpu.memory_space<vmem>> -> memref<1x32xf32, #tpu.memory_space<vmem>>
      %dma_start3A_421 = tpu.memref_squeeze %dma_start3A_420 : memref<1x32xf32, #tpu.memory_space<vmem>> -> memref<32xf32, #tpu.memory_space<vmem>>
      %dma_start3A_422 = tpu.memref_slice %arg2[%run_scoped3A_44, %mul3A_2] : memref<8x1024xf32, #tpu.memory_space<hbm>> -> memref<1x32xf32, #tpu.memory_space<hbm>>
      %dma_start3A_423 = tpu.memref_squeeze %dma_start3A_422 : memref<1x32xf32, #tpu.memory_space<hbm>> -> memref<32xf32, #tpu.memory_space<hbm>>
      %dma_start3A_424 = arith.constant 0 : i32
      %dma_start3A_425 = tpu.memref_slice %arg9[%run_scoped3A_45, %dma_start3A_424] : memref<8x32xf32, #tpu.memory_space<vmem>> -> memref<1x32xf32, #tpu.memory_space<vmem>>
      %dma_start3A_426 = tpu.memref_squeeze %dma_start3A_425 : memref<1x32xf32, #tpu.memory_space<vmem>> -> memref<32xf32, #tpu.memory_space<vmem>>
      %dma_start3A_427 = tpu.memref_slice %arg2[%run_scoped3A_44, %mul3A_2] : memref<8x1024xf32, #tpu.memory_space<hbm>> -> memref<1x32xf32, #tpu.memory_space<hbm>>
      %dma_start3A_428 = tpu.memref_squeeze %dma_start3A_427 : memref<1x32xf32, #tpu.memory_space<hbm>> -> memref<32xf32, #tpu.memory_space<hbm>>
      tpu.enqueue_dma source(%dma_start3A_428 : memref<32xf32, #tpu.memory_space<hbm>>) target(%dma_start3A_426 : memref<32xf32, #tpu.memory_space<vmem>>) target_semaphore(%run_scoped3A_419 : memref<!tpu.dma_semaphore, #tpu.memory_space<semaphore_mem>>)
      %dma_wait3A = arith.constant 0 : i32
      %dma_wait3A_429 = tpu.memref_slice %arg9[%run_scoped3A_45, %dma_wait3A] : memref<8x32xf32, #tpu.memory_space<vmem>> -> memref<1x32xf32, #tpu.memory_space<vmem>>
      %dma_wait3A_430 = tpu.memref_squeeze %dma_wait3A_429 : memref<1x32xf32, #tpu.memory_space<vmem>> -> memref<32xf32, #tpu.memory_space<vmem>>
      %dma_wait3A_431 = tpu.memref_slice %arg2[%run_scoped3A_44, %mul3A_2] : memref<8x1024xf32, #tpu.memory_space<hbm>> -> memref<1x32xf32, #tpu.memory_space<hbm>>
      %dma_wait3A_432 = tpu.memref_squeeze %dma_wait3A_431 : memref<1x32xf32, #tpu.memory_space<hbm>> -> memref<32xf32, #tpu.memory_space<hbm>>
      %dma_wait3A_433 = arith.constant 0 : i32
      %dma_wait3A_434 = tpu.memref_slice %arg9[%run_scoped3A_45, %dma_wait3A_433] : memref<8x32xf32, #tpu.memory_space<vmem>> -> memref<1x32xf32, #tpu.memory_space<vmem>>
      %dma_wait3A_435 = tpu.memref_squeeze %dma_wait3A_434 : memref<1x32xf32, #tpu.memory_space<vmem>> -> memref<32xf32, #tpu.memory_space<vmem>>
      %dma_wait3A_436 = tpu.memref_slice %arg2[%run_scoped3A_44, %mul3A_2] : memref<8x1024xf32, #tpu.memory_space<hbm>> -> memref<1x32xf32, #tpu.memory_space<hbm>>
      %dma_wait3A_437 = tpu.memref_squeeze %dma_wait3A_436 : memref<1x32xf32, #tpu.memory_space<hbm>> -> memref<32xf32, #tpu.memory_space<hbm>>
      tpu.wait_dma2 semaphore(%run_scoped3A_419 : memref<!tpu.dma_semaphore, #tpu.memory_space<semaphore_mem>>) src(%dma_wait3A_437 : memref<32xf32, #tpu.memory_space<hbm>>) dst(%dma_wait3A_435 : memref<32xf32, #tpu.memory_space<vmem>>)
      tpu.yield
    }) : () -> ()
    %run_scoped3A_46 = arith.constant 7 : i32
    %run_scoped3A_47 = arith.constant 7 : i32
    "tpu.region"() ({
      %run_scoped3A_419 = tpu.sem_alloc : memref<!tpu.dma_semaphore, #tpu.memory_space<semaphore_mem>>
      %dma_start3A = arith.constant 0 : i32
      %dma_start3A_420 = tpu.memref_slice %arg10[%run_scoped3A_47, %dma_start3A] : memref<8x32xf32, #tpu.memory_space<vmem>> -> memref<1x32xf32, #tpu.memory_space<vmem>>
      %dma_start3A_421 = tpu.memref_squeeze %dma_start3A_420 : memref<1x32xf32, #tpu.memory_space<vmem>> -> memref<32xf32, #tpu.memory_space<vmem>>
      %dma_start3A_422 = tpu.memref_slice %arg3[%run_scoped3A_46, %mul3A_2] : memref<8x1024xf32, #tpu.memory_space<hbm>> -> memref<1x32xf32, #tpu.memory_space<hbm>>
      %dma_start3A_423 = tpu.memref_squeeze %dma_start3A_422 : memref<1x32xf32, #tpu.memory_space<hbm>> -> memref<32xf32, #tpu.memory_space<hbm>>
      %dma_start3A_424 = arith.constant 0 : i32
      %dma_start3A_425 = tpu.memref_slice %arg10[%run_scoped3A_47, %dma_start3A_424] : memref<8x32xf32, #tpu.memory_space<vmem>> -> memref<1x32xf32, #tpu.memory_space<vmem>>
      %dma_start3A_426 = tpu.memref_squeeze %dma_start3A_425 : memref<1x32xf32, #tpu.memory_space<vmem>> -> memref<32xf32, #tpu.memory_space<vmem>>
      %dma_start3A_427 = tpu.memref_slice %arg3[%run_scoped3A_46, %mul3A_2] : memref<8x1024xf32, #tpu.memory_space<hbm>> -> memref<1x32xf32, #tpu.memory_space<hbm>>
      %dma_start3A_428 = tpu.memref_squeeze %dma_start3A_427 : memref<1x32xf32, #tpu.memory_space<hbm>> -> memref<32xf32, #tpu.memory_space<hbm>>
      tpu.enqueue_dma source(%dma_start3A_428 : memref<32xf32, #tpu.memory_space<hbm>>) target(%dma_start3A_426 : memref<32xf32, #tpu.memory_space<vmem>>) target_semaphore(%run_scoped3A_419 : memref<!tpu.dma_semaphore, #tpu.memory_space<semaphore_mem>>)
      %dma_wait3A = arith.constant 0 : i32
      %dma_wait3A_429 = tpu.memref_slice %arg10[%run_scoped3A_47, %dma_wait3A] : memref<8x32xf32, #tpu.memory_space<vmem>> -> memref<1x32xf32, #tpu.memory_space<vmem>>
      %dma_wait3A_430 = tpu.memref_squeeze %dma_wait3A_429 : memref<1x32xf32, #tpu.memory_space<vmem>> -> memref<32xf32, #tpu.memory_space<vmem>>
      %dma_wait3A_431 = tpu.memref_slice %arg3[%run_scoped3A_46, %mul3A_2] : memref<8x1024xf32, #tpu.memory_space<hbm>> -> memref<1x32xf32, #tpu.memory_space<hbm>>
      %dma_wait3A_432 = tpu.memref_squeeze %dma_wait3A_431 : memref<1x32xf32, #tpu.memory_space<hbm>> -> memref<32xf32, #tpu.memory_space<hbm>>
      %dma_wait3A_433 = arith.constant 0 : i32
      %dma_wait3A_434 = tpu.memref_slice %arg10[%run_scoped3A_47, %dma_wait3A_433] : memref<8x32xf32, #tpu.memory_space<vmem>> -> memref<1x32xf32, #tpu.memory_space<vmem>>
      %dma_wait3A_435 = tpu.memref_squeeze %dma_wait3A_434 : memref<1x32xf32, #tpu.memory_space<vmem>> -> memref<32xf32, #tpu.memory_space<vmem>>
      %dma_wait3A_436 = tpu.memref_slice %arg3[%run_scoped3A_46, %mul3A_2] : memref<8x1024xf32, #tpu.memory_space<hbm>> -> memref<1x32xf32, #tpu.memory_space<hbm>>
      %dma_wait3A_437 = tpu.memref_squeeze %dma_wait3A_436 : memref<1x32xf32, #tpu.memory_space<hbm>> -> memref<32xf32, #tpu.memory_space<hbm>>
      tpu.wait_dma2 semaphore(%run_scoped3A_419 : memref<!tpu.dma_semaphore, #tpu.memory_space<semaphore_mem>>) src(%dma_wait3A_437 : memref<32xf32, #tpu.memory_space<hbm>>) dst(%dma_wait3A_435 : memref<32xf32, #tpu.memory_space<vmem>>)
      tpu.yield
    }) : () -> ()
    %run_scoped3A_48 = arith.constant 7 : i32
    %run_scoped3A_49 = arith.constant 7 : i32
    "tpu.region"() ({
      %run_scoped3A_419 = tpu.sem_alloc : memref<!tpu.dma_semaphore, #tpu.memory_space<semaphore_mem>>
      %dma_start3A = arith.constant 0 : i32
      %dma_start3A_420 = tpu.memref_slice %arg11[%run_scoped3A_49, %dma_start3A] : memref<8x32xf32, #tpu.memory_space<vmem>> -> memref<1x32xf32, #tpu.memory_space<vmem>>
      %dma_start3A_421 = tpu.memref_squeeze %dma_start3A_420 : memref<1x32xf32, #tpu.memory_space<vmem>> -> memref<32xf32, #tpu.memory_space<vmem>>
      %dma_start3A_422 = tpu.memref_slice %arg4[%run_scoped3A_48, %mul3A_2] : memref<8x1024xf32, #tpu.memory_space<hbm>> -> memref<1x32xf32, #tpu.memory_space<hbm>>
      %dma_start3A_423 = tpu.memref_squeeze %dma_start3A_422 : memref<1x32xf32, #tpu.memory_space<hbm>> -> memref<32xf32, #tpu.memory_space<hbm>>
      %dma_start3A_424 = arith.constant 0 : i32
      %dma_start3A_425 = tpu.memref_slice %arg11[%run_scoped3A_49, %dma_start3A_424] : memref<8x32xf32, #tpu.memory_space<vmem>> -> memref<1x32xf32, #tpu.memory_space<vmem>>
      %dma_start3A_426 = tpu.memref_squeeze %dma_start3A_425 : memref<1x32xf32, #tpu.memory_space<vmem>> -> memref<32xf32, #tpu.memory_space<vmem>>
      %dma_start3A_427 = tpu.memref_slice %arg4[%run_scoped3A_48, %mul3A_2] : memref<8x1024xf32, #tpu.memory_space<hbm>> -> memref<1x32xf32, #tpu.memory_space<hbm>>
      %dma_start3A_428 = tpu.memref_squeeze %dma_start3A_427 : memref<1x32xf32, #tpu.memory_space<hbm>> -> memref<32xf32, #tpu.memory_space<hbm>>
      tpu.enqueue_dma source(%dma_start3A_428 : memref<32xf32, #tpu.memory_space<hbm>>) target(%dma_start3A_426 : memref<32xf32, #tpu.memory_space<vmem>>) target_semaphore(%run_scoped3A_419 : memref<!tpu.dma_semaphore, #tpu.memory_space<semaphore_mem>>)
      %dma_wait3A = arith.constant 0 : i32
      %dma_wait3A_429 = tpu.memref_slice %arg11[%run_scoped3A_49, %dma_wait3A] : memref<8x32xf32, #tpu.memory_space<vmem>> -> memref<1x32xf32, #tpu.memory_space<vmem>>
      %dma_wait3A_430 = tpu.memref_squeeze %dma_wait3A_429 : memref<1x32xf32, #tpu.memory_space<vmem>> -> memref<32xf32, #tpu.memory_space<vmem>>
      %dma_wait3A_431 = tpu.memref_slice %arg4[%run_scoped3A_48, %mul3A_2] : memref<8x1024xf32, #tpu.memory_space<hbm>> -> memref<1x32xf32, #tpu.memory_space<hbm>>
      %dma_wait3A_432 = tpu.memref_squeeze %dma_wait3A_431 : memref<1x32xf32, #tpu.memory_space<hbm>> -> memref<32xf32, #tpu.memory_space<hbm>>
      %dma_wait3A_433 = arith.constant 0 : i32
      %dma_wait3A_434 = tpu.memref_slice %arg11[%run_scoped3A_49, %dma_wait3A_433] : memref<8x32xf32, #tpu.memory_space<vmem>> -> memref<1x32xf32, #tpu.memory_space<vmem>>
      %dma_wait3A_435 = tpu.memref_squeeze %dma_wait3A_434 : memref<1x32xf32, #tpu.memory_space<vmem>> -> memref<32xf32, #tpu.memory_space<vmem>>
      %dma_wait3A_436 = tpu.memref_slice %arg4[%run_scoped3A_48, %mul3A_2] : memref<8x1024xf32, #tpu.memory_space<hbm>> -> memref<1x32xf32, #tpu.memory_space<hbm>>
      %dma_wait3A_437 = tpu.memref_squeeze %dma_wait3A_436 : memref<1x32xf32, #tpu.memory_space<hbm>> -> memref<32xf32, #tpu.memory_space<hbm>>
      tpu.wait_dma2 semaphore(%run_scoped3A_419 : memref<!tpu.dma_semaphore, #tpu.memory_space<semaphore_mem>>) src(%dma_wait3A_437 : memref<32xf32, #tpu.memory_space<hbm>>) dst(%dma_wait3A_435 : memref<32xf32, #tpu.memory_space<vmem>>)
      tpu.yield
    }) : () -> ()
    %get3A = arith.constant 0 : i32
    %get3A_50 = arith.index_cast %get3A : i32 to index
    %get3A_51 = arith.constant 0 : index
    %get3A_52 = tpu.vector_load %arg9[%get3A_50, %get3A_51] {strides = array<i32>} : memref<8x32xf32, #tpu.memory_space<vmem>>, vector<1x16xf32>,
    %get3A_53 = vector.shape_cast %get3A_52 : vector<1x16xf32> to vector<16xf32>
    %broadcast_in_dim3A = arith.constant 0 : i32
    %broadcast_in_dim3A_54 = vector.broadcast %broadcast_in_dim3A : i32 to vector<16xi32>
    %get3A_55 = arith.constant 0 : i32
    %get3A_56 = arith.index_cast %get3A_55 : i32 to index
    %get3A_57 = arith.constant 0 : index
    %get3A_58 = tpu.vector_load %arg10[%get3A_56, %get3A_57] {strides = array<i32>} : memref<8x32xf32, #tpu.memory_space<vmem>>, vector<1x16xf32>,
    %get3A_59 = vector.shape_cast %get3A_58 : vector<1x16xf32> to vector<16xf32>
    %get3A_60 = arith.constant 0 : i32
    %get3A_61 = arith.index_cast %get3A_60 : i32 to index
    %get3A_62 = arith.constant 0 : index
    %get3A_63 = tpu.vector_load %arg11[%get3A_61, %get3A_62] {strides = array<i32>} : memref<8x32xf32, #tpu.memory_space<vmem>>, vector<1x16xf32>,
    %get3A_64 = vector.shape_cast %get3A_63 : vector<1x16xf32> to vector<16xf32>
    %get3A_65 = arith.constant 1 : i32
    %get3A_66 = arith.index_cast %get3A_65 : i32 to index
    %get3A_67 = arith.constant 0 : index
    %get3A_68 = tpu.vector_load %arg9[%get3A_66, %get3A_67] {strides = array<i32>} : memref<8x32xf32, #tpu.memory_space<vmem>>, vector<1x16xf32>,
    %get3A_69 = vector.shape_cast %get3A_68 : vector<1x16xf32> to vector<16xf32>
    %gt3A = arith.cmpf ogt, %get3A_69, %get3A_53 : vector<16xf32>
    %select_n3A = arith.select %gt3A, %get3A_69, %get3A_53 : vector<16xi1>, vector<16xf32>
    %broadcast_in_dim3A_70 = arith.constant 1 : i32
    %broadcast_in_dim3A_71 = vector.broadcast %broadcast_in_dim3A_70 : i32 to vector<16xi32>
    %select_n3A_72 = arith.select %gt3A, %broadcast_in_dim3A_71, %broadcast_in_dim3A_54 : vector<16xi1>, vector<16xi32>
    %get3A_73 = arith.constant 1 : i32
    %get3A_74 = arith.index_cast %get3A_73 : i32 to index
    %get3A_75 = arith.constant 0 : index
    %get3A_76 = tpu.vector_load %arg10[%get3A_74, %get3A_75] {strides = array<i32>} : memref<8x32xf32, #tpu.memory_space<vmem>>, vector<1x16xf32>,
    %get3A_77 = vector.shape_cast %get3A_76 : vector<1x16xf32> to vector<16xf32>
    %select_n3A_78 = arith.select %gt3A, %get3A_77, %get3A_59 : vector<16xi1>, vector<16xf32>
    %get3A_79 = arith.constant 1 : i32
    %get3A_80 = arith.index_cast %get3A_79 : i32 to index
    %get3A_81 = arith.constant 0 : index
    %get3A_82 = tpu.vector_load %arg11[%get3A_80, %get3A_81] {strides = array<i32>} : memref<8x32xf32, #tpu.memory_space<vmem>>, vector<1x16xf32>,
    %get3A_83 = vector.shape_cast %get3A_82 : vector<1x16xf32> to vector<16xf32>
    %select_n3A_84 = arith.select %gt3A, %get3A_83, %get3A_64 : vector<16xi1>, vector<16xf32>
    %get3A_85 = arith.constant 2 : i32
    %get3A_86 = arith.index_cast %get3A_85 : i32 to index
    %get3A_87 = arith.constant 0 : index
    %get3A_88 = tpu.vector_load %arg9[%get3A_86, %get3A_87] {strides = array<i32>} : memref<8x32xf32, #tpu.memory_space<vmem>>, vector<1x16xf32>,
    %get3A_89 = vector.shape_cast %get3A_88 : vector<1x16xf32> to vector<16xf32>
    %gt3A_90 = arith.cmpf ogt, %get3A_89, %select_n3A : vector<16xf32>
    %select_n3A_91 = arith.select %gt3A_90, %get3A_89, %select_n3A : vector<16xi1>, vector<16xf32>
    %broadcast_in_dim3A_92 = arith.constant 2 : i32
    %broadcast_in_dim3A_93 = vector.broadcast %broadcast_in_dim3A_92 : i32 to vector<16xi32>
    %select_n3A_94 = arith.select %gt3A_90, %broadcast_in_dim3A_93, %select_n3A_72 : vector<16xi1>, vector<16xi32>
    %get3A_95 = arith.constant 2 : i32
    %get3A_96 = arith.index_cast %get3A_95 : i32 to index
    %get3A_97 = arith.constant 0 : index
    %get3A_98 = tpu.vector_load %arg10[%get3A_96, %get3A_97] {strides = array<i32>} : memref<8x32xf32, #tpu.memory_space<vmem>>, vector<1x16xf32>,
    %get3A_99 = vector.shape_cast %get3A_98 : vector<1x16xf32> to vector<16xf32>
    %select_n3A_100 = arith.select %gt3A_90, %get3A_99, %select_n3A_78 : vector<16xi1>, vector<16xf32>
    %get3A_101 = arith.constant 2 : i32
    %get3A_102 = arith.index_cast %get3A_101 : i32 to index
    %get3A_103 = arith.constant 0 : index
    %get3A_104 = tpu.vector_load %arg11[%get3A_102, %get3A_103] {strides = array<i32>} : memref<8x32xf32, #tpu.memory_space<vmem>>, vector<1x16xf32>,
    %get3A_105 = vector.shape_cast %get3A_104 : vector<1x16xf32> to vector<16xf32>
    %select_n3A_106 = arith.select %gt3A_90, %get3A_105, %select_n3A_84 : vector<16xi1>, vector<16xf32>
    %get3A_107 = arith.constant 3 : i32
    %get3A_108 = arith.index_cast %get3A_107 : i32 to index
    %get3A_109 = arith.constant 0 : index
    %get3A_110 = tpu.vector_load %arg9[%get3A_108, %get3A_109] {strides = array<i32>} : memref<8x32xf32, #tpu.memory_space<vmem>>, vector<1x16xf32>,
    %get3A_111 = vector.shape_cast %get3A_110 : vector<1x16xf32> to vector<16xf32>
    %gt3A_112 = arith.cmpf ogt, %get3A_111, %select_n3A_91 : vector<16xf32>
    %select_n3A_113 = arith.select %gt3A_112, %get3A_111, %select_n3A_91 : vector<16xi1>, vector<16xf32>
    %broadcast_in_dim3A_114 = arith.constant 3 : i32
    %broadcast_in_dim3A_115 = vector.broadcast %broadcast_in_dim3A_114 : i32 to vector<16xi32>
    %select_n3A_116 = arith.select %gt3A_112, %broadcast_in_dim3A_115, %select_n3A_94 : vector<16xi1>, vector<16xi32>
    %get3A_117 = arith.constant 3 : i32
    %get3A_118 = arith.index_cast %get3A_117 : i32 to index
    %get3A_119 = arith.constant 0 : index
    %get3A_120 = tpu.vector_load %arg10[%get3A_118, %get3A_119] {strides = array<i32>} : memref<8x32xf32, #tpu.memory_space<vmem>>, vector<1x16xf32>,
    %get3A_121 = vector.shape_cast %get3A_120 : vector<1x16xf32> to vector<16xf32>
    %select_n3A_122 = arith.select %gt3A_112, %get3A_121, %select_n3A_100 : vector<16xi1>, vector<16xf32>
    %get3A_123 = arith.constant 3 : i32
    %get3A_124 = arith.index_cast %get3A_123 : i32 to index
    %get3A_125 = arith.constant 0 : index
    %get3A_126 = tpu.vector_load %arg11[%get3A_124, %get3A_125] {strides = array<i32>} : memref<8x32xf32, #tpu.memory_space<vmem>>, vector<1x16xf32>,
    %get3A_127 = vector.shape_cast %get3A_126 : vector<1x16xf32> to vector<16xf32>
    %select_n3A_128 = arith.select %gt3A_112, %get3A_127, %select_n3A_106 : vector<16xi1>, vector<16xf32>
    %get3A_129 = arith.constant 4 : i32
    %get3A_130 = arith.index_cast %get3A_129 : i32 to index
    %get3A_131 = arith.constant 0 : index
    %get3A_132 = tpu.vector_load %arg9[%get3A_130, %get3A_131] {strides = array<i32>} : memref<8x32xf32, #tpu.memory_space<vmem>>, vector<1x16xf32>,
    %get3A_133 = vector.shape_cast %get3A_132 : vector<1x16xf32> to vector<16xf32>
    %gt3A_134 = arith.cmpf ogt, %get3A_133, %select_n3A_113 : vector<16xf32>
    %select_n3A_135 = arith.select %gt3A_134, %get3A_133, %select_n3A_113 : vector<16xi1>, vector<16xf32>
    %broadcast_in_dim3A_136 = arith.constant 4 : i32
    %broadcast_in_dim3A_137 = vector.broadcast %broadcast_in_dim3A_136 : i32 to vector<16xi32>
    %select_n3A_138 = arith.select %gt3A_134, %broadcast_in_dim3A_137, %select_n3A_116 : vector<16xi1>, vector<16xi32>
    %get3A_139 = arith.constant 4 : i32
    %get3A_140 = arith.index_cast %get3A_139 : i32 to index
    %get3A_141 = arith.constant 0 : index
    %get3A_142 = tpu.vector_load %arg10[%get3A_140, %get3A_141] {strides = array<i32>} : memref<8x32xf32, #tpu.memory_space<vmem>>, vector<1x16xf32>,
    %get3A_143 = vector.shape_cast %get3A_142 : vector<1x16xf32> to vector<16xf32>
    %select_n3A_144 = arith.select %gt3A_134, %get3A_143, %select_n3A_122 : vector<16xi1>, vector<16xf32>
    %get3A_145 = arith.constant 4 : i32
    %get3A_146 = arith.index_cast %get3A_145 : i32 to index
    %get3A_147 = arith.constant 0 : index
    %get3A_148 = tpu.vector_load %arg11[%get3A_146, %get3A_147] {strides = array<i32>} : memref<8x32xf32, #tpu.memory_space<vmem>>, vector<1x16xf32>,
    %get3A_149 = vector.shape_cast %get3A_148 : vector<1x16xf32> to vector<16xf32>
    %select_n3A_150 = arith.select %gt3A_134, %get3A_149, %select_n3A_128 : vector<16xi1>, vector<16xf32>
    %get3A_151 = arith.constant 5 : i32
    %get3A_152 = arith.index_cast %get3A_151 : i32 to index
    %get3A_153 = arith.constant 0 : index
    %get3A_154 = tpu.vector_load %arg9[%get3A_152, %get3A_153] {strides = array<i32>} : memref<8x32xf32, #tpu.memory_space<vmem>>, vector<1x16xf32>,
    %get3A_155 = vector.shape_cast %get3A_154 : vector<1x16xf32> to vector<16xf32>
    %gt3A_156 = arith.cmpf ogt, %get3A_155, %select_n3A_135 : vector<16xf32>
    %select_n3A_157 = arith.select %gt3A_156, %get3A_155, %select_n3A_135 : vector<16xi1>, vector<16xf32>
    %broadcast_in_dim3A_158 = arith.constant 5 : i32
    %broadcast_in_dim3A_159 = vector.broadcast %broadcast_in_dim3A_158 : i32 to vector<16xi32>
    %select_n3A_160 = arith.select %gt3A_156, %broadcast_in_dim3A_159, %select_n3A_138 : vector<16xi1>, vector<16xi32>
    %get3A_161 = arith.constant 5 : i32
    %get3A_162 = arith.index_cast %get3A_161 : i32 to index
    %get3A_163 = arith.constant 0 : index
    %get3A_164 = tpu.vector_load %arg10[%get3A_162, %get3A_163] {strides = array<i32>} : memref<8x32xf32, #tpu.memory_space<vmem>>, vector<1x16xf32>,
    %get3A_165 = vector.shape_cast %get3A_164 : vector<1x16xf32> to vector<16xf32>
    %select_n3A_166 = arith.select %gt3A_156, %get3A_165, %select_n3A_144 : vector<16xi1>, vector<16xf32>
    %get3A_167 = arith.constant 5 : i32
    %get3A_168 = arith.index_cast %get3A_167 : i32 to index
    %get3A_169 = arith.constant 0 : index
    %get3A_170 = tpu.vector_load %arg11[%get3A_168, %get3A_169] {strides = array<i32>} : memref<8x32xf32, #tpu.memory_space<vmem>>, vector<1x16xf32>,
    %get3A_171 = vector.shape_cast %get3A_170 : vector<1x16xf32> to vector<16xf32>
    %select_n3A_172 = arith.select %gt3A_156, %get3A_171, %select_n3A_150 : vector<16xi1>, vector<16xf32>
    %get3A_173 = arith.constant 6 : i32
    %get3A_174 = arith.index_cast %get3A_173 : i32 to index
    %get3A_175 = arith.constant 0 : index
    %get3A_176 = tpu.vector_load %arg9[%get3A_174, %get3A_175] {strides = array<i32>} : memref<8x32xf32, #tpu.memory_space<vmem>>, vector<1x16xf32>,
    %get3A_177 = vector.shape_cast %get3A_176 : vector<1x16xf32> to vector<16xf32>
    %gt3A_178 = arith.cmpf ogt, %get3A_177, %select_n3A_157 : vector<16xf32>
    %select_n3A_179 = arith.select %gt3A_178, %get3A_177, %select_n3A_157 : vector<16xi1>, vector<16xf32>
    %broadcast_in_dim3A_180 = arith.constant 6 : i32
    %broadcast_in_dim3A_181 = vector.broadcast %broadcast_in_dim3A_180 : i32 to vector<16xi32>
    %select_n3A_182 = arith.select %gt3A_178, %broadcast_in_dim3A_181, %select_n3A_160 : vector<16xi1>, vector<16xi32>
    %get3A_183 = arith.constant 6 : i32
    %get3A_184 = arith.index_cast %get3A_183 : i32 to index
    %get3A_185 = arith.constant 0 : index
    %get3A_186 = tpu.vector_load %arg10[%get3A_184, %get3A_185] {strides = array<i32>} : memref<8x32xf32, #tpu.memory_space<vmem>>, vector<1x16xf32>,
    %get3A_187 = vector.shape_cast %get3A_186 : vector<1x16xf32> to vector<16xf32>
    %select_n3A_188 = arith.select %gt3A_178, %get3A_187, %select_n3A_166 : vector<16xi1>, vector<16xf32>
    %get3A_189 = arith.constant 6 : i32
    %get3A_190 = arith.index_cast %get3A_189 : i32 to index
    %get3A_191 = arith.constant 0 : index
    %get3A_192 = tpu.vector_load %arg11[%get3A_190, %get3A_191] {strides = array<i32>} : memref<8x32xf32, #tpu.memory_space<vmem>>, vector<1x16xf32>,
    %get3A_193 = vector.shape_cast %get3A_192 : vector<1x16xf32> to vector<16xf32>
    %select_n3A_194 = arith.select %gt3A_178, %get3A_193, %select_n3A_172 : vector<16xi1>, vector<16xf32>
    %get3A_195 = arith.constant 7 : i32
    %get3A_196 = arith.index_cast %get3A_195 : i32 to index
    %get3A_197 = arith.constant 0 : index
    %get3A_198 = tpu.vector_load %arg9[%get3A_196, %get3A_197] {strides = array<i32>} : memref<8x32xf32, #tpu.memory_space<vmem>>, vector<1x16xf32>,
    %get3A_199 = vector.shape_cast %get3A_198 : vector<1x16xf32> to vector<16xf32>
    %gt3A_200 = arith.cmpf ogt, %get3A_199, %select_n3A_179 : vector<16xf32>
    %select_n3A_201 = arith.select %gt3A_200, %get3A_199, %select_n3A_179 : vector<16xi1>, vector<16xf32>
    %broadcast_in_dim3A_202 = arith.constant 7 : i32
    %broadcast_in_dim3A_203 = vector.broadcast %broadcast_in_dim3A_202 : i32 to vector<16xi32>
    %select_n3A_204 = arith.select %gt3A_200, %broadcast_in_dim3A_203, %select_n3A_182 : vector<16xi1>, vector<16xi32>
    %get3A_205 = arith.constant 7 : i32
    %get3A_206 = arith.index_cast %get3A_205 : i32 to index
    %get3A_207 = arith.constant 0 : index
    %get3A_208 = tpu.vector_load %arg10[%get3A_206, %get3A_207] {strides = array<i32>} : memref<8x32xf32, #tpu.memory_space<vmem>>, vector<1x16xf32>,
    %get3A_209 = vector.shape_cast %get3A_208 : vector<1x16xf32> to vector<16xf32>
    %select_n3A_210 = arith.select %gt3A_200, %get3A_209, %select_n3A_188 : vector<16xi1>, vector<16xf32>
    %get3A_211 = arith.constant 7 : i32
    %get3A_212 = arith.index_cast %get3A_211 : i32 to index
    %get3A_213 = arith.constant 0 : index
    %get3A_214 = tpu.vector_load %arg11[%get3A_212, %get3A_213] {strides = array<i32>} : memref<8x32xf32, #tpu.memory_space<vmem>>, vector<1x16xf32>,
    %get3A_215 = vector.shape_cast %get3A_214 : vector<1x16xf32> to vector<16xf32>
    %select_n3A_216 = arith.select %gt3A_200, %get3A_215, %select_n3A_194 : vector<16xi1>, vector<16xf32>
    %swap3A = arith.constant 0 : index
    %swap3A_217 = tpu.vector_load %arg12[%swap3A] {strides = array<i32>} : memref<32xi32, #tpu.memory_space<vmem>>, vector<16xi32>,
    %swap3A_218 = vector.shape_cast %swap3A_217 : vector<16xi32> to vector<16xi32>
    %swap3A_219 = vector.shape_cast %select_n3A_204 : vector<16xi32> to vector<16xi32>
    tpu.vector_store %arg12[%swap3A], %swap3A_219 {strides = array<i32>} : memref<32xi32, #tpu.memory_space<vmem>>, vector<16xi32>,
    %swap3A_220 = arith.constant 0 : index
    %swap3A_221 = tpu.vector_load %arg13[%swap3A_220] {strides = array<i32>} : memref<32xf32, #tpu.memory_space<vmem>>, vector<16xf32>,
    %swap3A_222 = vector.shape_cast %swap3A_221 : vector<16xf32> to vector<16xf32>
    %swap3A_223 = vector.shape_cast %select_n3A_201 : vector<16xf32> to vector<16xf32>
    tpu.vector_store %arg13[%swap3A_220], %swap3A_223 {strides = array<i32>} : memref<32xf32, #tpu.memory_space<vmem>>, vector<16xf32>,
    %swap3A_224 = arith.constant 0 : index
    %swap3A_225 = tpu.vector_load %arg14[%swap3A_224] {strides = array<i32>} : memref<32xf32, #tpu.memory_space<vmem>>, vector<16xf32>,
    %swap3A_226 = vector.shape_cast %swap3A_225 : vector<16xf32> to vector<16xf32>
    %swap3A_227 = vector.shape_cast %select_n3A_210 : vector<16xf32> to vector<16xf32>
    tpu.vector_store %arg14[%swap3A_224], %swap3A_227 {strides = array<i32>} : memref<32xf32, #tpu.memory_space<vmem>>, vector<16xf32>,
    %swap3A_228 = arith.constant 0 : index
    %swap3A_229 = tpu.vector_load %arg15[%swap3A_228] {strides = array<i32>} : memref<32xf32, #tpu.memory_space<vmem>>, vector<16xf32>,
    %swap3A_230 = vector.shape_cast %swap3A_229 : vector<16xf32> to vector<16xf32>
    %swap3A_231 = vector.shape_cast %select_n3A_216 : vector<16xf32> to vector<16xf32>
    tpu.vector_store %arg15[%swap3A_228], %swap3A_231 {strides = array<i32>} : memref<32xf32, #tpu.memory_space<vmem>>, vector<16xf32>,
    %get3A_232 = arith.constant 0 : i32
    %get3A_233 = arith.index_cast %get3A_232 : i32 to index
    %get3A_234 = arith.constant 16 : index
    %get3A_235 = tpu.vector_load %arg9[%get3A_233, %get3A_234] {strides = array<i32>} : memref<8x32xf32, #tpu.memory_space<vmem>>, vector<1x16xf32>,
    %get3A_236 = vector.shape_cast %get3A_235 : vector<1x16xf32> to vector<16xf32>
    %broadcast_in_dim3A_237 = arith.constant 0 : i32
    %broadcast_in_dim3A_238 = vector.broadcast %broadcast_in_dim3A_237 : i32 to vector<16xi32>
    %get3A_239 = arith.constant 0 : i32
    %get3A_240 = arith.index_cast %get3A_239 : i32 to index
    %get3A_241 = arith.constant 16 : index
    %get3A_242 = tpu.vector_load %arg10[%get3A_240, %get3A_241] {strides = array<i32>} : memref<8x32xf32, #tpu.memory_space<vmem>>, vector<1x16xf32>,
    %get3A_243 = vector.shape_cast %get3A_242 : vector<1x16xf32> to vector<16xf32>
    %get3A_244 = arith.constant 0 : i32
    %get3A_245 = arith.index_cast %get3A_244 : i32 to index
    %get3A_246 = arith.constant 16 : index
    %get3A_247 = tpu.vector_load %arg11[%get3A_245, %get3A_246] {strides = array<i32>} : memref<8x32xf32, #tpu.memory_space<vmem>>, vector<1x16xf32>,
    %get3A_248 = vector.shape_cast %get3A_247 : vector<1x16xf32> to vector<16xf32>
    %get3A_249 = arith.constant 1 : i32
    %get3A_250 = arith.index_cast %get3A_249 : i32 to index
    %get3A_251 = arith.constant 16 : index
    %get3A_252 = tpu.vector_load %arg9[%get3A_250, %get3A_251] {strides = array<i32>} : memref<8x32xf32, #tpu.memory_space<vmem>>, vector<1x16xf32>,
    %get3A_253 = vector.shape_cast %get3A_252 : vector<1x16xf32> to vector<16xf32>
    %gt3A_254 = arith.cmpf ogt, %get3A_253, %get3A_236 : vector<16xf32>
    %select_n3A_255 = arith.select %gt3A_254, %get3A_253, %get3A_236 : vector<16xi1>, vector<16xf32>
    %broadcast_in_dim3A_256 = arith.constant 1 : i32
    %broadcast_in_dim3A_257 = vector.broadcast %broadcast_in_dim3A_256 : i32 to vector<16xi32>
    %select_n3A_258 = arith.select %gt3A_254, %broadcast_in_dim3A_257, %broadcast_in_dim3A_238 : vector<16xi1>, vector<16xi32>
    %get3A_259 = arith.constant 1 : i32
    %get3A_260 = arith.index_cast %get3A_259 : i32 to index
    %get3A_261 = arith.constant 16 : index
    %get3A_262 = tpu.vector_load %arg10[%get3A_260, %get3A_261] {strides = array<i32>} : memref<8x32xf32, #tpu.memory_space<vmem>>, vector<1x16xf32>,
    %get3A_263 = vector.shape_cast %get3A_262 : vector<1x16xf32> to vector<16xf32>
    %select_n3A_264 = arith.select %gt3A_254, %get3A_263, %get3A_243 : vector<16xi1>, vector<16xf32>
    %get3A_265 = arith.constant 1 : i32
    %get3A_266 = arith.index_cast %get3A_265 : i32 to index
    %get3A_267 = arith.constant 16 : index
    %get3A_268 = tpu.vector_load %arg11[%get3A_266, %get3A_267] {strides = array<i32>} : memref<8x32xf32, #tpu.memory_space<vmem>>, vector<1x16xf32>,
    %get3A_269 = vector.shape_cast %get3A_268 : vector<1x16xf32> to vector<16xf32>
    %select_n3A_270 = arith.select %gt3A_254, %get3A_269, %get3A_248 : vector<16xi1>, vector<16xf32>
    %get3A_271 = arith.constant 2 : i32
    %get3A_272 = arith.index_cast %get3A_271 : i32 to index
    %get3A_273 = arith.constant 16 : index
    %get3A_274 = tpu.vector_load %arg9[%get3A_272, %get3A_273] {strides = array<i32>} : memref<8x32xf32, #tpu.memory_space<vmem>>, vector<1x16xf32>,
    %get3A_275 = vector.shape_cast %get3A_274 : vector<1x16xf32> to vector<16xf32>
    %gt3A_276 = arith.cmpf ogt, %get3A_275, %select_n3A_255 : vector<16xf32>
    %select_n3A_277 = arith.select %gt3A_276, %get3A_275, %select_n3A_255 : vector<16xi1>, vector<16xf32>
    %broadcast_in_dim3A_278 = arith.constant 2 : i32
    %broadcast_in_dim3A_279 = vector.broadcast %broadcast_in_dim3A_278 : i32 to vector<16xi32>
    %select_n3A_280 = arith.select %gt3A_276, %broadcast_in_dim3A_279, %select_n3A_258 : vector<16xi1>, vector<16xi32>
    %get3A_281 = arith.constant 2 : i32
    %get3A_282 = arith.index_cast %get3A_281 : i32 to index
    %get3A_283 = arith.constant 16 : index
    %get3A_284 = tpu.vector_load %arg10[%get3A_282, %get3A_283] {strides = array<i32>} : memref<8x32xf32, #tpu.memory_space<vmem>>, vector<1x16xf32>,
    %get3A_285 = vector.shape_cast %get3A_284 : vector<1x16xf32> to vector<16xf32>
    %select_n3A_286 = arith.select %gt3A_276, %get3A_285, %select_n3A_264 : vector<16xi1>, vector<16xf32>
    %get3A_287 = arith.constant 2 : i32
    %get3A_288 = arith.index_cast %get3A_287 : i32 to index
    %get3A_289 = arith.constant 16 : index
    %get3A_290 = tpu.vector_load %arg11[%get3A_288, %get3A_289] {strides = array<i32>} : memref<8x32xf32, #tpu.memory_space<vmem>>, vector<1x16xf32>,
    %get3A_291 = vector.shape_cast %get3A_290 : vector<1x16xf32> to vector<16xf32>
    %select_n3A_292 = arith.select %gt3A_276, %get3A_291, %select_n3A_270 : vector<16xi1>, vector<16xf32>
    %get3A_293 = arith.constant 3 : i32
    %get3A_294 = arith.index_cast %get3A_293 : i32 to index
    %get3A_295 = arith.constant 16 : index
    %get3A_296 = tpu.vector_load %arg9[%get3A_294, %get3A_295] {strides = array<i32>} : memref<8x32xf32, #tpu.memory_space<vmem>>, vector<1x16xf32>,
    %get3A_297 = vector.shape_cast %get3A_296 : vector<1x16xf32> to vector<16xf32>
    %gt3A_298 = arith.cmpf ogt, %get3A_297, %select_n3A_277 : vector<16xf32>
    %select_n3A_299 = arith.select %gt3A_298, %get3A_297, %select_n3A_277 : vector<16xi1>, vector<16xf32>
    %broadcast_in_dim3A_300 = arith.constant 3 : i32
    %broadcast_in_dim3A_301 = vector.broadcast %broadcast_in_dim3A_300 : i32 to vector<16xi32>
    %select_n3A_302 = arith.select %gt3A_298, %broadcast_in_dim3A_301, %select_n3A_280 : vector<16xi1>, vector<16xi32>
    %get3A_303 = arith.constant 3 : i32
    %get3A_304 = arith.index_cast %get3A_303 : i32 to index
    %get3A_305 = arith.constant 16 : index
    %get3A_306 = tpu.vector_load %arg10[%get3A_304, %get3A_305] {strides = array<i32>} : memref<8x32xf32, #tpu.memory_space<vmem>>, vector<1x16xf32>,
    %get3A_307 = vector.shape_cast %get3A_306 : vector<1x16xf32> to vector<16xf32>
    %select_n3A_308 = arith.select %gt3A_298, %get3A_307, %select_n3A_286 : vector<16xi1>, vector<16xf32>
    %get3A_309 = arith.constant 3 : i32
    %get3A_310 = arith.index_cast %get3A_309 : i32 to index
    %get3A_311 = arith.constant 16 : index
    %get3A_312 = tpu.vector_load %arg11[%get3A_310, %get3A_311] {strides = array<i32>} : memref<8x32xf32, #tpu.memory_space<vmem>>, vector<1x16xf32>,
    %get3A_313 = vector.shape_cast %get3A_312 : vector<1x16xf32> to vector<16xf32>
    %select_n3A_314 = arith.select %gt3A_298, %get3A_313, %select_n3A_292 : vector<16xi1>, vector<16xf32>
    %get3A_315 = arith.constant 4 : i32
    %get3A_316 = arith.index_cast %get3A_315 : i32 to index
    %get3A_317 = arith.constant 16 : index
    %get3A_318 = tpu.vector_load %arg9[%get3A_316, %get3A_317] {strides = array<i32>} : memref<8x32xf32, #tpu.memory_space<vmem>>, vector<1x16xf32>,
    %get3A_319 = vector.shape_cast %get3A_318 : vector<1x16xf32> to vector<16xf32>
    %gt3A_320 = arith.cmpf ogt, %get3A_319, %select_n3A_299 : vector<16xf32>
    %select_n3A_321 = arith.select %gt3A_320, %get3A_319, %select_n3A_299 : vector<16xi1>, vector<16xf32>
    %broadcast_in_dim3A_322 = arith.constant 4 : i32
    %broadcast_in_dim3A_323 = vector.broadcast %broadcast_in_dim3A_322 : i32 to vector<16xi32>
    %select_n3A_324 = arith.select %gt3A_320, %broadcast_in_dim3A_323, %select_n3A_302 : vector<16xi1>, vector<16xi32>
    %get3A_325 = arith.constant 4 : i32
    %get3A_326 = arith.index_cast %get3A_325 : i32 to index
    %get3A_327 = arith.constant 16 : index
    %get3A_328 = tpu.vector_load %arg10[%get3A_326, %get3A_327] {strides = array<i32>} : memref<8x32xf32, #tpu.memory_space<vmem>>, vector<1x16xf32>,
    %get3A_329 = vector.shape_cast %get3A_328 : vector<1x16xf32> to vector<16xf32>
    %select_n3A_330 = arith.select %gt3A_320, %get3A_329, %select_n3A_308 : vector<16xi1>, vector<16xf32>
    %get3A_331 = arith.constant 4 : i32
    %get3A_332 = arith.index_cast %get3A_331 : i32 to index
    %get3A_333 = arith.constant 16 : index
    %get3A_334 = tpu.vector_load %arg11[%get3A_332, %get3A_333] {strides = array<i32>} : memref<8x32xf32, #tpu.memory_space<vmem>>, vector<1x16xf32>,
    %get3A_335 = vector.shape_cast %get3A_334 : vector<1x16xf32> to vector<16xf32>
    %select_n3A_336 = arith.select %gt3A_320, %get3A_335, %select_n3A_314 : vector<16xi1>, vector<16xf32>
    %get3A_337 = arith.constant 5 : i32
    %get3A_338 = arith.index_cast %get3A_337 : i32 to index
    %get3A_339 = arith.constant 16 : index
    %get3A_340 = tpu.vector_load %arg9[%get3A_338, %get3A_339] {strides = array<i32>} : memref<8x32xf32, #tpu.memory_space<vmem>>, vector<1x16xf32>,
    %get3A_341 = vector.shape_cast %get3A_340 : vector<1x16xf32> to vector<16xf32>
    %gt3A_342 = arith.cmpf ogt, %get3A_341, %select_n3A_321 : vector<16xf32>
    %select_n3A_343 = arith.select %gt3A_342, %get3A_341, %select_n3A_321 : vector<16xi1>, vector<16xf32>
    %broadcast_in_dim3A_344 = arith.constant 5 : i32
    %broadcast_in_dim3A_345 = vector.broadcast %broadcast_in_dim3A_344 : i32 to vector<16xi32>
    %select_n3A_346 = arith.select %gt3A_342, %broadcast_in_dim3A_345, %select_n3A_324 : vector<16xi1>, vector<16xi32>
    %get3A_347 = arith.constant 5 : i32
    %get3A_348 = arith.index_cast %get3A_347 : i32 to index
    %get3A_349 = arith.constant 16 : index
    %get3A_350 = tpu.vector_load %arg10[%get3A_348, %get3A_349] {strides = array<i32>} : memref<8x32xf32, #tpu.memory_space<vmem>>, vector<1x16xf32>,
    %get3A_351 = vector.shape_cast %get3A_350 : vector<1x16xf32> to vector<16xf32>
    %select_n3A_352 = arith.select %gt3A_342, %get3A_351, %select_n3A_330 : vector<16xi1>, vector<16xf32>
    %get3A_353 = arith.constant 5 : i32
    %get3A_354 = arith.index_cast %get3A_353 : i32 to index
    %get3A_355 = arith.constant 16 : index
    %get3A_356 = tpu.vector_load %arg11[%get3A_354, %get3A_355] {strides = array<i32>} : memref<8x32xf32, #tpu.memory_space<vmem>>, vector<1x16xf32>,
    %get3A_357 = vector.shape_cast %get3A_356 : vector<1x16xf32> to vector<16xf32>
    %select_n3A_358 = arith.select %gt3A_342, %get3A_357, %select_n3A_336 : vector<16xi1>, vector<16xf32>
    %get3A_359 = arith.constant 6 : i32
    %get3A_360 = arith.index_cast %get3A_359 : i32 to index
    %get3A_361 = arith.constant 16 : index
    %get3A_362 = tpu.vector_load %arg9[%get3A_360, %get3A_361] {strides = array<i32>} : memref<8x32xf32, #tpu.memory_space<vmem>>, vector<1x16xf32>,
    %get3A_363 = vector.shape_cast %get3A_362 : vector<1x16xf32> to vector<16xf32>
    %gt3A_364 = arith.cmpf ogt, %get3A_363, %select_n3A_343 : vector<16xf32>
    %select_n3A_365 = arith.select %gt3A_364, %get3A_363, %select_n3A_343 : vector<16xi1>, vector<16xf32>
    %broadcast_in_dim3A_366 = arith.constant 6 : i32
    %broadcast_in_dim3A_367 = vector.broadcast %broadcast_in_dim3A_366 : i32 to vector<16xi32>
    %select_n3A_368 = arith.select %gt3A_364, %broadcast_in_dim3A_367, %select_n3A_346 : vector<16xi1>, vector<16xi32>
    %get3A_369 = arith.constant 6 : i32
    %get3A_370 = arith.index_cast %get3A_369 : i32 to index
    %get3A_371 = arith.constant 16 : index
    %get3A_372 = tpu.vector_load %arg10[%get3A_370, %get3A_371] {strides = array<i32>} : memref<8x32xf32, #tpu.memory_space<vmem>>, vector<1x16xf32>,
    %get3A_373 = vector.shape_cast %get3A_372 : vector<1x16xf32> to vector<16xf32>
    %select_n3A_374 = arith.select %gt3A_364, %get3A_373, %select_n3A_352 : vector<16xi1>, vector<16xf32>
    %get3A_375 = arith.constant 6 : i32
    %get3A_376 = arith.index_cast %get3A_375 : i32 to index
    %get3A_377 = arith.constant 16 : index
    %get3A_378 = tpu.vector_load %arg11[%get3A_376, %get3A_377] {strides = array<i32>} : memref<8x32xf32, #tpu.memory_space<vmem>>, vector<1x16xf32>,
    %get3A_379 = vector.shape_cast %get3A_378 : vector<1x16xf32> to vector<16xf32>
    %select_n3A_380 = arith.select %gt3A_364, %get3A_379, %select_n3A_358 : vector<16xi1>, vector<16xf32>
    %get3A_381 = arith.constant 7 : i32
    %get3A_382 = arith.index_cast %get3A_381 : i32 to index
    %get3A_383 = arith.constant 16 : index
    %get3A_384 = tpu.vector_load %arg9[%get3A_382, %get3A_383] {strides = array<i32>} : memref<8x32xf32, #tpu.memory_space<vmem>>, vector<1x16xf32>,
    %get3A_385 = vector.shape_cast %get3A_384 : vector<1x16xf32> to vector<16xf32>
    %gt3A_386 = arith.cmpf ogt, %get3A_385, %select_n3A_365 : vector<16xf32>
    %select_n3A_387 = arith.select %gt3A_386, %get3A_385, %select_n3A_365 : vector<16xi1>, vector<16xf32>
    %broadcast_in_dim3A_388 = arith.constant 7 : i32
    %broadcast_in_dim3A_389 = vector.broadcast %broadcast_in_dim3A_388 : i32 to vector<16xi32>
    %select_n3A_390 = arith.select %gt3A_386, %broadcast_in_dim3A_389, %select_n3A_368 : vector<16xi1>, vector<16xi32>
    %get3A_391 = arith.constant 7 : i32
    %get3A_392 = arith.index_cast %get3A_391 : i32 to index
    %get3A_393 = arith.constant 16 : index
    %get3A_394 = tpu.vector_load %arg10[%get3A_392, %get3A_393] {strides = array<i32>} : memref<8x32xf32, #tpu.memory_space<vmem>>, vector<1x16xf32>,
    %get3A_395 = vector.shape_cast %get3A_394 : vector<1x16xf32> to vector<16xf32>
    %select_n3A_396 = arith.select %gt3A_386, %get3A_395, %select_n3A_374 : vector<16xi1>, vector<16xf32>
    %get3A_397 = arith.constant 7 : i32
    %get3A_398 = arith.index_cast %get3A_397 : i32 to index
    %get3A_399 = arith.constant 16 : index
    %get3A_400 = tpu.vector_load %arg11[%get3A_398, %get3A_399] {strides = array<i32>} : memref<8x32xf32, #tpu.memory_space<vmem>>, vector<1x16xf32>,
    %get3A_401 = vector.shape_cast %get3A_400 : vector<1x16xf32> to vector<16xf32>
    %select_n3A_402 = arith.select %gt3A_386, %get3A_401, %select_n3A_380 : vector<16xi1>, vector<16xf32>
    %swap3A_403 = arith.constant 16 : index
    %swap3A_404 = tpu.vector_load %arg12[%swap3A_403] {strides = array<i32>} : memref<32xi32, #tpu.memory_space<vmem>>, vector<16xi32>,
    %swap3A_405 = vector.shape_cast %swap3A_404 : vector<16xi32> to vector<16xi32>
    %swap3A_406 = vector.shape_cast %select_n3A_390 : vector<16xi32> to vector<16xi32>
    tpu.vector_store %arg12[%swap3A_403], %swap3A_406 {strides = array<i32>} : memref<32xi32, #tpu.memory_space<vmem>>, vector<16xi32>,
    %swap3A_407 = arith.constant 16 : index
    %swap3A_408 = tpu.vector_load %arg13[%swap3A_407] {strides = array<i32>} : memref<32xf32, #tpu.memory_space<vmem>>, vector<16xf32>,
    %swap3A_409 = vector.shape_cast %swap3A_408 : vector<16xf32> to vector<16xf32>
    %swap3A_410 = vector.shape_cast %select_n3A_387 : vector<16xf32> to vector<16xf32>
    tpu.vector_store %arg13[%swap3A_407], %swap3A_410 {strides = array<i32>} : memref<32xf32, #tpu.memory_space<vmem>>, vector<16xf32>,
    %swap3A_411 = arith.constant 16 : index
    %swap3A_412 = tpu.vector_load %arg14[%swap3A_411] {strides = array<i32>} : memref<32xf32, #tpu.memory_space<vmem>>, vector<16xf32>,
    %swap3A_413 = vector.shape_cast %swap3A_412 : vector<16xf32> to vector<16xf32>
    %swap3A_414 = vector.shape_cast %select_n3A_396 : vector<16xf32> to vector<16xf32>
    tpu.vector_store %arg14[%swap3A_411], %swap3A_414 {strides = array<i32>} : memref<32xf32, #tpu.memory_space<vmem>>, vector<16xf32>,
    %swap3A_415 = arith.constant 16 : index
    %swap3A_416 = tpu.vector_load %arg15[%swap3A_415] {strides = array<i32>} : memref<32xf32, #tpu.memory_space<vmem>>, vector<16xf32>,
    %swap3A_417 = vector.shape_cast %swap3A_416 : vector<16xf32> to vector<16xf32>
    %swap3A_418 = vector.shape_cast %select_n3A_402 : vector<16xf32> to vector<16xf32>
    tpu.vector_store %arg15[%swap3A_415], %swap3A_418 {strides = array<i32>} : memref<32xf32, #tpu.memory_space<vmem>>, vector<16xf32>,
    "tpu.region"() ({
      %run_scoped3A_419 = tpu.sem_alloc : memref<!tpu.dma_semaphore, #tpu.memory_space<semaphore_mem>>
      %dma_start3A = tpu.memref_slice %arg5[%mul3A_2] : memref<1024xi32, #tpu.memory_space<hbm>> -> memref<32xi32, #tpu.memory_space<hbm>>
      %dma_start3A_420 = tpu.memref_slice %arg5[%mul3A_2] : memref<1024xi32, #tpu.memory_space<hbm>> -> memref<32xi32, #tpu.memory_space<hbm>>
      tpu.enqueue_dma source(%arg12 : memref<32xi32, #tpu.memory_space<vmem>>) target(%dma_start3A_420 : memref<32xi32, #tpu.memory_space<hbm>>) target_semaphore(%run_scoped3A_419 : memref<!tpu.dma_semaphore, #tpu.memory_space<semaphore_mem>>)
      %dma_wait3A = tpu.memref_slice %arg5[%mul3A_2] : memref<1024xi32, #tpu.memory_space<hbm>> -> memref<32xi32, #tpu.memory_space<hbm>>
      %dma_wait3A_421 = tpu.memref_slice %arg5[%mul3A_2] : memref<1024xi32, #tpu.memory_space<hbm>> -> memref<32xi32, #tpu.memory_space<hbm>>
      tpu.wait_dma2 semaphore(%run_scoped3A_419 : memref<!tpu.dma_semaphore, #tpu.memory_space<semaphore_mem>>) src(%arg12 : memref<32xi32, #tpu.memory_space<vmem>>) dst(%dma_wait3A_421 : memref<32xi32, #tpu.memory_space<hbm>>)
      tpu.yield
    }) : () -> ()
    "tpu.region"() ({
      %run_scoped3A_419 = tpu.sem_alloc : memref<!tpu.dma_semaphore, #tpu.memory_space<semaphore_mem>>
      %dma_start3A = tpu.memref_slice %arg6[%mul3A_2] : memref<1024xf32, #tpu.memory_space<hbm>> -> memref<32xf32, #tpu.memory_space<hbm>>
      %dma_start3A_420 = tpu.memref_slice %arg6[%mul3A_2] : memref<1024xf32, #tpu.memory_space<hbm>> -> memref<32xf32, #tpu.memory_space<hbm>>
      tpu.enqueue_dma source(%arg13 : memref<32xf32, #tpu.memory_space<vmem>>) target(%dma_start3A_420 : memref<32xf32, #tpu.memory_space<hbm>>) target_semaphore(%run_scoped3A_419 : memref<!tpu.dma_semaphore, #tpu.memory_space<semaphore_mem>>)
      %dma_wait3A = tpu.memref_slice %arg6[%mul3A_2] : memref<1024xf32, #tpu.memory_space<hbm>> -> memref<32xf32, #tpu.memory_space<hbm>>
      %dma_wait3A_421 = tpu.memref_slice %arg6[%mul3A_2] : memref<1024xf32, #tpu.memory_space<hbm>> -> memref<32xf32, #tpu.memory_space<hbm>>
      tpu.wait_dma2 semaphore(%run_scoped3A_419 : memref<!tpu.dma_semaphore, #tpu.memory_space<semaphore_mem>>) src(%arg13 : memref<32xf32, #tpu.memory_space<vmem>>) dst(%dma_wait3A_421 : memref<32xf32, #tpu.memory_space<hbm>>)
      tpu.yield
    }) : () -> ()
    "tpu.region"() ({
      %run_scoped3A_419 = tpu.sem_alloc : memref<!tpu.dma_semaphore, #tpu.memory_space<semaphore_mem>>
      %dma_start3A = tpu.memref_slice %arg7[%mul3A_2] : memref<1024xf32, #tpu.memory_space<hbm>> -> memref<32xf32, #tpu.memory_space<hbm>>
      %dma_start3A_420 = tpu.memref_slice %arg7[%mul3A_2] : memref<1024xf32, #tpu.memory_space<hbm>> -> memref<32xf32, #tpu.memory_space<hbm>>
      tpu.enqueue_dma source(%arg14 : memref<32xf32, #tpu.memory_space<vmem>>) target(%dma_start3A_420 : memref<32xf32, #tpu.memory_space<hbm>>) target_semaphore(%run_scoped3A_419 : memref<!tpu.dma_semaphore, #tpu.memory_space<semaphore_mem>>)
      %dma_wait3A = tpu.memref_slice %arg7[%mul3A_2] : memref<1024xf32, #tpu.memory_space<hbm>> -> memref<32xf32, #tpu.memory_space<hbm>>
      %dma_wait3A_421 = tpu.memref_slice %arg7[%mul3A_2] : memref<1024xf32, #tpu.memory_space<hbm>> -> memref<32xf32, #tpu.memory_space<hbm>>
      tpu.wait_dma2 semaphore(%run_scoped3A_419 : memref<!tpu.dma_semaphore, #tpu.memory_space<semaphore_mem>>) src(%arg14 : memref<32xf32, #tpu.memory_space<vmem>>) dst(%dma_wait3A_421 : memref<32xf32, #tpu.memory_space<hbm>>)
      tpu.yield
    }) : () -> ()
    "tpu.region"() ({
      %run_scoped3A_419 = tpu.sem_alloc : memref<!tpu.dma_semaphore, #tpu.memory_space<semaphore_mem>>
      %dma_start3A = tpu.memref_slice %arg8[%mul3A_2] : memref<1024xf32, #tpu.memory_space<hbm>> -> memref<32xf32, #tpu.memory_space<hbm>>
      %dma_start3A_420 = tpu.memref_slice %arg8[%mul3A_2] : memref<1024xf32, #tpu.memory_space<hbm>> -> memref<32xf32, #tpu.memory_space<hbm>>
      tpu.enqueue_dma source(%arg15 : memref<32xf32, #tpu.memory_space<vmem>>) target(%dma_start3A_420 : memref<32xf32, #tpu.memory_space<hbm>>) target_semaphore(%run_scoped3A_419 : memref<!tpu.dma_semaphore, #tpu.memory_space<semaphore_mem>>)
      %dma_wait3A = tpu.memref_slice %arg8[%mul3A_2] : memref<1024xf32, #tpu.memory_space<hbm>> -> memref<32xf32, #tpu.memory_space<hbm>>
      %dma_wait3A_421 = tpu.memref_slice %arg8[%mul3A_2] : memref<1024xf32, #tpu.memory_space<hbm>> -> memref<32xf32, #tpu.memory_space<hbm>>
      tpu.wait_dma2 semaphore(%run_scoped3A_419 : memref<!tpu.dma_semaphore, #tpu.memory_space<semaphore_mem>>) src(%arg15 : memref<32xf32, #tpu.memory_space<vmem>>) dst(%dma_wait3A_421 : memref<32xf32, #tpu.memory_space<hbm>>)
      tpu.yield
    }) : () -> ()
    return
  }
}

module attributes {stable_mosaic.version = 14 : i64} {
  func.func @_expert_body(%arg0: i32, %arg1: memref<1024x1024xf32, #tpu.memory_space<vmem>>, %arg2: memref<1x2048x1024xf32, #tpu.memory_space<vmem>>, %arg3: memref<1x1024x2048xf32, #tpu.memory_space<vmem>>, %arg4: memref<1x1024x1xf32, #tpu.memory_space<vmem>>, %arg5: memref<1x1024x1xf32, #tpu.memory_space<vmem>>, %arg6: memref<1x1024x1xf32, #tpu.memory_space<vmem>>, %arg7: memref<1024x1024xbf16, #tpu.memory_space<vmem>>, %arg8: memref<2048x1024xbf16, #tpu.memory_space<vmem>>) attributes {dimension_semantics = [#tpu.dimension_semantics<arbitrary>], iteration_bounds = array<i64: 8>, scalar_prefetch = 0 : i64, scratch_operands = 2 : i64, tpu.core_type = #tpu.core_type<tc>, window_params = [{pipeline_mode = #tpu.pipeline_mode<synchronous>, transform_indices = @transform_0, window_bounds = array<i64: 1024, 1024>}, {transform_indices = @transform_1, window_bounds = array<i64: 1, 2048, 1024>}, {transform_indices = @transform_2, window_bounds = array<i64: 1, 1024, 2048>}, {transform_indices = @transform_3, window_bounds = array<i64: 1, 1024, 1>}, {transform_indices = @transform_4, window_bounds = array<i64: 1, 1024, 1>}, {transform_indices = @transform_5, window_bounds = array<i64: 1, 1024, 1>}]} {
    %eq3A = arith.constant 0 : i32
    %eq3A_0 = arith.cmpi eq, %arg0, %eq3A : i32
    %convert_element_type3A = arith.extui %eq3A_0 : i1 to i32
    %cond3A = arith.constant 0 : i32
    %cond3A_1 = arith.cmpi ne, %convert_element_type3A, %cond3A : i32
    scf.if %cond3A_1 {
      %get3A_3165 = arith.constant 0 : index
      %get3A_3166 = arith.constant 0 : index
      %get3A_3167 = vector.load %arg1[%get3A_3165, %get3A_3166] : memref<1024x1024xf32, #tpu.memory_space<vmem>>, vector<1024x1024xf32>
      %mul3A_3168 = arith.mulf %get3A_3167, %get3A_3167 : vector<1024x1024xf32>
      %reduce_sum3A_3169 = arith.constant dense<0.000000e+00> : vector<1024xf32>
      %reduce_sum3A_3170 = vector.multi_reduction <add>, %mul3A_3168, %reduce_sum3A_3169 [1] : vector<1024x1024xf32> to vector<1024xf32>
      %broadcast_in_dim3A_3171 = vector.shape_cast %reduce_sum3A_3170 : vector<1024xf32> to vector<1024x1xf32>
      %sqrt3A_3172 = math.sqrt %broadcast_in_dim3A_3171 : vector<1024x1xf32>
      %add3A_3173 = arith.constant 9.99999971E-10 : f32
      %add3A_3174 = vector.broadcast %add3A_3173 : f32 to vector<1024x1xf32>
      %add3A_3175 = arith.addf %sqrt3A_3172, %add3A_3174 : vector<1024x1xf32>
      %div3A_3176 = vector.broadcast %add3A_3175 : vector<1024x1xf32> to vector<1024x1024xf32>
      %div3A_3177 = arith.divf %get3A_3167, %div3A_3176 : vector<1024x1024xf32>
      %convert_element_type3A_3178 = arith.truncf %div3A_3177 : vector<1024x1024xf32> to vector<1024x1024xbf16>
      %swap3A_3179 = arith.constant 0 : index
      %swap3A_3180 = arith.constant 0 : index
      %swap3A_3181 = vector.load %arg7[%swap3A_3179, %swap3A_3180] : memref<1024x1024xbf16, #tpu.memory_space<vmem>>, vector<1024x1024xbf16>
      tpu.vector_store %arg7[%swap3A_3179, %swap3A_3180], %convert_element_type3A_3178 {strides = array<i32>} : memref<1024x1024xbf16, #tpu.memory_space<vmem>>, vector<1024x1024xbf16>,
    } else {
    }
    %get3A = arith.constant 0 : index
    %get3A_2 = arith.constant 0 : index
    %get3A_3 = arith.constant 0 : index
    %get3A_4 = vector.load %arg2[%get3A, %get3A_2, %get3A_3] : memref<1x2048x1024xf32, #tpu.memory_space<vmem>>, vector<1x2048x1024xf32>
    %get3A_5 = vector.shape_cast %get3A_4 : vector<1x2048x1024xf32> to vector<2048x1024xf32>
    %mul3A = arith.mulf %get3A_5, %get3A_5 : vector<2048x1024xf32>
    %reduce_sum3A = arith.constant dense<0.000000e+00> : vector<2048xf32>
    %reduce_sum3A_6 = vector.multi_reduction <add>, %mul3A, %reduce_sum3A [1] : vector<2048x1024xf32> to vector<2048xf32>
    %broadcast_in_dim3A = vector.shape_cast %reduce_sum3A_6 : vector<2048xf32> to vector<2048x1xf32>
    %sqrt3A = math.sqrt %broadcast_in_dim3A : vector<2048x1xf32>
    %add3A = arith.constant 9.99999971E-10 : f32
    %add3A_7 = vector.broadcast %add3A : f32 to vector<2048x1xf32>
    %add3A_8 = arith.addf %sqrt3A, %add3A_7 : vector<2048x1xf32>
    %div3A = vector.broadcast %add3A_8 : vector<2048x1xf32> to vector<2048x1024xf32>
    %div3A_9 = arith.divf %get3A_5, %div3A : vector<2048x1024xf32>
    %convert_element_type3A_10 = arith.truncf %div3A_9 : vector<2048x1024xf32> to vector<2048x1024xbf16>
    %swap3A = arith.constant 0 : index
    %swap3A_11 = arith.constant 0 : index
    %swap3A_12 = vector.load %arg8[%swap3A, %swap3A_11] : memref<2048x1024xbf16, #tpu.memory_space<vmem>>, vector<2048x1024xbf16>
    tpu.vector_store %arg8[%swap3A, %swap3A_11], %convert_element_type3A_10 {strides = array<i32>} : memref<2048x1024xbf16, #tpu.memory_space<vmem>>, vector<2048x1024xbf16>,
    %get3A_13 = arith.constant 0 : index
    %get3A_14 = arith.constant 0 : index
    %get3A_15 = vector.load %arg7[%get3A_13, %get3A_14] : memref<1024x1024xbf16, #tpu.memory_space<vmem>>, vector<1024x1024xbf16>
    %get3A_16 = arith.constant 0 : index
    %get3A_17 = arith.constant 0 : index
    %get3A_18 = vector.load %arg8[%get3A_16, %get3A_17] : memref<2048x1024xbf16, #tpu.memory_space<vmem>>, vector<1024x1024xbf16>
    %dot_general3A = arith.constant dense<0.000000e+00> : vector<1024x1024xf32>
    %dot_general3A_19 = tpu.matmul %get3A_15, %get3A_18, %dot_general3A {dimension_numbers = #tpu.dot_dimension_numbers<[1], [1], [0], [0], [0, 0, 1, 0], [], []>, transpose_lhs_hint = false} : vector<1024x1024xbf16>, vector<1024x1024xbf16>, vector<1024x1024xf32> -> vector<1024x1024xf32>
    %get3A_20 = arith.constant 1024 : index
    %get3A_21 = arith.constant 0 : index
    %get3A_22 = vector.load %arg8[%get3A_20, %get3A_21] : memref<2048x1024xbf16, #tpu.memory_space<vmem>>, vector<1024x1024xbf16>
    %dot_general3A_23 = arith.constant dense<0.000000e+00> : vector<1024x1024xf32>
    %dot_general3A_24 = tpu.matmul %get3A_15, %get3A_22, %dot_general3A_23 {dimension_numbers = #tpu.dot_dimension_numbers<[1], [1], [0], [0], [0, 0, 1, 0], [], []>, transpose_lhs_hint = false} : vector<1024x1024xbf16>, vector<1024x1024xbf16>, vector<1024x1024xf32> -> vector<1024x1024xf32>
    %slice3A = vector.extract_strided_slice %dot_general3A_19 {offsets = [0, 0], sizes = [64, 128], strides = [1, 1]} : vector<1024x1024xf32> to vector<64x128xf32>
    %slice3A_25 = vector.extract_strided_slice %dot_general3A_19 {offsets = [0, 128], sizes = [64, 128], strides = [1, 1]} : vector<1024x1024xf32> to vector<64x128xf32>
    %slice3A_26 = vector.extract_strided_slice %dot_general3A_19 {offsets = [0, 256], sizes = [64, 128], strides = [1, 1]} : vector<1024x1024xf32> to vector<64x128xf32>
    %slice3A_27 = vector.extract_strided_slice %dot_general3A_19 {offsets = [0, 384], sizes = [64, 128], strides = [1, 1]} : vector<1024x1024xf32> to vector<64x128xf32>
    %slice3A_28 = vector.extract_strided_slice %dot_general3A_19 {offsets = [0, 512], sizes = [64, 128], strides = [1, 1]} : vector<1024x1024xf32> to vector<64x128xf32>
    %slice3A_29 = vector.extract_strided_slice %dot_general3A_19 {offsets = [0, 640], sizes = [64, 128], strides = [1, 1]} : vector<1024x1024xf32> to vector<64x128xf32>
    %slice3A_30 = vector.extract_strided_slice %dot_general3A_19 {offsets = [0, 768], sizes = [64, 128], strides = [1, 1]} : vector<1024x1024xf32> to vector<64x128xf32>
    %slice3A_31 = vector.extract_strided_slice %dot_general3A_19 {offsets = [0, 896], sizes = [64, 128], strides = [1, 1]} : vector<1024x1024xf32> to vector<64x128xf32>
    %slice3A_32 = vector.extract_strided_slice %dot_general3A_24 {offsets = [0, 0], sizes = [64, 128], strides = [1, 1]} : vector<1024x1024xf32> to vector<64x128xf32>
    %slice3A_33 = vector.extract_strided_slice %dot_general3A_24 {offsets = [0, 128], sizes = [64, 128], strides = [1, 1]} : vector<1024x1024xf32> to vector<64x128xf32>
    %slice3A_34 = vector.extract_strided_slice %dot_general3A_24 {offsets = [0, 256], sizes = [64, 128], strides = [1, 1]} : vector<1024x1024xf32> to vector<64x128xf32>
    %slice3A_35 = vector.extract_strided_slice %dot_general3A_24 {offsets = [0, 384], sizes = [64, 128], strides = [1, 1]} : vector<1024x1024xf32> to vector<64x128xf32>
    %slice3A_36 = vector.extract_strided_slice %dot_general3A_24 {offsets = [0, 512], sizes = [64, 128], strides = [1, 1]} : vector<1024x1024xf32> to vector<64x128xf32>
    %slice3A_37 = vector.extract_strided_slice %dot_general3A_24 {offsets = [0, 640], sizes = [64, 128], strides = [1, 1]} : vector<1024x1024xf32> to vector<64x128xf32>
    %slice3A_38 = vector.extract_strided_slice %dot_general3A_24 {offsets = [0, 768], sizes = [64, 128], strides = [1, 1]} : vector<1024x1024xf32> to vector<64x128xf32>
    %slice3A_39 = vector.extract_strided_slice %dot_general3A_24 {offsets = [0, 896], sizes = [64, 128], strides = [1, 1]} : vector<1024x1024xf32> to vector<64x128xf32>
    %max3A = arith.maximumf %slice3A, %slice3A_25 : vector<64x128xf32>
    %min3A = arith.minimumf %slice3A, %slice3A_25 : vector<64x128xf32>
    %max3A_40 = arith.maximumf %slice3A_26, %slice3A_27 : vector<64x128xf32>
    %min3A_41 = arith.minimumf %slice3A_26, %slice3A_27 : vector<64x128xf32>
    %max3A_42 = arith.maximumf %slice3A_28, %slice3A_29 : vector<64x128xf32>
    %min3A_43 = arith.minimumf %slice3A_28, %slice3A_29 : vector<64x128xf32>
    %max3A_44 = arith.maximumf %slice3A_30, %slice3A_31 : vector<64x128xf32>
    %min3A_45 = arith.minimumf %slice3A_30, %slice3A_31 : vector<64x128xf32>
    %max3A_46 = arith.maximumf %max3A, %max3A_40 : vector<64x128xf32>
    %min3A_47 = arith.minimumf %max3A, %max3A_40 : vector<64x128xf32>
    %max3A_48 = arith.maximumf %min3A, %min3A_41 : vector<64x128xf32>
    %min3A_49 = arith.minimumf %min3A, %min3A_41 : vector<64x128xf32>
    %max3A_50 = arith.maximumf %max3A_42, %max3A_44 : vector<64x128xf32>
    %min3A_51 = arith.minimumf %max3A_42, %max3A_44 : vector<64x128xf32>
    %max3A_52 = arith.maximumf %min3A_43, %min3A_45 : vector<64x128xf32>
    %min3A_53 = arith.minimumf %min3A_43, %min3A_45 : vector<64x128xf32>
    %max3A_54 = arith.maximumf %max3A_48, %min3A_47 : vector<64x128xf32>
    %min3A_55 = arith.minimumf %max3A_48, %min3A_47 : vector<64x128xf32>
    %max3A_56 = arith.maximumf %max3A_52, %min3A_51 : vector<64x128xf32>
    %min3A_57 = arith.minimumf %max3A_52, %min3A_51 : vector<64x128xf32>
    %max3A_58 = arith.maximumf %max3A_46, %max3A_50 : vector<64x128xf32>
    %min3A_59 = arith.minimumf %max3A_46, %max3A_50 : vector<64x128xf32>
    %max3A_60 = arith.maximumf %max3A_54, %max3A_56 : vector<64x128xf32>
    %min3A_61 = arith.minimumf %max3A_54, %max3A_56 : vector<64x128xf32>
    %max3A_62 = arith.maximumf %min3A_55, %min3A_57 : vector<64x128xf32>
    %min3A_63 = arith.minimumf %min3A_55, %min3A_57 : vector<64x128xf32>
    %max3A_64 = arith.maximumf %min3A_49, %min3A_53 : vector<64x128xf32>
    %min3A_65 = arith.minimumf %min3A_49, %min3A_53 : vector<64x128xf32>
    %max3A_66 = arith.maximumf %max3A_62, %min3A_59 : vector<64x128xf32>
    %min3A_67 = arith.minimumf %max3A_62, %min3A_59 : vector<64x128xf32>
    %max3A_68 = arith.maximumf %max3A_64, %min3A_61 : vector<64x128xf32>
    %min3A_69 = arith.minimumf %max3A_64, %min3A_61 : vector<64x128xf32>
    %max3A_70 = arith.maximumf %max3A_60, %max3A_66 : vector<64x128xf32>
    %min3A_71 = arith.minimumf %max3A_60, %max3A_66 : vector<64x128xf32>
    %max3A_72 = arith.maximumf %max3A_68, %min3A_67 : vector<64x128xf32>
    %min3A_73 = arith.minimumf %max3A_68, %min3A_67 : vector<64x128xf32>
    %max3A_74 = arith.maximumf %min3A_69, %min3A_63 : vector<64x128xf32>
    %min3A_75 = arith.minimumf %min3A_69, %min3A_63 : vector<64x128xf32>
    %max3A_76 = arith.maximumf %slice3A_32, %slice3A_33 : vector<64x128xf32>
    %min3A_77 = arith.minimumf %slice3A_32, %slice3A_33 : vector<64x128xf32>
    %max3A_78 = arith.maximumf %slice3A_34, %slice3A_35 : vector<64x128xf32>
    %min3A_79 = arith.minimumf %slice3A_34, %slice3A_35 : vector<64x128xf32>
    %max3A_80 = arith.maximumf %slice3A_36, %slice3A_37 : vector<64x128xf32>
    %min3A_81 = arith.minimumf %slice3A_36, %slice3A_37 : vector<64x128xf32>
    %max3A_82 = arith.maximumf %slice3A_38, %slice3A_39 : vector<64x128xf32>
    %min3A_83 = arith.minimumf %slice3A_38, %slice3A_39 : vector<64x128xf32>
    %max3A_84 = arith.maximumf %max3A_76, %max3A_78 : vector<64x128xf32>
    %min3A_85 = arith.minimumf %max3A_76, %max3A_78 : vector<64x128xf32>
    %max3A_86 = arith.maximumf %min3A_77, %min3A_79 : vector<64x128xf32>
    %min3A_87 = arith.minimumf %min3A_77, %min3A_79 : vector<64x128xf32>
    %max3A_88 = arith.maximumf %max3A_80, %max3A_82 : vector<64x128xf32>
    %min3A_89 = arith.minimumf %max3A_80, %max3A_82 : vector<64x128xf32>
    %max3A_90 = arith.maximumf %min3A_81, %min3A_83 : vector<64x128xf32>
    %min3A_91 = arith.minimumf %min3A_81, %min3A_83 : vector<64x128xf32>
    %max3A_92 = arith.maximumf %max3A_86, %min3A_85 : vector<64x128xf32>
    %min3A_93 = arith.minimumf %max3A_86, %min3A_85 : vector<64x128xf32>
    %max3A_94 = arith.maximumf %max3A_90, %min3A_89 : vector<64x128xf32>
    %min3A_95 = arith.minimumf %max3A_90, %min3A_89 : vector<64x128xf32>
    %max3A_96 = arith.maximumf %max3A_84, %max3A_88 : vector<64x128xf32>
    %min3A_97 = arith.minimumf %max3A_84, %max3A_88 : vector<64x128xf32>
    %max3A_98 = arith.maximumf %max3A_92, %max3A_94 : vector<64x128xf32>
    %min3A_99 = arith.minimumf %max3A_92, %max3A_94 : vector<64x128xf32>
    %max3A_100 = arith.maximumf %min3A_93, %min3A_95 : vector<64x128xf32>
    %min3A_101 = arith.minimumf %min3A_93, %min3A_95 : vector<64x128xf32>
    %max3A_102 = arith.maximumf %min3A_87, %min3A_91 : vector<64x128xf32>
    %min3A_103 = arith.minimumf %min3A_87, %min3A_91 : vector<64x128xf32>
    %max3A_104 = arith.maximumf %max3A_100, %min3A_97 : vector<64x128xf32>
    %min3A_105 = arith.minimumf %max3A_100, %min3A_97 : vector<64x128xf32>
    %max3A_106 = arith.maximumf %max3A_102, %min3A_99 : vector<64x128xf32>
    %min3A_107 = arith.minimumf %max3A_102, %min3A_99 : vector<64x128xf32>
    %max3A_108 = arith.maximumf %max3A_98, %max3A_104 : vector<64x128xf32>
    %min3A_109 = arith.minimumf %max3A_98, %max3A_104 : vector<64x128xf32>
    %max3A_110 = arith.maximumf %max3A_106, %min3A_105 : vector<64x128xf32>
    %min3A_111 = arith.minimumf %max3A_106, %min3A_105 : vector<64x128xf32>
    %max3A_112 = arith.maximumf %min3A_107, %min3A_101 : vector<64x128xf32>
    %min3A_113 = arith.minimumf %min3A_107, %min3A_101 : vector<64x128xf32>
    %max3A_114 = arith.maximumf %max3A_58, %min3A_103 : vector<64x128xf32>
    %max3A_115 = arith.maximumf %max3A_70, %min3A_113 : vector<64x128xf32>
    %max3A_116 = arith.maximumf %min3A_71, %max3A_112 : vector<64x128xf32>
    %max3A_117 = arith.maximumf %max3A_72, %min3A_111 : vector<64x128xf32>
    %max3A_118 = arith.maximumf %min3A_73, %max3A_110 : vector<64x128xf32>
    %max3A_119 = arith.maximumf %max3A_74, %min3A_109 : vector<64x128xf32>
    %max3A_120 = arith.maximumf %min3A_75, %max3A_108 : vector<64x128xf32>
    %max3A_121 = arith.maximumf %min3A_65, %max3A_96 : vector<64x128xf32>
    %max3A_122 = arith.maximumf %max3A_114, %max3A_118 : vector<64x128xf32>
    %min3A_123 = arith.minimumf %max3A_114, %max3A_118 : vector<64x128xf32>
    %max3A_124 = arith.maximumf %max3A_115, %max3A_119 : vector<64x128xf32>
    %min3A_125 = arith.minimumf %max3A_115, %max3A_119 : vector<64x128xf32>
    %max3A_126 = arith.maximumf %max3A_116, %max3A_120 : vector<64x128xf32>
    %min3A_127 = arith.minimumf %max3A_116, %max3A_120 : vector<64x128xf32>
    %max3A_128 = arith.maximumf %max3A_117, %max3A_121 : vector<64x128xf32>
    %min3A_129 = arith.minimumf %max3A_117, %max3A_121 : vector<64x128xf32>
    %max3A_130 = arith.maximumf %max3A_122, %max3A_126 : vector<64x128xf32>
    %min3A_131 = arith.minimumf %max3A_122, %max3A_126 : vector<64x128xf32>
    %max3A_132 = arith.maximumf %max3A_124, %max3A_128 : vector<64x128xf32>
    %min3A_133 = arith.minimumf %max3A_124, %max3A_128 : vector<64x128xf32>
    %max3A_134 = arith.maximumf %min3A_123, %min3A_127 : vector<64x128xf32>
    %min3A_135 = arith.minimumf %min3A_123, %min3A_127 : vector<64x128xf32>
    %max3A_136 = arith.maximumf %min3A_125, %min3A_129 : vector<64x128xf32>
    %min3A_137 = arith.minimumf %min3A_125, %min3A_129 : vector<64x128xf32>
    %max3A_138 = arith.maximumf %max3A_130, %max3A_132 : vector<64x128xf32>
    %min3A_139 = arith.minimumf %max3A_130, %max3A_132 : vector<64x128xf32>
    %max3A_140 = arith.maximumf %min3A_131, %min3A_133 : vector<64x128xf32>
    %min3A_141 = arith.minimumf %min3A_131, %min3A_133 : vector<64x128xf32>
    %max3A_142 = arith.maximumf %max3A_134, %max3A_136 : vector<64x128xf32>
    %min3A_143 = arith.minimumf %max3A_134, %max3A_136 : vector<64x128xf32>
    %max3A_144 = arith.maximumf %min3A_135, %min3A_137 : vector<64x128xf32>
    %min3A_145 = arith.minimumf %min3A_135, %min3A_137 : vector<64x128xf32>
    %reduce_max3A = arith.constant dense<0xFF800000> : vector<64xf32>
    %reduce_max3A_146 = vector.multi_reduction <maximumf>, %max3A_138, %reduce_max3A [1] : vector<64x128xf32> to vector<64xf32>
    %broadcast_in_dim3A_147 = vector.shape_cast %reduce_max3A_146 : vector<64xf32> to vector<64x1xf32>
    %eq3A_148 = vector.broadcast %broadcast_in_dim3A_147 : vector<64x1xf32> to vector<64x128xf32>
    %eq3A_149 = arith.cmpf oeq, %max3A_138, %eq3A_148 : vector<64x128xf32>
    %select_n3A = arith.select %eq3A_149, %min3A_139, %max3A_138 : vector<64x128xi1>, vector<64x128xf32>
    %select_n3A_150 = arith.select %eq3A_149, %max3A_140, %min3A_139 : vector<64x128xi1>, vector<64x128xf32>
    %select_n3A_151 = arith.select %eq3A_149, %min3A_141, %max3A_140 : vector<64x128xi1>, vector<64x128xf32>
    %select_n3A_152 = arith.select %eq3A_149, %max3A_142, %min3A_141 : vector<64x128xi1>, vector<64x128xf32>
    %select_n3A_153 = arith.select %eq3A_149, %min3A_143, %max3A_142 : vector<64x128xi1>, vector<64x128xf32>
    %select_n3A_154 = arith.select %eq3A_149, %max3A_144, %min3A_143 : vector<64x128xi1>, vector<64x128xf32>
    %select_n3A_155 = arith.select %eq3A_149, %min3A_145, %max3A_144 : vector<64x128xi1>, vector<64x128xf32>
    %reduce_max3A_156 = arith.constant dense<0xFF800000> : vector<64xf32>
    %reduce_max3A_157 = vector.multi_reduction <maximumf>, %select_n3A, %reduce_max3A_156 [1] : vector<64x128xf32> to vector<64xf32>
    %broadcast_in_dim3A_158 = vector.shape_cast %reduce_max3A_157 : vector<64xf32> to vector<64x1xf32>
    %eq3A_159 = vector.broadcast %broadcast_in_dim3A_158 : vector<64x1xf32> to vector<64x128xf32>
    %eq3A_160 = arith.cmpf oeq, %select_n3A, %eq3A_159 : vector<64x128xf32>
    %select_n3A_161 = arith.select %eq3A_160, %select_n3A_150, %select_n3A : vector<64x128xi1>, vector<64x128xf32>
    %select_n3A_162 = arith.select %eq3A_160, %select_n3A_151, %select_n3A_150 : vector<64x128xi1>, vector<64x128xf32>
    %select_n3A_163 = arith.select %eq3A_160, %select_n3A_152, %select_n3A_151 : vector<64x128xi1>, vector<64x128xf32>
    %select_n3A_164 = arith.select %eq3A_160, %select_n3A_153, %select_n3A_152 : vector<64x128xi1>, vector<64x128xf32>
    %select_n3A_165 = arith.select %eq3A_160, %select_n3A_154, %select_n3A_153 : vector<64x128xi1>, vector<64x128xf32>
    %select_n3A_166 = arith.select %eq3A_160, %select_n3A_155, %select_n3A_154 : vector<64x128xi1>, vector<64x128xf32>
    %reduce_max3A_167 = arith.constant dense<0xFF800000> : vector<64xf32>
    %reduce_max3A_168 = vector.multi_reduction <maximumf>, %select_n3A_161, %reduce_max3A_167 [1] : vector<64x128xf32> to vector<64xf32>
    %broadcast_in_dim3A_169 = vector.shape_cast %reduce_max3A_168 : vector<64xf32> to vector<64x1xf32>
    %eq3A_170 = vector.broadcast %broadcast_in_dim3A_169 : vector<64x1xf32> to vector<64x128xf32>
    %eq3A_171 = arith.cmpf oeq, %select_n3A_161, %eq3A_170 : vector<64x128xf32>
    %select_n3A_172 = arith.select %eq3A_171, %select_n3A_162, %select_n3A_161 : vector<64x128xi1>, vector<64x128xf32>
    %select_n3A_173 = arith.select %eq3A_171, %select_n3A_163, %select_n3A_162 : vector<64x128xi1>, vector<64x128xf32>
    %select_n3A_174 = arith.select %eq3A_171, %select_n3A_164, %select_n3A_163 : vector<64x128xi1>, vector<64x128xf32>
    %select_n3A_175 = arith.select %eq3A_171, %select_n3A_165, %select_n3A_164 : vector<64x128xi1>, vector<64x128xf32>
    %select_n3A_176 = arith.select %eq3A_171, %select_n3A_166, %select_n3A_165 : vector<64x128xi1>, vector<64x128xf32>
    %reduce_max3A_177 = arith.constant dense<0xFF800000> : vector<64xf32>
    %reduce_max3A_178 = vector.multi_reduction <maximumf>, %select_n3A_172, %reduce_max3A_177 [1] : vector<64x128xf32> to vector<64xf32>
    %broadcast_in_dim3A_179 = vector.shape_cast %reduce_max3A_178 : vector<64xf32> to vector<64x1xf32>
    %eq3A_180 = vector.broadcast %broadcast_in_dim3A_179 : vector<64x1xf32> to vector<64x128xf32>
    %eq3A_181 = arith.cmpf oeq, %select_n3A_172, %eq3A_180 : vector<64x128xf32>
    %select_n3A_182 = arith.select %eq3A_181, %select_n3A_173, %select_n3A_172 : vector<64x128xi1>, vector<64x128xf32>
    %select_n3A_183 = arith.select %eq3A_181, %select_n3A_174, %select_n3A_173 : vector<64x128xi1>, vector<64x128xf32>
    %select_n3A_184 = arith.select %eq3A_181, %select_n3A_175, %select_n3A_174 : vector<64x128xi1>, vector<64x128xf32>
    %select_n3A_185 = arith.select %eq3A_181, %select_n3A_176, %select_n3A_175 : vector<64x128xi1>, vector<64x128xf32>
    %reduce_max3A_186 = arith.constant dense<0xFF800000> : vector<64xf32>
    %reduce_max3A_187 = vector.multi_reduction <maximumf>, %select_n3A_182, %reduce_max3A_186 [1] : vector<64x128xf32> to vector<64xf32>
    %broadcast_in_dim3A_188 = vector.shape_cast %reduce_max3A_187 : vector<64xf32> to vector<64x1xf32>
    %eq3A_189 = vector.broadcast %broadcast_in_dim3A_188 : vector<64x1xf32> to vector<64x128xf32>
    %eq3A_190 = arith.cmpf oeq, %select_n3A_182, %eq3A_189 : vector<64x128xf32>
    %select_n3A_191 = arith.select %eq3A_190, %select_n3A_183, %select_n3A_182 : vector<64x128xi1>, vector<64x128xf32>
    %select_n3A_192 = arith.select %eq3A_190, %select_n3A_184, %select_n3A_183 : vector<64x128xi1>, vector<64x128xf32>
    %select_n3A_193 = arith.select %eq3A_190, %select_n3A_185, %select_n3A_184 : vector<64x128xi1>, vector<64x128xf32>
    %reduce_max3A_194 = arith.constant dense<0xFF800000> : vector<64xf32>
    %reduce_max3A_195 = vector.multi_reduction <maximumf>, %select_n3A_191, %reduce_max3A_194 [1] : vector<64x128xf32> to vector<64xf32>
    %broadcast_in_dim3A_196 = vector.shape_cast %reduce_max3A_195 : vector<64xf32> to vector<64x1xf32>
    %eq3A_197 = vector.broadcast %broadcast_in_dim3A_196 : vector<64x1xf32> to vector<64x128xf32>
    %eq3A_198 = arith.cmpf oeq, %select_n3A_191, %eq3A_197 : vector<64x128xf32>
    %select_n3A_199 = arith.select %eq3A_198, %select_n3A_192, %select_n3A_191 : vector<64x128xi1>, vector<64x128xf32>
    %select_n3A_200 = arith.select %eq3A_198, %select_n3A_193, %select_n3A_192 : vector<64x128xi1>, vector<64x128xf32>
    %reduce_max3A_201 = arith.constant dense<0xFF800000> : vector<64xf32>
    %reduce_max3A_202 = vector.multi_reduction <maximumf>, %select_n3A_199, %reduce_max3A_201 [1] : vector<64x128xf32> to vector<64xf32>
    %broadcast_in_dim3A_203 = vector.shape_cast %reduce_max3A_202 : vector<64xf32> to vector<64x1xf32>
    %eq3A_204 = vector.broadcast %broadcast_in_dim3A_203 : vector<64x1xf32> to vector<64x128xf32>
    %eq3A_205 = arith.cmpf oeq, %select_n3A_199, %eq3A_204 : vector<64x128xf32>
    %select_n3A_206 = arith.select %eq3A_205, %select_n3A_200, %select_n3A_199 : vector<64x128xi1>, vector<64x128xf32>
    %reduce_max3A_207 = arith.constant dense<0xFF800000> : vector<64xf32>
    %reduce_max3A_208 = vector.multi_reduction <maximumf>, %select_n3A_206, %reduce_max3A_207 [1] : vector<64x128xf32> to vector<64xf32>
    %broadcast_in_dim3A_209 = vector.shape_cast %reduce_max3A_208 : vector<64xf32> to vector<64x1xf32>
    %slice3A_210 = vector.extract_strided_slice %dot_general3A_19 {offsets = [64, 0], sizes = [64, 128], strides = [1, 1]} : vector<1024x1024xf32> to vector<64x128xf32>
    %slice3A_211 = vector.extract_strided_slice %dot_general3A_19 {offsets = [64, 128], sizes = [64, 128], strides = [1, 1]} : vector<1024x1024xf32> to vector<64x128xf32>
    %slice3A_212 = vector.extract_strided_slice %dot_general3A_19 {offsets = [64, 256], sizes = [64, 128], strides = [1, 1]} : vector<1024x1024xf32> to vector<64x128xf32>
    %slice3A_213 = vector.extract_strided_slice %dot_general3A_19 {offsets = [64, 384], sizes = [64, 128], strides = [1, 1]} : vector<1024x1024xf32> to vector<64x128xf32>
    %slice3A_214 = vector.extract_strided_slice %dot_general3A_19 {offsets = [64, 512], sizes = [64, 128], strides = [1, 1]} : vector<1024x1024xf32> to vector<64x128xf32>
    %slice3A_215 = vector.extract_strided_slice %dot_general3A_19 {offsets = [64, 640], sizes = [64, 128], strides = [1, 1]} : vector<1024x1024xf32> to vector<64x128xf32>
    %slice3A_216 = vector.extract_strided_slice %dot_general3A_19 {offsets = [64, 768], sizes = [64, 128], strides = [1, 1]} : vector<1024x1024xf32> to vector<64x128xf32>
    %slice3A_217 = vector.extract_strided_slice %dot_general3A_19 {offsets = [64, 896], sizes = [64, 128], strides = [1, 1]} : vector<1024x1024xf32> to vector<64x128xf32>
    %slice3A_218 = vector.extract_strided_slice %dot_general3A_24 {offsets = [64, 0], sizes = [64, 128], strides = [1, 1]} : vector<1024x1024xf32> to vector<64x128xf32>
    %slice3A_219 = vector.extract_strided_slice %dot_general3A_24 {offsets = [64, 128], sizes = [64, 128], strides = [1, 1]} : vector<1024x1024xf32> to vector<64x128xf32>
    %slice3A_220 = vector.extract_strided_slice %dot_general3A_24 {offsets = [64, 256], sizes = [64, 128], strides = [1, 1]} : vector<1024x1024xf32> to vector<64x128xf32>
    %slice3A_221 = vector.extract_strided_slice %dot_general3A_24 {offsets = [64, 384], sizes = [64, 128], strides = [1, 1]} : vector<1024x1024xf32> to vector<64x128xf32>
    %slice3A_222 = vector.extract_strided_slice %dot_general3A_24 {offsets = [64, 512], sizes = [64, 128], strides = [1, 1]} : vector<1024x1024xf32> to vector<64x128xf32>
    %slice3A_223 = vector.extract_strided_slice %dot_general3A_24 {offsets = [64, 640], sizes = [64, 128], strides = [1, 1]} : vector<1024x1024xf32> to vector<64x128xf32>
    %slice3A_224 = vector.extract_strided_slice %dot_general3A_24 {offsets = [64, 768], sizes = [64, 128], strides = [1, 1]} : vector<1024x1024xf32> to vector<64x128xf32>
    %slice3A_225 = vector.extract_strided_slice %dot_general3A_24 {offsets = [64, 896], sizes = [64, 128], strides = [1, 1]} : vector<1024x1024xf32> to vector<64x128xf32>
    %max3A_226 = arith.maximumf %slice3A_210, %slice3A_211 : vector<64x128xf32>
    %min3A_227 = arith.minimumf %slice3A_210, %slice3A_211 : vector<64x128xf32>
    %max3A_228 = arith.maximumf %slice3A_212, %slice3A_213 : vector<64x128xf32>
    %min3A_229 = arith.minimumf %slice3A_212, %slice3A_213 : vector<64x128xf32>
    %max3A_230 = arith.maximumf %slice3A_214, %slice3A_215 : vector<64x128xf32>
    %min3A_231 = arith.minimumf %slice3A_214, %slice3A_215 : vector<64x128xf32>
    %max3A_232 = arith.maximumf %slice3A_216, %slice3A_217 : vector<64x128xf32>
    %min3A_233 = arith.minimumf %slice3A_216, %slice3A_217 : vector<64x128xf32>
    %max3A_234 = arith.maximumf %max3A_226, %max3A_228 : vector<64x128xf32>
    %min3A_235 = arith.minimumf %max3A_226, %max3A_228 : vector<64x128xf32>
    %max3A_236 = arith.maximumf %min3A_227, %min3A_229 : vector<64x128xf32>
    %min3A_237 = arith.minimumf %min3A_227, %min3A_229 : vector<64x128xf32>
    %max3A_238 = arith.maximumf %max3A_230, %max3A_232 : vector<64x128xf32>
    %min3A_239 = arith.minimumf %max3A_230, %max3A_232 : vector<64x128xf32>
    %max3A_240 = arith.maximumf %min3A_231, %min3A_233 : vector<64x128xf32>
    %min3A_241 = arith.minimumf %min3A_231, %min3A_233 : vector<64x128xf32>
    %max3A_242 = arith.maximumf %max3A_236, %min3A_235 : vector<64x128xf32>
    %min3A_243 = arith.minimumf %max3A_236, %min3A_235 : vector<64x128xf32>
    %max3A_244 = arith.maximumf %max3A_240, %min3A_239 : vector<64x128xf32>
    %min3A_245 = arith.minimumf %max3A_240, %min3A_239 : vector<64x128xf32>
    %max3A_246 = arith.maximumf %max3A_234, %max3A_238 : vector<64x128xf32>
    %min3A_247 = arith.minimumf %max3A_234, %max3A_238 : vector<64x128xf32>
    %max3A_248 = arith.maximumf %max3A_242, %max3A_244 : vector<64x128xf32>
    %min3A_249 = arith.minimumf %max3A_242, %max3A_244 : vector<64x128xf32>
    %max3A_250 = arith.maximumf %min3A_243, %min3A_245 : vector<64x128xf32>
    %min3A_251 = arith.minimumf %min3A_243, %min3A_245 : vector<64x128xf32>
    %max3A_252 = arith.maximumf %min3A_237, %min3A_241 : vector<64x128xf32>
    %min3A_253 = arith.minimumf %min3A_237, %min3A_241 : vector<64x128xf32>
    %max3A_254 = arith.maximumf %max3A_250, %min3A_247 : vector<64x128xf32>
    %min3A_255 = arith.minimumf %max3A_250, %min3A_247 : vector<64x128xf32>
    %max3A_256 = arith.maximumf %max3A_252, %min3A_249 : vector<64x128xf32>
    %min3A_257 = arith.minimumf %max3A_252, %min3A_249 : vector<64x128xf32>
    %max3A_258 = arith.maximumf %max3A_248, %max3A_254 : vector<64x128xf32>
    %min3A_259 = arith.minimumf %max3A_248, %max3A_254 : vector<64x128xf32>
    %max3A_260 = arith.maximumf %max3A_256, %min3A_255 : vector<64x128xf32>
    %min3A_261 = arith.minimumf %max3A_256, %min3A_255 : vector<64x128xf32>
    %max3A_262 = arith.maximumf %min3A_257, %min3A_251 : vector<64x128xf32>
    %min3A_263 = arith.minimumf %min3A_257, %min3A_251 : vector<64x128xf32>
    %max3A_264 = arith.maximumf %slice3A_218, %slice3A_219 : vector<64x128xf32>
    %min3A_265 = arith.minimumf %slice3A_218, %slice3A_219 : vector<64x128xf32>
    %max3A_266 = arith.maximumf %slice3A_220, %slice3A_221 : vector<64x128xf32>
    %min3A_267 = arith.minimumf %slice3A_220, %slice3A_221 : vector<64x128xf32>
    %max3A_268 = arith.maximumf %slice3A_222, %slice3A_223 : vector<64x128xf32>
    %min3A_269 = arith.minimumf %slice3A_222, %slice3A_223 : vector<64x128xf32>
    %max3A_270 = arith.maximumf %slice3A_224, %slice3A_225 : vector<64x128xf32>
    %min3A_271 = arith.minimumf %slice3A_224, %slice3A_225 : vector<64x128xf32>
    %max3A_272 = arith.maximumf %max3A_264, %max3A_266 : vector<64x128xf32>
    %min3A_273 = arith.minimumf %max3A_264, %max3A_266 : vector<64x128xf32>
    %max3A_274 = arith.maximumf %min3A_265, %min3A_267 : vector<64x128xf32>
    %min3A_275 = arith.minimumf %min3A_265, %min3A_267 : vector<64x128xf32>
    %max3A_276 = arith.maximumf %max3A_268, %max3A_270 : vector<64x128xf32>
    %min3A_277 = arith.minimumf %max3A_268, %max3A_270 : vector<64x128xf32>
    %max3A_278 = arith.maximumf %min3A_269, %min3A_271 : vector<64x128xf32>
    %min3A_279 = arith.minimumf %min3A_269, %min3A_271 : vector<64x128xf32>
    %max3A_280 = arith.maximumf %max3A_274, %min3A_273 : vector<64x128xf32>
    %min3A_281 = arith.minimumf %max3A_274, %min3A_273 : vector<64x128xf32>
    %max3A_282 = arith.maximumf %max3A_278, %min3A_277 : vector<64x128xf32>
    %min3A_283 = arith.minimumf %max3A_278, %min3A_277 : vector<64x128xf32>
    %max3A_284 = arith.maximumf %max3A_272, %max3A_276 : vector<64x128xf32>
    %min3A_285 = arith.minimumf %max3A_272, %max3A_276 : vector<64x128xf32>
    %max3A_286 = arith.maximumf %max3A_280, %max3A_282 : vector<64x128xf32>
    %min3A_287 = arith.minimumf %max3A_280, %max3A_282 : vector<64x128xf32>
    %max3A_288 = arith.maximumf %min3A_281, %min3A_283 : vector<64x128xf32>
    %min3A_289 = arith.minimumf %min3A_281, %min3A_283 : vector<64x128xf32>
    %max3A_290 = arith.maximumf %min3A_275, %min3A_279 : vector<64x128xf32>
    %min3A_291 = arith.minimumf %min3A_275, %min3A_279 : vector<64x128xf32>
    %max3A_292 = arith.maximumf %max3A_288, %min3A_285 : vector<64x128xf32>
    %min3A_293 = arith.minimumf %max3A_288, %min3A_285 : vector<64x128xf32>
    %max3A_294 = arith.maximumf %max3A_290, %min3A_287 : vector<64x128xf32>
    %min3A_295 = arith.minimumf %max3A_290, %min3A_287 : vector<64x128xf32>
    %max3A_296 = arith.maximumf %max3A_286, %max3A_292 : vector<64x128xf32>
    %min3A_297 = arith.minimumf %max3A_286, %max3A_292 : vector<64x128xf32>
    %max3A_298 = arith.maximumf %max3A_294, %min3A_293 : vector<64x128xf32>
    %min3A_299 = arith.minimumf %max3A_294, %min3A_293 : vector<64x128xf32>
    %max3A_300 = arith.maximumf %min3A_295, %min3A_289 : vector<64x128xf32>
    %min3A_301 = arith.minimumf %min3A_295, %min3A_289 : vector<64x128xf32>
    %max3A_302 = arith.maximumf %max3A_246, %min3A_291 : vector<64x128xf32>
    %max3A_303 = arith.maximumf %max3A_258, %min3A_301 : vector<64x128xf32>
    %max3A_304 = arith.maximumf %min3A_259, %max3A_300 : vector<64x128xf32>
    %max3A_305 = arith.maximumf %max3A_260, %min3A_299 : vector<64x128xf32>
    %max3A_306 = arith.maximumf %min3A_261, %max3A_298 : vector<64x128xf32>
    %max3A_307 = arith.maximumf %max3A_262, %min3A_297 : vector<64x128xf32>
    %max3A_308 = arith.maximumf %min3A_263, %max3A_296 : vector<64x128xf32>
    %max3A_309 = arith.maximumf %min3A_253, %max3A_284 : vector<64x128xf32>
    %max3A_310 = arith.maximumf %max3A_302, %max3A_306 : vector<64x128xf32>
    %min3A_311 = arith.minimumf %max3A_302, %max3A_306 : vector<64x128xf32>
    %max3A_312 = arith.maximumf %max3A_303, %max3A_307 : vector<64x128xf32>
    %min3A_313 = arith.minimumf %max3A_303, %max3A_307 : vector<64x128xf32>
    %max3A_314 = arith.maximumf %max3A_304, %max3A_308 : vector<64x128xf32>
    %min3A_315 = arith.minimumf %max3A_304, %max3A_308 : vector<64x128xf32>
    %max3A_316 = arith.maximumf %max3A_305, %max3A_309 : vector<64x128xf32>
    %min3A_317 = arith.minimumf %max3A_305, %max3A_309 : vector<64x128xf32>
    %max3A_318 = arith.maximumf %max3A_310, %max3A_314 : vector<64x128xf32>
    %min3A_319 = arith.minimumf %max3A_310, %max3A_314 : vector<64x128xf32>
    %max3A_320 = arith.maximumf %max3A_312, %max3A_316 : vector<64x128xf32>
    %min3A_321 = arith.minimumf %max3A_312, %max3A_316 : vector<64x128xf32>
    %max3A_322 = arith.maximumf %min3A_311, %min3A_315 : vector<64x128xf32>
    %min3A_323 = arith.minimumf %min3A_311, %min3A_315 : vector<64x128xf32>
    %max3A_324 = arith.maximumf %min3A_313, %min3A_317 : vector<64x128xf32>
    %min3A_325 = arith.minimumf %min3A_313, %min3A_317 : vector<64x128xf32>
    %max3A_326 = arith.maximumf %max3A_318, %max3A_320 : vector<64x128xf32>
    %min3A_327 = arith.minimumf %max3A_318, %max3A_320 : vector<64x128xf32>
    %max3A_328 = arith.maximumf %min3A_319, %min3A_321 : vector<64x128xf32>
    %min3A_329 = arith.minimumf %min3A_319, %min3A_321 : vector<64x128xf32>
    %max3A_330 = arith.maximumf %max3A_322, %max3A_324 : vector<64x128xf32>
    %min3A_331 = arith.minimumf %max3A_322, %max3A_324 : vector<64x128xf32>
    %max3A_332 = arith.maximumf %min3A_323, %min3A_325 : vector<64x128xf32>
    %min3A_333 = arith.minimumf %min3A_323, %min3A_325 : vector<64x128xf32>
    %reduce_max3A_334 = arith.constant dense<0xFF800000> : vector<64xf32>
    %reduce_max3A_335 = vector.multi_reduction <maximumf>, %max3A_326, %reduce_max3A_334 [1] : vector<64x128xf32> to vector<64xf32>
    %broadcast_in_dim3A_336 = vector.shape_cast %reduce_max3A_335 : vector<64xf32> to vector<64x1xf32>
    %eq3A_337 = vector.broadcast %broadcast_in_dim3A_336 : vector<64x1xf32> to vector<64x128xf32>
    %eq3A_338 = arith.cmpf oeq, %max3A_326, %eq3A_337 : vector<64x128xf32>
    %select_n3A_339 = arith.select %eq3A_338, %min3A_327, %max3A_326 : vector<64x128xi1>, vector<64x128xf32>
    %select_n3A_340 = arith.select %eq3A_338, %max3A_328, %min3A_327 : vector<64x128xi1>, vector<64x128xf32>
    %select_n3A_341 = arith.select %eq3A_338, %min3A_329, %max3A_328 : vector<64x128xi1>, vector<64x128xf32>
    %select_n3A_342 = arith.select %eq3A_338, %max3A_330, %min3A_329 : vector<64x128xi1>, vector<64x128xf32>
    %select_n3A_343 = arith.select %eq3A_338, %min3A_331, %max3A_330 : vector<64x128xi1>, vector<64x128xf32>
    %select_n3A_344 = arith.select %eq3A_338, %max3A_332, %min3A_331 : vector<64x128xi1>, vector<64x128xf32>
    %select_n3A_345 = arith.select %eq3A_338, %min3A_333, %max3A_332 : vector<64x128xi1>, vector<64x128xf32>
    %reduce_max3A_346 = arith.constant dense<0xFF800000> : vector<64xf32>
    %reduce_max3A_347 = vector.multi_reduction <maximumf>, %select_n3A_339, %reduce_max3A_346 [1] : vector<64x128xf32> to vector<64xf32>
    %broadcast_in_dim3A_348 = vector.shape_cast %reduce_max3A_347 : vector<64xf32> to vector<64x1xf32>
    %eq3A_349 = vector.broadcast %broadcast_in_dim3A_348 : vector<64x1xf32> to vector<64x128xf32>
    %eq3A_350 = arith.cmpf oeq, %select_n3A_339, %eq3A_349 : vector<64x128xf32>
    %select_n3A_351 = arith.select %eq3A_350, %select_n3A_340, %select_n3A_339 : vector<64x128xi1>, vector<64x128xf32>
    %select_n3A_352 = arith.select %eq3A_350, %select_n3A_341, %select_n3A_340 : vector<64x128xi1>, vector<64x128xf32>
    %select_n3A_353 = arith.select %eq3A_350, %select_n3A_342, %select_n3A_341 : vector<64x128xi1>, vector<64x128xf32>
    %select_n3A_354 = arith.select %eq3A_350, %select_n3A_343, %select_n3A_342 : vector<64x128xi1>, vector<64x128xf32>
    %select_n3A_355 = arith.select %eq3A_350, %select_n3A_344, %select_n3A_343 : vector<64x128xi1>, vector<64x128xf32>
    %select_n3A_356 = arith.select %eq3A_350, %select_n3A_345, %select_n3A_344 : vector<64x128xi1>, vector<64x128xf32>
    %reduce_max3A_357 = arith.constant dense<0xFF800000> : vector<64xf32>
    %reduce_max3A_358 = vector.multi_reduction <maximumf>, %select_n3A_351, %reduce_max3A_357 [1] : vector<64x128xf32> to vector<64xf32>
    %broadcast_in_dim3A_359 = vector.shape_cast %reduce_max3A_358 : vector<64xf32> to vector<64x1xf32>
    %eq3A_360 = vector.broadcast %broadcast_in_dim3A_359 : vector<64x1xf32> to vector<64x128xf32>
    %eq3A_361 = arith.cmpf oeq, %select_n3A_351, %eq3A_360 : vector<64x128xf32>
    %select_n3A_362 = arith.select %eq3A_361, %select_n3A_352, %select_n3A_351 : vector<64x128xi1>, vector<64x128xf32>
    %select_n3A_363 = arith.select %eq3A_361, %select_n3A_353, %select_n3A_352 : vector<64x128xi1>, vector<64x128xf32>
    %select_n3A_364 = arith.select %eq3A_361, %select_n3A_354, %select_n3A_353 : vector<64x128xi1>, vector<64x128xf32>
    %select_n3A_365 = arith.select %eq3A_361, %select_n3A_355, %select_n3A_354 : vector<64x128xi1>, vector<64x128xf32>
    %select_n3A_366 = arith.select %eq3A_361, %select_n3A_356, %select_n3A_355 : vector<64x128xi1>, vector<64x128xf32>
    %reduce_max3A_367 = arith.constant dense<0xFF800000> : vector<64xf32>
    %reduce_max3A_368 = vector.multi_reduction <maximumf>, %select_n3A_362, %reduce_max3A_367 [1] : vector<64x128xf32> to vector<64xf32>
    %broadcast_in_dim3A_369 = vector.shape_cast %reduce_max3A_368 : vector<64xf32> to vector<64x1xf32>
    %eq3A_370 = vector.broadcast %broadcast_in_dim3A_369 : vector<64x1xf32> to vector<64x128xf32>
    %eq3A_371 = arith.cmpf oeq, %select_n3A_362, %eq3A_370 : vector<64x128xf32>
    %select_n3A_372 = arith.select %eq3A_371, %select_n3A_363, %select_n3A_362 : vector<64x128xi1>, vector<64x128xf32>
    %select_n3A_373 = arith.select %eq3A_371, %select_n3A_364, %select_n3A_363 : vector<64x128xi1>, vector<64x128xf32>
    %select_n3A_374 = arith.select %eq3A_371, %select_n3A_365, %select_n3A_364 : vector<64x128xi1>, vector<64x128xf32>
    %select_n3A_375 = arith.select %eq3A_371, %select_n3A_366, %select_n3A_365 : vector<64x128xi1>, vector<64x128xf32>
    %reduce_max3A_376 = arith.constant dense<0xFF800000> : vector<64xf32>
    %reduce_max3A_377 = vector.multi_reduction <maximumf>, %select_n3A_372, %reduce_max3A_376 [1] : vector<64x128xf32> to vector<64xf32>
    %broadcast_in_dim3A_378 = vector.shape_cast %reduce_max3A_377 : vector<64xf32> to vector<64x1xf32>
    %eq3A_379 = vector.broadcast %broadcast_in_dim3A_378 : vector<64x1xf32> to vector<64x128xf32>
    %eq3A_380 = arith.cmpf oeq, %select_n3A_372, %eq3A_379 : vector<64x128xf32>
    %select_n3A_381 = arith.select %eq3A_380, %select_n3A_373, %select_n3A_372 : vector<64x128xi1>, vector<64x128xf32>
    %select_n3A_382 = arith.select %eq3A_380, %select_n3A_374, %select_n3A_373 : vector<64x128xi1>, vector<64x128xf32>
    %select_n3A_383 = arith.select %eq3A_380, %select_n3A_375, %select_n3A_374 : vector<64x128xi1>, vector<64x128xf32>
    %reduce_max3A_384 = arith.constant dense<0xFF800000> : vector<64xf32>
    %reduce_max3A_385 = vector.multi_reduction <maximumf>, %select_n3A_381, %reduce_max3A_384 [1] : vector<64x128xf32> to vector<64xf32>
    %broadcast_in_dim3A_386 = vector.shape_cast %reduce_max3A_385 : vector<64xf32> to vector<64x1xf32>
    %eq3A_387 = vector.broadcast %broadcast_in_dim3A_386 : vector<64x1xf32> to vector<64x128xf32>
    %eq3A_388 = arith.cmpf oeq, %select_n3A_381, %eq3A_387 : vector<64x128xf32>
    %select_n3A_389 = arith.select %eq3A_388, %select_n3A_382, %select_n3A_381 : vector<64x128xi1>, vector<64x128xf32>
    %select_n3A_390 = arith.select %eq3A_388, %select_n3A_383, %select_n3A_382 : vector<64x128xi1>, vector<64x128xf32>
    %reduce_max3A_391 = arith.constant dense<0xFF800000> : vector<64xf32>
    %reduce_max3A_392 = vector.multi_reduction <maximumf>, %select_n3A_389, %reduce_max3A_391 [1] : vector<64x128xf32> to vector<64xf32>
    %broadcast_in_dim3A_393 = vector.shape_cast %reduce_max3A_392 : vector<64xf32> to vector<64x1xf32>
    %eq3A_394 = vector.broadcast %broadcast_in_dim3A_393 : vector<64x1xf32> to vector<64x128xf32>
    %eq3A_395 = arith.cmpf oeq, %select_n3A_389, %eq3A_394 : vector<64x128xf32>
    %select_n3A_396 = arith.select %eq3A_395, %select_n3A_390, %select_n3A_389 : vector<64x128xi1>, vector<64x128xf32>
    %reduce_max3A_397 = arith.constant dense<0xFF800000> : vector<64xf32>
    %reduce_max3A_398 = vector.multi_reduction <maximumf>, %select_n3A_396, %reduce_max3A_397 [1] : vector<64x128xf32> to vector<64xf32>
    %broadcast_in_dim3A_399 = vector.shape_cast %reduce_max3A_398 : vector<64xf32> to vector<64x1xf32>
    %slice3A_400 = vector.extract_strided_slice %dot_general3A_19 {offsets = [128, 0], sizes = [64, 128], strides = [1, 1]} : vector<1024x1024xf32> to vector<64x128xf32>
    %slice3A_401 = vector.extract_strided_slice %dot_general3A_19 {offsets = [128, 128], sizes = [64, 128], strides = [1, 1]} : vector<1024x1024xf32> to vector<64x128xf32>
    %slice3A_402 = vector.extract_strided_slice %dot_general3A_19 {offsets = [128, 256], sizes = [64, 128], strides = [1, 1]} : vector<1024x1024xf32> to vector<64x128xf32>
    %slice3A_403 = vector.extract_strided_slice %dot_general3A_19 {offsets = [128, 384], sizes = [64, 128], strides = [1, 1]} : vector<1024x1024xf32> to vector<64x128xf32>
    %slice3A_404 = vector.extract_strided_slice %dot_general3A_19 {offsets = [128, 512], sizes = [64, 128], strides = [1, 1]} : vector<1024x1024xf32> to vector<64x128xf32>
    %slice3A_405 = vector.extract_strided_slice %dot_general3A_19 {offsets = [128, 640], sizes = [64, 128], strides = [1, 1]} : vector<1024x1024xf32> to vector<64x128xf32>
    %slice3A_406 = vector.extract_strided_slice %dot_general3A_19 {offsets = [128, 768], sizes = [64, 128], strides = [1, 1]} : vector<1024x1024xf32> to vector<64x128xf32>
    %slice3A_407 = vector.extract_strided_slice %dot_general3A_19 {offsets = [128, 896], sizes = [64, 128], strides = [1, 1]} : vector<1024x1024xf32> to vector<64x128xf32>
    %slice3A_408 = vector.extract_strided_slice %dot_general3A_24 {offsets = [128, 0], sizes = [64, 128], strides = [1, 1]} : vector<1024x1024xf32> to vector<64x128xf32>
    %slice3A_409 = vector.extract_strided_slice %dot_general3A_24 {offsets = [128, 128], sizes = [64, 128], strides = [1, 1]} : vector<1024x1024xf32> to vector<64x128xf32>
    %slice3A_410 = vector.extract_strided_slice %dot_general3A_24 {offsets = [128, 256], sizes = [64, 128], strides = [1, 1]} : vector<1024x1024xf32> to vector<64x128xf32>
    %slice3A_411 = vector.extract_strided_slice %dot_general3A_24 {offsets = [128, 384], sizes = [64, 128], strides = [1, 1]} : vector<1024x1024xf32> to vector<64x128xf32>
    %slice3A_412 = vector.extract_strided_slice %dot_general3A_24 {offsets = [128, 512], sizes = [64, 128], strides = [1, 1]} : vector<1024x1024xf32> to vector<64x128xf32>
    %slice3A_413 = vector.extract_strided_slice %dot_general3A_24 {offsets = [128, 640], sizes = [64, 128], strides = [1, 1]} : vector<1024x1024xf32> to vector<64x128xf32>
    %slice3A_414 = vector.extract_strided_slice %dot_general3A_24 {offsets = [128, 768], sizes = [64, 128], strides = [1, 1]} : vector<1024x1024xf32> to vector<64x128xf32>
    %slice3A_415 = vector.extract_strided_slice %dot_general3A_24 {offsets = [128, 896], sizes = [64, 128], strides = [1, 1]} : vector<1024x1024xf32> to vector<64x128xf32>
    %max3A_416 = arith.maximumf %slice3A_400, %slice3A_401 : vector<64x128xf32>
    %min3A_417 = arith.minimumf %slice3A_400, %slice3A_401 : vector<64x128xf32>
    %max3A_418 = arith.maximumf %slice3A_402, %slice3A_403 : vector<64x128xf32>
    %min3A_419 = arith.minimumf %slice3A_402, %slice3A_403 : vector<64x128xf32>
    %max3A_420 = arith.maximumf %slice3A_404, %slice3A_405 : vector<64x128xf32>
    %min3A_421 = arith.minimumf %slice3A_404, %slice3A_405 : vector<64x128xf32>
    %max3A_422 = arith.maximumf %slice3A_406, %slice3A_407 : vector<64x128xf32>
    %min3A_423 = arith.minimumf %slice3A_406, %slice3A_407 : vector<64x128xf32>
    %max3A_424 = arith.maximumf %max3A_416, %max3A_418 : vector<64x128xf32>
    %min3A_425 = arith.minimumf %max3A_416, %max3A_418 : vector<64x128xf32>
    %max3A_426 = arith.maximumf %min3A_417, %min3A_419 : vector<64x128xf32>
    %min3A_427 = arith.minimumf %min3A_417, %min3A_419 : vector<64x128xf32>
    %max3A_428 = arith.maximumf %max3A_420, %max3A_422 : vector<64x128xf32>
    %min3A_429 = arith.minimumf %max3A_420, %max3A_422 : vector<64x128xf32>
    %max3A_430 = arith.maximumf %min3A_421, %min3A_423 : vector<64x128xf32>
    %min3A_431 = arith.minimumf %min3A_421, %min3A_423 : vector<64x128xf32>
    %max3A_432 = arith.maximumf %max3A_426, %min3A_425 : vector<64x128xf32>
    %min3A_433 = arith.minimumf %max3A_426, %min3A_425 : vector<64x128xf32>
    %max3A_434 = arith.maximumf %max3A_430, %min3A_429 : vector<64x128xf32>
    %min3A_435 = arith.minimumf %max3A_430, %min3A_429 : vector<64x128xf32>
    %max3A_436 = arith.maximumf %max3A_424, %max3A_428 : vector<64x128xf32>
    %min3A_437 = arith.minimumf %max3A_424, %max3A_428 : vector<64x128xf32>
    %max3A_438 = arith.maximumf %max3A_432, %max3A_434 : vector<64x128xf32>
    %min3A_439 = arith.minimumf %max3A_432, %max3A_434 : vector<64x128xf32>
    %max3A_440 = arith.maximumf %min3A_433, %min3A_435 : vector<64x128xf32>
    %min3A_441 = arith.minimumf %min3A_433, %min3A_435 : vector<64x128xf32>
    %max3A_442 = arith.maximumf %min3A_427, %min3A_431 : vector<64x128xf32>
    %min3A_443 = arith.minimumf %min3A_427, %min3A_431 : vector<64x128xf32>
    %max3A_444 = arith.maximumf %max3A_440, %min3A_437 : vector<64x128xf32>
    %min3A_445 = arith.minimumf %max3A_440, %min3A_437 : vector<64x128xf32>
    %max3A_446 = arith.maximumf %max3A_442, %min3A_439 : vector<64x128xf32>
    %min3A_447 = arith.minimumf %max3A_442, %min3A_439 : vector<64x128xf32>
    %max3A_448 = arith.maximumf %max3A_438, %max3A_444 : vector<64x128xf32>
    %min3A_449 = arith.minimumf %max3A_438, %max3A_444 : vector<64x128xf32>
    %max3A_450 = arith.maximumf %max3A_446, %min3A_445 : vector<64x128xf32>
    %min3A_451 = arith.minimumf %max3A_446, %min3A_445 : vector<64x128xf32>
    %max3A_452 = arith.maximumf %min3A_447, %min3A_441 : vector<64x128xf32>
    %min3A_453 = arith.minimumf %min3A_447, %min3A_441 : vector<64x128xf32>
    %max3A_454 = arith.maximumf %slice3A_408, %slice3A_409 : vector<64x128xf32>
    %min3A_455 = arith.minimumf %slice3A_408, %slice3A_409 : vector<64x128xf32>
    %max3A_456 = arith.maximumf %slice3A_410, %slice3A_411 : vector<64x128xf32>
    %min3A_457 = arith.minimumf %slice3A_410, %slice3A_411 : vector<64x128xf32>
    %max3A_458 = arith.maximumf %slice3A_412, %slice3A_413 : vector<64x128xf32>
    %min3A_459 = arith.minimumf %slice3A_412, %slice3A_413 : vector<64x128xf32>
    %max3A_460 = arith.maximumf %slice3A_414, %slice3A_415 : vector<64x128xf32>
    %min3A_461 = arith.minimumf %slice3A_414, %slice3A_415 : vector<64x128xf32>
    %max3A_462 = arith.maximumf %max3A_454, %max3A_456 : vector<64x128xf32>
    %min3A_463 = arith.minimumf %max3A_454, %max3A_456 : vector<64x128xf32>
    %max3A_464 = arith.maximumf %min3A_455, %min3A_457 : vector<64x128xf32>
    %min3A_465 = arith.minimumf %min3A_455, %min3A_457 : vector<64x128xf32>
    %max3A_466 = arith.maximumf %max3A_458, %max3A_460 : vector<64x128xf32>
    %min3A_467 = arith.minimumf %max3A_458, %max3A_460 : vector<64x128xf32>
    %max3A_468 = arith.maximumf %min3A_459, %min3A_461 : vector<64x128xf32>
    %min3A_469 = arith.minimumf %min3A_459, %min3A_461 : vector<64x128xf32>
    %max3A_470 = arith.maximumf %max3A_464, %min3A_463 : vector<64x128xf32>
    %min3A_471 = arith.minimumf %max3A_464, %min3A_463 : vector<64x128xf32>
    %max3A_472 = arith.maximumf %max3A_468, %min3A_467 : vector<64x128xf32>
    %min3A_473 = arith.minimumf %max3A_468, %min3A_467 : vector<64x128xf32>
    %max3A_474 = arith.maximumf %max3A_462, %max3A_466 : vector<64x128xf32>
    %min3A_475 = arith.minimumf %max3A_462, %max3A_466 : vector<64x128xf32>
    %max3A_476 = arith.maximumf %max3A_470, %max3A_472 : vector<64x128xf32>
    %min3A_477 = arith.minimumf %max3A_470, %max3A_472 : vector<64x128xf32>
    %max3A_478 = arith.maximumf %min3A_471, %min3A_473 : vector<64x128xf32>
    %min3A_479 = arith.minimumf %min3A_471, %min3A_473 : vector<64x128xf32>
    %max3A_480 = arith.maximumf %min3A_465, %min3A_469 : vector<64x128xf32>
    %min3A_481 = arith.minimumf %min3A_465, %min3A_469 : vector<64x128xf32>
    %max3A_482 = arith.maximumf %max3A_478, %min3A_475 : vector<64x128xf32>
    %min3A_483 = arith.minimumf %max3A_478, %min3A_475 : vector<64x128xf32>
    %max3A_484 = arith.maximumf %max3A_480, %min3A_477 : vector<64x128xf32>
    %min3A_485 = arith.minimumf %max3A_480, %min3A_477 : vector<64x128xf32>
    %max3A_486 = arith.maximumf %max3A_476, %max3A_482 : vector<64x128xf32>
    %min3A_487 = arith.minimumf %max3A_476, %max3A_482 : vector<64x128xf32>
    %max3A_488 = arith.maximumf %max3A_484, %min3A_483 : vector<64x128xf32>
    %min3A_489 = arith.minimumf %max3A_484, %min3A_483 : vector<64x128xf32>
    %max3A_490 = arith.maximumf %min3A_485, %min3A_479 : vector<64x128xf32>
    %min3A_491 = arith.minimumf %min3A_485, %min3A_479 : vector<64x128xf32>
    %max3A_492 = arith.maximumf %max3A_436, %min3A_481 : vector<64x128xf32>
    %max3A_493 = arith.maximumf %max3A_448, %min3A_491 : vector<64x128xf32>
    %max3A_494 = arith.maximumf %min3A_449, %max3A_490 : vector<64x128xf32>
    %max3A_495 = arith.maximumf %max3A_450, %min3A_489 : vector<64x128xf32>
    %max3A_496 = arith.maximumf %min3A_451, %max3A_488 : vector<64x128xf32>
    %max3A_497 = arith.maximumf %max3A_452, %min3A_487 : vector<64x128xf32>
    %max3A_498 = arith.maximumf %min3A_453, %max3A_486 : vector<64x128xf32>
    %max3A_499 = arith.maximumf %min3A_443, %max3A_474 : vector<64x128xf32>
    %max3A_500 = arith.maximumf %max3A_492, %max3A_496 : vector<64x128xf32>
    %min3A_501 = arith.minimumf %max3A_492, %max3A_496 : vector<64x128xf32>
    %max3A_502 = arith.maximumf %max3A_493, %max3A_497 : vector<64x128xf32>
    %min3A_503 = arith.minimumf %max3A_493, %max3A_497 : vector<64x128xf32>
    %max3A_504 = arith.maximumf %max3A_494, %max3A_498 : vector<64x128xf32>
    %min3A_505 = arith.minimumf %max3A_494, %max3A_498 : vector<64x128xf32>
    %max3A_506 = arith.maximumf %max3A_495, %max3A_499 : vector<64x128xf32>
    %min3A_507 = arith.minimumf %max3A_495, %max3A_499 : vector<64x128xf32>
    %max3A_508 = arith.maximumf %max3A_500, %max3A_504 : vector<64x128xf32>
    %min3A_509 = arith.minimumf %max3A_500, %max3A_504 : vector<64x128xf32>
    %max3A_510 = arith.maximumf %max3A_502, %max3A_506 : vector<64x128xf32>
    %min3A_511 = arith.minimumf %max3A_502, %max3A_506 : vector<64x128xf32>
    %max3A_512 = arith.maximumf %min3A_501, %min3A_505 : vector<64x128xf32>
    %min3A_513 = arith.minimumf %min3A_501, %min3A_505 : vector<64x128xf32>
    %max3A_514 = arith.maximumf %min3A_503, %min3A_507 : vector<64x128xf32>
    %min3A_515 = arith.minimumf %min3A_503, %min3A_507 : vector<64x128xf32>
    %max3A_516 = arith.maximumf %max3A_508, %max3A_510 : vector<64x128xf32>
    %min3A_517 = arith.minimumf %max3A_508, %max3A_510 : vector<64x128xf32>
    %max3A_518 = arith.maximumf %min3A_509, %min3A_511 : vector<64x128xf32>
    %min3A_519 = arith.minimumf %min3A_509, %min3A_511 : vector<64x128xf32>
    %max3A_520 = arith.maximumf %max3A_512, %max3A_514 : vector<64x128xf32>
    %min3A_521 = arith.minimumf %max3A_512, %max3A_514 : vector<64x128xf32>
    %max3A_522 = arith.maximumf %min3A_513, %min3A_515 : vector<64x128xf32>
    %min3A_523 = arith.minimumf %min3A_513, %min3A_515 : vector<64x128xf32>
    %reduce_max3A_524 = arith.constant dense<0xFF800000> : vector<64xf32>
    %reduce_max3A_525 = vector.multi_reduction <maximumf>, %max3A_516, %reduce_max3A_524 [1] : vector<64x128xf32> to vector<64xf32>
    %broadcast_in_dim3A_526 = vector.shape_cast %reduce_max3A_525 : vector<64xf32> to vector<64x1xf32>
    %eq3A_527 = vector.broadcast %broadcast_in_dim3A_526 : vector<64x1xf32> to vector<64x128xf32>
    %eq3A_528 = arith.cmpf oeq, %max3A_516, %eq3A_527 : vector<64x128xf32>
    %select_n3A_529 = arith.select %eq3A_528, %min3A_517, %max3A_516 : vector<64x128xi1>, vector<64x128xf32>
    %select_n3A_530 = arith.select %eq3A_528, %max3A_518, %min3A_517 : vector<64x128xi1>, vector<64x128xf32>
    %select_n3A_531 = arith.select %eq3A_528, %min3A_519, %max3A_518 : vector<64x128xi1>, vector<64x128xf32>
    %select_n3A_532 = arith.select %eq3A_528, %max3A_520, %min3A_519 : vector<64x128xi1>, vector<64x128xf32>
    %select_n3A_533 = arith.select %eq3A_528, %min3A_521, %max3A_520 : vector<64x128xi1>, vector<64x128xf32>
    %select_n3A_534 = arith.select %eq3A_528, %max3A_522, %min3A_521 : vector<64x128xi1>, vector<64x128xf32>
    %select_n3A_535 = arith.select %eq3A_528, %min3A_523, %max3A_522 : vector<64x128xi1>, vector<64x128xf32>
    %reduce_max3A_536 = arith.constant dense<0xFF800000> : vector<64xf32>
    %reduce_max3A_537 = vector.multi_reduction <maximumf>, %select_n3A_529, %reduce_max3A_536 [1] : vector<64x128xf32> to vector<64xf32>
    %broadcast_in_dim3A_538 = vector.shape_cast %reduce_max3A_537 : vector<64xf32> to vector<64x1xf32>
    %eq3A_539 = vector.broadcast %broadcast_in_dim3A_538 : vector<64x1xf32> to vector<64x128xf32>
    %eq3A_540 = arith.cmpf oeq, %select_n3A_529, %eq3A_539 : vector<64x128xf32>
    %select_n3A_541 = arith.select %eq3A_540, %select_n3A_530, %select_n3A_529 : vector<64x128xi1>, vector<64x128xf32>
    %select_n3A_542 = arith.select %eq3A_540, %select_n3A_531, %select_n3A_530 : vector<64x128xi1>, vector<64x128xf32>
    %select_n3A_543 = arith.select %eq3A_540, %select_n3A_532, %select_n3A_531 : vector<64x128xi1>, vector<64x128xf32>
    %select_n3A_544 = arith.select %eq3A_540, %select_n3A_533, %select_n3A_532 : vector<64x128xi1>, vector<64x128xf32>
    %select_n3A_545 = arith.select %eq3A_540, %select_n3A_534, %select_n3A_533 : vector<64x128xi1>, vector<64x128xf32>
    %select_n3A_546 = arith.select %eq3A_540, %select_n3A_535, %select_n3A_534 : vector<64x128xi1>, vector<64x128xf32>
    %reduce_max3A_547 = arith.constant dense<0xFF800000> : vector<64xf32>
    %reduce_max3A_548 = vector.multi_reduction <maximumf>, %select_n3A_541, %reduce_max3A_547 [1] : vector<64x128xf32> to vector<64xf32>
    %broadcast_in_dim3A_549 = vector.shape_cast %reduce_max3A_548 : vector<64xf32> to vector<64x1xf32>
    %eq3A_550 = vector.broadcast %broadcast_in_dim3A_549 : vector<64x1xf32> to vector<64x128xf32>
    %eq3A_551 = arith.cmpf oeq, %select_n3A_541, %eq3A_550 : vector<64x128xf32>
    %select_n3A_552 = arith.select %eq3A_551, %select_n3A_542, %select_n3A_541 : vector<64x128xi1>, vector<64x128xf32>
    %select_n3A_553 = arith.select %eq3A_551, %select_n3A_543, %select_n3A_542 : vector<64x128xi1>, vector<64x128xf32>
    %select_n3A_554 = arith.select %eq3A_551, %select_n3A_544, %select_n3A_543 : vector<64x128xi1>, vector<64x128xf32>
    %select_n3A_555 = arith.select %eq3A_551, %select_n3A_545, %select_n3A_544 : vector<64x128xi1>, vector<64x128xf32>
    %select_n3A_556 = arith.select %eq3A_551, %select_n3A_546, %select_n3A_545 : vector<64x128xi1>, vector<64x128xf32>
    %reduce_max3A_557 = arith.constant dense<0xFF800000> : vector<64xf32>
    %reduce_max3A_558 = vector.multi_reduction <maximumf>, %select_n3A_552, %reduce_max3A_557 [1] : vector<64x128xf32> to vector<64xf32>
    %broadcast_in_dim3A_559 = vector.shape_cast %reduce_max3A_558 : vector<64xf32> to vector<64x1xf32>
    %eq3A_560 = vector.broadcast %broadcast_in_dim3A_559 : vector<64x1xf32> to vector<64x128xf32>
    %eq3A_561 = arith.cmpf oeq, %select_n3A_552, %eq3A_560 : vector<64x128xf32>
    %select_n3A_562 = arith.select %eq3A_561, %select_n3A_553, %select_n3A_552 : vector<64x128xi1>, vector<64x128xf32>
    %select_n3A_563 = arith.select %eq3A_561, %select_n3A_554, %select_n3A_553 : vector<64x128xi1>, vector<64x128xf32>
    %select_n3A_564 = arith.select %eq3A_561, %select_n3A_555, %select_n3A_554 : vector<64x128xi1>, vector<64x128xf32>
    %select_n3A_565 = arith.select %eq3A_561, %select_n3A_556, %select_n3A_555 : vector<64x128xi1>, vector<64x128xf32>
    %reduce_max3A_566 = arith.constant dense<0xFF800000> : vector<64xf32>
    %reduce_max3A_567 = vector.multi_reduction <maximumf>, %select_n3A_562, %reduce_max3A_566 [1] : vector<64x128xf32> to vector<64xf32>
    %broadcast_in_dim3A_568 = vector.shape_cast %reduce_max3A_567 : vector<64xf32> to vector<64x1xf32>
    %eq3A_569 = vector.broadcast %broadcast_in_dim3A_568 : vector<64x1xf32> to vector<64x128xf32>
    %eq3A_570 = arith.cmpf oeq, %select_n3A_562, %eq3A_569 : vector<64x128xf32>
    %select_n3A_571 = arith.select %eq3A_570, %select_n3A_563, %select_n3A_562 : vector<64x128xi1>, vector<64x128xf32>
    %select_n3A_572 = arith.select %eq3A_570, %select_n3A_564, %select_n3A_563 : vector<64x128xi1>, vector<64x128xf32>
    %select_n3A_573 = arith.select %eq3A_570, %select_n3A_565, %select_n3A_564 : vector<64x128xi1>, vector<64x128xf32>
    %reduce_max3A_574 = arith.constant dense<0xFF800000> : vector<64xf32>
    %reduce_max3A_575 = vector.multi_reduction <maximumf>, %select_n3A_571, %reduce_max3A_574 [1] : vector<64x128xf32> to vector<64xf32>
    %broadcast_in_dim3A_576 = vector.shape_cast %reduce_max3A_575 : vector<64xf32> to vector<64x1xf32>
    %eq3A_577 = vector.broadcast %broadcast_in_dim3A_576 : vector<64x1xf32> to vector<64x128xf32>
    %eq3A_578 = arith.cmpf oeq, %select_n3A_571, %eq3A_577 : vector<64x128xf32>
    %select_n3A_579 = arith.select %eq3A_578, %select_n3A_572, %select_n3A_571 : vector<64x128xi1>, vector<64x128xf32>
    %select_n3A_580 = arith.select %eq3A_578, %select_n3A_573, %select_n3A_572 : vector<64x128xi1>, vector<64x128xf32>
    %reduce_max3A_581 = arith.constant dense<0xFF800000> : vector<64xf32>
    %reduce_max3A_582 = vector.multi_reduction <maximumf>, %select_n3A_579, %reduce_max3A_581 [1] : vector<64x128xf32> to vector<64xf32>
    %broadcast_in_dim3A_583 = vector.shape_cast %reduce_max3A_582 : vector<64xf32> to vector<64x1xf32>
    %eq3A_584 = vector.broadcast %broadcast_in_dim3A_583 : vector<64x1xf32> to vector<64x128xf32>
    %eq3A_585 = arith.cmpf oeq, %select_n3A_579, %eq3A_584 : vector<64x128xf32>
    %select_n3A_586 = arith.select %eq3A_585, %select_n3A_580, %select_n3A_579 : vector<64x128xi1>, vector<64x128xf32>
    %reduce_max3A_587 = arith.constant dense<0xFF800000> : vector<64xf32>
    %reduce_max3A_588 = vector.multi_reduction <maximumf>, %select_n3A_586, %reduce_max3A_587 [1] : vector<64x128xf32> to vector<64xf32>
    %broadcast_in_dim3A_589 = vector.shape_cast %reduce_max3A_588 : vector<64xf32> to vector<64x1xf32>
    %slice3A_590 = vector.extract_strided_slice %dot_general3A_19 {offsets = [192, 0], sizes = [64, 128], strides = [1, 1]} : vector<1024x1024xf32> to vector<64x128xf32>
    %slice3A_591 = vector.extract_strided_slice %dot_general3A_19 {offsets = [192, 128], sizes = [64, 128], strides = [1, 1]} : vector<1024x1024xf32> to vector<64x128xf32>
    %slice3A_592 = vector.extract_strided_slice %dot_general3A_19 {offsets = [192, 256], sizes = [64, 128], strides = [1, 1]} : vector<1024x1024xf32> to vector<64x128xf32>
    %slice3A_593 = vector.extract_strided_slice %dot_general3A_19 {offsets = [192, 384], sizes = [64, 128], strides = [1, 1]} : vector<1024x1024xf32> to vector<64x128xf32>
    %slice3A_594 = vector.extract_strided_slice %dot_general3A_19 {offsets = [192, 512], sizes = [64, 128], strides = [1, 1]} : vector<1024x1024xf32> to vector<64x128xf32>
    %slice3A_595 = vector.extract_strided_slice %dot_general3A_19 {offsets = [192, 640], sizes = [64, 128], strides = [1, 1]} : vector<1024x1024xf32> to vector<64x128xf32>
    %slice3A_596 = vector.extract_strided_slice %dot_general3A_19 {offsets = [192, 768], sizes = [64, 128], strides = [1, 1]} : vector<1024x1024xf32> to vector<64x128xf32>
    %slice3A_597 = vector.extract_strided_slice %dot_general3A_19 {offsets = [192, 896], sizes = [64, 128], strides = [1, 1]} : vector<1024x1024xf32> to vector<64x128xf32>
    %slice3A_598 = vector.extract_strided_slice %dot_general3A_24 {offsets = [192, 0], sizes = [64, 128], strides = [1, 1]} : vector<1024x1024xf32> to vector<64x128xf32>
    %slice3A_599 = vector.extract_strided_slice %dot_general3A_24 {offsets = [192, 128], sizes = [64, 128], strides = [1, 1]} : vector<1024x1024xf32> to vector<64x128xf32>
    %slice3A_600 = vector.extract_strided_slice %dot_general3A_24 {offsets = [192, 256], sizes = [64, 128], strides = [1, 1]} : vector<1024x1024xf32> to vector<64x128xf32>
    %slice3A_601 = vector.extract_strided_slice %dot_general3A_24 {offsets = [192, 384], sizes = [64, 128], strides = [1, 1]} : vector<1024x1024xf32> to vector<64x128xf32>
    %slice3A_602 = vector.extract_strided_slice %dot_general3A_24 {offsets = [192, 512], sizes = [64, 128], strides = [1, 1]} : vector<1024x1024xf32> to vector<64x128xf32>
    %slice3A_603 = vector.extract_strided_slice %dot_general3A_24 {offsets = [192, 640], sizes = [64, 128], strides = [1, 1]} : vector<1024x1024xf32> to vector<64x128xf32>
    %slice3A_604 = vector.extract_strided_slice %dot_general3A_24 {offsets = [192, 768], sizes = [64, 128], strides = [1, 1]} : vector<1024x1024xf32> to vector<64x128xf32>
    %slice3A_605 = vector.extract_strided_slice %dot_general3A_24 {offsets = [192, 896], sizes = [64, 128], strides = [1, 1]} : vector<1024x1024xf32> to vector<64x128xf32>
    %max3A_606 = arith.maximumf %slice3A_590, %slice3A_591 : vector<64x128xf32>
    %min3A_607 = arith.minimumf %slice3A_590, %slice3A_591 : vector<64x128xf32>
    %max3A_608 = arith.maximumf %slice3A_592, %slice3A_593 : vector<64x128xf32>
    %min3A_609 = arith.minimumf %slice3A_592, %slice3A_593 : vector<64x128xf32>
    %max3A_610 = arith.maximumf %slice3A_594, %slice3A_595 : vector<64x128xf32>
    %min3A_611 = arith.minimumf %slice3A_594, %slice3A_595 : vector<64x128xf32>
    %max3A_612 = arith.maximumf %slice3A_596, %slice3A_597 : vector<64x128xf32>
    %min3A_613 = arith.minimumf %slice3A_596, %slice3A_597 : vector<64x128xf32>
    %max3A_614 = arith.maximumf %max3A_606, %max3A_608 : vector<64x128xf32>
    %min3A_615 = arith.minimumf %max3A_606, %max3A_608 : vector<64x128xf32>
    %max3A_616 = arith.maximumf %min3A_607, %min3A_609 : vector<64x128xf32>
    %min3A_617 = arith.minimumf %min3A_607, %min3A_609 : vector<64x128xf32>
    %max3A_618 = arith.maximumf %max3A_610, %max3A_612 : vector<64x128xf32>
    %min3A_619 = arith.minimumf %max3A_610, %max3A_612 : vector<64x128xf32>
    %max3A_620 = arith.maximumf %min3A_611, %min3A_613 : vector<64x128xf32>
    %min3A_621 = arith.minimumf %min3A_611, %min3A_613 : vector<64x128xf32>
    %max3A_622 = arith.maximumf %max3A_616, %min3A_615 : vector<64x128xf32>
    %min3A_623 = arith.minimumf %max3A_616, %min3A_615 : vector<64x128xf32>
    %max3A_624 = arith.maximumf %max3A_620, %min3A_619 : vector<64x128xf32>
    %min3A_625 = arith.minimumf %max3A_620, %min3A_619 : vector<64x128xf32>
    %max3A_626 = arith.maximumf %max3A_614, %max3A_618 : vector<64x128xf32>
    %min3A_627 = arith.minimumf %max3A_614, %max3A_618 : vector<64x128xf32>
    %max3A_628 = arith.maximumf %max3A_622, %max3A_624 : vector<64x128xf32>
    %min3A_629 = arith.minimumf %max3A_622, %max3A_624 : vector<64x128xf32>
    %max3A_630 = arith.maximumf %min3A_623, %min3A_625 : vector<64x128xf32>
    %min3A_631 = arith.minimumf %min3A_623, %min3A_625 : vector<64x128xf32>
    %max3A_632 = arith.maximumf %min3A_617, %min3A_621 : vector<64x128xf32>
    %min3A_633 = arith.minimumf %min3A_617, %min3A_621 : vector<64x128xf32>
    %max3A_634 = arith.maximumf %max3A_630, %min3A_627 : vector<64x128xf32>
    %min3A_635 = arith.minimumf %max3A_630, %min3A_627 : vector<64x128xf32>
    %max3A_636 = arith.maximumf %max3A_632, %min3A_629 : vector<64x128xf32>
    %min3A_637 = arith.minimumf %max3A_632, %min3A_629 : vector<64x128xf32>
    %max3A_638 = arith.maximumf %max3A_628, %max3A_634 : vector<64x128xf32>
    %min3A_639 = arith.minimumf %max3A_628, %max3A_634 : vector<64x128xf32>
    %max3A_640 = arith.maximumf %max3A_636, %min3A_635 : vector<64x128xf32>
    %min3A_641 = arith.minimumf %max3A_636, %min3A_635 : vector<64x128xf32>
    %max3A_642 = arith.maximumf %min3A_637, %min3A_631 : vector<64x128xf32>
    %min3A_643 = arith.minimumf %min3A_637, %min3A_631 : vector<64x128xf32>
    %max3A_644 = arith.maximumf %slice3A_598, %slice3A_599 : vector<64x128xf32>
    %min3A_645 = arith.minimumf %slice3A_598, %slice3A_599 : vector<64x128xf32>
    %max3A_646 = arith.maximumf %slice3A_600, %slice3A_601 : vector<64x128xf32>
    %min3A_647 = arith.minimumf %slice3A_600, %slice3A_601 : vector<64x128xf32>
    %max3A_648 = arith.maximumf %slice3A_602, %slice3A_603 : vector<64x128xf32>
    %min3A_649 = arith.minimumf %slice3A_602, %slice3A_603 : vector<64x128xf32>
    %max3A_650 = arith.maximumf %slice3A_604, %slice3A_605 : vector<64x128xf32>
    %min3A_651 = arith.minimumf %slice3A_604, %slice3A_605 : vector<64x128xf32>
    %max3A_652 = arith.maximumf %max3A_644, %max3A_646 : vector<64x128xf32>
    %min3A_653 = arith.minimumf %max3A_644, %max3A_646 : vector<64x128xf32>
    %max3A_654 = arith.maximumf %min3A_645, %min3A_647 : vector<64x128xf32>
    %min3A_655 = arith.minimumf %min3A_645, %min3A_647 : vector<64x128xf32>
    %max3A_656 = arith.maximumf %max3A_648, %max3A_650 : vector<64x128xf32>
    %min3A_657 = arith.minimumf %max3A_648, %max3A_650 : vector<64x128xf32>
    %max3A_658 = arith.maximumf %min3A_649, %min3A_651 : vector<64x128xf32>
    %min3A_659 = arith.minimumf %min3A_649, %min3A_651 : vector<64x128xf32>
    %max3A_660 = arith.maximumf %max3A_654, %min3A_653 : vector<64x128xf32>
    %min3A_661 = arith.minimumf %max3A_654, %min3A_653 : vector<64x128xf32>
    %max3A_662 = arith.maximumf %max3A_658, %min3A_657 : vector<64x128xf32>
    %min3A_663 = arith.minimumf %max3A_658, %min3A_657 : vector<64x128xf32>
    %max3A_664 = arith.maximumf %max3A_652, %max3A_656 : vector<64x128xf32>
    %min3A_665 = arith.minimumf %max3A_652, %max3A_656 : vector<64x128xf32>
    %max3A_666 = arith.maximumf %max3A_660, %max3A_662 : vector<64x128xf32>
    %min3A_667 = arith.minimumf %max3A_660, %max3A_662 : vector<64x128xf32>
    %max3A_668 = arith.maximumf %min3A_661, %min3A_663 : vector<64x128xf32>
    %min3A_669 = arith.minimumf %min3A_661, %min3A_663 : vector<64x128xf32>
    %max3A_670 = arith.maximumf %min3A_655, %min3A_659 : vector<64x128xf32>
    %min3A_671 = arith.minimumf %min3A_655, %min3A_659 : vector<64x128xf32>
    %max3A_672 = arith.maximumf %max3A_668, %min3A_665 : vector<64x128xf32>
    %min3A_673 = arith.minimumf %max3A_668, %min3A_665 : vector<64x128xf32>
    %max3A_674 = arith.maximumf %max3A_670, %min3A_667 : vector<64x128xf32>
    %min3A_675 = arith.minimumf %max3A_670, %min3A_667 : vector<64x128xf32>
    %max3A_676 = arith.maximumf %max3A_666, %max3A_672 : vector<64x128xf32>
    %min3A_677 = arith.minimumf %max3A_666, %max3A_672 : vector<64x128xf32>
    %max3A_678 = arith.maximumf %max3A_674, %min3A_673 : vector<64x128xf32>
    %min3A_679 = arith.minimumf %max3A_674, %min3A_673 : vector<64x128xf32>
    %max3A_680 = arith.maximumf %min3A_675, %min3A_669 : vector<64x128xf32>
    %min3A_681 = arith.minimumf %min3A_675, %min3A_669 : vector<64x128xf32>
    %max3A_682 = arith.maximumf %max3A_626, %min3A_671 : vector<64x128xf32>
    %max3A_683 = arith.maximumf %max3A_638, %min3A_681 : vector<64x128xf32>
    %max3A_684 = arith.maximumf %min3A_639, %max3A_680 : vector<64x128xf32>
    %max3A_685 = arith.maximumf %max3A_640, %min3A_679 : vector<64x128xf32>
    %max3A_686 = arith.maximumf %min3A_641, %max3A_678 : vector<64x128xf32>
    %max3A_687 = arith.maximumf %max3A_642, %min3A_677 : vector<64x128xf32>
    %max3A_688 = arith.maximumf %min3A_643, %max3A_676 : vector<64x128xf32>
    %max3A_689 = arith.maximumf %min3A_633, %max3A_664 : vector<64x128xf32>
    %max3A_690 = arith.maximumf %max3A_682, %max3A_686 : vector<64x128xf32>
    %min3A_691 = arith.minimumf %max3A_682, %max3A_686 : vector<64x128xf32>
    %max3A_692 = arith.maximumf %max3A_683, %max3A_687 : vector<64x128xf32>
    %min3A_693 = arith.minimumf %max3A_683, %max3A_687 : vector<64x128xf32>
    %max3A_694 = arith.maximumf %max3A_684, %max3A_688 : vector<64x128xf32>
    %min3A_695 = arith.minimumf %max3A_684, %max3A_688 : vector<64x128xf32>
    %max3A_696 = arith.maximumf %max3A_685, %max3A_689 : vector<64x128xf32>
    %min3A_697 = arith.minimumf %max3A_685, %max3A_689 : vector<64x128xf32>
    %max3A_698 = arith.maximumf %max3A_690, %max3A_694 : vector<64x128xf32>
    %min3A_699 = arith.minimumf %max3A_690, %max3A_694 : vector<64x128xf32>
    %max3A_700 = arith.maximumf %max3A_692, %max3A_696 : vector<64x128xf32>
    %min3A_701 = arith.minimumf %max3A_692, %max3A_696 : vector<64x128xf32>
    %max3A_702 = arith.maximumf %min3A_691, %min3A_695 : vector<64x128xf32>
    %min3A_703 = arith.minimumf %min3A_691, %min3A_695 : vector<64x128xf32>
    %max3A_704 = arith.maximumf %min3A_693, %min3A_697 : vector<64x128xf32>
    %min3A_705 = arith.minimumf %min3A_693, %min3A_697 : vector<64x128xf32>
    %max3A_706 = arith.maximumf %max3A_698, %max3A_700 : vector<64x128xf32>
    %min3A_707 = arith.minimumf %max3A_698, %max3A_700 : vector<64x128xf32>
    %max3A_708 = arith.maximumf %min3A_699, %min3A_701 : vector<64x128xf32>
    %min3A_709 = arith.minimumf %min3A_699, %min3A_701 : vector<64x128xf32>
    %max3A_710 = arith.maximumf %max3A_702, %max3A_704 : vector<64x128xf32>
    %min3A_711 = arith.minimumf %max3A_702, %max3A_704 : vector<64x128xf32>
    %max3A_712 = arith.maximumf %min3A_703, %min3A_705 : vector<64x128xf32>
    %min3A_713 = arith.minimumf %min3A_703, %min3A_705 : vector<64x128xf32>
    %reduce_max3A_714 = arith.constant dense<0xFF800000> : vector<64xf32>
    %reduce_max3A_715 = vector.multi_reduction <maximumf>, %max3A_706, %reduce_max3A_714 [1] : vector<64x128xf32> to vector<64xf32>
    %broadcast_in_dim3A_716 = vector.shape_cast %reduce_max3A_715 : vector<64xf32> to vector<64x1xf32>
    %eq3A_717 = vector.broadcast %broadcast_in_dim3A_716 : vector<64x1xf32> to vector<64x128xf32>
    %eq3A_718 = arith.cmpf oeq, %max3A_706, %eq3A_717 : vector<64x128xf32>
    %select_n3A_719 = arith.select %eq3A_718, %min3A_707, %max3A_706 : vector<64x128xi1>, vector<64x128xf32>
    %select_n3A_720 = arith.select %eq3A_718, %max3A_708, %min3A_707 : vector<64x128xi1>, vector<64x128xf32>
    %select_n3A_721 = arith.select %eq3A_718, %min3A_709, %max3A_708 : vector<64x128xi1>, vector<64x128xf32>
    %select_n3A_722 = arith.select %eq3A_718, %max3A_710, %min3A_709 : vector<64x128xi1>, vector<64x128xf32>
    %select_n3A_723 = arith.select %eq3A_718, %min3A_711, %max3A_710 : vector<64x128xi1>, vector<64x128xf32>
    %select_n3A_724 = arith.select %eq3A_718, %max3A_712, %min3A_711 : vector<64x128xi1>, vector<64x128xf32>
    %select_n3A_725 = arith.select %eq3A_718, %min3A_713, %max3A_712 : vector<64x128xi1>, vector<64x128xf32>
    %reduce_max3A_726 = arith.constant dense<0xFF800000> : vector<64xf32>
    %reduce_max3A_727 = vector.multi_reduction <maximumf>, %select_n3A_719, %reduce_max3A_726 [1] : vector<64x128xf32> to vector<64xf32>
    %broadcast_in_dim3A_728 = vector.shape_cast %reduce_max3A_727 : vector<64xf32> to vector<64x1xf32>
    %eq3A_729 = vector.broadcast %broadcast_in_dim3A_728 : vector<64x1xf32> to vector<64x128xf32>
    %eq3A_730 = arith.cmpf oeq, %select_n3A_719, %eq3A_729 : vector<64x128xf32>
    %select_n3A_731 = arith.select %eq3A_730, %select_n3A_720, %select_n3A_719 : vector<64x128xi1>, vector<64x128xf32>
    %select_n3A_732 = arith.select %eq3A_730, %select_n3A_721, %select_n3A_720 : vector<64x128xi1>, vector<64x128xf32>
    %select_n3A_733 = arith.select %eq3A_730, %select_n3A_722, %select_n3A_721 : vector<64x128xi1>, vector<64x128xf32>
    %select_n3A_734 = arith.select %eq3A_730, %select_n3A_723, %select_n3A_722 : vector<64x128xi1>, vector<64x128xf32>
    %select_n3A_735 = arith.select %eq3A_730, %select_n3A_724, %select_n3A_723 : vector<64x128xi1>, vector<64x128xf32>
    %select_n3A_736 = arith.select %eq3A_730, %select_n3A_725, %select_n3A_724 : vector<64x128xi1>, vector<64x128xf32>
    %reduce_max3A_737 = arith.constant dense<0xFF800000> : vector<64xf32>
    %reduce_max3A_738 = vector.multi_reduction <maximumf>, %select_n3A_731, %reduce_max3A_737 [1] : vector<64x128xf32> to vector<64xf32>
    %broadcast_in_dim3A_739 = vector.shape_cast %reduce_max3A_738 : vector<64xf32> to vector<64x1xf32>
    %eq3A_740 = vector.broadcast %broadcast_in_dim3A_739 : vector<64x1xf32> to vector<64x128xf32>
    %eq3A_741 = arith.cmpf oeq, %select_n3A_731, %eq3A_740 : vector<64x128xf32>
    %select_n3A_742 = arith.select %eq3A_741, %select_n3A_732, %select_n3A_731 : vector<64x128xi1>, vector<64x128xf32>
    %select_n3A_743 = arith.select %eq3A_741, %select_n3A_733, %select_n3A_732 : vector<64x128xi1>, vector<64x128xf32>
    %select_n3A_744 = arith.select %eq3A_741, %select_n3A_734, %select_n3A_733 : vector<64x128xi1>, vector<64x128xf32>
    %select_n3A_745 = arith.select %eq3A_741, %select_n3A_735, %select_n3A_734 : vector<64x128xi1>, vector<64x128xf32>
    %select_n3A_746 = arith.select %eq3A_741, %select_n3A_736, %select_n3A_735 : vector<64x128xi1>, vector<64x128xf32>
    %reduce_max3A_747 = arith.constant dense<0xFF800000> : vector<64xf32>
    %reduce_max3A_748 = vector.multi_reduction <maximumf>, %select_n3A_742, %reduce_max3A_747 [1] : vector<64x128xf32> to vector<64xf32>
    %broadcast_in_dim3A_749 = vector.shape_cast %reduce_max3A_748 : vector<64xf32> to vector<64x1xf32>
    %eq3A_750 = vector.broadcast %broadcast_in_dim3A_749 : vector<64x1xf32> to vector<64x128xf32>
    %eq3A_751 = arith.cmpf oeq, %select_n3A_742, %eq3A_750 : vector<64x128xf32>
    %select_n3A_752 = arith.select %eq3A_751, %select_n3A_743, %select_n3A_742 : vector<64x128xi1>, vector<64x128xf32>
    %select_n3A_753 = arith.select %eq3A_751, %select_n3A_744, %select_n3A_743 : vector<64x128xi1>, vector<64x128xf32>
    %select_n3A_754 = arith.select %eq3A_751, %select_n3A_745, %select_n3A_744 : vector<64x128xi1>, vector<64x128xf32>
    %select_n3A_755 = arith.select %eq3A_751, %select_n3A_746, %select_n3A_745 : vector<64x128xi1>, vector<64x128xf32>
    %reduce_max3A_756 = arith.constant dense<0xFF800000> : vector<64xf32>
    %reduce_max3A_757 = vector.multi_reduction <maximumf>, %select_n3A_752, %reduce_max3A_756 [1] : vector<64x128xf32> to vector<64xf32>
    %broadcast_in_dim3A_758 = vector.shape_cast %reduce_max3A_757 : vector<64xf32> to vector<64x1xf32>
    %eq3A_759 = vector.broadcast %broadcast_in_dim3A_758 : vector<64x1xf32> to vector<64x128xf32>
    %eq3A_760 = arith.cmpf oeq, %select_n3A_752, %eq3A_759 : vector<64x128xf32>
    %select_n3A_761 = arith.select %eq3A_760, %select_n3A_753, %select_n3A_752 : vector<64x128xi1>, vector<64x128xf32>
    %select_n3A_762 = arith.select %eq3A_760, %select_n3A_754, %select_n3A_753 : vector<64x128xi1>, vector<64x128xf32>
    %select_n3A_763 = arith.select %eq3A_760, %select_n3A_755, %select_n3A_754 : vector<64x128xi1>, vector<64x128xf32>
    %reduce_max3A_764 = arith.constant dense<0xFF800000> : vector<64xf32>
    %reduce_max3A_765 = vector.multi_reduction <maximumf>, %select_n3A_761, %reduce_max3A_764 [1] : vector<64x128xf32> to vector<64xf32>
    %broadcast_in_dim3A_766 = vector.shape_cast %reduce_max3A_765 : vector<64xf32> to vector<64x1xf32>
    %eq3A_767 = vector.broadcast %broadcast_in_dim3A_766 : vector<64x1xf32> to vector<64x128xf32>
    %eq3A_768 = arith.cmpf oeq, %select_n3A_761, %eq3A_767 : vector<64x128xf32>
    %select_n3A_769 = arith.select %eq3A_768, %select_n3A_762, %select_n3A_761 : vector<64x128xi1>, vector<64x128xf32>
    %select_n3A_770 = arith.select %eq3A_768, %select_n3A_763, %select_n3A_762 : vector<64x128xi1>, vector<64x128xf32>
    %reduce_max3A_771 = arith.constant dense<0xFF800000> : vector<64xf32>
    %reduce_max3A_772 = vector.multi_reduction <maximumf>, %select_n3A_769, %reduce_max3A_771 [1] : vector<64x128xf32> to vector<64xf32>
    %broadcast_in_dim3A_773 = vector.shape_cast %reduce_max3A_772 : vector<64xf32> to vector<64x1xf32>
    %eq3A_774 = vector.broadcast %broadcast_in_dim3A_773 : vector<64x1xf32> to vector<64x128xf32>
    %eq3A_775 = arith.cmpf oeq, %select_n3A_769, %eq3A_774 : vector<64x128xf32>
    %select_n3A_776 = arith.select %eq3A_775, %select_n3A_770, %select_n3A_769 : vector<64x128xi1>, vector<64x128xf32>
    %reduce_max3A_777 = arith.constant dense<0xFF800000> : vector<64xf32>
    %reduce_max3A_778 = vector.multi_reduction <maximumf>, %select_n3A_776, %reduce_max3A_777 [1] : vector<64x128xf32> to vector<64xf32>
    %broadcast_in_dim3A_779 = vector.shape_cast %reduce_max3A_778 : vector<64xf32> to vector<64x1xf32>
    %slice3A_780 = vector.extract_strided_slice %dot_general3A_19 {offsets = [256, 0], sizes = [64, 128], strides = [1, 1]} : vector<1024x1024xf32> to vector<64x128xf32>
    %slice3A_781 = vector.extract_strided_slice %dot_general3A_19 {offsets = [256, 128], sizes = [64, 128], strides = [1, 1]} : vector<1024x1024xf32> to vector<64x128xf32>
    %slice3A_782 = vector.extract_strided_slice %dot_general3A_19 {offsets = [256, 256], sizes = [64, 128], strides = [1, 1]} : vector<1024x1024xf32> to vector<64x128xf32>
    %slice3A_783 = vector.extract_strided_slice %dot_general3A_19 {offsets = [256, 384], sizes = [64, 128], strides = [1, 1]} : vector<1024x1024xf32> to vector<64x128xf32>
    %slice3A_784 = vector.extract_strided_slice %dot_general3A_19 {offsets = [256, 512], sizes = [64, 128], strides = [1, 1]} : vector<1024x1024xf32> to vector<64x128xf32>
    %slice3A_785 = vector.extract_strided_slice %dot_general3A_19 {offsets = [256, 640], sizes = [64, 128], strides = [1, 1]} : vector<1024x1024xf32> to vector<64x128xf32>
    %slice3A_786 = vector.extract_strided_slice %dot_general3A_19 {offsets = [256, 768], sizes = [64, 128], strides = [1, 1]} : vector<1024x1024xf32> to vector<64x128xf32>
    %slice3A_787 = vector.extract_strided_slice %dot_general3A_19 {offsets = [256, 896], sizes = [64, 128], strides = [1, 1]} : vector<1024x1024xf32> to vector<64x128xf32>
    %slice3A_788 = vector.extract_strided_slice %dot_general3A_24 {offsets = [256, 0], sizes = [64, 128], strides = [1, 1]} : vector<1024x1024xf32> to vector<64x128xf32>
    %slice3A_789 = vector.extract_strided_slice %dot_general3A_24 {offsets = [256, 128], sizes = [64, 128], strides = [1, 1]} : vector<1024x1024xf32> to vector<64x128xf32>
    %slice3A_790 = vector.extract_strided_slice %dot_general3A_24 {offsets = [256, 256], sizes = [64, 128], strides = [1, 1]} : vector<1024x1024xf32> to vector<64x128xf32>
    %slice3A_791 = vector.extract_strided_slice %dot_general3A_24 {offsets = [256, 384], sizes = [64, 128], strides = [1, 1]} : vector<1024x1024xf32> to vector<64x128xf32>
    %slice3A_792 = vector.extract_strided_slice %dot_general3A_24 {offsets = [256, 512], sizes = [64, 128], strides = [1, 1]} : vector<1024x1024xf32> to vector<64x128xf32>
    %slice3A_793 = vector.extract_strided_slice %dot_general3A_24 {offsets = [256, 640], sizes = [64, 128], strides = [1, 1]} : vector<1024x1024xf32> to vector<64x128xf32>
    %slice3A_794 = vector.extract_strided_slice %dot_general3A_24 {offsets = [256, 768], sizes = [64, 128], strides = [1, 1]} : vector<1024x1024xf32> to vector<64x128xf32>
    %slice3A_795 = vector.extract_strided_slice %dot_general3A_24 {offsets = [256, 896], sizes = [64, 128], strides = [1, 1]} : vector<1024x1024xf32> to vector<64x128xf32>
    %max3A_796 = arith.maximumf %slice3A_780, %slice3A_781 : vector<64x128xf32>
    %min3A_797 = arith.minimumf %slice3A_780, %slice3A_781 : vector<64x128xf32>
    %max3A_798 = arith.maximumf %slice3A_782, %slice3A_783 : vector<64x128xf32>
    %min3A_799 = arith.minimumf %slice3A_782, %slice3A_783 : vector<64x128xf32>
    %max3A_800 = arith.maximumf %slice3A_784, %slice3A_785 : vector<64x128xf32>
    %min3A_801 = arith.minimumf %slice3A_784, %slice3A_785 : vector<64x128xf32>
    %max3A_802 = arith.maximumf %slice3A_786, %slice3A_787 : vector<64x128xf32>
    %min3A_803 = arith.minimumf %slice3A_786, %slice3A_787 : vector<64x128xf32>
    %max3A_804 = arith.maximumf %max3A_796, %max3A_798 : vector<64x128xf32>
    %min3A_805 = arith.minimumf %max3A_796, %max3A_798 : vector<64x128xf32>
    %max3A_806 = arith.maximumf %min3A_797, %min3A_799 : vector<64x128xf32>
    %min3A_807 = arith.minimumf %min3A_797, %min3A_799 : vector<64x128xf32>
    %max3A_808 = arith.maximumf %max3A_800, %max3A_802 : vector<64x128xf32>
    %min3A_809 = arith.minimumf %max3A_800, %max3A_802 : vector<64x128xf32>
    %max3A_810 = arith.maximumf %min3A_801, %min3A_803 : vector<64x128xf32>
    %min3A_811 = arith.minimumf %min3A_801, %min3A_803 : vector<64x128xf32>
    %max3A_812 = arith.maximumf %max3A_806, %min3A_805 : vector<64x128xf32>
    %min3A_813 = arith.minimumf %max3A_806, %min3A_805 : vector<64x128xf32>
    %max3A_814 = arith.maximumf %max3A_810, %min3A_809 : vector<64x128xf32>
    %min3A_815 = arith.minimumf %max3A_810, %min3A_809 : vector<64x128xf32>
    %max3A_816 = arith.maximumf %max3A_804, %max3A_808 : vector<64x128xf32>
    %min3A_817 = arith.minimumf %max3A_804, %max3A_808 : vector<64x128xf32>
    %max3A_818 = arith.maximumf %max3A_812, %max3A_814 : vector<64x128xf32>
    %min3A_819 = arith.minimumf %max3A_812, %max3A_814 : vector<64x128xf32>
    %max3A_820 = arith.maximumf %min3A_813, %min3A_815 : vector<64x128xf32>
    %min3A_821 = arith.minimumf %min3A_813, %min3A_815 : vector<64x128xf32>
    %max3A_822 = arith.maximumf %min3A_807, %min3A_811 : vector<64x128xf32>
    %min3A_823 = arith.minimumf %min3A_807, %min3A_811 : vector<64x128xf32>
    %max3A_824 = arith.maximumf %max3A_820, %min3A_817 : vector<64x128xf32>
    %min3A_825 = arith.minimumf %max3A_820, %min3A_817 : vector<64x128xf32>
    %max3A_826 = arith.maximumf %max3A_822, %min3A_819 : vector<64x128xf32>
    %min3A_827 = arith.minimumf %max3A_822, %min3A_819 : vector<64x128xf32>
    %max3A_828 = arith.maximumf %max3A_818, %max3A_824 : vector<64x128xf32>
    %min3A_829 = arith.minimumf %max3A_818, %max3A_824 : vector<64x128xf32>
    %max3A_830 = arith.maximumf %max3A_826, %min3A_825 : vector<64x128xf32>
    %min3A_831 = arith.minimumf %max3A_826, %min3A_825 : vector<64x128xf32>
    %max3A_832 = arith.maximumf %min3A_827, %min3A_821 : vector<64x128xf32>
    %min3A_833 = arith.minimumf %min3A_827, %min3A_821 : vector<64x128xf32>
    %max3A_834 = arith.maximumf %slice3A_788, %slice3A_789 : vector<64x128xf32>
    %min3A_835 = arith.minimumf %slice3A_788, %slice3A_789 : vector<64x128xf32>
    %max3A_836 = arith.maximumf %slice3A_790, %slice3A_791 : vector<64x128xf32>
    %min3A_837 = arith.minimumf %slice3A_790, %slice3A_791 : vector<64x128xf32>
    %max3A_838 = arith.maximumf %slice3A_792, %slice3A_793 : vector<64x128xf32>
    %min3A_839 = arith.minimumf %slice3A_792, %slice3A_793 : vector<64x128xf32>
    %max3A_840 = arith.maximumf %slice3A_794, %slice3A_795 : vector<64x128xf32>
    %min3A_841 = arith.minimumf %slice3A_794, %slice3A_795 : vector<64x128xf32>
    %max3A_842 = arith.maximumf %max3A_834, %max3A_836 : vector<64x128xf32>
    %min3A_843 = arith.minimumf %max3A_834, %max3A_836 : vector<64x128xf32>
    %max3A_844 = arith.maximumf %min3A_835, %min3A_837 : vector<64x128xf32>
    %min3A_845 = arith.minimumf %min3A_835, %min3A_837 : vector<64x128xf32>
    %max3A_846 = arith.maximumf %max3A_838, %max3A_840 : vector<64x128xf32>
    %min3A_847 = arith.minimumf %max3A_838, %max3A_840 : vector<64x128xf32>
    %max3A_848 = arith.maximumf %min3A_839, %min3A_841 : vector<64x128xf32>
    %min3A_849 = arith.minimumf %min3A_839, %min3A_841 : vector<64x128xf32>
    %max3A_850 = arith.maximumf %max3A_844, %min3A_843 : vector<64x128xf32>
    %min3A_851 = arith.minimumf %max3A_844, %min3A_843 : vector<64x128xf32>
    %max3A_852 = arith.maximumf %max3A_848, %min3A_847 : vector<64x128xf32>
    %min3A_853 = arith.minimumf %max3A_848, %min3A_847 : vector<64x128xf32>
    %max3A_854 = arith.maximumf %max3A_842, %max3A_846 : vector<64x128xf32>
    %min3A_855 = arith.minimumf %max3A_842, %max3A_846 : vector<64x128xf32>
    %max3A_856 = arith.maximumf %max3A_850, %max3A_852 : vector<64x128xf32>
    %min3A_857 = arith.minimumf %max3A_850, %max3A_852 : vector<64x128xf32>
    %max3A_858 = arith.maximumf %min3A_851, %min3A_853 : vector<64x128xf32>
    %min3A_859 = arith.minimumf %min3A_851, %min3A_853 : vector<64x128xf32>
    %max3A_860 = arith.maximumf %min3A_845, %min3A_849 : vector<64x128xf32>
    %min3A_861 = arith.minimumf %min3A_845, %min3A_849 : vector<64x128xf32>
    %max3A_862 = arith.maximumf %max3A_858, %min3A_855 : vector<64x128xf32>
    %min3A_863 = arith.minimumf %max3A_858, %min3A_855 : vector<64x128xf32>
    %max3A_864 = arith.maximumf %max3A_860, %min3A_857 : vector<64x128xf32>
    %min3A_865 = arith.minimumf %max3A_860, %min3A_857 : vector<64x128xf32>
    %max3A_866 = arith.maximumf %max3A_856, %max3A_862 : vector<64x128xf32>
    %min3A_867 = arith.minimumf %max3A_856, %max3A_862 : vector<64x128xf32>
    %max3A_868 = arith.maximumf %max3A_864, %min3A_863 : vector<64x128xf32>
    %min3A_869 = arith.minimumf %max3A_864, %min3A_863 : vector<64x128xf32>
    %max3A_870 = arith.maximumf %min3A_865, %min3A_859 : vector<64x128xf32>
    %min3A_871 = arith.minimumf %min3A_865, %min3A_859 : vector<64x128xf32>
    %max3A_872 = arith.maximumf %max3A_816, %min3A_861 : vector<64x128xf32>
    %max3A_873 = arith.maximumf %max3A_828, %min3A_871 : vector<64x128xf32>
    %max3A_874 = arith.maximumf %min3A_829, %max3A_870 : vector<64x128xf32>
    %max3A_875 = arith.maximumf %max3A_830, %min3A_869 : vector<64x128xf32>
    %max3A_876 = arith.maximumf %min3A_831, %max3A_868 : vector<64x128xf32>
    %max3A_877 = arith.maximumf %max3A_832, %min3A_867 : vector<64x128xf32>
    %max3A_878 = arith.maximumf %min3A_833, %max3A_866 : vector<64x128xf32>
    %max3A_879 = arith.maximumf %min3A_823, %max3A_854 : vector<64x128xf32>
    %max3A_880 = arith.maximumf %max3A_872, %max3A_876 : vector<64x128xf32>
    %min3A_881 = arith.minimumf %max3A_872, %max3A_876 : vector<64x128xf32>
    %max3A_882 = arith.maximumf %max3A_873, %max3A_877 : vector<64x128xf32>
    %min3A_883 = arith.minimumf %max3A_873, %max3A_877 : vector<64x128xf32>
    %max3A_884 = arith.maximumf %max3A_874, %max3A_878 : vector<64x128xf32>
    %min3A_885 = arith.minimumf %max3A_874, %max3A_878 : vector<64x128xf32>
    %max3A_886 = arith.maximumf %max3A_875, %max3A_879 : vector<64x128xf32>
    %min3A_887 = arith.minimumf %max3A_875, %max3A_879 : vector<64x128xf32>
    %max3A_888 = arith.maximumf %max3A_880, %max3A_884 : vector<64x128xf32>
    %min3A_889 = arith.minimumf %max3A_880, %max3A_884 : vector<64x128xf32>
    %max3A_890 = arith.maximumf %max3A_882, %max3A_886 : vector<64x128xf32>
    %min3A_891 = arith.minimumf %max3A_882, %max3A_886 : vector<64x128xf32>
    %max3A_892 = arith.maximumf %min3A_881, %min3A_885 : vector<64x128xf32>
    %min3A_893 = arith.minimumf %min3A_881, %min3A_885 : vector<64x128xf32>
    %max3A_894 = arith.maximumf %min3A_883, %min3A_887 : vector<64x128xf32>
    %min3A_895 = arith.minimumf %min3A_883, %min3A_887 : vector<64x128xf32>
    %max3A_896 = arith.maximumf %max3A_888, %max3A_890 : vector<64x128xf32>
    %min3A_897 = arith.minimumf %max3A_888, %max3A_890 : vector<64x128xf32>
    %max3A_898 = arith.maximumf %min3A_889, %min3A_891 : vector<64x128xf32>
    %min3A_899 = arith.minimumf %min3A_889, %min3A_891 : vector<64x128xf32>
    %max3A_900 = arith.maximumf %max3A_892, %max3A_894 : vector<64x128xf32>
    %min3A_901 = arith.minimumf %max3A_892, %max3A_894 : vector<64x128xf32>
    %max3A_902 = arith.maximumf %min3A_893, %min3A_895 : vector<64x128xf32>
    %min3A_903 = arith.minimumf %min3A_893, %min3A_895 : vector<64x128xf32>
    %reduce_max3A_904 = arith.constant dense<0xFF800000> : vector<64xf32>
    %reduce_max3A_905 = vector.multi_reduction <maximumf>, %max3A_896, %reduce_max3A_904 [1] : vector<64x128xf32> to vector<64xf32>
    %broadcast_in_dim3A_906 = vector.shape_cast %reduce_max3A_905 : vector<64xf32> to vector<64x1xf32>
    %eq3A_907 = vector.broadcast %broadcast_in_dim3A_906 : vector<64x1xf32> to vector<64x128xf32>
    %eq3A_908 = arith.cmpf oeq, %max3A_896, %eq3A_907 : vector<64x128xf32>
    %select_n3A_909 = arith.select %eq3A_908, %min3A_897, %max3A_896 : vector<64x128xi1>, vector<64x128xf32>
    %select_n3A_910 = arith.select %eq3A_908, %max3A_898, %min3A_897 : vector<64x128xi1>, vector<64x128xf32>
    %select_n3A_911 = arith.select %eq3A_908, %min3A_899, %max3A_898 : vector<64x128xi1>, vector<64x128xf32>
    %select_n3A_912 = arith.select %eq3A_908, %max3A_900, %min3A_899 : vector<64x128xi1>, vector<64x128xf32>
    %select_n3A_913 = arith.select %eq3A_908, %min3A_901, %max3A_900 : vector<64x128xi1>, vector<64x128xf32>
    %select_n3A_914 = arith.select %eq3A_908, %max3A_902, %min3A_901 : vector<64x128xi1>, vector<64x128xf32>
    %select_n3A_915 = arith.select %eq3A_908, %min3A_903, %max3A_902 : vector<64x128xi1>, vector<64x128xf32>
    %reduce_max3A_916 = arith.constant dense<0xFF800000> : vector<64xf32>
    %reduce_max3A_917 = vector.multi_reduction <maximumf>, %select_n3A_909, %reduce_max3A_916 [1] : vector<64x128xf32> to vector<64xf32>
    %broadcast_in_dim3A_918 = vector.shape_cast %reduce_max3A_917 : vector<64xf32> to vector<64x1xf32>
    %eq3A_919 = vector.broadcast %broadcast_in_dim3A_918 : vector<64x1xf32> to vector<64x128xf32>
    %eq3A_920 = arith.cmpf oeq, %select_n3A_909, %eq3A_919 : vector<64x128xf32>
    %select_n3A_921 = arith.select %eq3A_920, %select_n3A_910, %select_n3A_909 : vector<64x128xi1>, vector<64x128xf32>
    %select_n3A_922 = arith.select %eq3A_920, %select_n3A_911, %select_n3A_910 : vector<64x128xi1>, vector<64x128xf32>
    %select_n3A_923 = arith.select %eq3A_920, %select_n3A_912, %select_n3A_911 : vector<64x128xi1>, vector<64x128xf32>
    %select_n3A_924 = arith.select %eq3A_920, %select_n3A_913, %select_n3A_912 : vector<64x128xi1>, vector<64x128xf32>
    %select_n3A_925 = arith.select %eq3A_920, %select_n3A_914, %select_n3A_913 : vector<64x128xi1>, vector<64x128xf32>
    %select_n3A_926 = arith.select %eq3A_920, %select_n3A_915, %select_n3A_914 : vector<64x128xi1>, vector<64x128xf32>
    %reduce_max3A_927 = arith.constant dense<0xFF800000> : vector<64xf32>
    %reduce_max3A_928 = vector.multi_reduction <maximumf>, %select_n3A_921, %reduce_max3A_927 [1] : vector<64x128xf32> to vector<64xf32>
    %broadcast_in_dim3A_929 = vector.shape_cast %reduce_max3A_928 : vector<64xf32> to vector<64x1xf32>
    %eq3A_930 = vector.broadcast %broadcast_in_dim3A_929 : vector<64x1xf32> to vector<64x128xf32>
    %eq3A_931 = arith.cmpf oeq, %select_n3A_921, %eq3A_930 : vector<64x128xf32>
    %select_n3A_932 = arith.select %eq3A_931, %select_n3A_922, %select_n3A_921 : vector<64x128xi1>, vector<64x128xf32>
    %select_n3A_933 = arith.select %eq3A_931, %select_n3A_923, %select_n3A_922 : vector<64x128xi1>, vector<64x128xf32>
    %select_n3A_934 = arith.select %eq3A_931, %select_n3A_924, %select_n3A_923 : vector<64x128xi1>, vector<64x128xf32>
    %select_n3A_935 = arith.select %eq3A_931, %select_n3A_925, %select_n3A_924 : vector<64x128xi1>, vector<64x128xf32>
    %select_n3A_936 = arith.select %eq3A_931, %select_n3A_926, %select_n3A_925 : vector<64x128xi1>, vector<64x128xf32>
    %reduce_max3A_937 = arith.constant dense<0xFF800000> : vector<64xf32>
    %reduce_max3A_938 = vector.multi_reduction <maximumf>, %select_n3A_932, %reduce_max3A_937 [1] : vector<64x128xf32> to vector<64xf32>
    %broadcast_in_dim3A_939 = vector.shape_cast %reduce_max3A_938 : vector<64xf32> to vector<64x1xf32>
    %eq3A_940 = vector.broadcast %broadcast_in_dim3A_939 : vector<64x1xf32> to vector<64x128xf32>
    %eq3A_941 = arith.cmpf oeq, %select_n3A_932, %eq3A_940 : vector<64x128xf32>
    %select_n3A_942 = arith.select %eq3A_941, %select_n3A_933, %select_n3A_932 : vector<64x128xi1>, vector<64x128xf32>
    %select_n3A_943 = arith.select %eq3A_941, %select_n3A_934, %select_n3A_933 : vector<64x128xi1>, vector<64x128xf32>
    %select_n3A_944 = arith.select %eq3A_941, %select_n3A_935, %select_n3A_934 : vector<64x128xi1>, vector<64x128xf32>
    %select_n3A_945 = arith.select %eq3A_941, %select_n3A_936, %select_n3A_935 : vector<64x128xi1>, vector<64x128xf32>
    %reduce_max3A_946 = arith.constant dense<0xFF800000> : vector<64xf32>
    %reduce_max3A_947 = vector.multi_reduction <maximumf>, %select_n3A_942, %reduce_max3A_946 [1] : vector<64x128xf32> to vector<64xf32>
    %broadcast_in_dim3A_948 = vector.shape_cast %reduce_max3A_947 : vector<64xf32> to vector<64x1xf32>
    %eq3A_949 = vector.broadcast %broadcast_in_dim3A_948 : vector<64x1xf32> to vector<64x128xf32>
    %eq3A_950 = arith.cmpf oeq, %select_n3A_942, %eq3A_949 : vector<64x128xf32>
    %select_n3A_951 = arith.select %eq3A_950, %select_n3A_943, %select_n3A_942 : vector<64x128xi1>, vector<64x128xf32>
    %select_n3A_952 = arith.select %eq3A_950, %select_n3A_944, %select_n3A_943 : vector<64x128xi1>, vector<64x128xf32>
    %select_n3A_953 = arith.select %eq3A_950, %select_n3A_945, %select_n3A_944 : vector<64x128xi1>, vector<64x128xf32>
    %reduce_max3A_954 = arith.constant dense<0xFF800000> : vector<64xf32>
    %reduce_max3A_955 = vector.multi_reduction <maximumf>, %select_n3A_951, %reduce_max3A_954 [1] : vector<64x128xf32> to vector<64xf32>
    %broadcast_in_dim3A_956 = vector.shape_cast %reduce_max3A_955 : vector<64xf32> to vector<64x1xf32>
    %eq3A_957 = vector.broadcast %broadcast_in_dim3A_956 : vector<64x1xf32> to vector<64x128xf32>
    %eq3A_958 = arith.cmpf oeq, %select_n3A_951, %eq3A_957 : vector<64x128xf32>
    %select_n3A_959 = arith.select %eq3A_958, %select_n3A_952, %select_n3A_951 : vector<64x128xi1>, vector<64x128xf32>
    %select_n3A_960 = arith.select %eq3A_958, %select_n3A_953, %select_n3A_952 : vector<64x128xi1>, vector<64x128xf32>
    %reduce_max3A_961 = arith.constant dense<0xFF800000> : vector<64xf32>
    %reduce_max3A_962 = vector.multi_reduction <maximumf>, %select_n3A_959, %reduce_max3A_961 [1] : vector<64x128xf32> to vector<64xf32>
    %broadcast_in_dim3A_963 = vector.shape_cast %reduce_max3A_962 : vector<64xf32> to vector<64x1xf32>
    %eq3A_964 = vector.broadcast %broadcast_in_dim3A_963 : vector<64x1xf32> to vector<64x128xf32>
    %eq3A_965 = arith.cmpf oeq, %select_n3A_959, %eq3A_964 : vector<64x128xf32>
    %select_n3A_966 = arith.select %eq3A_965, %select_n3A_960, %select_n3A_959 : vector<64x128xi1>, vector<64x128xf32>
    %reduce_max3A_967 = arith.constant dense<0xFF800000> : vector<64xf32>
    %reduce_max3A_968 = vector.multi_reduction <maximumf>, %select_n3A_966, %reduce_max3A_967 [1] : vector<64x128xf32> to vector<64xf32>
    %broadcast_in_dim3A_969 = vector.shape_cast %reduce_max3A_968 : vector<64xf32> to vector<64x1xf32>
    %slice3A_970 = vector.extract_strided_slice %dot_general3A_19 {offsets = [320, 0], sizes = [64, 128], strides = [1, 1]} : vector<1024x1024xf32> to vector<64x128xf32>
    %slice3A_971 = vector.extract_strided_slice %dot_general3A_19 {offsets = [320, 128], sizes = [64, 128], strides = [1, 1]} : vector<1024x1024xf32> to vector<64x128xf32>
    %slice3A_972 = vector.extract_strided_slice %dot_general3A_19 {offsets = [320, 256], sizes = [64, 128], strides = [1, 1]} : vector<1024x1024xf32> to vector<64x128xf32>
    %slice3A_973 = vector.extract_strided_slice %dot_general3A_19 {offsets = [320, 384], sizes = [64, 128], strides = [1, 1]} : vector<1024x1024xf32> to vector<64x128xf32>
    %slice3A_974 = vector.extract_strided_slice %dot_general3A_19 {offsets = [320, 512], sizes = [64, 128], strides = [1, 1]} : vector<1024x1024xf32> to vector<64x128xf32>
    %slice3A_975 = vector.extract_strided_slice %dot_general3A_19 {offsets = [320, 640], sizes = [64, 128], strides = [1, 1]} : vector<1024x1024xf32> to vector<64x128xf32>
    %slice3A_976 = vector.extract_strided_slice %dot_general3A_19 {offsets = [320, 768], sizes = [64, 128], strides = [1, 1]} : vector<1024x1024xf32> to vector<64x128xf32>
    %slice3A_977 = vector.extract_strided_slice %dot_general3A_19 {offsets = [320, 896], sizes = [64, 128], strides = [1, 1]} : vector<1024x1024xf32> to vector<64x128xf32>
    %slice3A_978 = vector.extract_strided_slice %dot_general3A_24 {offsets = [320, 0], sizes = [64, 128], strides = [1, 1]} : vector<1024x1024xf32> to vector<64x128xf32>
    %slice3A_979 = vector.extract_strided_slice %dot_general3A_24 {offsets = [320, 128], sizes = [64, 128], strides = [1, 1]} : vector<1024x1024xf32> to vector<64x128xf32>
    %slice3A_980 = vector.extract_strided_slice %dot_general3A_24 {offsets = [320, 256], sizes = [64, 128], strides = [1, 1]} : vector<1024x1024xf32> to vector<64x128xf32>
    %slice3A_981 = vector.extract_strided_slice %dot_general3A_24 {offsets = [320, 384], sizes = [64, 128], strides = [1, 1]} : vector<1024x1024xf32> to vector<64x128xf32>
    %slice3A_982 = vector.extract_strided_slice %dot_general3A_24 {offsets = [320, 512], sizes = [64, 128], strides = [1, 1]} : vector<1024x1024xf32> to vector<64x128xf32>
    %slice3A_983 = vector.extract_strided_slice %dot_general3A_24 {offsets = [320, 640], sizes = [64, 128], strides = [1, 1]} : vector<1024x1024xf32> to vector<64x128xf32>
    %slice3A_984 = vector.extract_strided_slice %dot_general3A_24 {offsets = [320, 768], sizes = [64, 128], strides = [1, 1]} : vector<1024x1024xf32> to vector<64x128xf32>
    %slice3A_985 = vector.extract_strided_slice %dot_general3A_24 {offsets = [320, 896], sizes = [64, 128], strides = [1, 1]} : vector<1024x1024xf32> to vector<64x128xf32>
    %max3A_986 = arith.maximumf %slice3A_970, %slice3A_971 : vector<64x128xf32>
    %min3A_987 = arith.minimumf %slice3A_970, %slice3A_971 : vector<64x128xf32>
    %max3A_988 = arith.maximumf %slice3A_972, %slice3A_973 : vector<64x128xf32>
    %min3A_989 = arith.minimumf %slice3A_972, %slice3A_973 : vector<64x128xf32>
    %max3A_990 = arith.maximumf %slice3A_974, %slice3A_975 : vector<64x128xf32>
    %min3A_991 = arith.minimumf %slice3A_974, %slice3A_975 : vector<64x128xf32>
    %max3A_992 = arith.maximumf %slice3A_976, %slice3A_977 : vector<64x128xf32>
    %min3A_993 = arith.minimumf %slice3A_976, %slice3A_977 : vector<64x128xf32>
    %max3A_994 = arith.maximumf %max3A_986, %max3A_988 : vector<64x128xf32>
    %min3A_995 = arith.minimumf %max3A_986, %max3A_988 : vector<64x128xf32>
    %max3A_996 = arith.maximumf %min3A_987, %min3A_989 : vector<64x128xf32>
    %min3A_997 = arith.minimumf %min3A_987, %min3A_989 : vector<64x128xf32>
    %max3A_998 = arith.maximumf %max3A_990, %max3A_992 : vector<64x128xf32>
    %min3A_999 = arith.minimumf %max3A_990, %max3A_992 : vector<64x128xf32>
    %max3A_1000 = arith.maximumf %min3A_991, %min3A_993 : vector<64x128xf32>
    %min3A_1001 = arith.minimumf %min3A_991, %min3A_993 : vector<64x128xf32>
    %max3A_1002 = arith.maximumf %max3A_996, %min3A_995 : vector<64x128xf32>
    %min3A_1003 = arith.minimumf %max3A_996, %min3A_995 : vector<64x128xf32>
    %max3A_1004 = arith.maximumf %max3A_1000, %min3A_999 : vector<64x128xf32>
    %min3A_1005 = arith.minimumf %max3A_1000, %min3A_999 : vector<64x128xf32>
    %max3A_1006 = arith.maximumf %max3A_994, %max3A_998 : vector<64x128xf32>
    %min3A_1007 = arith.minimumf %max3A_994, %max3A_998 : vector<64x128xf32>
    %max3A_1008 = arith.maximumf %max3A_1002, %max3A_1004 : vector<64x128xf32>
    %min3A_1009 = arith.minimumf %max3A_1002, %max3A_1004 : vector<64x128xf32>
    %max3A_1010 = arith.maximumf %min3A_1003, %min3A_1005 : vector<64x128xf32>
    %min3A_1011 = arith.minimumf %min3A_1003, %min3A_1005 : vector<64x128xf32>
    %max3A_1012 = arith.maximumf %min3A_997, %min3A_1001 : vector<64x128xf32>
    %min3A_1013 = arith.minimumf %min3A_997, %min3A_1001 : vector<64x128xf32>
    %max3A_1014 = arith.maximumf %max3A_1010, %min3A_1007 : vector<64x128xf32>
    %min3A_1015 = arith.minimumf %max3A_1010, %min3A_1007 : vector<64x128xf32>
    %max3A_1016 = arith.maximumf %max3A_1012, %min3A_1009 : vector<64x128xf32>
    %min3A_1017 = arith.minimumf %max3A_1012, %min3A_1009 : vector<64x128xf32>
    %max3A_1018 = arith.maximumf %max3A_1008, %max3A_1014 : vector<64x128xf32>
    %min3A_1019 = arith.minimumf %max3A_1008, %max3A_1014 : vector<64x128xf32>
    %max3A_1020 = arith.maximumf %max3A_1016, %min3A_1015 : vector<64x128xf32>
    %min3A_1021 = arith.minimumf %max3A_1016, %min3A_1015 : vector<64x128xf32>
    %max3A_1022 = arith.maximumf %min3A_1017, %min3A_1011 : vector<64x128xf32>
    %min3A_1023 = arith.minimumf %min3A_1017, %min3A_1011 : vector<64x128xf32>
    %max3A_1024 = arith.maximumf %slice3A_978, %slice3A_979 : vector<64x128xf32>
    %min3A_1025 = arith.minimumf %slice3A_978, %slice3A_979 : vector<64x128xf32>
    %max3A_1026 = arith.maximumf %slice3A_980, %slice3A_981 : vector<64x128xf32>
    %min3A_1027 = arith.minimumf %slice3A_980, %slice3A_981 : vector<64x128xf32>
    %max3A_1028 = arith.maximumf %slice3A_982, %slice3A_983 : vector<64x128xf32>
    %min3A_1029 = arith.minimumf %slice3A_982, %slice3A_983 : vector<64x128xf32>
    %max3A_1030 = arith.maximumf %slice3A_984, %slice3A_985 : vector<64x128xf32>
    %min3A_1031 = arith.minimumf %slice3A_984, %slice3A_985 : vector<64x128xf32>
    %max3A_1032 = arith.maximumf %max3A_1024, %max3A_1026 : vector<64x128xf32>
    %min3A_1033 = arith.minimumf %max3A_1024, %max3A_1026 : vector<64x128xf32>
    %max3A_1034 = arith.maximumf %min3A_1025, %min3A_1027 : vector<64x128xf32>
    %min3A_1035 = arith.minimumf %min3A_1025, %min3A_1027 : vector<64x128xf32>
    %max3A_1036 = arith.maximumf %max3A_1028, %max3A_1030 : vector<64x128xf32>
    %min3A_1037 = arith.minimumf %max3A_1028, %max3A_1030 : vector<64x128xf32>
    %max3A_1038 = arith.maximumf %min3A_1029, %min3A_1031 : vector<64x128xf32>
    %min3A_1039 = arith.minimumf %min3A_1029, %min3A_1031 : vector<64x128xf32>
    %max3A_1040 = arith.maximumf %max3A_1034, %min3A_1033 : vector<64x128xf32>
    %min3A_1041 = arith.minimumf %max3A_1034, %min3A_1033 : vector<64x128xf32>
    %max3A_1042 = arith.maximumf %max3A_1038, %min3A_1037 : vector<64x128xf32>
    %min3A_1043 = arith.minimumf %max3A_1038, %min3A_1037 : vector<64x128xf32>
    %max3A_1044 = arith.maximumf %max3A_1032, %max3A_1036 : vector<64x128xf32>
    %min3A_1045 = arith.minimumf %max3A_1032, %max3A_1036 : vector<64x128xf32>
    %max3A_1046 = arith.maximumf %max3A_1040, %max3A_1042 : vector<64x128xf32>
    %min3A_1047 = arith.minimumf %max3A_1040, %max3A_1042 : vector<64x128xf32>
    %max3A_1048 = arith.maximumf %min3A_1041, %min3A_1043 : vector<64x128xf32>
    %min3A_1049 = arith.minimumf %min3A_1041, %min3A_1043 : vector<64x128xf32>
    %max3A_1050 = arith.maximumf %min3A_1035, %min3A_1039 : vector<64x128xf32>
    %min3A_1051 = arith.minimumf %min3A_1035, %min3A_1039 : vector<64x128xf32>
    %max3A_1052 = arith.maximumf %max3A_1048, %min3A_1045 : vector<64x128xf32>
    %min3A_1053 = arith.minimumf %max3A_1048, %min3A_1045 : vector<64x128xf32>
    %max3A_1054 = arith.maximumf %max3A_1050, %min3A_1047 : vector<64x128xf32>
    %min3A_1055 = arith.minimumf %max3A_1050, %min3A_1047 : vector<64x128xf32>
    %max3A_1056 = arith.maximumf %max3A_1046, %max3A_1052 : vector<64x128xf32>
    %min3A_1057 = arith.minimumf %max3A_1046, %max3A_1052 : vector<64x128xf32>
    %max3A_1058 = arith.maximumf %max3A_1054, %min3A_1053 : vector<64x128xf32>
    %min3A_1059 = arith.minimumf %max3A_1054, %min3A_1053 : vector<64x128xf32>
    %max3A_1060 = arith.maximumf %min3A_1055, %min3A_1049 : vector<64x128xf32>
    %min3A_1061 = arith.minimumf %min3A_1055, %min3A_1049 : vector<64x128xf32>
    %max3A_1062 = arith.maximumf %max3A_1006, %min3A_1051 : vector<64x128xf32>
    %max3A_1063 = arith.maximumf %max3A_1018, %min3A_1061 : vector<64x128xf32>
    %max3A_1064 = arith.maximumf %min3A_1019, %max3A_1060 : vector<64x128xf32>
    %max3A_1065 = arith.maximumf %max3A_1020, %min3A_1059 : vector<64x128xf32>
    %max3A_1066 = arith.maximumf %min3A_1021, %max3A_1058 : vector<64x128xf32>
    %max3A_1067 = arith.maximumf %max3A_1022, %min3A_1057 : vector<64x128xf32>
    %max3A_1068 = arith.maximumf %min3A_1023, %max3A_1056 : vector<64x128xf32>
    %max3A_1069 = arith.maximumf %min3A_1013, %max3A_1044 : vector<64x128xf32>
    %max3A_1070 = arith.maximumf %max3A_1062, %max3A_1066 : vector<64x128xf32>
    %min3A_1071 = arith.minimumf %max3A_1062, %max3A_1066 : vector<64x128xf32>
    %max3A_1072 = arith.maximumf %max3A_1063, %max3A_1067 : vector<64x128xf32>
    %min3A_1073 = arith.minimumf %max3A_1063, %max3A_1067 : vector<64x128xf32>
    %max3A_1074 = arith.maximumf %max3A_1064, %max3A_1068 : vector<64x128xf32>
    %min3A_1075 = arith.minimumf %max3A_1064, %max3A_1068 : vector<64x128xf32>
    %max3A_1076 = arith.maximumf %max3A_1065, %max3A_1069 : vector<64x128xf32>
    %min3A_1077 = arith.minimumf %max3A_1065, %max3A_1069 : vector<64x128xf32>
    %max3A_1078 = arith.maximumf %max3A_1070, %max3A_1074 : vector<64x128xf32>
    %min3A_1079 = arith.minimumf %max3A_1070, %max3A_1074 : vector<64x128xf32>
    %max3A_1080 = arith.maximumf %max3A_1072, %max3A_1076 : vector<64x128xf32>
    %min3A_1081 = arith.minimumf %max3A_1072, %max3A_1076 : vector<64x128xf32>
    %max3A_1082 = arith.maximumf %min3A_1071, %min3A_1075 : vector<64x128xf32>
    %min3A_1083 = arith.minimumf %min3A_1071, %min3A_1075 : vector<64x128xf32>
    %max3A_1084 = arith.maximumf %min3A_1073, %min3A_1077 : vector<64x128xf32>
    %min3A_1085 = arith.minimumf %min3A_1073, %min3A_1077 : vector<64x128xf32>
    %max3A_1086 = arith.maximumf %max3A_1078, %max3A_1080 : vector<64x128xf32>
    %min3A_1087 = arith.minimumf %max3A_1078, %max3A_1080 : vector<64x128xf32>
    %max3A_1088 = arith.maximumf %min3A_1079, %min3A_1081 : vector<64x128xf32>
    %min3A_1089 = arith.minimumf %min3A_1079, %min3A_1081 : vector<64x128xf32>
    %max3A_1090 = arith.maximumf %max3A_1082, %max3A_1084 : vector<64x128xf32>
    %min3A_1091 = arith.minimumf %max3A_1082, %max3A_1084 : vector<64x128xf32>
    %max3A_1092 = arith.maximumf %min3A_1083, %min3A_1085 : vector<64x128xf32>
    %min3A_1093 = arith.minimumf %min3A_1083, %min3A_1085 : vector<64x128xf32>
    %reduce_max3A_1094 = arith.constant dense<0xFF800000> : vector<64xf32>
    %reduce_max3A_1095 = vector.multi_reduction <maximumf>, %max3A_1086, %reduce_max3A_1094 [1] : vector<64x128xf32> to vector<64xf32>
    %broadcast_in_dim3A_1096 = vector.shape_cast %reduce_max3A_1095 : vector<64xf32> to vector<64x1xf32>
    %eq3A_1097 = vector.broadcast %broadcast_in_dim3A_1096 : vector<64x1xf32> to vector<64x128xf32>
    %eq3A_1098 = arith.cmpf oeq, %max3A_1086, %eq3A_1097 : vector<64x128xf32>
    %select_n3A_1099 = arith.select %eq3A_1098, %min3A_1087, %max3A_1086 : vector<64x128xi1>, vector<64x128xf32>
    %select_n3A_1100 = arith.select %eq3A_1098, %max3A_1088, %min3A_1087 : vector<64x128xi1>, vector<64x128xf32>
    %select_n3A_1101 = arith.select %eq3A_1098, %min3A_1089, %max3A_1088 : vector<64x128xi1>, vector<64x128xf32>
    %select_n3A_1102 = arith.select %eq3A_1098, %max3A_1090, %min3A_1089 : vector<64x128xi1>, vector<64x128xf32>
    %select_n3A_1103 = arith.select %eq3A_1098, %min3A_1091, %max3A_1090 : vector<64x128xi1>, vector<64x128xf32>
    %select_n3A_1104 = arith.select %eq3A_1098, %max3A_1092, %min3A_1091 : vector<64x128xi1>, vector<64x128xf32>
    %select_n3A_1105 = arith.select %eq3A_1098, %min3A_1093, %max3A_1092 : vector<64x128xi1>, vector<64x128xf32>
    %reduce_max3A_1106 = arith.constant dense<0xFF800000> : vector<64xf32>
    %reduce_max3A_1107 = vector.multi_reduction <maximumf>, %select_n3A_1099, %reduce_max3A_1106 [1] : vector<64x128xf32> to vector<64xf32>
    %broadcast_in_dim3A_1108 = vector.shape_cast %reduce_max3A_1107 : vector<64xf32> to vector<64x1xf32>
    %eq3A_1109 = vector.broadcast %broadcast_in_dim3A_1108 : vector<64x1xf32> to vector<64x128xf32>
    %eq3A_1110 = arith.cmpf oeq, %select_n3A_1099, %eq3A_1109 : vector<64x128xf32>
    %select_n3A_1111 = arith.select %eq3A_1110, %select_n3A_1100, %select_n3A_1099 : vector<64x128xi1>, vector<64x128xf32>
    %select_n3A_1112 = arith.select %eq3A_1110, %select_n3A_1101, %select_n3A_1100 : vector<64x128xi1>, vector<64x128xf32>
    %select_n3A_1113 = arith.select %eq3A_1110, %select_n3A_1102, %select_n3A_1101 : vector<64x128xi1>, vector<64x128xf32>
    %select_n3A_1114 = arith.select %eq3A_1110, %select_n3A_1103, %select_n3A_1102 : vector<64x128xi1>, vector<64x128xf32>
    %select_n3A_1115 = arith.select %eq3A_1110, %select_n3A_1104, %select_n3A_1103 : vector<64x128xi1>, vector<64x128xf32>
    %select_n3A_1116 = arith.select %eq3A_1110, %select_n3A_1105, %select_n3A_1104 : vector<64x128xi1>, vector<64x128xf32>
    %reduce_max3A_1117 = arith.constant dense<0xFF800000> : vector<64xf32>
    %reduce_max3A_1118 = vector.multi_reduction <maximumf>, %select_n3A_1111, %reduce_max3A_1117 [1] : vector<64x128xf32> to vector<64xf32>
    %broadcast_in_dim3A_1119 = vector.shape_cast %reduce_max3A_1118 : vector<64xf32> to vector<64x1xf32>
    %eq3A_1120 = vector.broadcast %broadcast_in_dim3A_1119 : vector<64x1xf32> to vector<64x128xf32>
    %eq3A_1121 = arith.cmpf oeq, %select_n3A_1111, %eq3A_1120 : vector<64x128xf32>
    %select_n3A_1122 = arith.select %eq3A_1121, %select_n3A_1112, %select_n3A_1111 : vector<64x128xi1>, vector<64x128xf32>
    %select_n3A_1123 = arith.select %eq3A_1121, %select_n3A_1113, %select_n3A_1112 : vector<64x128xi1>, vector<64x128xf32>
    %select_n3A_1124 = arith.select %eq3A_1121, %select_n3A_1114, %select_n3A_1113 : vector<64x128xi1>, vector<64x128xf32>
    %select_n3A_1125 = arith.select %eq3A_1121, %select_n3A_1115, %select_n3A_1114 : vector<64x128xi1>, vector<64x128xf32>
    %select_n3A_1126 = arith.select %eq3A_1121, %select_n3A_1116, %select_n3A_1115 : vector<64x128xi1>, vector<64x128xf32>
    %reduce_max3A_1127 = arith.constant dense<0xFF800000> : vector<64xf32>
    %reduce_max3A_1128 = vector.multi_reduction <maximumf>, %select_n3A_1122, %reduce_max3A_1127 [1] : vector<64x128xf32> to vector<64xf32>
    %broadcast_in_dim3A_1129 = vector.shape_cast %reduce_max3A_1128 : vector<64xf32> to vector<64x1xf32>
    %eq3A_1130 = vector.broadcast %broadcast_in_dim3A_1129 : vector<64x1xf32> to vector<64x128xf32>
    %eq3A_1131 = arith.cmpf oeq, %select_n3A_1122, %eq3A_1130 : vector<64x128xf32>
    %select_n3A_1132 = arith.select %eq3A_1131, %select_n3A_1123, %select_n3A_1122 : vector<64x128xi1>, vector<64x128xf32>
    %select_n3A_1133 = arith.select %eq3A_1131, %select_n3A_1124, %select_n3A_1123 : vector<64x128xi1>, vector<64x128xf32>
    %select_n3A_1134 = arith.select %eq3A_1131, %select_n3A_1125, %select_n3A_1124 : vector<64x128xi1>, vector<64x128xf32>
    %select_n3A_1135 = arith.select %eq3A_1131, %select_n3A_1126, %select_n3A_1125 : vector<64x128xi1>, vector<64x128xf32>
    %reduce_max3A_1136 = arith.constant dense<0xFF800000> : vector<64xf32>
    %reduce_max3A_1137 = vector.multi_reduction <maximumf>, %select_n3A_1132, %reduce_max3A_1136 [1] : vector<64x128xf32> to vector<64xf32>
    %broadcast_in_dim3A_1138 = vector.shape_cast %reduce_max3A_1137 : vector<64xf32> to vector<64x1xf32>
    %eq3A_1139 = vector.broadcast %broadcast_in_dim3A_1138 : vector<64x1xf32> to vector<64x128xf32>
    %eq3A_1140 = arith.cmpf oeq, %select_n3A_1132, %eq3A_1139 : vector<64x128xf32>
    %select_n3A_1141 = arith.select %eq3A_1140, %select_n3A_1133, %select_n3A_1132 : vector<64x128xi1>, vector<64x128xf32>
    %select_n3A_1142 = arith.select %eq3A_1140, %select_n3A_1134, %select_n3A_1133 : vector<64x128xi1>, vector<64x128xf32>
    %select_n3A_1143 = arith.select %eq3A_1140, %select_n3A_1135, %select_n3A_1134 : vector<64x128xi1>, vector<64x128xf32>
    %reduce_max3A_1144 = arith.constant dense<0xFF800000> : vector<64xf32>
    %reduce_max3A_1145 = vector.multi_reduction <maximumf>, %select_n3A_1141, %reduce_max3A_1144 [1] : vector<64x128xf32> to vector<64xf32>
    %broadcast_in_dim3A_1146 = vector.shape_cast %reduce_max3A_1145 : vector<64xf32> to vector<64x1xf32>
    %eq3A_1147 = vector.broadcast %broadcast_in_dim3A_1146 : vector<64x1xf32> to vector<64x128xf32>
    %eq3A_1148 = arith.cmpf oeq, %select_n3A_1141, %eq3A_1147 : vector<64x128xf32>
    %select_n3A_1149 = arith.select %eq3A_1148, %select_n3A_1142, %select_n3A_1141 : vector<64x128xi1>, vector<64x128xf32>
    %select_n3A_1150 = arith.select %eq3A_1148, %select_n3A_1143, %select_n3A_1142 : vector<64x128xi1>, vector<64x128xf32>
    %reduce_max3A_1151 = arith.constant dense<0xFF800000> : vector<64xf32>
    %reduce_max3A_1152 = vector.multi_reduction <maximumf>, %select_n3A_1149, %reduce_max3A_1151 [1] : vector<64x128xf32> to vector<64xf32>
    %broadcast_in_dim3A_1153 = vector.shape_cast %reduce_max3A_1152 : vector<64xf32> to vector<64x1xf32>
    %eq3A_1154 = vector.broadcast %broadcast_in_dim3A_1153 : vector<64x1xf32> to vector<64x128xf32>
    %eq3A_1155 = arith.cmpf oeq, %select_n3A_1149, %eq3A_1154 : vector<64x128xf32>
    %select_n3A_1156 = arith.select %eq3A_1155, %select_n3A_1150, %select_n3A_1149 : vector<64x128xi1>, vector<64x128xf32>
    %reduce_max3A_1157 = arith.constant dense<0xFF800000> : vector<64xf32>
    %reduce_max3A_1158 = vector.multi_reduction <maximumf>, %select_n3A_1156, %reduce_max3A_1157 [1] : vector<64x128xf32> to vector<64xf32>
    %broadcast_in_dim3A_1159 = vector.shape_cast %reduce_max3A_1158 : vector<64xf32> to vector<64x1xf32>
    %slice3A_1160 = vector.extract_strided_slice %dot_general3A_19 {offsets = [384, 0], sizes = [64, 128], strides = [1, 1]} : vector<1024x1024xf32> to vector<64x128xf32>
    %slice3A_1161 = vector.extract_strided_slice %dot_general3A_19 {offsets = [384, 128], sizes = [64, 128], strides = [1, 1]} : vector<1024x1024xf32> to vector<64x128xf32>
    %slice3A_1162 = vector.extract_strided_slice %dot_general3A_19 {offsets = [384, 256], sizes = [64, 128], strides = [1, 1]} : vector<1024x1024xf32> to vector<64x128xf32>
    %slice3A_1163 = vector.extract_strided_slice %dot_general3A_19 {offsets = [384, 384], sizes = [64, 128], strides = [1, 1]} : vector<1024x1024xf32> to vector<64x128xf32>
    %slice3A_1164 = vector.extract_strided_slice %dot_general3A_19 {offsets = [384, 512], sizes = [64, 128], strides = [1, 1]} : vector<1024x1024xf32> to vector<64x128xf32>
    %slice3A_1165 = vector.extract_strided_slice %dot_general3A_19 {offsets = [384, 640], sizes = [64, 128], strides = [1, 1]} : vector<1024x1024xf32> to vector<64x128xf32>
    %slice3A_1166 = vector.extract_strided_slice %dot_general3A_19 {offsets = [384, 768], sizes = [64, 128], strides = [1, 1]} : vector<1024x1024xf32> to vector<64x128xf32>
    %slice3A_1167 = vector.extract_strided_slice %dot_general3A_19 {offsets = [384, 896], sizes = [64, 128], strides = [1, 1]} : vector<1024x1024xf32> to vector<64x128xf32>
    %slice3A_1168 = vector.extract_strided_slice %dot_general3A_24 {offsets = [384, 0], sizes = [64, 128], strides = [1, 1]} : vector<1024x1024xf32> to vector<64x128xf32>
    %slice3A_1169 = vector.extract_strided_slice %dot_general3A_24 {offsets = [384, 128], sizes = [64, 128], strides = [1, 1]} : vector<1024x1024xf32> to vector<64x128xf32>
    %slice3A_1170 = vector.extract_strided_slice %dot_general3A_24 {offsets = [384, 256], sizes = [64, 128], strides = [1, 1]} : vector<1024x1024xf32> to vector<64x128xf32>
    %slice3A_1171 = vector.extract_strided_slice %dot_general3A_24 {offsets = [384, 384], sizes = [64, 128], strides = [1, 1]} : vector<1024x1024xf32> to vector<64x128xf32>
    %slice3A_1172 = vector.extract_strided_slice %dot_general3A_24 {offsets = [384, 512], sizes = [64, 128], strides = [1, 1]} : vector<1024x1024xf32> to vector<64x128xf32>
    %slice3A_1173 = vector.extract_strided_slice %dot_general3A_24 {offsets = [384, 640], sizes = [64, 128], strides = [1, 1]} : vector<1024x1024xf32> to vector<64x128xf32>
    %slice3A_1174 = vector.extract_strided_slice %dot_general3A_24 {offsets = [384, 768], sizes = [64, 128], strides = [1, 1]} : vector<1024x1024xf32> to vector<64x128xf32>
    %slice3A_1175 = vector.extract_strided_slice %dot_general3A_24 {offsets = [384, 896], sizes = [64, 128], strides = [1, 1]} : vector<1024x1024xf32> to vector<64x128xf32>
    %max3A_1176 = arith.maximumf %slice3A_1160, %slice3A_1161 : vector<64x128xf32>
    %min3A_1177 = arith.minimumf %slice3A_1160, %slice3A_1161 : vector<64x128xf32>
    %max3A_1178 = arith.maximumf %slice3A_1162, %slice3A_1163 : vector<64x128xf32>
    %min3A_1179 = arith.minimumf %slice3A_1162, %slice3A_1163 : vector<64x128xf32>
    %max3A_1180 = arith.maximumf %slice3A_1164, %slice3A_1165 : vector<64x128xf32>
    %min3A_1181 = arith.minimumf %slice3A_1164, %slice3A_1165 : vector<64x128xf32>
    %max3A_1182 = arith.maximumf %slice3A_1166, %slice3A_1167 : vector<64x128xf32>
    %min3A_1183 = arith.minimumf %slice3A_1166, %slice3A_1167 : vector<64x128xf32>
    %max3A_1184 = arith.maximumf %max3A_1176, %max3A_1178 : vector<64x128xf32>
    %min3A_1185 = arith.minimumf %max3A_1176, %max3A_1178 : vector<64x128xf32>
    %max3A_1186 = arith.maximumf %min3A_1177, %min3A_1179 : vector<64x128xf32>
    %min3A_1187 = arith.minimumf %min3A_1177, %min3A_1179 : vector<64x128xf32>
    %max3A_1188 = arith.maximumf %max3A_1180, %max3A_1182 : vector<64x128xf32>
    %min3A_1189 = arith.minimumf %max3A_1180, %max3A_1182 : vector<64x128xf32>
    %max3A_1190 = arith.maximumf %min3A_1181, %min3A_1183 : vector<64x128xf32>
    %min3A_1191 = arith.minimumf %min3A_1181, %min3A_1183 : vector<64x128xf32>
    %max3A_1192 = arith.maximumf %max3A_1186, %min3A_1185 : vector<64x128xf32>
    %min3A_1193 = arith.minimumf %max3A_1186, %min3A_1185 : vector<64x128xf32>
    %max3A_1194 = arith.maximumf %max3A_1190, %min3A_1189 : vector<64x128xf32>
    %min3A_1195 = arith.minimumf %max3A_1190, %min3A_1189 : vector<64x128xf32>
    %max3A_1196 = arith.maximumf %max3A_1184, %max3A_1188 : vector<64x128xf32>
    %min3A_1197 = arith.minimumf %max3A_1184, %max3A_1188 : vector<64x128xf32>
    %max3A_1198 = arith.maximumf %max3A_1192, %max3A_1194 : vector<64x128xf32>
    %min3A_1199 = arith.minimumf %max3A_1192, %max3A_1194 : vector<64x128xf32>
    %max3A_1200 = arith.maximumf %min3A_1193, %min3A_1195 : vector<64x128xf32>
    %min3A_1201 = arith.minimumf %min3A_1193, %min3A_1195 : vector<64x128xf32>
    %max3A_1202 = arith.maximumf %min3A_1187, %min3A_1191 : vector<64x128xf32>
    %min3A_1203 = arith.minimumf %min3A_1187, %min3A_1191 : vector<64x128xf32>
    %max3A_1204 = arith.maximumf %max3A_1200, %min3A_1197 : vector<64x128xf32>
    %min3A_1205 = arith.minimumf %max3A_1200, %min3A_1197 : vector<64x128xf32>
    %max3A_1206 = arith.maximumf %max3A_1202, %min3A_1199 : vector<64x128xf32>
    %min3A_1207 = arith.minimumf %max3A_1202, %min3A_1199 : vector<64x128xf32>
    %max3A_1208 = arith.maximumf %max3A_1198, %max3A_1204 : vector<64x128xf32>
    %min3A_1209 = arith.minimumf %max3A_1198, %max3A_1204 : vector<64x128xf32>
    %max3A_1210 = arith.maximumf %max3A_1206, %min3A_1205 : vector<64x128xf32>
    %min3A_1211 = arith.minimumf %max3A_1206, %min3A_1205 : vector<64x128xf32>
    %max3A_1212 = arith.maximumf %min3A_1207, %min3A_1201 : vector<64x128xf32>
    %min3A_1213 = arith.minimumf %min3A_1207, %min3A_1201 : vector<64x128xf32>
    %max3A_1214 = arith.maximumf %slice3A_1168, %slice3A_1169 : vector<64x128xf32>
    %min3A_1215 = arith.minimumf %slice3A_1168, %slice3A_1169 : vector<64x128xf32>
    %max3A_1216 = arith.maximumf %slice3A_1170, %slice3A_1171 : vector<64x128xf32>
    %min3A_1217 = arith.minimumf %slice3A_1170, %slice3A_1171 : vector<64x128xf32>
    %max3A_1218 = arith.maximumf %slice3A_1172, %slice3A_1173 : vector<64x128xf32>
    %min3A_1219 = arith.minimumf %slice3A_1172, %slice3A_1173 : vector<64x128xf32>
    %max3A_1220 = arith.maximumf %slice3A_1174, %slice3A_1175 : vector<64x128xf32>
    %min3A_1221 = arith.minimumf %slice3A_1174, %slice3A_1175 : vector<64x128xf32>
    %max3A_1222 = arith.maximumf %max3A_1214, %max3A_1216 : vector<64x128xf32>
    %min3A_1223 = arith.minimumf %max3A_1214, %max3A_1216 : vector<64x128xf32>
    %max3A_1224 = arith.maximumf %min3A_1215, %min3A_1217 : vector<64x128xf32>
    %min3A_1225 = arith.minimumf %min3A_1215, %min3A_1217 : vector<64x128xf32>
    %max3A_1226 = arith.maximumf %max3A_1218, %max3A_1220 : vector<64x128xf32>
    %min3A_1227 = arith.minimumf %max3A_1218, %max3A_1220 : vector<64x128xf32>
    %max3A_1228 = arith.maximumf %min3A_1219, %min3A_1221 : vector<64x128xf32>
    %min3A_1229 = arith.minimumf %min3A_1219, %min3A_1221 : vector<64x128xf32>
    %max3A_1230 = arith.maximumf %max3A_1224, %min3A_1223 : vector<64x128xf32>
    %min3A_1231 = arith.minimumf %max3A_1224, %min3A_1223 : vector<64x128xf32>
    %max3A_1232 = arith.maximumf %max3A_1228, %min3A_1227 : vector<64x128xf32>
    %min3A_1233 = arith.minimumf %max3A_1228, %min3A_1227 : vector<64x128xf32>
    %max3A_1234 = arith.maximumf %max3A_1222, %max3A_1226 : vector<64x128xf32>
    %min3A_1235 = arith.minimumf %max3A_1222, %max3A_1226 : vector<64x128xf32>
    %max3A_1236 = arith.maximumf %max3A_1230, %max3A_1232 : vector<64x128xf32>
    %min3A_1237 = arith.minimumf %max3A_1230, %max3A_1232 : vector<64x128xf32>
    %max3A_1238 = arith.maximumf %min3A_1231, %min3A_1233 : vector<64x128xf32>
    %min3A_1239 = arith.minimumf %min3A_1231, %min3A_1233 : vector<64x128xf32>
    %max3A_1240 = arith.maximumf %min3A_1225, %min3A_1229 : vector<64x128xf32>
    %min3A_1241 = arith.minimumf %min3A_1225, %min3A_1229 : vector<64x128xf32>
    %max3A_1242 = arith.maximumf %max3A_1238, %min3A_1235 : vector<64x128xf32>
    %min3A_1243 = arith.minimumf %max3A_1238, %min3A_1235 : vector<64x128xf32>
    %max3A_1244 = arith.maximumf %max3A_1240, %min3A_1237 : vector<64x128xf32>
    %min3A_1245 = arith.minimumf %max3A_1240, %min3A_1237 : vector<64x128xf32>
    %max3A_1246 = arith.maximumf %max3A_1236, %max3A_1242 : vector<64x128xf32>
    %min3A_1247 = arith.minimumf %max3A_1236, %max3A_1242 : vector<64x128xf32>
    %max3A_1248 = arith.maximumf %max3A_1244, %min3A_1243 : vector<64x128xf32>
    %min3A_1249 = arith.minimumf %max3A_1244, %min3A_1243 : vector<64x128xf32>
    %max3A_1250 = arith.maximumf %min3A_1245, %min3A_1239 : vector<64x128xf32>
    %min3A_1251 = arith.minimumf %min3A_1245, %min3A_1239 : vector<64x128xf32>
    %max3A_1252 = arith.maximumf %max3A_1196, %min3A_1241 : vector<64x128xf32>
    %max3A_1253 = arith.maximumf %max3A_1208, %min3A_1251 : vector<64x128xf32>
    %max3A_1254 = arith.maximumf %min3A_1209, %max3A_1250 : vector<64x128xf32>
    %max3A_1255 = arith.maximumf %max3A_1210, %min3A_1249 : vector<64x128xf32>
    %max3A_1256 = arith.maximumf %min3A_1211, %max3A_1248 : vector<64x128xf32>
    %max3A_1257 = arith.maximumf %max3A_1212, %min3A_1247 : vector<64x128xf32>
    %max3A_1258 = arith.maximumf %min3A_1213, %max3A_1246 : vector<64x128xf32>
    %max3A_1259 = arith.maximumf %min3A_1203, %max3A_1234 : vector<64x128xf32>
    %max3A_1260 = arith.maximumf %max3A_1252, %max3A_1256 : vector<64x128xf32>
    %min3A_1261 = arith.minimumf %max3A_1252, %max3A_1256 : vector<64x128xf32>
    %max3A_1262 = arith.maximumf %max3A_1253, %max3A_1257 : vector<64x128xf32>
    %min3A_1263 = arith.minimumf %max3A_1253, %max3A_1257 : vector<64x128xf32>
    %max3A_1264 = arith.maximumf %max3A_1254, %max3A_1258 : vector<64x128xf32>
    %min3A_1265 = arith.minimumf %max3A_1254, %max3A_1258 : vector<64x128xf32>
    %max3A_1266 = arith.maximumf %max3A_1255, %max3A_1259 : vector<64x128xf32>
    %min3A_1267 = arith.minimumf %max3A_1255, %max3A_1259 : vector<64x128xf32>
    %max3A_1268 = arith.maximumf %max3A_1260, %max3A_1264 : vector<64x128xf32>
    %min3A_1269 = arith.minimumf %max3A_1260, %max3A_1264 : vector<64x128xf32>
    %max3A_1270 = arith.maximumf %max3A_1262, %max3A_1266 : vector<64x128xf32>
    %min3A_1271 = arith.minimumf %max3A_1262, %max3A_1266 : vector<64x128xf32>
    %max3A_1272 = arith.maximumf %min3A_1261, %min3A_1265 : vector<64x128xf32>
    %min3A_1273 = arith.minimumf %min3A_1261, %min3A_1265 : vector<64x128xf32>
    %max3A_1274 = arith.maximumf %min3A_1263, %min3A_1267 : vector<64x128xf32>
    %min3A_1275 = arith.minimumf %min3A_1263, %min3A_1267 : vector<64x128xf32>
    %max3A_1276 = arith.maximumf %max3A_1268, %max3A_1270 : vector<64x128xf32>
    %min3A_1277 = arith.minimumf %max3A_1268, %max3A_1270 : vector<64x128xf32>
    %max3A_1278 = arith.maximumf %min3A_1269, %min3A_1271 : vector<64x128xf32>
    %min3A_1279 = arith.minimumf %min3A_1269, %min3A_1271 : vector<64x128xf32>
    %max3A_1280 = arith.maximumf %max3A_1272, %max3A_1274 : vector<64x128xf32>
    %min3A_1281 = arith.minimumf %max3A_1272, %max3A_1274 : vector<64x128xf32>
    %max3A_1282 = arith.maximumf %min3A_1273, %min3A_1275 : vector<64x128xf32>
    %min3A_1283 = arith.minimumf %min3A_1273, %min3A_1275 : vector<64x128xf32>
    %reduce_max3A_1284 = arith.constant dense<0xFF800000> : vector<64xf32>
    %reduce_max3A_1285 = vector.multi_reduction <maximumf>, %max3A_1276, %reduce_max3A_1284 [1] : vector<64x128xf32> to vector<64xf32>
    %broadcast_in_dim3A_1286 = vector.shape_cast %reduce_max3A_1285 : vector<64xf32> to vector<64x1xf32>
    %eq3A_1287 = vector.broadcast %broadcast_in_dim3A_1286 : vector<64x1xf32> to vector<64x128xf32>
    %eq3A_1288 = arith.cmpf oeq, %max3A_1276, %eq3A_1287 : vector<64x128xf32>
    %select_n3A_1289 = arith.select %eq3A_1288, %min3A_1277, %max3A_1276 : vector<64x128xi1>, vector<64x128xf32>
    %select_n3A_1290 = arith.select %eq3A_1288, %max3A_1278, %min3A_1277 : vector<64x128xi1>, vector<64x128xf32>
    %select_n3A_1291 = arith.select %eq3A_1288, %min3A_1279, %max3A_1278 : vector<64x128xi1>, vector<64x128xf32>
    %select_n3A_1292 = arith.select %eq3A_1288, %max3A_1280, %min3A_1279 : vector<64x128xi1>, vector<64x128xf32>
    %select_n3A_1293 = arith.select %eq3A_1288, %min3A_1281, %max3A_1280 : vector<64x128xi1>, vector<64x128xf32>
    %select_n3A_1294 = arith.select %eq3A_1288, %max3A_1282, %min3A_1281 : vector<64x128xi1>, vector<64x128xf32>
    %select_n3A_1295 = arith.select %eq3A_1288, %min3A_1283, %max3A_1282 : vector<64x128xi1>, vector<64x128xf32>
    %reduce_max3A_1296 = arith.constant dense<0xFF800000> : vector<64xf32>
    %reduce_max3A_1297 = vector.multi_reduction <maximumf>, %select_n3A_1289, %reduce_max3A_1296 [1] : vector<64x128xf32> to vector<64xf32>
    %broadcast_in_dim3A_1298 = vector.shape_cast %reduce_max3A_1297 : vector<64xf32> to vector<64x1xf32>
    %eq3A_1299 = vector.broadcast %broadcast_in_dim3A_1298 : vector<64x1xf32> to vector<64x128xf32>
    %eq3A_1300 = arith.cmpf oeq, %select_n3A_1289, %eq3A_1299 : vector<64x128xf32>
    %select_n3A_1301 = arith.select %eq3A_1300, %select_n3A_1290, %select_n3A_1289 : vector<64x128xi1>, vector<64x128xf32>
    %select_n3A_1302 = arith.select %eq3A_1300, %select_n3A_1291, %select_n3A_1290 : vector<64x128xi1>, vector<64x128xf32>
    %select_n3A_1303 = arith.select %eq3A_1300, %select_n3A_1292, %select_n3A_1291 : vector<64x128xi1>, vector<64x128xf32>
    %select_n3A_1304 = arith.select %eq3A_1300, %select_n3A_1293, %select_n3A_1292 : vector<64x128xi1>, vector<64x128xf32>
    %select_n3A_1305 = arith.select %eq3A_1300, %select_n3A_1294, %select_n3A_1293 : vector<64x128xi1>, vector<64x128xf32>
    %select_n3A_1306 = arith.select %eq3A_1300, %select_n3A_1295, %select_n3A_1294 : vector<64x128xi1>, vector<64x128xf32>
    %reduce_max3A_1307 = arith.constant dense<0xFF800000> : vector<64xf32>
    %reduce_max3A_1308 = vector.multi_reduction <maximumf>, %select_n3A_1301, %reduce_max3A_1307 [1] : vector<64x128xf32> to vector<64xf32>
    %broadcast_in_dim3A_1309 = vector.shape_cast %reduce_max3A_1308 : vector<64xf32> to vector<64x1xf32>
    %eq3A_1310 = vector.broadcast %broadcast_in_dim3A_1309 : vector<64x1xf32> to vector<64x128xf32>
    %eq3A_1311 = arith.cmpf oeq, %select_n3A_1301, %eq3A_1310 : vector<64x128xf32>
    %select_n3A_1312 = arith.select %eq3A_1311, %select_n3A_1302, %select_n3A_1301 : vector<64x128xi1>, vector<64x128xf32>
    %select_n3A_1313 = arith.select %eq3A_1311, %select_n3A_1303, %select_n3A_1302 : vector<64x128xi1>, vector<64x128xf32>
    %select_n3A_1314 = arith.select %eq3A_1311, %select_n3A_1304, %select_n3A_1303 : vector<64x128xi1>, vector<64x128xf32>
    %select_n3A_1315 = arith.select %eq3A_1311, %select_n3A_1305, %select_n3A_1304 : vector<64x128xi1>, vector<64x128xf32>
    %select_n3A_1316 = arith.select %eq3A_1311, %select_n3A_1306, %select_n3A_1305 : vector<64x128xi1>, vector<64x128xf32>
    %reduce_max3A_1317 = arith.constant dense<0xFF800000> : vector<64xf32>
    %reduce_max3A_1318 = vector.multi_reduction <maximumf>, %select_n3A_1312, %reduce_max3A_1317 [1] : vector<64x128xf32> to vector<64xf32>
    %broadcast_in_dim3A_1319 = vector.shape_cast %reduce_max3A_1318 : vector<64xf32> to vector<64x1xf32>
    %eq3A_1320 = vector.broadcast %broadcast_in_dim3A_1319 : vector<64x1xf32> to vector<64x128xf32>
    %eq3A_1321 = arith.cmpf oeq, %select_n3A_1312, %eq3A_1320 : vector<64x128xf32>
    %select_n3A_1322 = arith.select %eq3A_1321, %select_n3A_1313, %select_n3A_1312 : vector<64x128xi1>, vector<64x128xf32>
    %select_n3A_1323 = arith.select %eq3A_1321, %select_n3A_1314, %select_n3A_1313 : vector<64x128xi1>, vector<64x128xf32>
    %select_n3A_1324 = arith.select %eq3A_1321, %select_n3A_1315, %select_n3A_1314 : vector<64x128xi1>, vector<64x128xf32>
    %select_n3A_1325 = arith.select %eq3A_1321, %select_n3A_1316, %select_n3A_1315 : vector<64x128xi1>, vector<64x128xf32>
    %reduce_max3A_1326 = arith.constant dense<0xFF800000> : vector<64xf32>
    %reduce_max3A_1327 = vector.multi_reduction <maximumf>, %select_n3A_1322, %reduce_max3A_1326 [1] : vector<64x128xf32> to vector<64xf32>
    %broadcast_in_dim3A_1328 = vector.shape_cast %reduce_max3A_1327 : vector<64xf32> to vector<64x1xf32>
    %eq3A_1329 = vector.broadcast %broadcast_in_dim3A_1328 : vector<64x1xf32> to vector<64x128xf32>
    %eq3A_1330 = arith.cmpf oeq, %select_n3A_1322, %eq3A_1329 : vector<64x128xf32>
    %select_n3A_1331 = arith.select %eq3A_1330, %select_n3A_1323, %select_n3A_1322 : vector<64x128xi1>, vector<64x128xf32>
    %select_n3A_1332 = arith.select %eq3A_1330, %select_n3A_1324, %select_n3A_1323 : vector<64x128xi1>, vector<64x128xf32>
    %select_n3A_1333 = arith.select %eq3A_1330, %select_n3A_1325, %select_n3A_1324 : vector<64x128xi1>, vector<64x128xf32>
    %reduce_max3A_1334 = arith.constant dense<0xFF800000> : vector<64xf32>
    %reduce_max3A_1335 = vector.multi_reduction <maximumf>, %select_n3A_1331, %reduce_max3A_1334 [1] : vector<64x128xf32> to vector<64xf32>
    %broadcast_in_dim3A_1336 = vector.shape_cast %reduce_max3A_1335 : vector<64xf32> to vector<64x1xf32>
    %eq3A_1337 = vector.broadcast %broadcast_in_dim3A_1336 : vector<64x1xf32> to vector<64x128xf32>
    %eq3A_1338 = arith.cmpf oeq, %select_n3A_1331, %eq3A_1337 : vector<64x128xf32>
    %select_n3A_1339 = arith.select %eq3A_1338, %select_n3A_1332, %select_n3A_1331 : vector<64x128xi1>, vector<64x128xf32>
    %select_n3A_1340 = arith.select %eq3A_1338, %select_n3A_1333, %select_n3A_1332 : vector<64x128xi1>, vector<64x128xf32>
    %reduce_max3A_1341 = arith.constant dense<0xFF800000> : vector<64xf32>
    %reduce_max3A_1342 = vector.multi_reduction <maximumf>, %select_n3A_1339, %reduce_max3A_1341 [1] : vector<64x128xf32> to vector<64xf32>
    %broadcast_in_dim3A_1343 = vector.shape_cast %reduce_max3A_1342 : vector<64xf32> to vector<64x1xf32>
    %eq3A_1344 = vector.broadcast %broadcast_in_dim3A_1343 : vector<64x1xf32> to vector<64x128xf32>
    %eq3A_1345 = arith.cmpf oeq, %select_n3A_1339, %eq3A_1344 : vector<64x128xf32>
    %select_n3A_1346 = arith.select %eq3A_1345, %select_n3A_1340, %select_n3A_1339 : vector<64x128xi1>, vector<64x128xf32>
    %reduce_max3A_1347 = arith.constant dense<0xFF800000> : vector<64xf32>
    %reduce_max3A_1348 = vector.multi_reduction <maximumf>, %select_n3A_1346, %reduce_max3A_1347 [1] : vector<64x128xf32> to vector<64xf32>
    %broadcast_in_dim3A_1349 = vector.shape_cast %reduce_max3A_1348 : vector<64xf32> to vector<64x1xf32>
    %slice3A_1350 = vector.extract_strided_slice %dot_general3A_19 {offsets = [448, 0], sizes = [64, 128], strides = [1, 1]} : vector<1024x1024xf32> to vector<64x128xf32>
    %slice3A_1351 = vector.extract_strided_slice %dot_general3A_19 {offsets = [448, 128], sizes = [64, 128], strides = [1, 1]} : vector<1024x1024xf32> to vector<64x128xf32>
    %slice3A_1352 = vector.extract_strided_slice %dot_general3A_19 {offsets = [448, 256], sizes = [64, 128], strides = [1, 1]} : vector<1024x1024xf32> to vector<64x128xf32>
    %slice3A_1353 = vector.extract_strided_slice %dot_general3A_19 {offsets = [448, 384], sizes = [64, 128], strides = [1, 1]} : vector<1024x1024xf32> to vector<64x128xf32>
    %slice3A_1354 = vector.extract_strided_slice %dot_general3A_19 {offsets = [448, 512], sizes = [64, 128], strides = [1, 1]} : vector<1024x1024xf32> to vector<64x128xf32>
    %slice3A_1355 = vector.extract_strided_slice %dot_general3A_19 {offsets = [448, 640], sizes = [64, 128], strides = [1, 1]} : vector<1024x1024xf32> to vector<64x128xf32>
    %slice3A_1356 = vector.extract_strided_slice %dot_general3A_19 {offsets = [448, 768], sizes = [64, 128], strides = [1, 1]} : vector<1024x1024xf32> to vector<64x128xf32>
    %slice3A_1357 = vector.extract_strided_slice %dot_general3A_19 {offsets = [448, 896], sizes = [64, 128], strides = [1, 1]} : vector<1024x1024xf32> to vector<64x128xf32>
    %slice3A_1358 = vector.extract_strided_slice %dot_general3A_24 {offsets = [448, 0], sizes = [64, 128], strides = [1, 1]} : vector<1024x1024xf32> to vector<64x128xf32>
    %slice3A_1359 = vector.extract_strided_slice %dot_general3A_24 {offsets = [448, 128], sizes = [64, 128], strides = [1, 1]} : vector<1024x1024xf32> to vector<64x128xf32>
    %slice3A_1360 = vector.extract_strided_slice %dot_general3A_24 {offsets = [448, 256], sizes = [64, 128], strides = [1, 1]} : vector<1024x1024xf32> to vector<64x128xf32>
    %slice3A_1361 = vector.extract_strided_slice %dot_general3A_24 {offsets = [448, 384], sizes = [64, 128], strides = [1, 1]} : vector<1024x1024xf32> to vector<64x128xf32>
    %slice3A_1362 = vector.extract_strided_slice %dot_general3A_24 {offsets = [448, 512], sizes = [64, 128], strides = [1, 1]} : vector<1024x1024xf32> to vector<64x128xf32>
    %slice3A_1363 = vector.extract_strided_slice %dot_general3A_24 {offsets = [448, 640], sizes = [64, 128], strides = [1, 1]} : vector<1024x1024xf32> to vector<64x128xf32>
    %slice3A_1364 = vector.extract_strided_slice %dot_general3A_24 {offsets = [448, 768], sizes = [64, 128], strides = [1, 1]} : vector<1024x1024xf32> to vector<64x128xf32>
    %slice3A_1365 = vector.extract_strided_slice %dot_general3A_24 {offsets = [448, 896], sizes = [64, 128], strides = [1, 1]} : vector<1024x1024xf32> to vector<64x128xf32>
    %max3A_1366 = arith.maximumf %slice3A_1350, %slice3A_1351 : vector<64x128xf32>
    %min3A_1367 = arith.minimumf %slice3A_1350, %slice3A_1351 : vector<64x128xf32>
    %max3A_1368 = arith.maximumf %slice3A_1352, %slice3A_1353 : vector<64x128xf32>
    %min3A_1369 = arith.minimumf %slice3A_1352, %slice3A_1353 : vector<64x128xf32>
    %max3A_1370 = arith.maximumf %slice3A_1354, %slice3A_1355 : vector<64x128xf32>
    %min3A_1371 = arith.minimumf %slice3A_1354, %slice3A_1355 : vector<64x128xf32>
    %max3A_1372 = arith.maximumf %slice3A_1356, %slice3A_1357 : vector<64x128xf32>
    %min3A_1373 = arith.minimumf %slice3A_1356, %slice3A_1357 : vector<64x128xf32>
    %max3A_1374 = arith.maximumf %max3A_1366, %max3A_1368 : vector<64x128xf32>
    %min3A_1375 = arith.minimumf %max3A_1366, %max3A_1368 : vector<64x128xf32>
    %max3A_1376 = arith.maximumf %min3A_1367, %min3A_1369 : vector<64x128xf32>
    %min3A_1377 = arith.minimumf %min3A_1367, %min3A_1369 : vector<64x128xf32>
    %max3A_1378 = arith.maximumf %max3A_1370, %max3A_1372 : vector<64x128xf32>
    %min3A_1379 = arith.minimumf %max3A_1370, %max3A_1372 : vector<64x128xf32>
    %max3A_1380 = arith.maximumf %min3A_1371, %min3A_1373 : vector<64x128xf32>
    %min3A_1381 = arith.minimumf %min3A_1371, %min3A_1373 : vector<64x128xf32>
    %max3A_1382 = arith.maximumf %max3A_1376, %min3A_1375 : vector<64x128xf32>
    %min3A_1383 = arith.minimumf %max3A_1376, %min3A_1375 : vector<64x128xf32>
    %max3A_1384 = arith.maximumf %max3A_1380, %min3A_1379 : vector<64x128xf32>
    %min3A_1385 = arith.minimumf %max3A_1380, %min3A_1379 : vector<64x128xf32>
    %max3A_1386 = arith.maximumf %max3A_1374, %max3A_1378 : vector<64x128xf32>
    %min3A_1387 = arith.minimumf %max3A_1374, %max3A_1378 : vector<64x128xf32>
    %max3A_1388 = arith.maximumf %max3A_1382, %max3A_1384 : vector<64x128xf32>
    %min3A_1389 = arith.minimumf %max3A_1382, %max3A_1384 : vector<64x128xf32>
    %max3A_1390 = arith.maximumf %min3A_1383, %min3A_1385 : vector<64x128xf32>
    %min3A_1391 = arith.minimumf %min3A_1383, %min3A_1385 : vector<64x128xf32>
    %max3A_1392 = arith.maximumf %min3A_1377, %min3A_1381 : vector<64x128xf32>
    %min3A_1393 = arith.minimumf %min3A_1377, %min3A_1381 : vector<64x128xf32>
    %max3A_1394 = arith.maximumf %max3A_1390, %min3A_1387 : vector<64x128xf32>
    %min3A_1395 = arith.minimumf %max3A_1390, %min3A_1387 : vector<64x128xf32>
    %max3A_1396 = arith.maximumf %max3A_1392, %min3A_1389 : vector<64x128xf32>
    %min3A_1397 = arith.minimumf %max3A_1392, %min3A_1389 : vector<64x128xf32>
    %max3A_1398 = arith.maximumf %max3A_1388, %max3A_1394 : vector<64x128xf32>
    %min3A_1399 = arith.minimumf %max3A_1388, %max3A_1394 : vector<64x128xf32>
    %max3A_1400 = arith.maximumf %max3A_1396, %min3A_1395 : vector<64x128xf32>
    %min3A_1401 = arith.minimumf %max3A_1396, %min3A_1395 : vector<64x128xf32>
    %max3A_1402 = arith.maximumf %min3A_1397, %min3A_1391 : vector<64x128xf32>
    %min3A_1403 = arith.minimumf %min3A_1397, %min3A_1391 : vector<64x128xf32>
    %max3A_1404 = arith.maximumf %slice3A_1358, %slice3A_1359 : vector<64x128xf32>
    %min3A_1405 = arith.minimumf %slice3A_1358, %slice3A_1359 : vector<64x128xf32>
    %max3A_1406 = arith.maximumf %slice3A_1360, %slice3A_1361 : vector<64x128xf32>
    %min3A_1407 = arith.minimumf %slice3A_1360, %slice3A_1361 : vector<64x128xf32>
    %max3A_1408 = arith.maximumf %slice3A_1362, %slice3A_1363 : vector<64x128xf32>
    %min3A_1409 = arith.minimumf %slice3A_1362, %slice3A_1363 : vector<64x128xf32>
    %max3A_1410 = arith.maximumf %slice3A_1364, %slice3A_1365 : vector<64x128xf32>
    %min3A_1411 = arith.minimumf %slice3A_1364, %slice3A_1365 : vector<64x128xf32>
    %max3A_1412 = arith.maximumf %max3A_1404, %max3A_1406 : vector<64x128xf32>
    %min3A_1413 = arith.minimumf %max3A_1404, %max3A_1406 : vector<64x128xf32>
    %max3A_1414 = arith.maximumf %min3A_1405, %min3A_1407 : vector<64x128xf32>
    %min3A_1415 = arith.minimumf %min3A_1405, %min3A_1407 : vector<64x128xf32>
    %max3A_1416 = arith.maximumf %max3A_1408, %max3A_1410 : vector<64x128xf32>
    %min3A_1417 = arith.minimumf %max3A_1408, %max3A_1410 : vector<64x128xf32>
    %max3A_1418 = arith.maximumf %min3A_1409, %min3A_1411 : vector<64x128xf32>
    %min3A_1419 = arith.minimumf %min3A_1409, %min3A_1411 : vector<64x128xf32>
    %max3A_1420 = arith.maximumf %max3A_1414, %min3A_1413 : vector<64x128xf32>
    %min3A_1421 = arith.minimumf %max3A_1414, %min3A_1413 : vector<64x128xf32>
    %max3A_1422 = arith.maximumf %max3A_1418, %min3A_1417 : vector<64x128xf32>
    %min3A_1423 = arith.minimumf %max3A_1418, %min3A_1417 : vector<64x128xf32>
    %max3A_1424 = arith.maximumf %max3A_1412, %max3A_1416 : vector<64x128xf32>
    %min3A_1425 = arith.minimumf %max3A_1412, %max3A_1416 : vector<64x128xf32>
    %max3A_1426 = arith.maximumf %max3A_1420, %max3A_1422 : vector<64x128xf32>
    %min3A_1427 = arith.minimumf %max3A_1420, %max3A_1422 : vector<64x128xf32>
    %max3A_1428 = arith.maximumf %min3A_1421, %min3A_1423 : vector<64x128xf32>
    %min3A_1429 = arith.minimumf %min3A_1421, %min3A_1423 : vector<64x128xf32>
    %max3A_1430 = arith.maximumf %min3A_1415, %min3A_1419 : vector<64x128xf32>
    %min3A_1431 = arith.minimumf %min3A_1415, %min3A_1419 : vector<64x128xf32>
    %max3A_1432 = arith.maximumf %max3A_1428, %min3A_1425 : vector<64x128xf32>
    %min3A_1433 = arith.minimumf %max3A_1428, %min3A_1425 : vector<64x128xf32>
    %max3A_1434 = arith.maximumf %max3A_1430, %min3A_1427 : vector<64x128xf32>
    %min3A_1435 = arith.minimumf %max3A_1430, %min3A_1427 : vector<64x128xf32>
    %max3A_1436 = arith.maximumf %max3A_1426, %max3A_1432 : vector<64x128xf32>
    %min3A_1437 = arith.minimumf %max3A_1426, %max3A_1432 : vector<64x128xf32>
    %max3A_1438 = arith.maximumf %max3A_1434, %min3A_1433 : vector<64x128xf32>
    %min3A_1439 = arith.minimumf %max3A_1434, %min3A_1433 : vector<64x128xf32>
    %max3A_1440 = arith.maximumf %min3A_1435, %min3A_1429 : vector<64x128xf32>
    %min3A_1441 = arith.minimumf %min3A_1435, %min3A_1429 : vector<64x128xf32>
    %max3A_1442 = arith.maximumf %max3A_1386, %min3A_1431 : vector<64x128xf32>
    %max3A_1443 = arith.maximumf %max3A_1398, %min3A_1441 : vector<64x128xf32>
    %max3A_1444 = arith.maximumf %min3A_1399, %max3A_1440 : vector<64x128xf32>
    %max3A_1445 = arith.maximumf %max3A_1400, %min3A_1439 : vector<64x128xf32>
    %max3A_1446 = arith.maximumf %min3A_1401, %max3A_1438 : vector<64x128xf32>
    %max3A_1447 = arith.maximumf %max3A_1402, %min3A_1437 : vector<64x128xf32>
    %max3A_1448 = arith.maximumf %min3A_1403, %max3A_1436 : vector<64x128xf32>
    %max3A_1449 = arith.maximumf %min3A_1393, %max3A_1424 : vector<64x128xf32>
    %max3A_1450 = arith.maximumf %max3A_1442, %max3A_1446 : vector<64x128xf32>
    %min3A_1451 = arith.minimumf %max3A_1442, %max3A_1446 : vector<64x128xf32>
    %max3A_1452 = arith.maximumf %max3A_1443, %max3A_1447 : vector<64x128xf32>
    %min3A_1453 = arith.minimumf %max3A_1443, %max3A_1447 : vector<64x128xf32>
    %max3A_1454 = arith.maximumf %max3A_1444, %max3A_1448 : vector<64x128xf32>
    %min3A_1455 = arith.minimumf %max3A_1444, %max3A_1448 : vector<64x128xf32>
    %max3A_1456 = arith.maximumf %max3A_1445, %max3A_1449 : vector<64x128xf32>
    %min3A_1457 = arith.minimumf %max3A_1445, %max3A_1449 : vector<64x128xf32>
    %max3A_1458 = arith.maximumf %max3A_1450, %max3A_1454 : vector<64x128xf32>
    %min3A_1459 = arith.minimumf %max3A_1450, %max3A_1454 : vector<64x128xf32>
    %max3A_1460 = arith.maximumf %max3A_1452, %max3A_1456 : vector<64x128xf32>
    %min3A_1461 = arith.minimumf %max3A_1452, %max3A_1456 : vector<64x128xf32>
    %max3A_1462 = arith.maximumf %min3A_1451, %min3A_1455 : vector<64x128xf32>
    %min3A_1463 = arith.minimumf %min3A_1451, %min3A_1455 : vector<64x128xf32>
    %max3A_1464 = arith.maximumf %min3A_1453, %min3A_1457 : vector<64x128xf32>
    %min3A_1465 = arith.minimumf %min3A_1453, %min3A_1457 : vector<64x128xf32>
    %max3A_1466 = arith.maximumf %max3A_1458, %max3A_1460 : vector<64x128xf32>
    %min3A_1467 = arith.minimumf %max3A_1458, %max3A_1460 : vector<64x128xf32>
    %max3A_1468 = arith.maximumf %min3A_1459, %min3A_1461 : vector<64x128xf32>
    %min3A_1469 = arith.minimumf %min3A_1459, %min3A_1461 : vector<64x128xf32>
    %max3A_1470 = arith.maximumf %max3A_1462, %max3A_1464 : vector<64x128xf32>
    %min3A_1471 = arith.minimumf %max3A_1462, %max3A_1464 : vector<64x128xf32>
    %max3A_1472 = arith.maximumf %min3A_1463, %min3A_1465 : vector<64x128xf32>
    %min3A_1473 = arith.minimumf %min3A_1463, %min3A_1465 : vector<64x128xf32>
    %reduce_max3A_1474 = arith.constant dense<0xFF800000> : vector<64xf32>
    %reduce_max3A_1475 = vector.multi_reduction <maximumf>, %max3A_1466, %reduce_max3A_1474 [1] : vector<64x128xf32> to vector<64xf32>
    %broadcast_in_dim3A_1476 = vector.shape_cast %reduce_max3A_1475 : vector<64xf32> to vector<64x1xf32>
    %eq3A_1477 = vector.broadcast %broadcast_in_dim3A_1476 : vector<64x1xf32> to vector<64x128xf32>
    %eq3A_1478 = arith.cmpf oeq, %max3A_1466, %eq3A_1477 : vector<64x128xf32>
    %select_n3A_1479 = arith.select %eq3A_1478, %min3A_1467, %max3A_1466 : vector<64x128xi1>, vector<64x128xf32>
    %select_n3A_1480 = arith.select %eq3A_1478, %max3A_1468, %min3A_1467 : vector<64x128xi1>, vector<64x128xf32>
    %select_n3A_1481 = arith.select %eq3A_1478, %min3A_1469, %max3A_1468 : vector<64x128xi1>, vector<64x128xf32>
    %select_n3A_1482 = arith.select %eq3A_1478, %max3A_1470, %min3A_1469 : vector<64x128xi1>, vector<64x128xf32>
    %select_n3A_1483 = arith.select %eq3A_1478, %min3A_1471, %max3A_1470 : vector<64x128xi1>, vector<64x128xf32>
    %select_n3A_1484 = arith.select %eq3A_1478, %max3A_1472, %min3A_1471 : vector<64x128xi1>, vector<64x128xf32>
    %select_n3A_1485 = arith.select %eq3A_1478, %min3A_1473, %max3A_1472 : vector<64x128xi1>, vector<64x128xf32>
    %reduce_max3A_1486 = arith.constant dense<0xFF800000> : vector<64xf32>
    %reduce_max3A_1487 = vector.multi_reduction <maximumf>, %select_n3A_1479, %reduce_max3A_1486 [1] : vector<64x128xf32> to vector<64xf32>
    %broadcast_in_dim3A_1488 = vector.shape_cast %reduce_max3A_1487 : vector<64xf32> to vector<64x1xf32>
    %eq3A_1489 = vector.broadcast %broadcast_in_dim3A_1488 : vector<64x1xf32> to vector<64x128xf32>
    %eq3A_1490 = arith.cmpf oeq, %select_n3A_1479, %eq3A_1489 : vector<64x128xf32>
    %select_n3A_1491 = arith.select %eq3A_1490, %select_n3A_1480, %select_n3A_1479 : vector<64x128xi1>, vector<64x128xf32>
    %select_n3A_1492 = arith.select %eq3A_1490, %select_n3A_1481, %select_n3A_1480 : vector<64x128xi1>, vector<64x128xf32>
    %select_n3A_1493 = arith.select %eq3A_1490, %select_n3A_1482, %select_n3A_1481 : vector<64x128xi1>, vector<64x128xf32>
    %select_n3A_1494 = arith.select %eq3A_1490, %select_n3A_1483, %select_n3A_1482 : vector<64x128xi1>, vector<64x128xf32>
    %select_n3A_1495 = arith.select %eq3A_1490, %select_n3A_1484, %select_n3A_1483 : vector<64x128xi1>, vector<64x128xf32>
    %select_n3A_1496 = arith.select %eq3A_1490, %select_n3A_1485, %select_n3A_1484 : vector<64x128xi1>, vector<64x128xf32>
    %reduce_max3A_1497 = arith.constant dense<0xFF800000> : vector<64xf32>
    %reduce_max3A_1498 = vector.multi_reduction <maximumf>, %select_n3A_1491, %reduce_max3A_1497 [1] : vector<64x128xf32> to vector<64xf32>
    %broadcast_in_dim3A_1499 = vector.shape_cast %reduce_max3A_1498 : vector<64xf32> to vector<64x1xf32>
    %eq3A_1500 = vector.broadcast %broadcast_in_dim3A_1499 : vector<64x1xf32> to vector<64x128xf32>
    %eq3A_1501 = arith.cmpf oeq, %select_n3A_1491, %eq3A_1500 : vector<64x128xf32>
    %select_n3A_1502 = arith.select %eq3A_1501, %select_n3A_1492, %select_n3A_1491 : vector<64x128xi1>, vector<64x128xf32>
    %select_n3A_1503 = arith.select %eq3A_1501, %select_n3A_1493, %select_n3A_1492 : vector<64x128xi1>, vector<64x128xf32>
    %select_n3A_1504 = arith.select %eq3A_1501, %select_n3A_1494, %select_n3A_1493 : vector<64x128xi1>, vector<64x128xf32>
    %select_n3A_1505 = arith.select %eq3A_1501, %select_n3A_1495, %select_n3A_1494 : vector<64x128xi1>, vector<64x128xf32>
    %select_n3A_1506 = arith.select %eq3A_1501, %select_n3A_1496, %select_n3A_1495 : vector<64x128xi1>, vector<64x128xf32>
    %reduce_max3A_1507 = arith.constant dense<0xFF800000> : vector<64xf32>
    %reduce_max3A_1508 = vector.multi_reduction <maximumf>, %select_n3A_1502, %reduce_max3A_1507 [1] : vector<64x128xf32> to vector<64xf32>
    %broadcast_in_dim3A_1509 = vector.shape_cast %reduce_max3A_1508 : vector<64xf32> to vector<64x1xf32>
    %eq3A_1510 = vector.broadcast %broadcast_in_dim3A_1509 : vector<64x1xf32> to vector<64x128xf32>
    %eq3A_1511 = arith.cmpf oeq, %select_n3A_1502, %eq3A_1510 : vector<64x128xf32>
    %select_n3A_1512 = arith.select %eq3A_1511, %select_n3A_1503, %select_n3A_1502 : vector<64x128xi1>, vector<64x128xf32>
    %select_n3A_1513 = arith.select %eq3A_1511, %select_n3A_1504, %select_n3A_1503 : vector<64x128xi1>, vector<64x128xf32>
    %select_n3A_1514 = arith.select %eq3A_1511, %select_n3A_1505, %select_n3A_1504 : vector<64x128xi1>, vector<64x128xf32>
    %select_n3A_1515 = arith.select %eq3A_1511, %select_n3A_1506, %select_n3A_1505 : vector<64x128xi1>, vector<64x128xf32>
    %reduce_max3A_1516 = arith.constant dense<0xFF800000> : vector<64xf32>
    %reduce_max3A_1517 = vector.multi_reduction <maximumf>, %select_n3A_1512, %reduce_max3A_1516 [1] : vector<64x128xf32> to vector<64xf32>
    %broadcast_in_dim3A_1518 = vector.shape_cast %reduce_max3A_1517 : vector<64xf32> to vector<64x1xf32>
    %eq3A_1519 = vector.broadcast %broadcast_in_dim3A_1518 : vector<64x1xf32> to vector<64x128xf32>
    %eq3A_1520 = arith.cmpf oeq, %select_n3A_1512, %eq3A_1519 : vector<64x128xf32>
    %select_n3A_1521 = arith.select %eq3A_1520, %select_n3A_1513, %select_n3A_1512 : vector<64x128xi1>, vector<64x128xf32>
    %select_n3A_1522 = arith.select %eq3A_1520, %select_n3A_1514, %select_n3A_1513 : vector<64x128xi1>, vector<64x128xf32>
    %select_n3A_1523 = arith.select %eq3A_1520, %select_n3A_1515, %select_n3A_1514 : vector<64x128xi1>, vector<64x128xf32>
    %reduce_max3A_1524 = arith.constant dense<0xFF800000> : vector<64xf32>
    %reduce_max3A_1525 = vector.multi_reduction <maximumf>, %select_n3A_1521, %reduce_max3A_1524 [1] : vector<64x128xf32> to vector<64xf32>
    %broadcast_in_dim3A_1526 = vector.shape_cast %reduce_max3A_1525 : vector<64xf32> to vector<64x1xf32>
    %eq3A_1527 = vector.broadcast %broadcast_in_dim3A_1526 : vector<64x1xf32> to vector<64x128xf32>
    %eq3A_1528 = arith.cmpf oeq, %select_n3A_1521, %eq3A_1527 : vector<64x128xf32>
    %select_n3A_1529 = arith.select %eq3A_1528, %select_n3A_1522, %select_n3A_1521 : vector<64x128xi1>, vector<64x128xf32>
    %select_n3A_1530 = arith.select %eq3A_1528, %select_n3A_1523, %select_n3A_1522 : vector<64x128xi1>, vector<64x128xf32>
    %reduce_max3A_1531 = arith.constant dense<0xFF800000> : vector<64xf32>
    %reduce_max3A_1532 = vector.multi_reduction <maximumf>, %select_n3A_1529, %reduce_max3A_1531 [1] : vector<64x128xf32> to vector<64xf32>
    %broadcast_in_dim3A_1533 = vector.shape_cast %reduce_max3A_1532 : vector<64xf32> to vector<64x1xf32>
    %eq3A_1534 = vector.broadcast %broadcast_in_dim3A_1533 : vector<64x1xf32> to vector<64x128xf32>
    %eq3A_1535 = arith.cmpf oeq, %select_n3A_1529, %eq3A_1534 : vector<64x128xf32>
    %select_n3A_1536 = arith.select %eq3A_1535, %select_n3A_1530, %select_n3A_1529 : vector<64x128xi1>, vector<64x128xf32>
    %reduce_max3A_1537 = arith.constant dense<0xFF800000> : vector<64xf32>
    %reduce_max3A_1538 = vector.multi_reduction <maximumf>, %select_n3A_1536, %reduce_max3A_1537 [1] : vector<64x128xf32> to vector<64xf32>
    %broadcast_in_dim3A_1539 = vector.shape_cast %reduce_max3A_1538 : vector<64xf32> to vector<64x1xf32>
    %slice3A_1540 = vector.extract_strided_slice %dot_general3A_19 {offsets = [512, 0], sizes = [64, 128], strides = [1, 1]} : vector<1024x1024xf32> to vector<64x128xf32>
    %slice3A_1541 = vector.extract_strided_slice %dot_general3A_19 {offsets = [512, 128], sizes = [64, 128], strides = [1, 1]} : vector<1024x1024xf32> to vector<64x128xf32>
    %slice3A_1542 = vector.extract_strided_slice %dot_general3A_19 {offsets = [512, 256], sizes = [64, 128], strides = [1, 1]} : vector<1024x1024xf32> to vector<64x128xf32>
    %slice3A_1543 = vector.extract_strided_slice %dot_general3A_19 {offsets = [512, 384], sizes = [64, 128], strides = [1, 1]} : vector<1024x1024xf32> to vector<64x128xf32>
    %slice3A_1544 = vector.extract_strided_slice %dot_general3A_19 {offsets = [512, 512], sizes = [64, 128], strides = [1, 1]} : vector<1024x1024xf32> to vector<64x128xf32>
    %slice3A_1545 = vector.extract_strided_slice %dot_general3A_19 {offsets = [512, 640], sizes = [64, 128], strides = [1, 1]} : vector<1024x1024xf32> to vector<64x128xf32>
    %slice3A_1546 = vector.extract_strided_slice %dot_general3A_19 {offsets = [512, 768], sizes = [64, 128], strides = [1, 1]} : vector<1024x1024xf32> to vector<64x128xf32>
    %slice3A_1547 = vector.extract_strided_slice %dot_general3A_19 {offsets = [512, 896], sizes = [64, 128], strides = [1, 1]} : vector<1024x1024xf32> to vector<64x128xf32>
    %slice3A_1548 = vector.extract_strided_slice %dot_general3A_24 {offsets = [512, 0], sizes = [64, 128], strides = [1, 1]} : vector<1024x1024xf32> to vector<64x128xf32>
    %slice3A_1549 = vector.extract_strided_slice %dot_general3A_24 {offsets = [512, 128], sizes = [64, 128], strides = [1, 1]} : vector<1024x1024xf32> to vector<64x128xf32>
    %slice3A_1550 = vector.extract_strided_slice %dot_general3A_24 {offsets = [512, 256], sizes = [64, 128], strides = [1, 1]} : vector<1024x1024xf32> to vector<64x128xf32>
    %slice3A_1551 = vector.extract_strided_slice %dot_general3A_24 {offsets = [512, 384], sizes = [64, 128], strides = [1, 1]} : vector<1024x1024xf32> to vector<64x128xf32>
    %slice3A_1552 = vector.extract_strided_slice %dot_general3A_24 {offsets = [512, 512], sizes = [64, 128], strides = [1, 1]} : vector<1024x1024xf32> to vector<64x128xf32>
    %slice3A_1553 = vector.extract_strided_slice %dot_general3A_24 {offsets = [512, 640], sizes = [64, 128], strides = [1, 1]} : vector<1024x1024xf32> to vector<64x128xf32>
    %slice3A_1554 = vector.extract_strided_slice %dot_general3A_24 {offsets = [512, 768], sizes = [64, 128], strides = [1, 1]} : vector<1024x1024xf32> to vector<64x128xf32>
    %slice3A_1555 = vector.extract_strided_slice %dot_general3A_24 {offsets = [512, 896], sizes = [64, 128], strides = [1, 1]} : vector<1024x1024xf32> to vector<64x128xf32>
    %max3A_1556 = arith.maximumf %slice3A_1540, %slice3A_1541 : vector<64x128xf32>
    %min3A_1557 = arith.minimumf %slice3A_1540, %slice3A_1541 : vector<64x128xf32>
    %max3A_1558 = arith.maximumf %slice3A_1542, %slice3A_1543 : vector<64x128xf32>
    %min3A_1559 = arith.minimumf %slice3A_1542, %slice3A_1543 : vector<64x128xf32>
    %max3A_1560 = arith.maximumf %slice3A_1544, %slice3A_1545 : vector<64x128xf32>
    %min3A_1561 = arith.minimumf %slice3A_1544, %slice3A_1545 : vector<64x128xf32>
    %max3A_1562 = arith.maximumf %slice3A_1546, %slice3A_1547 : vector<64x128xf32>
    %min3A_1563 = arith.minimumf %slice3A_1546, %slice3A_1547 : vector<64x128xf32>
    %max3A_1564 = arith.maximumf %max3A_1556, %max3A_1558 : vector<64x128xf32>
    %min3A_1565 = arith.minimumf %max3A_1556, %max3A_1558 : vector<64x128xf32>
    %max3A_1566 = arith.maximumf %min3A_1557, %min3A_1559 : vector<64x128xf32>
    %min3A_1567 = arith.minimumf %min3A_1557, %min3A_1559 : vector<64x128xf32>
    %max3A_1568 = arith.maximumf %max3A_1560, %max3A_1562 : vector<64x128xf32>
    %min3A_1569 = arith.minimumf %max3A_1560, %max3A_1562 : vector<64x128xf32>
    %max3A_1570 = arith.maximumf %min3A_1561, %min3A_1563 : vector<64x128xf32>
    %min3A_1571 = arith.minimumf %min3A_1561, %min3A_1563 : vector<64x128xf32>
    %max3A_1572 = arith.maximumf %max3A_1566, %min3A_1565 : vector<64x128xf32>
    %min3A_1573 = arith.minimumf %max3A_1566, %min3A_1565 : vector<64x128xf32>
    %max3A_1574 = arith.maximumf %max3A_1570, %min3A_1569 : vector<64x128xf32>
    %min3A_1575 = arith.minimumf %max3A_1570, %min3A_1569 : vector<64x128xf32>
    %max3A_1576 = arith.maximumf %max3A_1564, %max3A_1568 : vector<64x128xf32>
    %min3A_1577 = arith.minimumf %max3A_1564, %max3A_1568 : vector<64x128xf32>
    %max3A_1578 = arith.maximumf %max3A_1572, %max3A_1574 : vector<64x128xf32>
    %min3A_1579 = arith.minimumf %max3A_1572, %max3A_1574 : vector<64x128xf32>
    %max3A_1580 = arith.maximumf %min3A_1573, %min3A_1575 : vector<64x128xf32>
    %min3A_1581 = arith.minimumf %min3A_1573, %min3A_1575 : vector<64x128xf32>
    %max3A_1582 = arith.maximumf %min3A_1567, %min3A_1571 : vector<64x128xf32>
    %min3A_1583 = arith.minimumf %min3A_1567, %min3A_1571 : vector<64x128xf32>
    %max3A_1584 = arith.maximumf %max3A_1580, %min3A_1577 : vector<64x128xf32>
    %min3A_1585 = arith.minimumf %max3A_1580, %min3A_1577 : vector<64x128xf32>
    %max3A_1586 = arith.maximumf %max3A_1582, %min3A_1579 : vector<64x128xf32>
    %min3A_1587 = arith.minimumf %max3A_1582, %min3A_1579 : vector<64x128xf32>
    %max3A_1588 = arith.maximumf %max3A_1578, %max3A_1584 : vector<64x128xf32>
    %min3A_1589 = arith.minimumf %max3A_1578, %max3A_1584 : vector<64x128xf32>
    %max3A_1590 = arith.maximumf %max3A_1586, %min3A_1585 : vector<64x128xf32>
    %min3A_1591 = arith.minimumf %max3A_1586, %min3A_1585 : vector<64x128xf32>
    %max3A_1592 = arith.maximumf %min3A_1587, %min3A_1581 : vector<64x128xf32>
    %min3A_1593 = arith.minimumf %min3A_1587, %min3A_1581 : vector<64x128xf32>
    %max3A_1594 = arith.maximumf %slice3A_1548, %slice3A_1549 : vector<64x128xf32>
    %min3A_1595 = arith.minimumf %slice3A_1548, %slice3A_1549 : vector<64x128xf32>
    %max3A_1596 = arith.maximumf %slice3A_1550, %slice3A_1551 : vector<64x128xf32>
    %min3A_1597 = arith.minimumf %slice3A_1550, %slice3A_1551 : vector<64x128xf32>
    %max3A_1598 = arith.maximumf %slice3A_1552, %slice3A_1553 : vector<64x128xf32>
    %min3A_1599 = arith.minimumf %slice3A_1552, %slice3A_1553 : vector<64x128xf32>
    %max3A_1600 = arith.maximumf %slice3A_1554, %slice3A_1555 : vector<64x128xf32>
    %min3A_1601 = arith.minimumf %slice3A_1554, %slice3A_1555 : vector<64x128xf32>
    %max3A_1602 = arith.maximumf %max3A_1594, %max3A_1596 : vector<64x128xf32>
    %min3A_1603 = arith.minimumf %max3A_1594, %max3A_1596 : vector<64x128xf32>
    %max3A_1604 = arith.maximumf %min3A_1595, %min3A_1597 : vector<64x128xf32>
    %min3A_1605 = arith.minimumf %min3A_1595, %min3A_1597 : vector<64x128xf32>
    %max3A_1606 = arith.maximumf %max3A_1598, %max3A_1600 : vector<64x128xf32>
    %min3A_1607 = arith.minimumf %max3A_1598, %max3A_1600 : vector<64x128xf32>
    %max3A_1608 = arith.maximumf %min3A_1599, %min3A_1601 : vector<64x128xf32>
    %min3A_1609 = arith.minimumf %min3A_1599, %min3A_1601 : vector<64x128xf32>
    %max3A_1610 = arith.maximumf %max3A_1604, %min3A_1603 : vector<64x128xf32>
    %min3A_1611 = arith.minimumf %max3A_1604, %min3A_1603 : vector<64x128xf32>
    %max3A_1612 = arith.maximumf %max3A_1608, %min3A_1607 : vector<64x128xf32>
    %min3A_1613 = arith.minimumf %max3A_1608, %min3A_1607 : vector<64x128xf32>
    %max3A_1614 = arith.maximumf %max3A_1602, %max3A_1606 : vector<64x128xf32>
    %min3A_1615 = arith.minimumf %max3A_1602, %max3A_1606 : vector<64x128xf32>
    %max3A_1616 = arith.maximumf %max3A_1610, %max3A_1612 : vector<64x128xf32>
    %min3A_1617 = arith.minimumf %max3A_1610, %max3A_1612 : vector<64x128xf32>
    %max3A_1618 = arith.maximumf %min3A_1611, %min3A_1613 : vector<64x128xf32>
    %min3A_1619 = arith.minimumf %min3A_1611, %min3A_1613 : vector<64x128xf32>
    %max3A_1620 = arith.maximumf %min3A_1605, %min3A_1609 : vector<64x128xf32>
    %min3A_1621 = arith.minimumf %min3A_1605, %min3A_1609 : vector<64x128xf32>
    %max3A_1622 = arith.maximumf %max3A_1618, %min3A_1615 : vector<64x128xf32>
    %min3A_1623 = arith.minimumf %max3A_1618, %min3A_1615 : vector<64x128xf32>
    %max3A_1624 = arith.maximumf %max3A_1620, %min3A_1617 : vector<64x128xf32>
    %min3A_1625 = arith.minimumf %max3A_1620, %min3A_1617 : vector<64x128xf32>
    %max3A_1626 = arith.maximumf %max3A_1616, %max3A_1622 : vector<64x128xf32>
    %min3A_1627 = arith.minimumf %max3A_1616, %max3A_1622 : vector<64x128xf32>
    %max3A_1628 = arith.maximumf %max3A_1624, %min3A_1623 : vector<64x128xf32>
    %min3A_1629 = arith.minimumf %max3A_1624, %min3A_1623 : vector<64x128xf32>
    %max3A_1630 = arith.maximumf %min3A_1625, %min3A_1619 : vector<64x128xf32>
    %min3A_1631 = arith.minimumf %min3A_1625, %min3A_1619 : vector<64x128xf32>
    %max3A_1632 = arith.maximumf %max3A_1576, %min3A_1621 : vector<64x128xf32>
    %max3A_1633 = arith.maximumf %max3A_1588, %min3A_1631 : vector<64x128xf32>
    %max3A_1634 = arith.maximumf %min3A_1589, %max3A_1630 : vector<64x128xf32>
    %max3A_1635 = arith.maximumf %max3A_1590, %min3A_1629 : vector<64x128xf32>
    %max3A_1636 = arith.maximumf %min3A_1591, %max3A_1628 : vector<64x128xf32>
    %max3A_1637 = arith.maximumf %max3A_1592, %min3A_1627 : vector<64x128xf32>
    %max3A_1638 = arith.maximumf %min3A_1593, %max3A_1626 : vector<64x128xf32>
    %max3A_1639 = arith.maximumf %min3A_1583, %max3A_1614 : vector<64x128xf32>
    %max3A_1640 = arith.maximumf %max3A_1632, %max3A_1636 : vector<64x128xf32>
    %min3A_1641 = arith.minimumf %max3A_1632, %max3A_1636 : vector<64x128xf32>
    %max3A_1642 = arith.maximumf %max3A_1633, %max3A_1637 : vector<64x128xf32>
    %min3A_1643 = arith.minimumf %max3A_1633, %max3A_1637 : vector<64x128xf32>
    %max3A_1644 = arith.maximumf %max3A_1634, %max3A_1638 : vector<64x128xf32>
    %min3A_1645 = arith.minimumf %max3A_1634, %max3A_1638 : vector<64x128xf32>
    %max3A_1646 = arith.maximumf %max3A_1635, %max3A_1639 : vector<64x128xf32>
    %min3A_1647 = arith.minimumf %max3A_1635, %max3A_1639 : vector<64x128xf32>
    %max3A_1648 = arith.maximumf %max3A_1640, %max3A_1644 : vector<64x128xf32>
    %min3A_1649 = arith.minimumf %max3A_1640, %max3A_1644 : vector<64x128xf32>
    %max3A_1650 = arith.maximumf %max3A_1642, %max3A_1646 : vector<64x128xf32>
    %min3A_1651 = arith.minimumf %max3A_1642, %max3A_1646 : vector<64x128xf32>
    %max3A_1652 = arith.maximumf %min3A_1641, %min3A_1645 : vector<64x128xf32>
    %min3A_1653 = arith.minimumf %min3A_1641, %min3A_1645 : vector<64x128xf32>
    %max3A_1654 = arith.maximumf %min3A_1643, %min3A_1647 : vector<64x128xf32>
    %min3A_1655 = arith.minimumf %min3A_1643, %min3A_1647 : vector<64x128xf32>
    %max3A_1656 = arith.maximumf %max3A_1648, %max3A_1650 : vector<64x128xf32>
    %min3A_1657 = arith.minimumf %max3A_1648, %max3A_1650 : vector<64x128xf32>
    %max3A_1658 = arith.maximumf %min3A_1649, %min3A_1651 : vector<64x128xf32>
    %min3A_1659 = arith.minimumf %min3A_1649, %min3A_1651 : vector<64x128xf32>
    %max3A_1660 = arith.maximumf %max3A_1652, %max3A_1654 : vector<64x128xf32>
    %min3A_1661 = arith.minimumf %max3A_1652, %max3A_1654 : vector<64x128xf32>
    %max3A_1662 = arith.maximumf %min3A_1653, %min3A_1655 : vector<64x128xf32>
    %min3A_1663 = arith.minimumf %min3A_1653, %min3A_1655 : vector<64x128xf32>
    %reduce_max3A_1664 = arith.constant dense<0xFF800000> : vector<64xf32>
    %reduce_max3A_1665 = vector.multi_reduction <maximumf>, %max3A_1656, %reduce_max3A_1664 [1] : vector<64x128xf32> to vector<64xf32>
    %broadcast_in_dim3A_1666 = vector.shape_cast %reduce_max3A_1665 : vector<64xf32> to vector<64x1xf32>
    %eq3A_1667 = vector.broadcast %broadcast_in_dim3A_1666 : vector<64x1xf32> to vector<64x128xf32>
    %eq3A_1668 = arith.cmpf oeq, %max3A_1656, %eq3A_1667 : vector<64x128xf32>
    %select_n3A_1669 = arith.select %eq3A_1668, %min3A_1657, %max3A_1656 : vector<64x128xi1>, vector<64x128xf32>
    %select_n3A_1670 = arith.select %eq3A_1668, %max3A_1658, %min3A_1657 : vector<64x128xi1>, vector<64x128xf32>
    %select_n3A_1671 = arith.select %eq3A_1668, %min3A_1659, %max3A_1658 : vector<64x128xi1>, vector<64x128xf32>
    %select_n3A_1672 = arith.select %eq3A_1668, %max3A_1660, %min3A_1659 : vector<64x128xi1>, vector<64x128xf32>
    %select_n3A_1673 = arith.select %eq3A_1668, %min3A_1661, %max3A_1660 : vector<64x128xi1>, vector<64x128xf32>
    %select_n3A_1674 = arith.select %eq3A_1668, %max3A_1662, %min3A_1661 : vector<64x128xi1>, vector<64x128xf32>
    %select_n3A_1675 = arith.select %eq3A_1668, %min3A_1663, %max3A_1662 : vector<64x128xi1>, vector<64x128xf32>
    %reduce_max3A_1676 = arith.constant dense<0xFF800000> : vector<64xf32>
    %reduce_max3A_1677 = vector.multi_reduction <maximumf>, %select_n3A_1669, %reduce_max3A_1676 [1] : vector<64x128xf32> to vector<64xf32>
    %broadcast_in_dim3A_1678 = vector.shape_cast %reduce_max3A_1677 : vector<64xf32> to vector<64x1xf32>
    %eq3A_1679 = vector.broadcast %broadcast_in_dim3A_1678 : vector<64x1xf32> to vector<64x128xf32>
    %eq3A_1680 = arith.cmpf oeq, %select_n3A_1669, %eq3A_1679 : vector<64x128xf32>
    %select_n3A_1681 = arith.select %eq3A_1680, %select_n3A_1670, %select_n3A_1669 : vector<64x128xi1>, vector<64x128xf32>
    %select_n3A_1682 = arith.select %eq3A_1680, %select_n3A_1671, %select_n3A_1670 : vector<64x128xi1>, vector<64x128xf32>
    %select_n3A_1683 = arith.select %eq3A_1680, %select_n3A_1672, %select_n3A_1671 : vector<64x128xi1>, vector<64x128xf32>
    %select_n3A_1684 = arith.select %eq3A_1680, %select_n3A_1673, %select_n3A_1672 : vector<64x128xi1>, vector<64x128xf32>
    %select_n3A_1685 = arith.select %eq3A_1680, %select_n3A_1674, %select_n3A_1673 : vector<64x128xi1>, vector<64x128xf32>
    %select_n3A_1686 = arith.select %eq3A_1680, %select_n3A_1675, %select_n3A_1674 : vector<64x128xi1>, vector<64x128xf32>
    %reduce_max3A_1687 = arith.constant dense<0xFF800000> : vector<64xf32>
    %reduce_max3A_1688 = vector.multi_reduction <maximumf>, %select_n3A_1681, %reduce_max3A_1687 [1] : vector<64x128xf32> to vector<64xf32>
    %broadcast_in_dim3A_1689 = vector.shape_cast %reduce_max3A_1688 : vector<64xf32> to vector<64x1xf32>
    %eq3A_1690 = vector.broadcast %broadcast_in_dim3A_1689 : vector<64x1xf32> to vector<64x128xf32>
    %eq3A_1691 = arith.cmpf oeq, %select_n3A_1681, %eq3A_1690 : vector<64x128xf32>
    %select_n3A_1692 = arith.select %eq3A_1691, %select_n3A_1682, %select_n3A_1681 : vector<64x128xi1>, vector<64x128xf32>
    %select_n3A_1693 = arith.select %eq3A_1691, %select_n3A_1683, %select_n3A_1682 : vector<64x128xi1>, vector<64x128xf32>
    %select_n3A_1694 = arith.select %eq3A_1691, %select_n3A_1684, %select_n3A_1683 : vector<64x128xi1>, vector<64x128xf32>
    %select_n3A_1695 = arith.select %eq3A_1691, %select_n3A_1685, %select_n3A_1684 : vector<64x128xi1>, vector<64x128xf32>
    %select_n3A_1696 = arith.select %eq3A_1691, %select_n3A_1686, %select_n3A_1685 : vector<64x128xi1>, vector<64x128xf32>
    %reduce_max3A_1697 = arith.constant dense<0xFF800000> : vector<64xf32>
    %reduce_max3A_1698 = vector.multi_reduction <maximumf>, %select_n3A_1692, %reduce_max3A_1697 [1] : vector<64x128xf32> to vector<64xf32>
    %broadcast_in_dim3A_1699 = vector.shape_cast %reduce_max3A_1698 : vector<64xf32> to vector<64x1xf32>
    %eq3A_1700 = vector.broadcast %broadcast_in_dim3A_1699 : vector<64x1xf32> to vector<64x128xf32>
    %eq3A_1701 = arith.cmpf oeq, %select_n3A_1692, %eq3A_1700 : vector<64x128xf32>
    %select_n3A_1702 = arith.select %eq3A_1701, %select_n3A_1693, %select_n3A_1692 : vector<64x128xi1>, vector<64x128xf32>
    %select_n3A_1703 = arith.select %eq3A_1701, %select_n3A_1694, %select_n3A_1693 : vector<64x128xi1>, vector<64x128xf32>
    %select_n3A_1704 = arith.select %eq3A_1701, %select_n3A_1695, %select_n3A_1694 : vector<64x128xi1>, vector<64x128xf32>
    %select_n3A_1705 = arith.select %eq3A_1701, %select_n3A_1696, %select_n3A_1695 : vector<64x128xi1>, vector<64x128xf32>
    %reduce_max3A_1706 = arith.constant dense<0xFF800000> : vector<64xf32>
    %reduce_max3A_1707 = vector.multi_reduction <maximumf>, %select_n3A_1702, %reduce_max3A_1706 [1] : vector<64x128xf32> to vector<64xf32>
    %broadcast_in_dim3A_1708 = vector.shape_cast %reduce_max3A_1707 : vector<64xf32> to vector<64x1xf32>
    %eq3A_1709 = vector.broadcast %broadcast_in_dim3A_1708 : vector<64x1xf32> to vector<64x128xf32>
    %eq3A_1710 = arith.cmpf oeq, %select_n3A_1702, %eq3A_1709 : vector<64x128xf32>
    %select_n3A_1711 = arith.select %eq3A_1710, %select_n3A_1703, %select_n3A_1702 : vector<64x128xi1>, vector<64x128xf32>
    %select_n3A_1712 = arith.select %eq3A_1710, %select_n3A_1704, %select_n3A_1703 : vector<64x128xi1>, vector<64x128xf32>
    %select_n3A_1713 = arith.select %eq3A_1710, %select_n3A_1705, %select_n3A_1704 : vector<64x128xi1>, vector<64x128xf32>
    %reduce_max3A_1714 = arith.constant dense<0xFF800000> : vector<64xf32>
    %reduce_max3A_1715 = vector.multi_reduction <maximumf>, %select_n3A_1711, %reduce_max3A_1714 [1] : vector<64x128xf32> to vector<64xf32>
    %broadcast_in_dim3A_1716 = vector.shape_cast %reduce_max3A_1715 : vector<64xf32> to vector<64x1xf32>
    %eq3A_1717 = vector.broadcast %broadcast_in_dim3A_1716 : vector<64x1xf32> to vector<64x128xf32>
    %eq3A_1718 = arith.cmpf oeq, %select_n3A_1711, %eq3A_1717 : vector<64x128xf32>
    %select_n3A_1719 = arith.select %eq3A_1718, %select_n3A_1712, %select_n3A_1711 : vector<64x128xi1>, vector<64x128xf32>
    %select_n3A_1720 = arith.select %eq3A_1718, %select_n3A_1713, %select_n3A_1712 : vector<64x128xi1>, vector<64x128xf32>
    %reduce_max3A_1721 = arith.constant dense<0xFF800000> : vector<64xf32>
    %reduce_max3A_1722 = vector.multi_reduction <maximumf>, %select_n3A_1719, %reduce_max3A_1721 [1] : vector<64x128xf32> to vector<64xf32>
    %broadcast_in_dim3A_1723 = vector.shape_cast %reduce_max3A_1722 : vector<64xf32> to vector<64x1xf32>
    %eq3A_1724 = vector.broadcast %broadcast_in_dim3A_1723 : vector<64x1xf32> to vector<64x128xf32>
    %eq3A_1725 = arith.cmpf oeq, %select_n3A_1719, %eq3A_1724 : vector<64x128xf32>
    %select_n3A_1726 = arith.select %eq3A_1725, %select_n3A_1720, %select_n3A_1719 : vector<64x128xi1>, vector<64x128xf32>
    %reduce_max3A_1727 = arith.constant dense<0xFF800000> : vector<64xf32>
    %reduce_max3A_1728 = vector.multi_reduction <maximumf>, %select_n3A_1726, %reduce_max3A_1727 [1] : vector<64x128xf32> to vector<64xf32>
    %broadcast_in_dim3A_1729 = vector.shape_cast %reduce_max3A_1728 : vector<64xf32> to vector<64x1xf32>
    %slice3A_1730 = vector.extract_strided_slice %dot_general3A_19 {offsets = [576, 0], sizes = [64, 128], strides = [1, 1]} : vector<1024x1024xf32> to vector<64x128xf32>
    %slice3A_1731 = vector.extract_strided_slice %dot_general3A_19 {offsets = [576, 128], sizes = [64, 128], strides = [1, 1]} : vector<1024x1024xf32> to vector<64x128xf32>
    %slice3A_1732 = vector.extract_strided_slice %dot_general3A_19 {offsets = [576, 256], sizes = [64, 128], strides = [1, 1]} : vector<1024x1024xf32> to vector<64x128xf32>
    %slice3A_1733 = vector.extract_strided_slice %dot_general3A_19 {offsets = [576, 384], sizes = [64, 128], strides = [1, 1]} : vector<1024x1024xf32> to vector<64x128xf32>
    %slice3A_1734 = vector.extract_strided_slice %dot_general3A_19 {offsets = [576, 512], sizes = [64, 128], strides = [1, 1]} : vector<1024x1024xf32> to vector<64x128xf32>
    %slice3A_1735 = vector.extract_strided_slice %dot_general3A_19 {offsets = [576, 640], sizes = [64, 128], strides = [1, 1]} : vector<1024x1024xf32> to vector<64x128xf32>
    %slice3A_1736 = vector.extract_strided_slice %dot_general3A_19 {offsets = [576, 768], sizes = [64, 128], strides = [1, 1]} : vector<1024x1024xf32> to vector<64x128xf32>
    %slice3A_1737 = vector.extract_strided_slice %dot_general3A_19 {offsets = [576, 896], sizes = [64, 128], strides = [1, 1]} : vector<1024x1024xf32> to vector<64x128xf32>
    %slice3A_1738 = vector.extract_strided_slice %dot_general3A_24 {offsets = [576, 0], sizes = [64, 128], strides = [1, 1]} : vector<1024x1024xf32> to vector<64x128xf32>
    %slice3A_1739 = vector.extract_strided_slice %dot_general3A_24 {offsets = [576, 128], sizes = [64, 128], strides = [1, 1]} : vector<1024x1024xf32> to vector<64x128xf32>
    %slice3A_1740 = vector.extract_strided_slice %dot_general3A_24 {offsets = [576, 256], sizes = [64, 128], strides = [1, 1]} : vector<1024x1024xf32> to vector<64x128xf32>
    %slice3A_1741 = vector.extract_strided_slice %dot_general3A_24 {offsets = [576, 384], sizes = [64, 128], strides = [1, 1]} : vector<1024x1024xf32> to vector<64x128xf32>
    %slice3A_1742 = vector.extract_strided_slice %dot_general3A_24 {offsets = [576, 512], sizes = [64, 128], strides = [1, 1]} : vector<1024x1024xf32> to vector<64x128xf32>
    %slice3A_1743 = vector.extract_strided_slice %dot_general3A_24 {offsets = [576, 640], sizes = [64, 128], strides = [1, 1]} : vector<1024x1024xf32> to vector<64x128xf32>
    %slice3A_1744 = vector.extract_strided_slice %dot_general3A_24 {offsets = [576, 768], sizes = [64, 128], strides = [1, 1]} : vector<1024x1024xf32> to vector<64x128xf32>
    %slice3A_1745 = vector.extract_strided_slice %dot_general3A_24 {offsets = [576, 896], sizes = [64, 128], strides = [1, 1]} : vector<1024x1024xf32> to vector<64x128xf32>
    %max3A_1746 = arith.maximumf %slice3A_1730, %slice3A_1731 : vector<64x128xf32>
    %min3A_1747 = arith.minimumf %slice3A_1730, %slice3A_1731 : vector<64x128xf32>
    %max3A_1748 = arith.maximumf %slice3A_1732, %slice3A_1733 : vector<64x128xf32>
    %min3A_1749 = arith.minimumf %slice3A_1732, %slice3A_1733 : vector<64x128xf32>
    %max3A_1750 = arith.maximumf %slice3A_1734, %slice3A_1735 : vector<64x128xf32>
    %min3A_1751 = arith.minimumf %slice3A_1734, %slice3A_1735 : vector<64x128xf32>
    %max3A_1752 = arith.maximumf %slice3A_1736, %slice3A_1737 : vector<64x128xf32>
    %min3A_1753 = arith.minimumf %slice3A_1736, %slice3A_1737 : vector<64x128xf32>
    %max3A_1754 = arith.maximumf %max3A_1746, %max3A_1748 : vector<64x128xf32>
    %min3A_1755 = arith.minimumf %max3A_1746, %max3A_1748 : vector<64x128xf32>
    %max3A_1756 = arith.maximumf %min3A_1747, %min3A_1749 : vector<64x128xf32>
    %min3A_1757 = arith.minimumf %min3A_1747, %min3A_1749 : vector<64x128xf32>
    %max3A_1758 = arith.maximumf %max3A_1750, %max3A_1752 : vector<64x128xf32>
    %min3A_1759 = arith.minimumf %max3A_1750, %max3A_1752 : vector<64x128xf32>
    %max3A_1760 = arith.maximumf %min3A_1751, %min3A_1753 : vector<64x128xf32>
    %min3A_1761 = arith.minimumf %min3A_1751, %min3A_1753 : vector<64x128xf32>
    %max3A_1762 = arith.maximumf %max3A_1756, %min3A_1755 : vector<64x128xf32>
    %min3A_1763 = arith.minimumf %max3A_1756, %min3A_1755 : vector<64x128xf32>
    %max3A_1764 = arith.maximumf %max3A_1760, %min3A_1759 : vector<64x128xf32>
    %min3A_1765 = arith.minimumf %max3A_1760, %min3A_1759 : vector<64x128xf32>
    %max3A_1766 = arith.maximumf %max3A_1754, %max3A_1758 : vector<64x128xf32>
    %min3A_1767 = arith.minimumf %max3A_1754, %max3A_1758 : vector<64x128xf32>
    %max3A_1768 = arith.maximumf %max3A_1762, %max3A_1764 : vector<64x128xf32>
    %min3A_1769 = arith.minimumf %max3A_1762, %max3A_1764 : vector<64x128xf32>
    %max3A_1770 = arith.maximumf %min3A_1763, %min3A_1765 : vector<64x128xf32>
    %min3A_1771 = arith.minimumf %min3A_1763, %min3A_1765 : vector<64x128xf32>
    %max3A_1772 = arith.maximumf %min3A_1757, %min3A_1761 : vector<64x128xf32>
    %min3A_1773 = arith.minimumf %min3A_1757, %min3A_1761 : vector<64x128xf32>
    %max3A_1774 = arith.maximumf %max3A_1770, %min3A_1767 : vector<64x128xf32>
    %min3A_1775 = arith.minimumf %max3A_1770, %min3A_1767 : vector<64x128xf32>
    %max3A_1776 = arith.maximumf %max3A_1772, %min3A_1769 : vector<64x128xf32>
    %min3A_1777 = arith.minimumf %max3A_1772, %min3A_1769 : vector<64x128xf32>
    %max3A_1778 = arith.maximumf %max3A_1768, %max3A_1774 : vector<64x128xf32>
    %min3A_1779 = arith.minimumf %max3A_1768, %max3A_1774 : vector<64x128xf32>
    %max3A_1780 = arith.maximumf %max3A_1776, %min3A_1775 : vector<64x128xf32>
    %min3A_1781 = arith.minimumf %max3A_1776, %min3A_1775 : vector<64x128xf32>
    %max3A_1782 = arith.maximumf %min3A_1777, %min3A_1771 : vector<64x128xf32>
    %min3A_1783 = arith.minimumf %min3A_1777, %min3A_1771 : vector<64x128xf32>
    %max3A_1784 = arith.maximumf %slice3A_1738, %slice3A_1739 : vector<64x128xf32>
    %min3A_1785 = arith.minimumf %slice3A_1738, %slice3A_1739 : vector<64x128xf32>
    %max3A_1786 = arith.maximumf %slice3A_1740, %slice3A_1741 : vector<64x128xf32>
    %min3A_1787 = arith.minimumf %slice3A_1740, %slice3A_1741 : vector<64x128xf32>
    %max3A_1788 = arith.maximumf %slice3A_1742, %slice3A_1743 : vector<64x128xf32>
    %min3A_1789 = arith.minimumf %slice3A_1742, %slice3A_1743 : vector<64x128xf32>
    %max3A_1790 = arith.maximumf %slice3A_1744, %slice3A_1745 : vector<64x128xf32>
    %min3A_1791 = arith.minimumf %slice3A_1744, %slice3A_1745 : vector<64x128xf32>
    %max3A_1792 = arith.maximumf %max3A_1784, %max3A_1786 : vector<64x128xf32>
    %min3A_1793 = arith.minimumf %max3A_1784, %max3A_1786 : vector<64x128xf32>
    %max3A_1794 = arith.maximumf %min3A_1785, %min3A_1787 : vector<64x128xf32>
    %min3A_1795 = arith.minimumf %min3A_1785, %min3A_1787 : vector<64x128xf32>
    %max3A_1796 = arith.maximumf %max3A_1788, %max3A_1790 : vector<64x128xf32>
    %min3A_1797 = arith.minimumf %max3A_1788, %max3A_1790 : vector<64x128xf32>
    %max3A_1798 = arith.maximumf %min3A_1789, %min3A_1791 : vector<64x128xf32>
    %min3A_1799 = arith.minimumf %min3A_1789, %min3A_1791 : vector<64x128xf32>
    %max3A_1800 = arith.maximumf %max3A_1794, %min3A_1793 : vector<64x128xf32>
    %min3A_1801 = arith.minimumf %max3A_1794, %min3A_1793 : vector<64x128xf32>
    %max3A_1802 = arith.maximumf %max3A_1798, %min3A_1797 : vector<64x128xf32>
    %min3A_1803 = arith.minimumf %max3A_1798, %min3A_1797 : vector<64x128xf32>
    %max3A_1804 = arith.maximumf %max3A_1792, %max3A_1796 : vector<64x128xf32>
    %min3A_1805 = arith.minimumf %max3A_1792, %max3A_1796 : vector<64x128xf32>
    %max3A_1806 = arith.maximumf %max3A_1800, %max3A_1802 : vector<64x128xf32>
    %min3A_1807 = arith.minimumf %max3A_1800, %max3A_1802 : vector<64x128xf32>
    %max3A_1808 = arith.maximumf %min3A_1801, %min3A_1803 : vector<64x128xf32>
    %min3A_1809 = arith.minimumf %min3A_1801, %min3A_1803 : vector<64x128xf32>
    %max3A_1810 = arith.maximumf %min3A_1795, %min3A_1799 : vector<64x128xf32>
    %min3A_1811 = arith.minimumf %min3A_1795, %min3A_1799 : vector<64x128xf32>
    %max3A_1812 = arith.maximumf %max3A_1808, %min3A_1805 : vector<64x128xf32>
    %min3A_1813 = arith.minimumf %max3A_1808, %min3A_1805 : vector<64x128xf32>
    %max3A_1814 = arith.maximumf %max3A_1810, %min3A_1807 : vector<64x128xf32>
    %min3A_1815 = arith.minimumf %max3A_1810, %min3A_1807 : vector<64x128xf32>
    %max3A_1816 = arith.maximumf %max3A_1806, %max3A_1812 : vector<64x128xf32>
    %min3A_1817 = arith.minimumf %max3A_1806, %max3A_1812 : vector<64x128xf32>
    %max3A_1818 = arith.maximumf %max3A_1814, %min3A_1813 : vector<64x128xf32>
    %min3A_1819 = arith.minimumf %max3A_1814, %min3A_1813 : vector<64x128xf32>
    %max3A_1820 = arith.maximumf %min3A_1815, %min3A_1809 : vector<64x128xf32>
    %min3A_1821 = arith.minimumf %min3A_1815, %min3A_1809 : vector<64x128xf32>
    %max3A_1822 = arith.maximumf %max3A_1766, %min3A_1811 : vector<64x128xf32>
    %max3A_1823 = arith.maximumf %max3A_1778, %min3A_1821 : vector<64x128xf32>
    %max3A_1824 = arith.maximumf %min3A_1779, %max3A_1820 : vector<64x128xf32>
    %max3A_1825 = arith.maximumf %max3A_1780, %min3A_1819 : vector<64x128xf32>
    %max3A_1826 = arith.maximumf %min3A_1781, %max3A_1818 : vector<64x128xf32>
    %max3A_1827 = arith.maximumf %max3A_1782, %min3A_1817 : vector<64x128xf32>
    %max3A_1828 = arith.maximumf %min3A_1783, %max3A_1816 : vector<64x128xf32>
    %max3A_1829 = arith.maximumf %min3A_1773, %max3A_1804 : vector<64x128xf32>
    %max3A_1830 = arith.maximumf %max3A_1822, %max3A_1826 : vector<64x128xf32>
    %min3A_1831 = arith.minimumf %max3A_1822, %max3A_1826 : vector<64x128xf32>
    %max3A_1832 = arith.maximumf %max3A_1823, %max3A_1827 : vector<64x128xf32>
    %min3A_1833 = arith.minimumf %max3A_1823, %max3A_1827 : vector<64x128xf32>
    %max3A_1834 = arith.maximumf %max3A_1824, %max3A_1828 : vector<64x128xf32>
    %min3A_1835 = arith.minimumf %max3A_1824, %max3A_1828 : vector<64x128xf32>
    %max3A_1836 = arith.maximumf %max3A_1825, %max3A_1829 : vector<64x128xf32>
    %min3A_1837 = arith.minimumf %max3A_1825, %max3A_1829 : vector<64x128xf32>
    %max3A_1838 = arith.maximumf %max3A_1830, %max3A_1834 : vector<64x128xf32>
    %min3A_1839 = arith.minimumf %max3A_1830, %max3A_1834 : vector<64x128xf32>
    %max3A_1840 = arith.maximumf %max3A_1832, %max3A_1836 : vector<64x128xf32>
    %min3A_1841 = arith.minimumf %max3A_1832, %max3A_1836 : vector<64x128xf32>
    %max3A_1842 = arith.maximumf %min3A_1831, %min3A_1835 : vector<64x128xf32>
    %min3A_1843 = arith.minimumf %min3A_1831, %min3A_1835 : vector<64x128xf32>
    %max3A_1844 = arith.maximumf %min3A_1833, %min3A_1837 : vector<64x128xf32>
    %min3A_1845 = arith.minimumf %min3A_1833, %min3A_1837 : vector<64x128xf32>
    %max3A_1846 = arith.maximumf %max3A_1838, %max3A_1840 : vector<64x128xf32>
    %min3A_1847 = arith.minimumf %max3A_1838, %max3A_1840 : vector<64x128xf32>
    %max3A_1848 = arith.maximumf %min3A_1839, %min3A_1841 : vector<64x128xf32>
    %min3A_1849 = arith.minimumf %min3A_1839, %min3A_1841 : vector<64x128xf32>
    %max3A_1850 = arith.maximumf %max3A_1842, %max3A_1844 : vector<64x128xf32>
    %min3A_1851 = arith.minimumf %max3A_1842, %max3A_1844 : vector<64x128xf32>
    %max3A_1852 = arith.maximumf %min3A_1843, %min3A_1845 : vector<64x128xf32>
    %min3A_1853 = arith.minimumf %min3A_1843, %min3A_1845 : vector<64x128xf32>
    %reduce_max3A_1854 = arith.constant dense<0xFF800000> : vector<64xf32>
    %reduce_max3A_1855 = vector.multi_reduction <maximumf>, %max3A_1846, %reduce_max3A_1854 [1] : vector<64x128xf32> to vector<64xf32>
    %broadcast_in_dim3A_1856 = vector.shape_cast %reduce_max3A_1855 : vector<64xf32> to vector<64x1xf32>
    %eq3A_1857 = vector.broadcast %broadcast_in_dim3A_1856 : vector<64x1xf32> to vector<64x128xf32>
    %eq3A_1858 = arith.cmpf oeq, %max3A_1846, %eq3A_1857 : vector<64x128xf32>
    %select_n3A_1859 = arith.select %eq3A_1858, %min3A_1847, %max3A_1846 : vector<64x128xi1>, vector<64x128xf32>
    %select_n3A_1860 = arith.select %eq3A_1858, %max3A_1848, %min3A_1847 : vector<64x128xi1>, vector<64x128xf32>
    %select_n3A_1861 = arith.select %eq3A_1858, %min3A_1849, %max3A_1848 : vector<64x128xi1>, vector<64x128xf32>
    %select_n3A_1862 = arith.select %eq3A_1858, %max3A_1850, %min3A_1849 : vector<64x128xi1>, vector<64x128xf32>
    %select_n3A_1863 = arith.select %eq3A_1858, %min3A_1851, %max3A_1850 : vector<64x128xi1>, vector<64x128xf32>
    %select_n3A_1864 = arith.select %eq3A_1858, %max3A_1852, %min3A_1851 : vector<64x128xi1>, vector<64x128xf32>
    %select_n3A_1865 = arith.select %eq3A_1858, %min3A_1853, %max3A_1852 : vector<64x128xi1>, vector<64x128xf32>
    %reduce_max3A_1866 = arith.constant dense<0xFF800000> : vector<64xf32>
    %reduce_max3A_1867 = vector.multi_reduction <maximumf>, %select_n3A_1859, %reduce_max3A_1866 [1] : vector<64x128xf32> to vector<64xf32>
    %broadcast_in_dim3A_1868 = vector.shape_cast %reduce_max3A_1867 : vector<64xf32> to vector<64x1xf32>
    %eq3A_1869 = vector.broadcast %broadcast_in_dim3A_1868 : vector<64x1xf32> to vector<64x128xf32>
    %eq3A_1870 = arith.cmpf oeq, %select_n3A_1859, %eq3A_1869 : vector<64x128xf32>
    %select_n3A_1871 = arith.select %eq3A_1870, %select_n3A_1860, %select_n3A_1859 : vector<64x128xi1>, vector<64x128xf32>
    %select_n3A_1872 = arith.select %eq3A_1870, %select_n3A_1861, %select_n3A_1860 : vector<64x128xi1>, vector<64x128xf32>
    %select_n3A_1873 = arith.select %eq3A_1870, %select_n3A_1862, %select_n3A_1861 : vector<64x128xi1>, vector<64x128xf32>
    %select_n3A_1874 = arith.select %eq3A_1870, %select_n3A_1863, %select_n3A_1862 : vector<64x128xi1>, vector<64x128xf32>
    %select_n3A_1875 = arith.select %eq3A_1870, %select_n3A_1864, %select_n3A_1863 : vector<64x128xi1>, vector<64x128xf32>
    %select_n3A_1876 = arith.select %eq3A_1870, %select_n3A_1865, %select_n3A_1864 : vector<64x128xi1>, vector<64x128xf32>
    %reduce_max3A_1877 = arith.constant dense<0xFF800000> : vector<64xf32>
    %reduce_max3A_1878 = vector.multi_reduction <maximumf>, %select_n3A_1871, %reduce_max3A_1877 [1] : vector<64x128xf32> to vector<64xf32>
    %broadcast_in_dim3A_1879 = vector.shape_cast %reduce_max3A_1878 : vector<64xf32> to vector<64x1xf32>
    %eq3A_1880 = vector.broadcast %broadcast_in_dim3A_1879 : vector<64x1xf32> to vector<64x128xf32>
    %eq3A_1881 = arith.cmpf oeq, %select_n3A_1871, %eq3A_1880 : vector<64x128xf32>
    %select_n3A_1882 = arith.select %eq3A_1881, %select_n3A_1872, %select_n3A_1871 : vector<64x128xi1>, vector<64x128xf32>
    %select_n3A_1883 = arith.select %eq3A_1881, %select_n3A_1873, %select_n3A_1872 : vector<64x128xi1>, vector<64x128xf32>
    %select_n3A_1884 = arith.select %eq3A_1881, %select_n3A_1874, %select_n3A_1873 : vector<64x128xi1>, vector<64x128xf32>
    %select_n3A_1885 = arith.select %eq3A_1881, %select_n3A_1875, %select_n3A_1874 : vector<64x128xi1>, vector<64x128xf32>
    %select_n3A_1886 = arith.select %eq3A_1881, %select_n3A_1876, %select_n3A_1875 : vector<64x128xi1>, vector<64x128xf32>
    %reduce_max3A_1887 = arith.constant dense<0xFF800000> : vector<64xf32>
    %reduce_max3A_1888 = vector.multi_reduction <maximumf>, %select_n3A_1882, %reduce_max3A_1887 [1] : vector<64x128xf32> to vector<64xf32>
    %broadcast_in_dim3A_1889 = vector.shape_cast %reduce_max3A_1888 : vector<64xf32> to vector<64x1xf32>
    %eq3A_1890 = vector.broadcast %broadcast_in_dim3A_1889 : vector<64x1xf32> to vector<64x128xf32>
    %eq3A_1891 = arith.cmpf oeq, %select_n3A_1882, %eq3A_1890 : vector<64x128xf32>
    %select_n3A_1892 = arith.select %eq3A_1891, %select_n3A_1883, %select_n3A_1882 : vector<64x128xi1>, vector<64x128xf32>
    %select_n3A_1893 = arith.select %eq3A_1891, %select_n3A_1884, %select_n3A_1883 : vector<64x128xi1>, vector<64x128xf32>
    %select_n3A_1894 = arith.select %eq3A_1891, %select_n3A_1885, %select_n3A_1884 : vector<64x128xi1>, vector<64x128xf32>
    %select_n3A_1895 = arith.select %eq3A_1891, %select_n3A_1886, %select_n3A_1885 : vector<64x128xi1>, vector<64x128xf32>
    %reduce_max3A_1896 = arith.constant dense<0xFF800000> : vector<64xf32>
    %reduce_max3A_1897 = vector.multi_reduction <maximumf>, %select_n3A_1892, %reduce_max3A_1896 [1] : vector<64x128xf32> to vector<64xf32>
    %broadcast_in_dim3A_1898 = vector.shape_cast %reduce_max3A_1897 : vector<64xf32> to vector<64x1xf32>
    %eq3A_1899 = vector.broadcast %broadcast_in_dim3A_1898 : vector<64x1xf32> to vector<64x128xf32>
    %eq3A_1900 = arith.cmpf oeq, %select_n3A_1892, %eq3A_1899 : vector<64x128xf32>
    %select_n3A_1901 = arith.select %eq3A_1900, %select_n3A_1893, %select_n3A_1892 : vector<64x128xi1>, vector<64x128xf32>
    %select_n3A_1902 = arith.select %eq3A_1900, %select_n3A_1894, %select_n3A_1893 : vector<64x128xi1>, vector<64x128xf32>
    %select_n3A_1903 = arith.select %eq3A_1900, %select_n3A_1895, %select_n3A_1894 : vector<64x128xi1>, vector<64x128xf32>
    %reduce_max3A_1904 = arith.constant dense<0xFF800000> : vector<64xf32>
    %reduce_max3A_1905 = vector.multi_reduction <maximumf>, %select_n3A_1901, %reduce_max3A_1904 [1] : vector<64x128xf32> to vector<64xf32>
    %broadcast_in_dim3A_1906 = vector.shape_cast %reduce_max3A_1905 : vector<64xf32> to vector<64x1xf32>
    %eq3A_1907 = vector.broadcast %broadcast_in_dim3A_1906 : vector<64x1xf32> to vector<64x128xf32>
    %eq3A_1908 = arith.cmpf oeq, %select_n3A_1901, %eq3A_1907 : vector<64x128xf32>
    %select_n3A_1909 = arith.select %eq3A_1908, %select_n3A_1902, %select_n3A_1901 : vector<64x128xi1>, vector<64x128xf32>
    %select_n3A_1910 = arith.select %eq3A_1908, %select_n3A_1903, %select_n3A_1902 : vector<64x128xi1>, vector<64x128xf32>
    %reduce_max3A_1911 = arith.constant dense<0xFF800000> : vector<64xf32>
    %reduce_max3A_1912 = vector.multi_reduction <maximumf>, %select_n3A_1909, %reduce_max3A_1911 [1] : vector<64x128xf32> to vector<64xf32>
    %broadcast_in_dim3A_1913 = vector.shape_cast %reduce_max3A_1912 : vector<64xf32> to vector<64x1xf32>
    %eq3A_1914 = vector.broadcast %broadcast_in_dim3A_1913 : vector<64x1xf32> to vector<64x128xf32>
    %eq3A_1915 = arith.cmpf oeq, %select_n3A_1909, %eq3A_1914 : vector<64x128xf32>
    %select_n3A_1916 = arith.select %eq3A_1915, %select_n3A_1910, %select_n3A_1909 : vector<64x128xi1>, vector<64x128xf32>
    %reduce_max3A_1917 = arith.constant dense<0xFF800000> : vector<64xf32>
    %reduce_max3A_1918 = vector.multi_reduction <maximumf>, %select_n3A_1916, %reduce_max3A_1917 [1] : vector<64x128xf32> to vector<64xf32>
    %broadcast_in_dim3A_1919 = vector.shape_cast %reduce_max3A_1918 : vector<64xf32> to vector<64x1xf32>
    %slice3A_1920 = vector.extract_strided_slice %dot_general3A_19 {offsets = [640, 0], sizes = [64, 128], strides = [1, 1]} : vector<1024x1024xf32> to vector<64x128xf32>
    %slice3A_1921 = vector.extract_strided_slice %dot_general3A_19 {offsets = [640, 128], sizes = [64, 128], strides = [1, 1]} : vector<1024x1024xf32> to vector<64x128xf32>
    %slice3A_1922 = vector.extract_strided_slice %dot_general3A_19 {offsets = [640, 256], sizes = [64, 128], strides = [1, 1]} : vector<1024x1024xf32> to vector<64x128xf32>
    %slice3A_1923 = vector.extract_strided_slice %dot_general3A_19 {offsets = [640, 384], sizes = [64, 128], strides = [1, 1]} : vector<1024x1024xf32> to vector<64x128xf32>
    %slice3A_1924 = vector.extract_strided_slice %dot_general3A_19 {offsets = [640, 512], sizes = [64, 128], strides = [1, 1]} : vector<1024x1024xf32> to vector<64x128xf32>
    %slice3A_1925 = vector.extract_strided_slice %dot_general3A_19 {offsets = [640, 640], sizes = [64, 128], strides = [1, 1]} : vector<1024x1024xf32> to vector<64x128xf32>
    %slice3A_1926 = vector.extract_strided_slice %dot_general3A_19 {offsets = [640, 768], sizes = [64, 128], strides = [1, 1]} : vector<1024x1024xf32> to vector<64x128xf32>
    %slice3A_1927 = vector.extract_strided_slice %dot_general3A_19 {offsets = [640, 896], sizes = [64, 128], strides = [1, 1]} : vector<1024x1024xf32> to vector<64x128xf32>
    %slice3A_1928 = vector.extract_strided_slice %dot_general3A_24 {offsets = [640, 0], sizes = [64, 128], strides = [1, 1]} : vector<1024x1024xf32> to vector<64x128xf32>
    %slice3A_1929 = vector.extract_strided_slice %dot_general3A_24 {offsets = [640, 128], sizes = [64, 128], strides = [1, 1]} : vector<1024x1024xf32> to vector<64x128xf32>
    %slice3A_1930 = vector.extract_strided_slice %dot_general3A_24 {offsets = [640, 256], sizes = [64, 128], strides = [1, 1]} : vector<1024x1024xf32> to vector<64x128xf32>
    %slice3A_1931 = vector.extract_strided_slice %dot_general3A_24 {offsets = [640, 384], sizes = [64, 128], strides = [1, 1]} : vector<1024x1024xf32> to vector<64x128xf32>
    %slice3A_1932 = vector.extract_strided_slice %dot_general3A_24 {offsets = [640, 512], sizes = [64, 128], strides = [1, 1]} : vector<1024x1024xf32> to vector<64x128xf32>
    %slice3A_1933 = vector.extract_strided_slice %dot_general3A_24 {offsets = [640, 640], sizes = [64, 128], strides = [1, 1]} : vector<1024x1024xf32> to vector<64x128xf32>
    %slice3A_1934 = vector.extract_strided_slice %dot_general3A_24 {offsets = [640, 768], sizes = [64, 128], strides = [1, 1]} : vector<1024x1024xf32> to vector<64x128xf32>
    %slice3A_1935 = vector.extract_strided_slice %dot_general3A_24 {offsets = [640, 896], sizes = [64, 128], strides = [1, 1]} : vector<1024x1024xf32> to vector<64x128xf32>
    %max3A_1936 = arith.maximumf %slice3A_1920, %slice3A_1921 : vector<64x128xf32>
    %min3A_1937 = arith.minimumf %slice3A_1920, %slice3A_1921 : vector<64x128xf32>
    %max3A_1938 = arith.maximumf %slice3A_1922, %slice3A_1923 : vector<64x128xf32>
    %min3A_1939 = arith.minimumf %slice3A_1922, %slice3A_1923 : vector<64x128xf32>
    %max3A_1940 = arith.maximumf %slice3A_1924, %slice3A_1925 : vector<64x128xf32>
    %min3A_1941 = arith.minimumf %slice3A_1924, %slice3A_1925 : vector<64x128xf32>
    %max3A_1942 = arith.maximumf %slice3A_1926, %slice3A_1927 : vector<64x128xf32>
    %min3A_1943 = arith.minimumf %slice3A_1926, %slice3A_1927 : vector<64x128xf32>
    %max3A_1944 = arith.maximumf %max3A_1936, %max3A_1938 : vector<64x128xf32>
    %min3A_1945 = arith.minimumf %max3A_1936, %max3A_1938 : vector<64x128xf32>
    %max3A_1946 = arith.maximumf %min3A_1937, %min3A_1939 : vector<64x128xf32>
    %min3A_1947 = arith.minimumf %min3A_1937, %min3A_1939 : vector<64x128xf32>
    %max3A_1948 = arith.maximumf %max3A_1940, %max3A_1942 : vector<64x128xf32>
    %min3A_1949 = arith.minimumf %max3A_1940, %max3A_1942 : vector<64x128xf32>
    %max3A_1950 = arith.maximumf %min3A_1941, %min3A_1943 : vector<64x128xf32>
    %min3A_1951 = arith.minimumf %min3A_1941, %min3A_1943 : vector<64x128xf32>
    %max3A_1952 = arith.maximumf %max3A_1946, %min3A_1945 : vector<64x128xf32>
    %min3A_1953 = arith.minimumf %max3A_1946, %min3A_1945 : vector<64x128xf32>
    %max3A_1954 = arith.maximumf %max3A_1950, %min3A_1949 : vector<64x128xf32>
    %min3A_1955 = arith.minimumf %max3A_1950, %min3A_1949 : vector<64x128xf32>
    %max3A_1956 = arith.maximumf %max3A_1944, %max3A_1948 : vector<64x128xf32>
    %min3A_1957 = arith.minimumf %max3A_1944, %max3A_1948 : vector<64x128xf32>
    %max3A_1958 = arith.maximumf %max3A_1952, %max3A_1954 : vector<64x128xf32>
    %min3A_1959 = arith.minimumf %max3A_1952, %max3A_1954 : vector<64x128xf32>
    %max3A_1960 = arith.maximumf %min3A_1953, %min3A_1955 : vector<64x128xf32>
    %min3A_1961 = arith.minimumf %min3A_1953, %min3A_1955 : vector<64x128xf32>
    %max3A_1962 = arith.maximumf %min3A_1947, %min3A_1951 : vector<64x128xf32>
    %min3A_1963 = arith.minimumf %min3A_1947, %min3A_1951 : vector<64x128xf32>
    %max3A_1964 = arith.maximumf %max3A_1960, %min3A_1957 : vector<64x128xf32>
    %min3A_1965 = arith.minimumf %max3A_1960, %min3A_1957 : vector<64x128xf32>
    %max3A_1966 = arith.maximumf %max3A_1962, %min3A_1959 : vector<64x128xf32>
    %min3A_1967 = arith.minimumf %max3A_1962, %min3A_1959 : vector<64x128xf32>
    %max3A_1968 = arith.maximumf %max3A_1958, %max3A_1964 : vector<64x128xf32>
    %min3A_1969 = arith.minimumf %max3A_1958, %max3A_1964 : vector<64x128xf32>
    %max3A_1970 = arith.maximumf %max3A_1966, %min3A_1965 : vector<64x128xf32>
    %min3A_1971 = arith.minimumf %max3A_1966, %min3A_1965 : vector<64x128xf32>
    %max3A_1972 = arith.maximumf %min3A_1967, %min3A_1961 : vector<64x128xf32>
    %min3A_1973 = arith.minimumf %min3A_1967, %min3A_1961 : vector<64x128xf32>
    %max3A_1974 = arith.maximumf %slice3A_1928, %slice3A_1929 : vector<64x128xf32>
    %min3A_1975 = arith.minimumf %slice3A_1928, %slice3A_1929 : vector<64x128xf32>
    %max3A_1976 = arith.maximumf %slice3A_1930, %slice3A_1931 : vector<64x128xf32>
    %min3A_1977 = arith.minimumf %slice3A_1930, %slice3A_1931 : vector<64x128xf32>
    %max3A_1978 = arith.maximumf %slice3A_1932, %slice3A_1933 : vector<64x128xf32>
    %min3A_1979 = arith.minimumf %slice3A_1932, %slice3A_1933 : vector<64x128xf32>
    %max3A_1980 = arith.maximumf %slice3A_1934, %slice3A_1935 : vector<64x128xf32>
    %min3A_1981 = arith.minimumf %slice3A_1934, %slice3A_1935 : vector<64x128xf32>
    %max3A_1982 = arith.maximumf %max3A_1974, %max3A_1976 : vector<64x128xf32>
    %min3A_1983 = arith.minimumf %max3A_1974, %max3A_1976 : vector<64x128xf32>
    %max3A_1984 = arith.maximumf %min3A_1975, %min3A_1977 : vector<64x128xf32>
    %min3A_1985 = arith.minimumf %min3A_1975, %min3A_1977 : vector<64x128xf32>
    %max3A_1986 = arith.maximumf %max3A_1978, %max3A_1980 : vector<64x128xf32>
    %min3A_1987 = arith.minimumf %max3A_1978, %max3A_1980 : vector<64x128xf32>
    %max3A_1988 = arith.maximumf %min3A_1979, %min3A_1981 : vector<64x128xf32>
    %min3A_1989 = arith.minimumf %min3A_1979, %min3A_1981 : vector<64x128xf32>
    %max3A_1990 = arith.maximumf %max3A_1984, %min3A_1983 : vector<64x128xf32>
    %min3A_1991 = arith.minimumf %max3A_1984, %min3A_1983 : vector<64x128xf32>
    %max3A_1992 = arith.maximumf %max3A_1988, %min3A_1987 : vector<64x128xf32>
    %min3A_1993 = arith.minimumf %max3A_1988, %min3A_1987 : vector<64x128xf32>
    %max3A_1994 = arith.maximumf %max3A_1982, %max3A_1986 : vector<64x128xf32>
    %min3A_1995 = arith.minimumf %max3A_1982, %max3A_1986 : vector<64x128xf32>
    %max3A_1996 = arith.maximumf %max3A_1990, %max3A_1992 : vector<64x128xf32>
    %min3A_1997 = arith.minimumf %max3A_1990, %max3A_1992 : vector<64x128xf32>
    %max3A_1998 = arith.maximumf %min3A_1991, %min3A_1993 : vector<64x128xf32>
    %min3A_1999 = arith.minimumf %min3A_1991, %min3A_1993 : vector<64x128xf32>
    %max3A_2000 = arith.maximumf %min3A_1985, %min3A_1989 : vector<64x128xf32>
    %min3A_2001 = arith.minimumf %min3A_1985, %min3A_1989 : vector<64x128xf32>
    %max3A_2002 = arith.maximumf %max3A_1998, %min3A_1995 : vector<64x128xf32>
    %min3A_2003 = arith.minimumf %max3A_1998, %min3A_1995 : vector<64x128xf32>
    %max3A_2004 = arith.maximumf %max3A_2000, %min3A_1997 : vector<64x128xf32>
    %min3A_2005 = arith.minimumf %max3A_2000, %min3A_1997 : vector<64x128xf32>
    %max3A_2006 = arith.maximumf %max3A_1996, %max3A_2002 : vector<64x128xf32>
    %min3A_2007 = arith.minimumf %max3A_1996, %max3A_2002 : vector<64x128xf32>
    %max3A_2008 = arith.maximumf %max3A_2004, %min3A_2003 : vector<64x128xf32>
    %min3A_2009 = arith.minimumf %max3A_2004, %min3A_2003 : vector<64x128xf32>
    %max3A_2010 = arith.maximumf %min3A_2005, %min3A_1999 : vector<64x128xf32>
    %min3A_2011 = arith.minimumf %min3A_2005, %min3A_1999 : vector<64x128xf32>
    %max3A_2012 = arith.maximumf %max3A_1956, %min3A_2001 : vector<64x128xf32>
    %max3A_2013 = arith.maximumf %max3A_1968, %min3A_2011 : vector<64x128xf32>
    %max3A_2014 = arith.maximumf %min3A_1969, %max3A_2010 : vector<64x128xf32>
    %max3A_2015 = arith.maximumf %max3A_1970, %min3A_2009 : vector<64x128xf32>
    %max3A_2016 = arith.maximumf %min3A_1971, %max3A_2008 : vector<64x128xf32>
    %max3A_2017 = arith.maximumf %max3A_1972, %min3A_2007 : vector<64x128xf32>
    %max3A_2018 = arith.maximumf %min3A_1973, %max3A_2006 : vector<64x128xf32>
    %max3A_2019 = arith.maximumf %min3A_1963, %max3A_1994 : vector<64x128xf32>
    %max3A_2020 = arith.maximumf %max3A_2012, %max3A_2016 : vector<64x128xf32>
    %min3A_2021 = arith.minimumf %max3A_2012, %max3A_2016 : vector<64x128xf32>
    %max3A_2022 = arith.maximumf %max3A_2013, %max3A_2017 : vector<64x128xf32>
    %min3A_2023 = arith.minimumf %max3A_2013, %max3A_2017 : vector<64x128xf32>
    %max3A_2024 = arith.maximumf %max3A_2014, %max3A_2018 : vector<64x128xf32>
    %min3A_2025 = arith.minimumf %max3A_2014, %max3A_2018 : vector<64x128xf32>
    %max3A_2026 = arith.maximumf %max3A_2015, %max3A_2019 : vector<64x128xf32>
    %min3A_2027 = arith.minimumf %max3A_2015, %max3A_2019 : vector<64x128xf32>
    %max3A_2028 = arith.maximumf %max3A_2020, %max3A_2024 : vector<64x128xf32>
    %min3A_2029 = arith.minimumf %max3A_2020, %max3A_2024 : vector<64x128xf32>
    %max3A_2030 = arith.maximumf %max3A_2022, %max3A_2026 : vector<64x128xf32>
    %min3A_2031 = arith.minimumf %max3A_2022, %max3A_2026 : vector<64x128xf32>
    %max3A_2032 = arith.maximumf %min3A_2021, %min3A_2025 : vector<64x128xf32>
    %min3A_2033 = arith.minimumf %min3A_2021, %min3A_2025 : vector<64x128xf32>
    %max3A_2034 = arith.maximumf %min3A_2023, %min3A_2027 : vector<64x128xf32>
    %min3A_2035 = arith.minimumf %min3A_2023, %min3A_2027 : vector<64x128xf32>
    %max3A_2036 = arith.maximumf %max3A_2028, %max3A_2030 : vector<64x128xf32>
    %min3A_2037 = arith.minimumf %max3A_2028, %max3A_2030 : vector<64x128xf32>
    %max3A_2038 = arith.maximumf %min3A_2029, %min3A_2031 : vector<64x128xf32>
    %min3A_2039 = arith.minimumf %min3A_2029, %min3A_2031 : vector<64x128xf32>
    %max3A_2040 = arith.maximumf %max3A_2032, %max3A_2034 : vector<64x128xf32>
    %min3A_2041 = arith.minimumf %max3A_2032, %max3A_2034 : vector<64x128xf32>
    %max3A_2042 = arith.maximumf %min3A_2033, %min3A_2035 : vector<64x128xf32>
    %min3A_2043 = arith.minimumf %min3A_2033, %min3A_2035 : vector<64x128xf32>
    %reduce_max3A_2044 = arith.constant dense<0xFF800000> : vector<64xf32>
    %reduce_max3A_2045 = vector.multi_reduction <maximumf>, %max3A_2036, %reduce_max3A_2044 [1] : vector<64x128xf32> to vector<64xf32>
    %broadcast_in_dim3A_2046 = vector.shape_cast %reduce_max3A_2045 : vector<64xf32> to vector<64x1xf32>
    %eq3A_2047 = vector.broadcast %broadcast_in_dim3A_2046 : vector<64x1xf32> to vector<64x128xf32>
    %eq3A_2048 = arith.cmpf oeq, %max3A_2036, %eq3A_2047 : vector<64x128xf32>
    %select_n3A_2049 = arith.select %eq3A_2048, %min3A_2037, %max3A_2036 : vector<64x128xi1>, vector<64x128xf32>
    %select_n3A_2050 = arith.select %eq3A_2048, %max3A_2038, %min3A_2037 : vector<64x128xi1>, vector<64x128xf32>
    %select_n3A_2051 = arith.select %eq3A_2048, %min3A_2039, %max3A_2038 : vector<64x128xi1>, vector<64x128xf32>
    %select_n3A_2052 = arith.select %eq3A_2048, %max3A_2040, %min3A_2039 : vector<64x128xi1>, vector<64x128xf32>
    %select_n3A_2053 = arith.select %eq3A_2048, %min3A_2041, %max3A_2040 : vector<64x128xi1>, vector<64x128xf32>
    %select_n3A_2054 = arith.select %eq3A_2048, %max3A_2042, %min3A_2041 : vector<64x128xi1>, vector<64x128xf32>
    %select_n3A_2055 = arith.select %eq3A_2048, %min3A_2043, %max3A_2042 : vector<64x128xi1>, vector<64x128xf32>
    %reduce_max3A_2056 = arith.constant dense<0xFF800000> : vector<64xf32>
    %reduce_max3A_2057 = vector.multi_reduction <maximumf>, %select_n3A_2049, %reduce_max3A_2056 [1] : vector<64x128xf32> to vector<64xf32>
    %broadcast_in_dim3A_2058 = vector.shape_cast %reduce_max3A_2057 : vector<64xf32> to vector<64x1xf32>
    %eq3A_2059 = vector.broadcast %broadcast_in_dim3A_2058 : vector<64x1xf32> to vector<64x128xf32>
    %eq3A_2060 = arith.cmpf oeq, %select_n3A_2049, %eq3A_2059 : vector<64x128xf32>
    %select_n3A_2061 = arith.select %eq3A_2060, %select_n3A_2050, %select_n3A_2049 : vector<64x128xi1>, vector<64x128xf32>
    %select_n3A_2062 = arith.select %eq3A_2060, %select_n3A_2051, %select_n3A_2050 : vector<64x128xi1>, vector<64x128xf32>
    %select_n3A_2063 = arith.select %eq3A_2060, %select_n3A_2052, %select_n3A_2051 : vector<64x128xi1>, vector<64x128xf32>
    %select_n3A_2064 = arith.select %eq3A_2060, %select_n3A_2053, %select_n3A_2052 : vector<64x128xi1>, vector<64x128xf32>
    %select_n3A_2065 = arith.select %eq3A_2060, %select_n3A_2054, %select_n3A_2053 : vector<64x128xi1>, vector<64x128xf32>
    %select_n3A_2066 = arith.select %eq3A_2060, %select_n3A_2055, %select_n3A_2054 : vector<64x128xi1>, vector<64x128xf32>
    %reduce_max3A_2067 = arith.constant dense<0xFF800000> : vector<64xf32>
    %reduce_max3A_2068 = vector.multi_reduction <maximumf>, %select_n3A_2061, %reduce_max3A_2067 [1] : vector<64x128xf32> to vector<64xf32>
    %broadcast_in_dim3A_2069 = vector.shape_cast %reduce_max3A_2068 : vector<64xf32> to vector<64x1xf32>
    %eq3A_2070 = vector.broadcast %broadcast_in_dim3A_2069 : vector<64x1xf32> to vector<64x128xf32>
    %eq3A_2071 = arith.cmpf oeq, %select_n3A_2061, %eq3A_2070 : vector<64x128xf32>
    %select_n3A_2072 = arith.select %eq3A_2071, %select_n3A_2062, %select_n3A_2061 : vector<64x128xi1>, vector<64x128xf32>
    %select_n3A_2073 = arith.select %eq3A_2071, %select_n3A_2063, %select_n3A_2062 : vector<64x128xi1>, vector<64x128xf32>
    %select_n3A_2074 = arith.select %eq3A_2071, %select_n3A_2064, %select_n3A_2063 : vector<64x128xi1>, vector<64x128xf32>
    %select_n3A_2075 = arith.select %eq3A_2071, %select_n3A_2065, %select_n3A_2064 : vector<64x128xi1>, vector<64x128xf32>
    %select_n3A_2076 = arith.select %eq3A_2071, %select_n3A_2066, %select_n3A_2065 : vector<64x128xi1>, vector<64x128xf32>
    %reduce_max3A_2077 = arith.constant dense<0xFF800000> : vector<64xf32>
    %reduce_max3A_2078 = vector.multi_reduction <maximumf>, %select_n3A_2072, %reduce_max3A_2077 [1] : vector<64x128xf32> to vector<64xf32>
    %broadcast_in_dim3A_2079 = vector.shape_cast %reduce_max3A_2078 : vector<64xf32> to vector<64x1xf32>
    %eq3A_2080 = vector.broadcast %broadcast_in_dim3A_2079 : vector<64x1xf32> to vector<64x128xf32>
    %eq3A_2081 = arith.cmpf oeq, %select_n3A_2072, %eq3A_2080 : vector<64x128xf32>
    %select_n3A_2082 = arith.select %eq3A_2081, %select_n3A_2073, %select_n3A_2072 : vector<64x128xi1>, vector<64x128xf32>
    %select_n3A_2083 = arith.select %eq3A_2081, %select_n3A_2074, %select_n3A_2073 : vector<64x128xi1>, vector<64x128xf32>
    %select_n3A_2084 = arith.select %eq3A_2081, %select_n3A_2075, %select_n3A_2074 : vector<64x128xi1>, vector<64x128xf32>
    %select_n3A_2085 = arith.select %eq3A_2081, %select_n3A_2076, %select_n3A_2075 : vector<64x128xi1>, vector<64x128xf32>
    %reduce_max3A_2086 = arith.constant dense<0xFF800000> : vector<64xf32>
    %reduce_max3A_2087 = vector.multi_reduction <maximumf>, %select_n3A_2082, %reduce_max3A_2086 [1] : vector<64x128xf32> to vector<64xf32>
    %broadcast_in_dim3A_2088 = vector.shape_cast %reduce_max3A_2087 : vector<64xf32> to vector<64x1xf32>
    %eq3A_2089 = vector.broadcast %broadcast_in_dim3A_2088 : vector<64x1xf32> to vector<64x128xf32>
    %eq3A_2090 = arith.cmpf oeq, %select_n3A_2082, %eq3A_2089 : vector<64x128xf32>
    %select_n3A_2091 = arith.select %eq3A_2090, %select_n3A_2083, %select_n3A_2082 : vector<64x128xi1>, vector<64x128xf32>
    %select_n3A_2092 = arith.select %eq3A_2090, %select_n3A_2084, %select_n3A_2083 : vector<64x128xi1>, vector<64x128xf32>
    %select_n3A_2093 = arith.select %eq3A_2090, %select_n3A_2085, %select_n3A_2084 : vector<64x128xi1>, vector<64x128xf32>
    %reduce_max3A_2094 = arith.constant dense<0xFF800000> : vector<64xf32>
    %reduce_max3A_2095 = vector.multi_reduction <maximumf>, %select_n3A_2091, %reduce_max3A_2094 [1] : vector<64x128xf32> to vector<64xf32>
    %broadcast_in_dim3A_2096 = vector.shape_cast %reduce_max3A_2095 : vector<64xf32> to vector<64x1xf32>
    %eq3A_2097 = vector.broadcast %broadcast_in_dim3A_2096 : vector<64x1xf32> to vector<64x128xf32>
    %eq3A_2098 = arith.cmpf oeq, %select_n3A_2091, %eq3A_2097 : vector<64x128xf32>
    %select_n3A_2099 = arith.select %eq3A_2098, %select_n3A_2092, %select_n3A_2091 : vector<64x128xi1>, vector<64x128xf32>
    %select_n3A_2100 = arith.select %eq3A_2098, %select_n3A_2093, %select_n3A_2092 : vector<64x128xi1>, vector<64x128xf32>
    %reduce_max3A_2101 = arith.constant dense<0xFF800000> : vector<64xf32>
    %reduce_max3A_2102 = vector.multi_reduction <maximumf>, %select_n3A_2099, %reduce_max3A_2101 [1] : vector<64x128xf32> to vector<64xf32>
    %broadcast_in_dim3A_2103 = vector.shape_cast %reduce_max3A_2102 : vector<64xf32> to vector<64x1xf32>
    %eq3A_2104 = vector.broadcast %broadcast_in_dim3A_2103 : vector<64x1xf32> to vector<64x128xf32>
    %eq3A_2105 = arith.cmpf oeq, %select_n3A_2099, %eq3A_2104 : vector<64x128xf32>
    %select_n3A_2106 = arith.select %eq3A_2105, %select_n3A_2100, %select_n3A_2099 : vector<64x128xi1>, vector<64x128xf32>
    %reduce_max3A_2107 = arith.constant dense<0xFF800000> : vector<64xf32>
    %reduce_max3A_2108 = vector.multi_reduction <maximumf>, %select_n3A_2106, %reduce_max3A_2107 [1] : vector<64x128xf32> to vector<64xf32>
    %broadcast_in_dim3A_2109 = vector.shape_cast %reduce_max3A_2108 : vector<64xf32> to vector<64x1xf32>
    %slice3A_2110 = vector.extract_strided_slice %dot_general3A_19 {offsets = [704, 0], sizes = [64, 128], strides = [1, 1]} : vector<1024x1024xf32> to vector<64x128xf32>
    %slice3A_2111 = vector.extract_strided_slice %dot_general3A_19 {offsets = [704, 128], sizes = [64, 128], strides = [1, 1]} : vector<1024x1024xf32> to vector<64x128xf32>
    %slice3A_2112 = vector.extract_strided_slice %dot_general3A_19 {offsets = [704, 256], sizes = [64, 128], strides = [1, 1]} : vector<1024x1024xf32> to vector<64x128xf32>
    %slice3A_2113 = vector.extract_strided_slice %dot_general3A_19 {offsets = [704, 384], sizes = [64, 128], strides = [1, 1]} : vector<1024x1024xf32> to vector<64x128xf32>
    %slice3A_2114 = vector.extract_strided_slice %dot_general3A_19 {offsets = [704, 512], sizes = [64, 128], strides = [1, 1]} : vector<1024x1024xf32> to vector<64x128xf32>
    %slice3A_2115 = vector.extract_strided_slice %dot_general3A_19 {offsets = [704, 640], sizes = [64, 128], strides = [1, 1]} : vector<1024x1024xf32> to vector<64x128xf32>
    %slice3A_2116 = vector.extract_strided_slice %dot_general3A_19 {offsets = [704, 768], sizes = [64, 128], strides = [1, 1]} : vector<1024x1024xf32> to vector<64x128xf32>
    %slice3A_2117 = vector.extract_strided_slice %dot_general3A_19 {offsets = [704, 896], sizes = [64, 128], strides = [1, 1]} : vector<1024x1024xf32> to vector<64x128xf32>
    %slice3A_2118 = vector.extract_strided_slice %dot_general3A_24 {offsets = [704, 0], sizes = [64, 128], strides = [1, 1]} : vector<1024x1024xf32> to vector<64x128xf32>
    %slice3A_2119 = vector.extract_strided_slice %dot_general3A_24 {offsets = [704, 128], sizes = [64, 128], strides = [1, 1]} : vector<1024x1024xf32> to vector<64x128xf32>
    %slice3A_2120 = vector.extract_strided_slice %dot_general3A_24 {offsets = [704, 256], sizes = [64, 128], strides = [1, 1]} : vector<1024x1024xf32> to vector<64x128xf32>
    %slice3A_2121 = vector.extract_strided_slice %dot_general3A_24 {offsets = [704, 384], sizes = [64, 128], strides = [1, 1]} : vector<1024x1024xf32> to vector<64x128xf32>
    %slice3A_2122 = vector.extract_strided_slice %dot_general3A_24 {offsets = [704, 512], sizes = [64, 128], strides = [1, 1]} : vector<1024x1024xf32> to vector<64x128xf32>
    %slice3A_2123 = vector.extract_strided_slice %dot_general3A_24 {offsets = [704, 640], sizes = [64, 128], strides = [1, 1]} : vector<1024x1024xf32> to vector<64x128xf32>
    %slice3A_2124 = vector.extract_strided_slice %dot_general3A_24 {offsets = [704, 768], sizes = [64, 128], strides = [1, 1]} : vector<1024x1024xf32> to vector<64x128xf32>
    %slice3A_2125 = vector.extract_strided_slice %dot_general3A_24 {offsets = [704, 896], sizes = [64, 128], strides = [1, 1]} : vector<1024x1024xf32> to vector<64x128xf32>
    %max3A_2126 = arith.maximumf %slice3A_2110, %slice3A_2111 : vector<64x128xf32>
    %min3A_2127 = arith.minimumf %slice3A_2110, %slice3A_2111 : vector<64x128xf32>
    %max3A_2128 = arith.maximumf %slice3A_2112, %slice3A_2113 : vector<64x128xf32>
    %min3A_2129 = arith.minimumf %slice3A_2112, %slice3A_2113 : vector<64x128xf32>
    %max3A_2130 = arith.maximumf %slice3A_2114, %slice3A_2115 : vector<64x128xf32>
    %min3A_2131 = arith.minimumf %slice3A_2114, %slice3A_2115 : vector<64x128xf32>
    %max3A_2132 = arith.maximumf %slice3A_2116, %slice3A_2117 : vector<64x128xf32>
    %min3A_2133 = arith.minimumf %slice3A_2116, %slice3A_2117 : vector<64x128xf32>
    %max3A_2134 = arith.maximumf %max3A_2126, %max3A_2128 : vector<64x128xf32>
    %min3A_2135 = arith.minimumf %max3A_2126, %max3A_2128 : vector<64x128xf32>
    %max3A_2136 = arith.maximumf %min3A_2127, %min3A_2129 : vector<64x128xf32>
    %min3A_2137 = arith.minimumf %min3A_2127, %min3A_2129 : vector<64x128xf32>
    %max3A_2138 = arith.maximumf %max3A_2130, %max3A_2132 : vector<64x128xf32>
    %min3A_2139 = arith.minimumf %max3A_2130, %max3A_2132 : vector<64x128xf32>
    %max3A_2140 = arith.maximumf %min3A_2131, %min3A_2133 : vector<64x128xf32>
    %min3A_2141 = arith.minimumf %min3A_2131, %min3A_2133 : vector<64x128xf32>
    %max3A_2142 = arith.maximumf %max3A_2136, %min3A_2135 : vector<64x128xf32>
    %min3A_2143 = arith.minimumf %max3A_2136, %min3A_2135 : vector<64x128xf32>
    %max3A_2144 = arith.maximumf %max3A_2140, %min3A_2139 : vector<64x128xf32>
    %min3A_2145 = arith.minimumf %max3A_2140, %min3A_2139 : vector<64x128xf32>
    %max3A_2146 = arith.maximumf %max3A_2134, %max3A_2138 : vector<64x128xf32>
    %min3A_2147 = arith.minimumf %max3A_2134, %max3A_2138 : vector<64x128xf32>
    %max3A_2148 = arith.maximumf %max3A_2142, %max3A_2144 : vector<64x128xf32>
    %min3A_2149 = arith.minimumf %max3A_2142, %max3A_2144 : vector<64x128xf32>
    %max3A_2150 = arith.maximumf %min3A_2143, %min3A_2145 : vector<64x128xf32>
    %min3A_2151 = arith.minimumf %min3A_2143, %min3A_2145 : vector<64x128xf32>
    %max3A_2152 = arith.maximumf %min3A_2137, %min3A_2141 : vector<64x128xf32>
    %min3A_2153 = arith.minimumf %min3A_2137, %min3A_2141 : vector<64x128xf32>
    %max3A_2154 = arith.maximumf %max3A_2150, %min3A_2147 : vector<64x128xf32>
    %min3A_2155 = arith.minimumf %max3A_2150, %min3A_2147 : vector<64x128xf32>
    %max3A_2156 = arith.maximumf %max3A_2152, %min3A_2149 : vector<64x128xf32>
    %min3A_2157 = arith.minimumf %max3A_2152, %min3A_2149 : vector<64x128xf32>
    %max3A_2158 = arith.maximumf %max3A_2148, %max3A_2154 : vector<64x128xf32>
    %min3A_2159 = arith.minimumf %max3A_2148, %max3A_2154 : vector<64x128xf32>
    %max3A_2160 = arith.maximumf %max3A_2156, %min3A_2155 : vector<64x128xf32>
    %min3A_2161 = arith.minimumf %max3A_2156, %min3A_2155 : vector<64x128xf32>
    %max3A_2162 = arith.maximumf %min3A_2157, %min3A_2151 : vector<64x128xf32>
    %min3A_2163 = arith.minimumf %min3A_2157, %min3A_2151 : vector<64x128xf32>
    %max3A_2164 = arith.maximumf %slice3A_2118, %slice3A_2119 : vector<64x128xf32>
    %min3A_2165 = arith.minimumf %slice3A_2118, %slice3A_2119 : vector<64x128xf32>
    %max3A_2166 = arith.maximumf %slice3A_2120, %slice3A_2121 : vector<64x128xf32>
    %min3A_2167 = arith.minimumf %slice3A_2120, %slice3A_2121 : vector<64x128xf32>
    %max3A_2168 = arith.maximumf %slice3A_2122, %slice3A_2123 : vector<64x128xf32>
    %min3A_2169 = arith.minimumf %slice3A_2122, %slice3A_2123 : vector<64x128xf32>
    %max3A_2170 = arith.maximumf %slice3A_2124, %slice3A_2125 : vector<64x128xf32>
    %min3A_2171 = arith.minimumf %slice3A_2124, %slice3A_2125 : vector<64x128xf32>
    %max3A_2172 = arith.maximumf %max3A_2164, %max3A_2166 : vector<64x128xf32>
    %min3A_2173 = arith.minimumf %max3A_2164, %max3A_2166 : vector<64x128xf32>
    %max3A_2174 = arith.maximumf %min3A_2165, %min3A_2167 : vector<64x128xf32>
    %min3A_2175 = arith.minimumf %min3A_2165, %min3A_2167 : vector<64x128xf32>
    %max3A_2176 = arith.maximumf %max3A_2168, %max3A_2170 : vector<64x128xf32>
    %min3A_2177 = arith.minimumf %max3A_2168, %max3A_2170 : vector<64x128xf32>
    %max3A_2178 = arith.maximumf %min3A_2169, %min3A_2171 : vector<64x128xf32>
    %min3A_2179 = arith.minimumf %min3A_2169, %min3A_2171 : vector<64x128xf32>
    %max3A_2180 = arith.maximumf %max3A_2174, %min3A_2173 : vector<64x128xf32>
    %min3A_2181 = arith.minimumf %max3A_2174, %min3A_2173 : vector<64x128xf32>
    %max3A_2182 = arith.maximumf %max3A_2178, %min3A_2177 : vector<64x128xf32>
    %min3A_2183 = arith.minimumf %max3A_2178, %min3A_2177 : vector<64x128xf32>
    %max3A_2184 = arith.maximumf %max3A_2172, %max3A_2176 : vector<64x128xf32>
    %min3A_2185 = arith.minimumf %max3A_2172, %max3A_2176 : vector<64x128xf32>
    %max3A_2186 = arith.maximumf %max3A_2180, %max3A_2182 : vector<64x128xf32>
    %min3A_2187 = arith.minimumf %max3A_2180, %max3A_2182 : vector<64x128xf32>
    %max3A_2188 = arith.maximumf %min3A_2181, %min3A_2183 : vector<64x128xf32>
    %min3A_2189 = arith.minimumf %min3A_2181, %min3A_2183 : vector<64x128xf32>
    %max3A_2190 = arith.maximumf %min3A_2175, %min3A_2179 : vector<64x128xf32>
    %min3A_2191 = arith.minimumf %min3A_2175, %min3A_2179 : vector<64x128xf32>
    %max3A_2192 = arith.maximumf %max3A_2188, %min3A_2185 : vector<64x128xf32>
    %min3A_2193 = arith.minimumf %max3A_2188, %min3A_2185 : vector<64x128xf32>
    %max3A_2194 = arith.maximumf %max3A_2190, %min3A_2187 : vector<64x128xf32>
    %min3A_2195 = arith.minimumf %max3A_2190, %min3A_2187 : vector<64x128xf32>
    %max3A_2196 = arith.maximumf %max3A_2186, %max3A_2192 : vector<64x128xf32>
    %min3A_2197 = arith.minimumf %max3A_2186, %max3A_2192 : vector<64x128xf32>
    %max3A_2198 = arith.maximumf %max3A_2194, %min3A_2193 : vector<64x128xf32>
    %min3A_2199 = arith.minimumf %max3A_2194, %min3A_2193 : vector<64x128xf32>
    %max3A_2200 = arith.maximumf %min3A_2195, %min3A_2189 : vector<64x128xf32>
    %min3A_2201 = arith.minimumf %min3A_2195, %min3A_2189 : vector<64x128xf32>
    %max3A_2202 = arith.maximumf %max3A_2146, %min3A_2191 : vector<64x128xf32>
    %max3A_2203 = arith.maximumf %max3A_2158, %min3A_2201 : vector<64x128xf32>
    %max3A_2204 = arith.maximumf %min3A_2159, %max3A_2200 : vector<64x128xf32>
    %max3A_2205 = arith.maximumf %max3A_2160, %min3A_2199 : vector<64x128xf32>
    %max3A_2206 = arith.maximumf %min3A_2161, %max3A_2198 : vector<64x128xf32>
    %max3A_2207 = arith.maximumf %max3A_2162, %min3A_2197 : vector<64x128xf32>
    %max3A_2208 = arith.maximumf %min3A_2163, %max3A_2196 : vector<64x128xf32>
    %max3A_2209 = arith.maximumf %min3A_2153, %max3A_2184 : vector<64x128xf32>
    %max3A_2210 = arith.maximumf %max3A_2202, %max3A_2206 : vector<64x128xf32>
    %min3A_2211 = arith.minimumf %max3A_2202, %max3A_2206 : vector<64x128xf32>
    %max3A_2212 = arith.maximumf %max3A_2203, %max3A_2207 : vector<64x128xf32>
    %min3A_2213 = arith.minimumf %max3A_2203, %max3A_2207 : vector<64x128xf32>
    %max3A_2214 = arith.maximumf %max3A_2204, %max3A_2208 : vector<64x128xf32>
    %min3A_2215 = arith.minimumf %max3A_2204, %max3A_2208 : vector<64x128xf32>
    %max3A_2216 = arith.maximumf %max3A_2205, %max3A_2209 : vector<64x128xf32>
    %min3A_2217 = arith.minimumf %max3A_2205, %max3A_2209 : vector<64x128xf32>
    %max3A_2218 = arith.maximumf %max3A_2210, %max3A_2214 : vector<64x128xf32>
    %min3A_2219 = arith.minimumf %max3A_2210, %max3A_2214 : vector<64x128xf32>
    %max3A_2220 = arith.maximumf %max3A_2212, %max3A_2216 : vector<64x128xf32>
    %min3A_2221 = arith.minimumf %max3A_2212, %max3A_2216 : vector<64x128xf32>
    %max3A_2222 = arith.maximumf %min3A_2211, %min3A_2215 : vector<64x128xf32>
    %min3A_2223 = arith.minimumf %min3A_2211, %min3A_2215 : vector<64x128xf32>
    %max3A_2224 = arith.maximumf %min3A_2213, %min3A_2217 : vector<64x128xf32>
    %min3A_2225 = arith.minimumf %min3A_2213, %min3A_2217 : vector<64x128xf32>
    %max3A_2226 = arith.maximumf %max3A_2218, %max3A_2220 : vector<64x128xf32>
    %min3A_2227 = arith.minimumf %max3A_2218, %max3A_2220 : vector<64x128xf32>
    %max3A_2228 = arith.maximumf %min3A_2219, %min3A_2221 : vector<64x128xf32>
    %min3A_2229 = arith.minimumf %min3A_2219, %min3A_2221 : vector<64x128xf32>
    %max3A_2230 = arith.maximumf %max3A_2222, %max3A_2224 : vector<64x128xf32>
    %min3A_2231 = arith.minimumf %max3A_2222, %max3A_2224 : vector<64x128xf32>
    %max3A_2232 = arith.maximumf %min3A_2223, %min3A_2225 : vector<64x128xf32>
    %min3A_2233 = arith.minimumf %min3A_2223, %min3A_2225 : vector<64x128xf32>
    %reduce_max3A_2234 = arith.constant dense<0xFF800000> : vector<64xf32>
    %reduce_max3A_2235 = vector.multi_reduction <maximumf>, %max3A_2226, %reduce_max3A_2234 [1] : vector<64x128xf32> to vector<64xf32>
    %broadcast_in_dim3A_2236 = vector.shape_cast %reduce_max3A_2235 : vector<64xf32> to vector<64x1xf32>
    %eq3A_2237 = vector.broadcast %broadcast_in_dim3A_2236 : vector<64x1xf32> to vector<64x128xf32>
    %eq3A_2238 = arith.cmpf oeq, %max3A_2226, %eq3A_2237 : vector<64x128xf32>
    %select_n3A_2239 = arith.select %eq3A_2238, %min3A_2227, %max3A_2226 : vector<64x128xi1>, vector<64x128xf32>
    %select_n3A_2240 = arith.select %eq3A_2238, %max3A_2228, %min3A_2227 : vector<64x128xi1>, vector<64x128xf32>
    %select_n3A_2241 = arith.select %eq3A_2238, %min3A_2229, %max3A_2228 : vector<64x128xi1>, vector<64x128xf32>
    %select_n3A_2242 = arith.select %eq3A_2238, %max3A_2230, %min3A_2229 : vector<64x128xi1>, vector<64x128xf32>
    %select_n3A_2243 = arith.select %eq3A_2238, %min3A_2231, %max3A_2230 : vector<64x128xi1>, vector<64x128xf32>
    %select_n3A_2244 = arith.select %eq3A_2238, %max3A_2232, %min3A_2231 : vector<64x128xi1>, vector<64x128xf32>
    %select_n3A_2245 = arith.select %eq3A_2238, %min3A_2233, %max3A_2232 : vector<64x128xi1>, vector<64x128xf32>
    %reduce_max3A_2246 = arith.constant dense<0xFF800000> : vector<64xf32>
    %reduce_max3A_2247 = vector.multi_reduction <maximumf>, %select_n3A_2239, %reduce_max3A_2246 [1] : vector<64x128xf32> to vector<64xf32>
    %broadcast_in_dim3A_2248 = vector.shape_cast %reduce_max3A_2247 : vector<64xf32> to vector<64x1xf32>
    %eq3A_2249 = vector.broadcast %broadcast_in_dim3A_2248 : vector<64x1xf32> to vector<64x128xf32>
    %eq3A_2250 = arith.cmpf oeq, %select_n3A_2239, %eq3A_2249 : vector<64x128xf32>
    %select_n3A_2251 = arith.select %eq3A_2250, %select_n3A_2240, %select_n3A_2239 : vector<64x128xi1>, vector<64x128xf32>
    %select_n3A_2252 = arith.select %eq3A_2250, %select_n3A_2241, %select_n3A_2240 : vector<64x128xi1>, vector<64x128xf32>
    %select_n3A_2253 = arith.select %eq3A_2250, %select_n3A_2242, %select_n3A_2241 : vector<64x128xi1>, vector<64x128xf32>
    %select_n3A_2254 = arith.select %eq3A_2250, %select_n3A_2243, %select_n3A_2242 : vector<64x128xi1>, vector<64x128xf32>
    %select_n3A_2255 = arith.select %eq3A_2250, %select_n3A_2244, %select_n3A_2243 : vector<64x128xi1>, vector<64x128xf32>
    %select_n3A_2256 = arith.select %eq3A_2250, %select_n3A_2245, %select_n3A_2244 : vector<64x128xi1>, vector<64x128xf32>
    %reduce_max3A_2257 = arith.constant dense<0xFF800000> : vector<64xf32>
    %reduce_max3A_2258 = vector.multi_reduction <maximumf>, %select_n3A_2251, %reduce_max3A_2257 [1] : vector<64x128xf32> to vector<64xf32>
    %broadcast_in_dim3A_2259 = vector.shape_cast %reduce_max3A_2258 : vector<64xf32> to vector<64x1xf32>
    %eq3A_2260 = vector.broadcast %broadcast_in_dim3A_2259 : vector<64x1xf32> to vector<64x128xf32>
    %eq3A_2261 = arith.cmpf oeq, %select_n3A_2251, %eq3A_2260 : vector<64x128xf32>
    %select_n3A_2262 = arith.select %eq3A_2261, %select_n3A_2252, %select_n3A_2251 : vector<64x128xi1>, vector<64x128xf32>
    %select_n3A_2263 = arith.select %eq3A_2261, %select_n3A_2253, %select_n3A_2252 : vector<64x128xi1>, vector<64x128xf32>
    %select_n3A_2264 = arith.select %eq3A_2261, %select_n3A_2254, %select_n3A_2253 : vector<64x128xi1>, vector<64x128xf32>
    %select_n3A_2265 = arith.select %eq3A_2261, %select_n3A_2255, %select_n3A_2254 : vector<64x128xi1>, vector<64x128xf32>
    %select_n3A_2266 = arith.select %eq3A_2261, %select_n3A_2256, %select_n3A_2255 : vector<64x128xi1>, vector<64x128xf32>
    %reduce_max3A_2267 = arith.constant dense<0xFF800000> : vector<64xf32>
    %reduce_max3A_2268 = vector.multi_reduction <maximumf>, %select_n3A_2262, %reduce_max3A_2267 [1] : vector<64x128xf32> to vector<64xf32>
    %broadcast_in_dim3A_2269 = vector.shape_cast %reduce_max3A_2268 : vector<64xf32> to vector<64x1xf32>
    %eq3A_2270 = vector.broadcast %broadcast_in_dim3A_2269 : vector<64x1xf32> to vector<64x128xf32>
    %eq3A_2271 = arith.cmpf oeq, %select_n3A_2262, %eq3A_2270 : vector<64x128xf32>
    %select_n3A_2272 = arith.select %eq3A_2271, %select_n3A_2263, %select_n3A_2262 : vector<64x128xi1>, vector<64x128xf32>
    %select_n3A_2273 = arith.select %eq3A_2271, %select_n3A_2264, %select_n3A_2263 : vector<64x128xi1>, vector<64x128xf32>
    %select_n3A_2274 = arith.select %eq3A_2271, %select_n3A_2265, %select_n3A_2264 : vector<64x128xi1>, vector<64x128xf32>
    %select_n3A_2275 = arith.select %eq3A_2271, %select_n3A_2266, %select_n3A_2265 : vector<64x128xi1>, vector<64x128xf32>
    %reduce_max3A_2276 = arith.constant dense<0xFF800000> : vector<64xf32>
    %reduce_max3A_2277 = vector.multi_reduction <maximumf>, %select_n3A_2272, %reduce_max3A_2276 [1] : vector<64x128xf32> to vector<64xf32>
    %broadcast_in_dim3A_2278 = vector.shape_cast %reduce_max3A_2277 : vector<64xf32> to vector<64x1xf32>
    %eq3A_2279 = vector.broadcast %broadcast_in_dim3A_2278 : vector<64x1xf32> to vector<64x128xf32>
    %eq3A_2280 = arith.cmpf oeq, %select_n3A_2272, %eq3A_2279 : vector<64x128xf32>
    %select_n3A_2281 = arith.select %eq3A_2280, %select_n3A_2273, %select_n3A_2272 : vector<64x128xi1>, vector<64x128xf32>
    %select_n3A_2282 = arith.select %eq3A_2280, %select_n3A_2274, %select_n3A_2273 : vector<64x128xi1>, vector<64x128xf32>
    %select_n3A_2283 = arith.select %eq3A_2280, %select_n3A_2275, %select_n3A_2274 : vector<64x128xi1>, vector<64x128xf32>
    %reduce_max3A_2284 = arith.constant dense<0xFF800000> : vector<64xf32>
    %reduce_max3A_2285 = vector.multi_reduction <maximumf>, %select_n3A_2281, %reduce_max3A_2284 [1] : vector<64x128xf32> to vector<64xf32>
    %broadcast_in_dim3A_2286 = vector.shape_cast %reduce_max3A_2285 : vector<64xf32> to vector<64x1xf32>
    %eq3A_2287 = vector.broadcast %broadcast_in_dim3A_2286 : vector<64x1xf32> to vector<64x128xf32>
    %eq3A_2288 = arith.cmpf oeq, %select_n3A_2281, %eq3A_2287 : vector<64x128xf32>
    %select_n3A_2289 = arith.select %eq3A_2288, %select_n3A_2282, %select_n3A_2281 : vector<64x128xi1>, vector<64x128xf32>
    %select_n3A_2290 = arith.select %eq3A_2288, %select_n3A_2283, %select_n3A_2282 : vector<64x128xi1>, vector<64x128xf32>
    %reduce_max3A_2291 = arith.constant dense<0xFF800000> : vector<64xf32>
    %reduce_max3A_2292 = vector.multi_reduction <maximumf>, %select_n3A_2289, %reduce_max3A_2291 [1] : vector<64x128xf32> to vector<64xf32>
    %broadcast_in_dim3A_2293 = vector.shape_cast %reduce_max3A_2292 : vector<64xf32> to vector<64x1xf32>
    %eq3A_2294 = vector.broadcast %broadcast_in_dim3A_2293 : vector<64x1xf32> to vector<64x128xf32>
    %eq3A_2295 = arith.cmpf oeq, %select_n3A_2289, %eq3A_2294 : vector<64x128xf32>
    %select_n3A_2296 = arith.select %eq3A_2295, %select_n3A_2290, %select_n3A_2289 : vector<64x128xi1>, vector<64x128xf32>
    %reduce_max3A_2297 = arith.constant dense<0xFF800000> : vector<64xf32>
    %reduce_max3A_2298 = vector.multi_reduction <maximumf>, %select_n3A_2296, %reduce_max3A_2297 [1] : vector<64x128xf32> to vector<64xf32>
    %broadcast_in_dim3A_2299 = vector.shape_cast %reduce_max3A_2298 : vector<64xf32> to vector<64x1xf32>
    %slice3A_2300 = vector.extract_strided_slice %dot_general3A_19 {offsets = [768, 0], sizes = [64, 128], strides = [1, 1]} : vector<1024x1024xf32> to vector<64x128xf32>
    %slice3A_2301 = vector.extract_strided_slice %dot_general3A_19 {offsets = [768, 128], sizes = [64, 128], strides = [1, 1]} : vector<1024x1024xf32> to vector<64x128xf32>
    %slice3A_2302 = vector.extract_strided_slice %dot_general3A_19 {offsets = [768, 256], sizes = [64, 128], strides = [1, 1]} : vector<1024x1024xf32> to vector<64x128xf32>
    %slice3A_2303 = vector.extract_strided_slice %dot_general3A_19 {offsets = [768, 384], sizes = [64, 128], strides = [1, 1]} : vector<1024x1024xf32> to vector<64x128xf32>
    %slice3A_2304 = vector.extract_strided_slice %dot_general3A_19 {offsets = [768, 512], sizes = [64, 128], strides = [1, 1]} : vector<1024x1024xf32> to vector<64x128xf32>
    %slice3A_2305 = vector.extract_strided_slice %dot_general3A_19 {offsets = [768, 640], sizes = [64, 128], strides = [1, 1]} : vector<1024x1024xf32> to vector<64x128xf32>
    %slice3A_2306 = vector.extract_strided_slice %dot_general3A_19 {offsets = [768, 768], sizes = [64, 128], strides = [1, 1]} : vector<1024x1024xf32> to vector<64x128xf32>
    %slice3A_2307 = vector.extract_strided_slice %dot_general3A_19 {offsets = [768, 896], sizes = [64, 128], strides = [1, 1]} : vector<1024x1024xf32> to vector<64x128xf32>
    %slice3A_2308 = vector.extract_strided_slice %dot_general3A_24 {offsets = [768, 0], sizes = [64, 128], strides = [1, 1]} : vector<1024x1024xf32> to vector<64x128xf32>
    %slice3A_2309 = vector.extract_strided_slice %dot_general3A_24 {offsets = [768, 128], sizes = [64, 128], strides = [1, 1]} : vector<1024x1024xf32> to vector<64x128xf32>
    %slice3A_2310 = vector.extract_strided_slice %dot_general3A_24 {offsets = [768, 256], sizes = [64, 128], strides = [1, 1]} : vector<1024x1024xf32> to vector<64x128xf32>
    %slice3A_2311 = vector.extract_strided_slice %dot_general3A_24 {offsets = [768, 384], sizes = [64, 128], strides = [1, 1]} : vector<1024x1024xf32> to vector<64x128xf32>
    %slice3A_2312 = vector.extract_strided_slice %dot_general3A_24 {offsets = [768, 512], sizes = [64, 128], strides = [1, 1]} : vector<1024x1024xf32> to vector<64x128xf32>
    %slice3A_2313 = vector.extract_strided_slice %dot_general3A_24 {offsets = [768, 640], sizes = [64, 128], strides = [1, 1]} : vector<1024x1024xf32> to vector<64x128xf32>
    %slice3A_2314 = vector.extract_strided_slice %dot_general3A_24 {offsets = [768, 768], sizes = [64, 128], strides = [1, 1]} : vector<1024x1024xf32> to vector<64x128xf32>
    %slice3A_2315 = vector.extract_strided_slice %dot_general3A_24 {offsets = [768, 896], sizes = [64, 128], strides = [1, 1]} : vector<1024x1024xf32> to vector<64x128xf32>
    %max3A_2316 = arith.maximumf %slice3A_2300, %slice3A_2301 : vector<64x128xf32>
    %min3A_2317 = arith.minimumf %slice3A_2300, %slice3A_2301 : vector<64x128xf32>
    %max3A_2318 = arith.maximumf %slice3A_2302, %slice3A_2303 : vector<64x128xf32>
    %min3A_2319 = arith.minimumf %slice3A_2302, %slice3A_2303 : vector<64x128xf32>
    %max3A_2320 = arith.maximumf %slice3A_2304, %slice3A_2305 : vector<64x128xf32>
    %min3A_2321 = arith.minimumf %slice3A_2304, %slice3A_2305 : vector<64x128xf32>
    %max3A_2322 = arith.maximumf %slice3A_2306, %slice3A_2307 : vector<64x128xf32>
    %min3A_2323 = arith.minimumf %slice3A_2306, %slice3A_2307 : vector<64x128xf32>
    %max3A_2324 = arith.maximumf %max3A_2316, %max3A_2318 : vector<64x128xf32>
    %min3A_2325 = arith.minimumf %max3A_2316, %max3A_2318 : vector<64x128xf32>
    %max3A_2326 = arith.maximumf %min3A_2317, %min3A_2319 : vector<64x128xf32>
    %min3A_2327 = arith.minimumf %min3A_2317, %min3A_2319 : vector<64x128xf32>
    %max3A_2328 = arith.maximumf %max3A_2320, %max3A_2322 : vector<64x128xf32>
    %min3A_2329 = arith.minimumf %max3A_2320, %max3A_2322 : vector<64x128xf32>
    %max3A_2330 = arith.maximumf %min3A_2321, %min3A_2323 : vector<64x128xf32>
    %min3A_2331 = arith.minimumf %min3A_2321, %min3A_2323 : vector<64x128xf32>
    %max3A_2332 = arith.maximumf %max3A_2326, %min3A_2325 : vector<64x128xf32>
    %min3A_2333 = arith.minimumf %max3A_2326, %min3A_2325 : vector<64x128xf32>
    %max3A_2334 = arith.maximumf %max3A_2330, %min3A_2329 : vector<64x128xf32>
    %min3A_2335 = arith.minimumf %max3A_2330, %min3A_2329 : vector<64x128xf32>
    %max3A_2336 = arith.maximumf %max3A_2324, %max3A_2328 : vector<64x128xf32>
    %min3A_2337 = arith.minimumf %max3A_2324, %max3A_2328 : vector<64x128xf32>
    %max3A_2338 = arith.maximumf %max3A_2332, %max3A_2334 : vector<64x128xf32>
    %min3A_2339 = arith.minimumf %max3A_2332, %max3A_2334 : vector<64x128xf32>
    %max3A_2340 = arith.maximumf %min3A_2333, %min3A_2335 : vector<64x128xf32>
    %min3A_2341 = arith.minimumf %min3A_2333, %min3A_2335 : vector<64x128xf32>
    %max3A_2342 = arith.maximumf %min3A_2327, %min3A_2331 : vector<64x128xf32>
    %min3A_2343 = arith.minimumf %min3A_2327, %min3A_2331 : vector<64x128xf32>
    %max3A_2344 = arith.maximumf %max3A_2340, %min3A_2337 : vector<64x128xf32>
    %min3A_2345 = arith.minimumf %max3A_2340, %min3A_2337 : vector<64x128xf32>
    %max3A_2346 = arith.maximumf %max3A_2342, %min3A_2339 : vector<64x128xf32>
    %min3A_2347 = arith.minimumf %max3A_2342, %min3A_2339 : vector<64x128xf32>
    %max3A_2348 = arith.maximumf %max3A_2338, %max3A_2344 : vector<64x128xf32>
    %min3A_2349 = arith.minimumf %max3A_2338, %max3A_2344 : vector<64x128xf32>
    %max3A_2350 = arith.maximumf %max3A_2346, %min3A_2345 : vector<64x128xf32>
    %min3A_2351 = arith.minimumf %max3A_2346, %min3A_2345 : vector<64x128xf32>
    %max3A_2352 = arith.maximumf %min3A_2347, %min3A_2341 : vector<64x128xf32>
    %min3A_2353 = arith.minimumf %min3A_2347, %min3A_2341 : vector<64x128xf32>
    %max3A_2354 = arith.maximumf %slice3A_2308, %slice3A_2309 : vector<64x128xf32>
    %min3A_2355 = arith.minimumf %slice3A_2308, %slice3A_2309 : vector<64x128xf32>
    %max3A_2356 = arith.maximumf %slice3A_2310, %slice3A_2311 : vector<64x128xf32>
    %min3A_2357 = arith.minimumf %slice3A_2310, %slice3A_2311 : vector<64x128xf32>
    %max3A_2358 = arith.maximumf %slice3A_2312, %slice3A_2313 : vector<64x128xf32>
    %min3A_2359 = arith.minimumf %slice3A_2312, %slice3A_2313 : vector<64x128xf32>
    %max3A_2360 = arith.maximumf %slice3A_2314, %slice3A_2315 : vector<64x128xf32>
    %min3A_2361 = arith.minimumf %slice3A_2314, %slice3A_2315 : vector<64x128xf32>
    %max3A_2362 = arith.maximumf %max3A_2354, %max3A_2356 : vector<64x128xf32>
    %min3A_2363 = arith.minimumf %max3A_2354, %max3A_2356 : vector<64x128xf32>
    %max3A_2364 = arith.maximumf %min3A_2355, %min3A_2357 : vector<64x128xf32>
    %min3A_2365 = arith.minimumf %min3A_2355, %min3A_2357 : vector<64x128xf32>
    %max3A_2366 = arith.maximumf %max3A_2358, %max3A_2360 : vector<64x128xf32>
    %min3A_2367 = arith.minimumf %max3A_2358, %max3A_2360 : vector<64x128xf32>
    %max3A_2368 = arith.maximumf %min3A_2359, %min3A_2361 : vector<64x128xf32>
    %min3A_2369 = arith.minimumf %min3A_2359, %min3A_2361 : vector<64x128xf32>
    %max3A_2370 = arith.maximumf %max3A_2364, %min3A_2363 : vector<64x128xf32>
    %min3A_2371 = arith.minimumf %max3A_2364, %min3A_2363 : vector<64x128xf32>
    %max3A_2372 = arith.maximumf %max3A_2368, %min3A_2367 : vector<64x128xf32>
    %min3A_2373 = arith.minimumf %max3A_2368, %min3A_2367 : vector<64x128xf32>
    %max3A_2374 = arith.maximumf %max3A_2362, %max3A_2366 : vector<64x128xf32>
    %min3A_2375 = arith.minimumf %max3A_2362, %max3A_2366 : vector<64x128xf32>
    %max3A_2376 = arith.maximumf %max3A_2370, %max3A_2372 : vector<64x128xf32>
    %min3A_2377 = arith.minimumf %max3A_2370, %max3A_2372 : vector<64x128xf32>
    %max3A_2378 = arith.maximumf %min3A_2371, %min3A_2373 : vector<64x128xf32>
    %min3A_2379 = arith.minimumf %min3A_2371, %min3A_2373 : vector<64x128xf32>
    %max3A_2380 = arith.maximumf %min3A_2365, %min3A_2369 : vector<64x128xf32>
    %min3A_2381 = arith.minimumf %min3A_2365, %min3A_2369 : vector<64x128xf32>
    %max3A_2382 = arith.maximumf %max3A_2378, %min3A_2375 : vector<64x128xf32>
    %min3A_2383 = arith.minimumf %max3A_2378, %min3A_2375 : vector<64x128xf32>
    %max3A_2384 = arith.maximumf %max3A_2380, %min3A_2377 : vector<64x128xf32>
    %min3A_2385 = arith.minimumf %max3A_2380, %min3A_2377 : vector<64x128xf32>
    %max3A_2386 = arith.maximumf %max3A_2376, %max3A_2382 : vector<64x128xf32>
    %min3A_2387 = arith.minimumf %max3A_2376, %max3A_2382 : vector<64x128xf32>
    %max3A_2388 = arith.maximumf %max3A_2384, %min3A_2383 : vector<64x128xf32>
    %min3A_2389 = arith.minimumf %max3A_2384, %min3A_2383 : vector<64x128xf32>
    %max3A_2390 = arith.maximumf %min3A_2385, %min3A_2379 : vector<64x128xf32>
    %min3A_2391 = arith.minimumf %min3A_2385, %min3A_2379 : vector<64x128xf32>
    %max3A_2392 = arith.maximumf %max3A_2336, %min3A_2381 : vector<64x128xf32>
    %max3A_2393 = arith.maximumf %max3A_2348, %min3A_2391 : vector<64x128xf32>
    %max3A_2394 = arith.maximumf %min3A_2349, %max3A_2390 : vector<64x128xf32>
    %max3A_2395 = arith.maximumf %max3A_2350, %min3A_2389 : vector<64x128xf32>
    %max3A_2396 = arith.maximumf %min3A_2351, %max3A_2388 : vector<64x128xf32>
    %max3A_2397 = arith.maximumf %max3A_2352, %min3A_2387 : vector<64x128xf32>
    %max3A_2398 = arith.maximumf %min3A_2353, %max3A_2386 : vector<64x128xf32>
    %max3A_2399 = arith.maximumf %min3A_2343, %max3A_2374 : vector<64x128xf32>
    %max3A_2400 = arith.maximumf %max3A_2392, %max3A_2396 : vector<64x128xf32>
    %min3A_2401 = arith.minimumf %max3A_2392, %max3A_2396 : vector<64x128xf32>
    %max3A_2402 = arith.maximumf %max3A_2393, %max3A_2397 : vector<64x128xf32>
    %min3A_2403 = arith.minimumf %max3A_2393, %max3A_2397 : vector<64x128xf32>
    %max3A_2404 = arith.maximumf %max3A_2394, %max3A_2398 : vector<64x128xf32>
    %min3A_2405 = arith.minimumf %max3A_2394, %max3A_2398 : vector<64x128xf32>
    %max3A_2406 = arith.maximumf %max3A_2395, %max3A_2399 : vector<64x128xf32>
    %min3A_2407 = arith.minimumf %max3A_2395, %max3A_2399 : vector<64x128xf32>
    %max3A_2408 = arith.maximumf %max3A_2400, %max3A_2404 : vector<64x128xf32>
    %min3A_2409 = arith.minimumf %max3A_2400, %max3A_2404 : vector<64x128xf32>
    %max3A_2410 = arith.maximumf %max3A_2402, %max3A_2406 : vector<64x128xf32>
    %min3A_2411 = arith.minimumf %max3A_2402, %max3A_2406 : vector<64x128xf32>
    %max3A_2412 = arith.maximumf %min3A_2401, %min3A_2405 : vector<64x128xf32>
    %min3A_2413 = arith.minimumf %min3A_2401, %min3A_2405 : vector<64x128xf32>
    %max3A_2414 = arith.maximumf %min3A_2403, %min3A_2407 : vector<64x128xf32>
    %min3A_2415 = arith.minimumf %min3A_2403, %min3A_2407 : vector<64x128xf32>
    %max3A_2416 = arith.maximumf %max3A_2408, %max3A_2410 : vector<64x128xf32>
    %min3A_2417 = arith.minimumf %max3A_2408, %max3A_2410 : vector<64x128xf32>
    %max3A_2418 = arith.maximumf %min3A_2409, %min3A_2411 : vector<64x128xf32>
    %min3A_2419 = arith.minimumf %min3A_2409, %min3A_2411 : vector<64x128xf32>
    %max3A_2420 = arith.maximumf %max3A_2412, %max3A_2414 : vector<64x128xf32>
    %min3A_2421 = arith.minimumf %max3A_2412, %max3A_2414 : vector<64x128xf32>
    %max3A_2422 = arith.maximumf %min3A_2413, %min3A_2415 : vector<64x128xf32>
    %min3A_2423 = arith.minimumf %min3A_2413, %min3A_2415 : vector<64x128xf32>
    %reduce_max3A_2424 = arith.constant dense<0xFF800000> : vector<64xf32>
    %reduce_max3A_2425 = vector.multi_reduction <maximumf>, %max3A_2416, %reduce_max3A_2424 [1] : vector<64x128xf32> to vector<64xf32>
    %broadcast_in_dim3A_2426 = vector.shape_cast %reduce_max3A_2425 : vector<64xf32> to vector<64x1xf32>
    %eq3A_2427 = vector.broadcast %broadcast_in_dim3A_2426 : vector<64x1xf32> to vector<64x128xf32>
    %eq3A_2428 = arith.cmpf oeq, %max3A_2416, %eq3A_2427 : vector<64x128xf32>
    %select_n3A_2429 = arith.select %eq3A_2428, %min3A_2417, %max3A_2416 : vector<64x128xi1>, vector<64x128xf32>
    %select_n3A_2430 = arith.select %eq3A_2428, %max3A_2418, %min3A_2417 : vector<64x128xi1>, vector<64x128xf32>
    %select_n3A_2431 = arith.select %eq3A_2428, %min3A_2419, %max3A_2418 : vector<64x128xi1>, vector<64x128xf32>
    %select_n3A_2432 = arith.select %eq3A_2428, %max3A_2420, %min3A_2419 : vector<64x128xi1>, vector<64x128xf32>
    %select_n3A_2433 = arith.select %eq3A_2428, %min3A_2421, %max3A_2420 : vector<64x128xi1>, vector<64x128xf32>
    %select_n3A_2434 = arith.select %eq3A_2428, %max3A_2422, %min3A_2421 : vector<64x128xi1>, vector<64x128xf32>
    %select_n3A_2435 = arith.select %eq3A_2428, %min3A_2423, %max3A_2422 : vector<64x128xi1>, vector<64x128xf32>
    %reduce_max3A_2436 = arith.constant dense<0xFF800000> : vector<64xf32>
    %reduce_max3A_2437 = vector.multi_reduction <maximumf>, %select_n3A_2429, %reduce_max3A_2436 [1] : vector<64x128xf32> to vector<64xf32>
    %broadcast_in_dim3A_2438 = vector.shape_cast %reduce_max3A_2437 : vector<64xf32> to vector<64x1xf32>
    %eq3A_2439 = vector.broadcast %broadcast_in_dim3A_2438 : vector<64x1xf32> to vector<64x128xf32>
    %eq3A_2440 = arith.cmpf oeq, %select_n3A_2429, %eq3A_2439 : vector<64x128xf32>
    %select_n3A_2441 = arith.select %eq3A_2440, %select_n3A_2430, %select_n3A_2429 : vector<64x128xi1>, vector<64x128xf32>
    %select_n3A_2442 = arith.select %eq3A_2440, %select_n3A_2431, %select_n3A_2430 : vector<64x128xi1>, vector<64x128xf32>
    %select_n3A_2443 = arith.select %eq3A_2440, %select_n3A_2432, %select_n3A_2431 : vector<64x128xi1>, vector<64x128xf32>
    %select_n3A_2444 = arith.select %eq3A_2440, %select_n3A_2433, %select_n3A_2432 : vector<64x128xi1>, vector<64x128xf32>
    %select_n3A_2445 = arith.select %eq3A_2440, %select_n3A_2434, %select_n3A_2433 : vector<64x128xi1>, vector<64x128xf32>
    %select_n3A_2446 = arith.select %eq3A_2440, %select_n3A_2435, %select_n3A_2434 : vector<64x128xi1>, vector<64x128xf32>
    %reduce_max3A_2447 = arith.constant dense<0xFF800000> : vector<64xf32>
    %reduce_max3A_2448 = vector.multi_reduction <maximumf>, %select_n3A_2441, %reduce_max3A_2447 [1] : vector<64x128xf32> to vector<64xf32>
    %broadcast_in_dim3A_2449 = vector.shape_cast %reduce_max3A_2448 : vector<64xf32> to vector<64x1xf32>
    %eq3A_2450 = vector.broadcast %broadcast_in_dim3A_2449 : vector<64x1xf32> to vector<64x128xf32>
    %eq3A_2451 = arith.cmpf oeq, %select_n3A_2441, %eq3A_2450 : vector<64x128xf32>
    %select_n3A_2452 = arith.select %eq3A_2451, %select_n3A_2442, %select_n3A_2441 : vector<64x128xi1>, vector<64x128xf32>
    %select_n3A_2453 = arith.select %eq3A_2451, %select_n3A_2443, %select_n3A_2442 : vector<64x128xi1>, vector<64x128xf32>
    %select_n3A_2454 = arith.select %eq3A_2451, %select_n3A_2444, %select_n3A_2443 : vector<64x128xi1>, vector<64x128xf32>
    %select_n3A_2455 = arith.select %eq3A_2451, %select_n3A_2445, %select_n3A_2444 : vector<64x128xi1>, vector<64x128xf32>
    %select_n3A_2456 = arith.select %eq3A_2451, %select_n3A_2446, %select_n3A_2445 : vector<64x128xi1>, vector<64x128xf32>
    %reduce_max3A_2457 = arith.constant dense<0xFF800000> : vector<64xf32>
    %reduce_max3A_2458 = vector.multi_reduction <maximumf>, %select_n3A_2452, %reduce_max3A_2457 [1] : vector<64x128xf32> to vector<64xf32>
    %broadcast_in_dim3A_2459 = vector.shape_cast %reduce_max3A_2458 : vector<64xf32> to vector<64x1xf32>
    %eq3A_2460 = vector.broadcast %broadcast_in_dim3A_2459 : vector<64x1xf32> to vector<64x128xf32>
    %eq3A_2461 = arith.cmpf oeq, %select_n3A_2452, %eq3A_2460 : vector<64x128xf32>
    %select_n3A_2462 = arith.select %eq3A_2461, %select_n3A_2453, %select_n3A_2452 : vector<64x128xi1>, vector<64x128xf32>
    %select_n3A_2463 = arith.select %eq3A_2461, %select_n3A_2454, %select_n3A_2453 : vector<64x128xi1>, vector<64x128xf32>
    %select_n3A_2464 = arith.select %eq3A_2461, %select_n3A_2455, %select_n3A_2454 : vector<64x128xi1>, vector<64x128xf32>
    %select_n3A_2465 = arith.select %eq3A_2461, %select_n3A_2456, %select_n3A_2455 : vector<64x128xi1>, vector<64x128xf32>
    %reduce_max3A_2466 = arith.constant dense<0xFF800000> : vector<64xf32>
    %reduce_max3A_2467 = vector.multi_reduction <maximumf>, %select_n3A_2462, %reduce_max3A_2466 [1] : vector<64x128xf32> to vector<64xf32>
    %broadcast_in_dim3A_2468 = vector.shape_cast %reduce_max3A_2467 : vector<64xf32> to vector<64x1xf32>
    %eq3A_2469 = vector.broadcast %broadcast_in_dim3A_2468 : vector<64x1xf32> to vector<64x128xf32>
    %eq3A_2470 = arith.cmpf oeq, %select_n3A_2462, %eq3A_2469 : vector<64x128xf32>
    %select_n3A_2471 = arith.select %eq3A_2470, %select_n3A_2463, %select_n3A_2462 : vector<64x128xi1>, vector<64x128xf32>
    %select_n3A_2472 = arith.select %eq3A_2470, %select_n3A_2464, %select_n3A_2463 : vector<64x128xi1>, vector<64x128xf32>
    %select_n3A_2473 = arith.select %eq3A_2470, %select_n3A_2465, %select_n3A_2464 : vector<64x128xi1>, vector<64x128xf32>
    %reduce_max3A_2474 = arith.constant dense<0xFF800000> : vector<64xf32>
    %reduce_max3A_2475 = vector.multi_reduction <maximumf>, %select_n3A_2471, %reduce_max3A_2474 [1] : vector<64x128xf32> to vector<64xf32>
    %broadcast_in_dim3A_2476 = vector.shape_cast %reduce_max3A_2475 : vector<64xf32> to vector<64x1xf32>
    %eq3A_2477 = vector.broadcast %broadcast_in_dim3A_2476 : vector<64x1xf32> to vector<64x128xf32>
    %eq3A_2478 = arith.cmpf oeq, %select_n3A_2471, %eq3A_2477 : vector<64x128xf32>
    %select_n3A_2479 = arith.select %eq3A_2478, %select_n3A_2472, %select_n3A_2471 : vector<64x128xi1>, vector<64x128xf32>
    %select_n3A_2480 = arith.select %eq3A_2478, %select_n3A_2473, %select_n3A_2472 : vector<64x128xi1>, vector<64x128xf32>
    %reduce_max3A_2481 = arith.constant dense<0xFF800000> : vector<64xf32>
    %reduce_max3A_2482 = vector.multi_reduction <maximumf>, %select_n3A_2479, %reduce_max3A_2481 [1] : vector<64x128xf32> to vector<64xf32>
    %broadcast_in_dim3A_2483 = vector.shape_cast %reduce_max3A_2482 : vector<64xf32> to vector<64x1xf32>
    %eq3A_2484 = vector.broadcast %broadcast_in_dim3A_2483 : vector<64x1xf32> to vector<64x128xf32>
    %eq3A_2485 = arith.cmpf oeq, %select_n3A_2479, %eq3A_2484 : vector<64x128xf32>
    %select_n3A_2486 = arith.select %eq3A_2485, %select_n3A_2480, %select_n3A_2479 : vector<64x128xi1>, vector<64x128xf32>
    %reduce_max3A_2487 = arith.constant dense<0xFF800000> : vector<64xf32>
    %reduce_max3A_2488 = vector.multi_reduction <maximumf>, %select_n3A_2486, %reduce_max3A_2487 [1] : vector<64x128xf32> to vector<64xf32>
    %broadcast_in_dim3A_2489 = vector.shape_cast %reduce_max3A_2488 : vector<64xf32> to vector<64x1xf32>
    %slice3A_2490 = vector.extract_strided_slice %dot_general3A_19 {offsets = [832, 0], sizes = [64, 128], strides = [1, 1]} : vector<1024x1024xf32> to vector<64x128xf32>
    %slice3A_2491 = vector.extract_strided_slice %dot_general3A_19 {offsets = [832, 128], sizes = [64, 128], strides = [1, 1]} : vector<1024x1024xf32> to vector<64x128xf32>
    %slice3A_2492 = vector.extract_strided_slice %dot_general3A_19 {offsets = [832, 256], sizes = [64, 128], strides = [1, 1]} : vector<1024x1024xf32> to vector<64x128xf32>
    %slice3A_2493 = vector.extract_strided_slice %dot_general3A_19 {offsets = [832, 384], sizes = [64, 128], strides = [1, 1]} : vector<1024x1024xf32> to vector<64x128xf32>
    %slice3A_2494 = vector.extract_strided_slice %dot_general3A_19 {offsets = [832, 512], sizes = [64, 128], strides = [1, 1]} : vector<1024x1024xf32> to vector<64x128xf32>
    %slice3A_2495 = vector.extract_strided_slice %dot_general3A_19 {offsets = [832, 640], sizes = [64, 128], strides = [1, 1]} : vector<1024x1024xf32> to vector<64x128xf32>
    %slice3A_2496 = vector.extract_strided_slice %dot_general3A_19 {offsets = [832, 768], sizes = [64, 128], strides = [1, 1]} : vector<1024x1024xf32> to vector<64x128xf32>
    %slice3A_2497 = vector.extract_strided_slice %dot_general3A_19 {offsets = [832, 896], sizes = [64, 128], strides = [1, 1]} : vector<1024x1024xf32> to vector<64x128xf32>
    %slice3A_2498 = vector.extract_strided_slice %dot_general3A_24 {offsets = [832, 0], sizes = [64, 128], strides = [1, 1]} : vector<1024x1024xf32> to vector<64x128xf32>
    %slice3A_2499 = vector.extract_strided_slice %dot_general3A_24 {offsets = [832, 128], sizes = [64, 128], strides = [1, 1]} : vector<1024x1024xf32> to vector<64x128xf32>
    %slice3A_2500 = vector.extract_strided_slice %dot_general3A_24 {offsets = [832, 256], sizes = [64, 128], strides = [1, 1]} : vector<1024x1024xf32> to vector<64x128xf32>
    %slice3A_2501 = vector.extract_strided_slice %dot_general3A_24 {offsets = [832, 384], sizes = [64, 128], strides = [1, 1]} : vector<1024x1024xf32> to vector<64x128xf32>
    %slice3A_2502 = vector.extract_strided_slice %dot_general3A_24 {offsets = [832, 512], sizes = [64, 128], strides = [1, 1]} : vector<1024x1024xf32> to vector<64x128xf32>
    %slice3A_2503 = vector.extract_strided_slice %dot_general3A_24 {offsets = [832, 640], sizes = [64, 128], strides = [1, 1]} : vector<1024x1024xf32> to vector<64x128xf32>
    %slice3A_2504 = vector.extract_strided_slice %dot_general3A_24 {offsets = [832, 768], sizes = [64, 128], strides = [1, 1]} : vector<1024x1024xf32> to vector<64x128xf32>
    %slice3A_2505 = vector.extract_strided_slice %dot_general3A_24 {offsets = [832, 896], sizes = [64, 128], strides = [1, 1]} : vector<1024x1024xf32> to vector<64x128xf32>
    %max3A_2506 = arith.maximumf %slice3A_2490, %slice3A_2491 : vector<64x128xf32>
    %min3A_2507 = arith.minimumf %slice3A_2490, %slice3A_2491 : vector<64x128xf32>
    %max3A_2508 = arith.maximumf %slice3A_2492, %slice3A_2493 : vector<64x128xf32>
    %min3A_2509 = arith.minimumf %slice3A_2492, %slice3A_2493 : vector<64x128xf32>
    %max3A_2510 = arith.maximumf %slice3A_2494, %slice3A_2495 : vector<64x128xf32>
    %min3A_2511 = arith.minimumf %slice3A_2494, %slice3A_2495 : vector<64x128xf32>
    %max3A_2512 = arith.maximumf %slice3A_2496, %slice3A_2497 : vector<64x128xf32>
    %min3A_2513 = arith.minimumf %slice3A_2496, %slice3A_2497 : vector<64x128xf32>
    %max3A_2514 = arith.maximumf %max3A_2506, %max3A_2508 : vector<64x128xf32>
    %min3A_2515 = arith.minimumf %max3A_2506, %max3A_2508 : vector<64x128xf32>
    %max3A_2516 = arith.maximumf %min3A_2507, %min3A_2509 : vector<64x128xf32>
    %min3A_2517 = arith.minimumf %min3A_2507, %min3A_2509 : vector<64x128xf32>
    %max3A_2518 = arith.maximumf %max3A_2510, %max3A_2512 : vector<64x128xf32>
    %min3A_2519 = arith.minimumf %max3A_2510, %max3A_2512 : vector<64x128xf32>
    %max3A_2520 = arith.maximumf %min3A_2511, %min3A_2513 : vector<64x128xf32>
    %min3A_2521 = arith.minimumf %min3A_2511, %min3A_2513 : vector<64x128xf32>
    %max3A_2522 = arith.maximumf %max3A_2516, %min3A_2515 : vector<64x128xf32>
    %min3A_2523 = arith.minimumf %max3A_2516, %min3A_2515 : vector<64x128xf32>
    %max3A_2524 = arith.maximumf %max3A_2520, %min3A_2519 : vector<64x128xf32>
    %min3A_2525 = arith.minimumf %max3A_2520, %min3A_2519 : vector<64x128xf32>
    %max3A_2526 = arith.maximumf %max3A_2514, %max3A_2518 : vector<64x128xf32>
    %min3A_2527 = arith.minimumf %max3A_2514, %max3A_2518 : vector<64x128xf32>
    %max3A_2528 = arith.maximumf %max3A_2522, %max3A_2524 : vector<64x128xf32>
    %min3A_2529 = arith.minimumf %max3A_2522, %max3A_2524 : vector<64x128xf32>
    %max3A_2530 = arith.maximumf %min3A_2523, %min3A_2525 : vector<64x128xf32>
    %min3A_2531 = arith.minimumf %min3A_2523, %min3A_2525 : vector<64x128xf32>
    %max3A_2532 = arith.maximumf %min3A_2517, %min3A_2521 : vector<64x128xf32>
    %min3A_2533 = arith.minimumf %min3A_2517, %min3A_2521 : vector<64x128xf32>
    %max3A_2534 = arith.maximumf %max3A_2530, %min3A_2527 : vector<64x128xf32>
    %min3A_2535 = arith.minimumf %max3A_2530, %min3A_2527 : vector<64x128xf32>
    %max3A_2536 = arith.maximumf %max3A_2532, %min3A_2529 : vector<64x128xf32>
    %min3A_2537 = arith.minimumf %max3A_2532, %min3A_2529 : vector<64x128xf32>
    %max3A_2538 = arith.maximumf %max3A_2528, %max3A_2534 : vector<64x128xf32>
    %min3A_2539 = arith.minimumf %max3A_2528, %max3A_2534 : vector<64x128xf32>
    %max3A_2540 = arith.maximumf %max3A_2536, %min3A_2535 : vector<64x128xf32>
    %min3A_2541 = arith.minimumf %max3A_2536, %min3A_2535 : vector<64x128xf32>
    %max3A_2542 = arith.maximumf %min3A_2537, %min3A_2531 : vector<64x128xf32>
    %min3A_2543 = arith.minimumf %min3A_2537, %min3A_2531 : vector<64x128xf32>
    %max3A_2544 = arith.maximumf %slice3A_2498, %slice3A_2499 : vector<64x128xf32>
    %min3A_2545 = arith.minimumf %slice3A_2498, %slice3A_2499 : vector<64x128xf32>
    %max3A_2546 = arith.maximumf %slice3A_2500, %slice3A_2501 : vector<64x128xf32>
    %min3A_2547 = arith.minimumf %slice3A_2500, %slice3A_2501 : vector<64x128xf32>
    %max3A_2548 = arith.maximumf %slice3A_2502, %slice3A_2503 : vector<64x128xf32>
    %min3A_2549 = arith.minimumf %slice3A_2502, %slice3A_2503 : vector<64x128xf32>
    %max3A_2550 = arith.maximumf %slice3A_2504, %slice3A_2505 : vector<64x128xf32>
    %min3A_2551 = arith.minimumf %slice3A_2504, %slice3A_2505 : vector<64x128xf32>
    %max3A_2552 = arith.maximumf %max3A_2544, %max3A_2546 : vector<64x128xf32>
    %min3A_2553 = arith.minimumf %max3A_2544, %max3A_2546 : vector<64x128xf32>
    %max3A_2554 = arith.maximumf %min3A_2545, %min3A_2547 : vector<64x128xf32>
    %min3A_2555 = arith.minimumf %min3A_2545, %min3A_2547 : vector<64x128xf32>
    %max3A_2556 = arith.maximumf %max3A_2548, %max3A_2550 : vector<64x128xf32>
    %min3A_2557 = arith.minimumf %max3A_2548, %max3A_2550 : vector<64x128xf32>
    %max3A_2558 = arith.maximumf %min3A_2549, %min3A_2551 : vector<64x128xf32>
    %min3A_2559 = arith.minimumf %min3A_2549, %min3A_2551 : vector<64x128xf32>
    %max3A_2560 = arith.maximumf %max3A_2554, %min3A_2553 : vector<64x128xf32>
    %min3A_2561 = arith.minimumf %max3A_2554, %min3A_2553 : vector<64x128xf32>
    %max3A_2562 = arith.maximumf %max3A_2558, %min3A_2557 : vector<64x128xf32>
    %min3A_2563 = arith.minimumf %max3A_2558, %min3A_2557 : vector<64x128xf32>
    %max3A_2564 = arith.maximumf %max3A_2552, %max3A_2556 : vector<64x128xf32>
    %min3A_2565 = arith.minimumf %max3A_2552, %max3A_2556 : vector<64x128xf32>
    %max3A_2566 = arith.maximumf %max3A_2560, %max3A_2562 : vector<64x128xf32>
    %min3A_2567 = arith.minimumf %max3A_2560, %max3A_2562 : vector<64x128xf32>
    %max3A_2568 = arith.maximumf %min3A_2561, %min3A_2563 : vector<64x128xf32>
    %min3A_2569 = arith.minimumf %min3A_2561, %min3A_2563 : vector<64x128xf32>
    %max3A_2570 = arith.maximumf %min3A_2555, %min3A_2559 : vector<64x128xf32>
    %min3A_2571 = arith.minimumf %min3A_2555, %min3A_2559 : vector<64x128xf32>
    %max3A_2572 = arith.maximumf %max3A_2568, %min3A_2565 : vector<64x128xf32>
    %min3A_2573 = arith.minimumf %max3A_2568, %min3A_2565 : vector<64x128xf32>
    %max3A_2574 = arith.maximumf %max3A_2570, %min3A_2567 : vector<64x128xf32>
    %min3A_2575 = arith.minimumf %max3A_2570, %min3A_2567 : vector<64x128xf32>
    %max3A_2576 = arith.maximumf %max3A_2566, %max3A_2572 : vector<64x128xf32>
    %min3A_2577 = arith.minimumf %max3A_2566, %max3A_2572 : vector<64x128xf32>
    %max3A_2578 = arith.maximumf %max3A_2574, %min3A_2573 : vector<64x128xf32>
    %min3A_2579 = arith.minimumf %max3A_2574, %min3A_2573 : vector<64x128xf32>
    %max3A_2580 = arith.maximumf %min3A_2575, %min3A_2569 : vector<64x128xf32>
    %min3A_2581 = arith.minimumf %min3A_2575, %min3A_2569 : vector<64x128xf32>
    %max3A_2582 = arith.maximumf %max3A_2526, %min3A_2571 : vector<64x128xf32>
    %max3A_2583 = arith.maximumf %max3A_2538, %min3A_2581 : vector<64x128xf32>
    %max3A_2584 = arith.maximumf %min3A_2539, %max3A_2580 : vector<64x128xf32>
    %max3A_2585 = arith.maximumf %max3A_2540, %min3A_2579 : vector<64x128xf32>
    %max3A_2586 = arith.maximumf %min3A_2541, %max3A_2578 : vector<64x128xf32>
    %max3A_2587 = arith.maximumf %max3A_2542, %min3A_2577 : vector<64x128xf32>
    %max3A_2588 = arith.maximumf %min3A_2543, %max3A_2576 : vector<64x128xf32>
    %max3A_2589 = arith.maximumf %min3A_2533, %max3A_2564 : vector<64x128xf32>
    %max3A_2590 = arith.maximumf %max3A_2582, %max3A_2586 : vector<64x128xf32>
    %min3A_2591 = arith.minimumf %max3A_2582, %max3A_2586 : vector<64x128xf32>
    %max3A_2592 = arith.maximumf %max3A_2583, %max3A_2587 : vector<64x128xf32>
    %min3A_2593 = arith.minimumf %max3A_2583, %max3A_2587 : vector<64x128xf32>
    %max3A_2594 = arith.maximumf %max3A_2584, %max3A_2588 : vector<64x128xf32>
    %min3A_2595 = arith.minimumf %max3A_2584, %max3A_2588 : vector<64x128xf32>
    %max3A_2596 = arith.maximumf %max3A_2585, %max3A_2589 : vector<64x128xf32>
    %min3A_2597 = arith.minimumf %max3A_2585, %max3A_2589 : vector<64x128xf32>
    %max3A_2598 = arith.maximumf %max3A_2590, %max3A_2594 : vector<64x128xf32>
    %min3A_2599 = arith.minimumf %max3A_2590, %max3A_2594 : vector<64x128xf32>
    %max3A_2600 = arith.maximumf %max3A_2592, %max3A_2596 : vector<64x128xf32>
    %min3A_2601 = arith.minimumf %max3A_2592, %max3A_2596 : vector<64x128xf32>
    %max3A_2602 = arith.maximumf %min3A_2591, %min3A_2595 : vector<64x128xf32>
    %min3A_2603 = arith.minimumf %min3A_2591, %min3A_2595 : vector<64x128xf32>
    %max3A_2604 = arith.maximumf %min3A_2593, %min3A_2597 : vector<64x128xf32>
    %min3A_2605 = arith.minimumf %min3A_2593, %min3A_2597 : vector<64x128xf32>
    %max3A_2606 = arith.maximumf %max3A_2598, %max3A_2600 : vector<64x128xf32>
    %min3A_2607 = arith.minimumf %max3A_2598, %max3A_2600 : vector<64x128xf32>
    %max3A_2608 = arith.maximumf %min3A_2599, %min3A_2601 : vector<64x128xf32>
    %min3A_2609 = arith.minimumf %min3A_2599, %min3A_2601 : vector<64x128xf32>
    %max3A_2610 = arith.maximumf %max3A_2602, %max3A_2604 : vector<64x128xf32>
    %min3A_2611 = arith.minimumf %max3A_2602, %max3A_2604 : vector<64x128xf32>
    %max3A_2612 = arith.maximumf %min3A_2603, %min3A_2605 : vector<64x128xf32>
    %min3A_2613 = arith.minimumf %min3A_2603, %min3A_2605 : vector<64x128xf32>
    %reduce_max3A_2614 = arith.constant dense<0xFF800000> : vector<64xf32>
    %reduce_max3A_2615 = vector.multi_reduction <maximumf>, %max3A_2606, %reduce_max3A_2614 [1] : vector<64x128xf32> to vector<64xf32>
    %broadcast_in_dim3A_2616 = vector.shape_cast %reduce_max3A_2615 : vector<64xf32> to vector<64x1xf32>
    %eq3A_2617 = vector.broadcast %broadcast_in_dim3A_2616 : vector<64x1xf32> to vector<64x128xf32>
    %eq3A_2618 = arith.cmpf oeq, %max3A_2606, %eq3A_2617 : vector<64x128xf32>
    %select_n3A_2619 = arith.select %eq3A_2618, %min3A_2607, %max3A_2606 : vector<64x128xi1>, vector<64x128xf32>
    %select_n3A_2620 = arith.select %eq3A_2618, %max3A_2608, %min3A_2607 : vector<64x128xi1>, vector<64x128xf32>
    %select_n3A_2621 = arith.select %eq3A_2618, %min3A_2609, %max3A_2608 : vector<64x128xi1>, vector<64x128xf32>
    %select_n3A_2622 = arith.select %eq3A_2618, %max3A_2610, %min3A_2609 : vector<64x128xi1>, vector<64x128xf32>
    %select_n3A_2623 = arith.select %eq3A_2618, %min3A_2611, %max3A_2610 : vector<64x128xi1>, vector<64x128xf32>
    %select_n3A_2624 = arith.select %eq3A_2618, %max3A_2612, %min3A_2611 : vector<64x128xi1>, vector<64x128xf32>
    %select_n3A_2625 = arith.select %eq3A_2618, %min3A_2613, %max3A_2612 : vector<64x128xi1>, vector<64x128xf32>
    %reduce_max3A_2626 = arith.constant dense<0xFF800000> : vector<64xf32>
    %reduce_max3A_2627 = vector.multi_reduction <maximumf>, %select_n3A_2619, %reduce_max3A_2626 [1] : vector<64x128xf32> to vector<64xf32>
    %broadcast_in_dim3A_2628 = vector.shape_cast %reduce_max3A_2627 : vector<64xf32> to vector<64x1xf32>
    %eq3A_2629 = vector.broadcast %broadcast_in_dim3A_2628 : vector<64x1xf32> to vector<64x128xf32>
    %eq3A_2630 = arith.cmpf oeq, %select_n3A_2619, %eq3A_2629 : vector<64x128xf32>
    %select_n3A_2631 = arith.select %eq3A_2630, %select_n3A_2620, %select_n3A_2619 : vector<64x128xi1>, vector<64x128xf32>
    %select_n3A_2632 = arith.select %eq3A_2630, %select_n3A_2621, %select_n3A_2620 : vector<64x128xi1>, vector<64x128xf32>
    %select_n3A_2633 = arith.select %eq3A_2630, %select_n3A_2622, %select_n3A_2621 : vector<64x128xi1>, vector<64x128xf32>
    %select_n3A_2634 = arith.select %eq3A_2630, %select_n3A_2623, %select_n3A_2622 : vector<64x128xi1>, vector<64x128xf32>
    %select_n3A_2635 = arith.select %eq3A_2630, %select_n3A_2624, %select_n3A_2623 : vector<64x128xi1>, vector<64x128xf32>
    %select_n3A_2636 = arith.select %eq3A_2630, %select_n3A_2625, %select_n3A_2624 : vector<64x128xi1>, vector<64x128xf32>
    %reduce_max3A_2637 = arith.constant dense<0xFF800000> : vector<64xf32>
    %reduce_max3A_2638 = vector.multi_reduction <maximumf>, %select_n3A_2631, %reduce_max3A_2637 [1] : vector<64x128xf32> to vector<64xf32>
    %broadcast_in_dim3A_2639 = vector.shape_cast %reduce_max3A_2638 : vector<64xf32> to vector<64x1xf32>
    %eq3A_2640 = vector.broadcast %broadcast_in_dim3A_2639 : vector<64x1xf32> to vector<64x128xf32>
    %eq3A_2641 = arith.cmpf oeq, %select_n3A_2631, %eq3A_2640 : vector<64x128xf32>
    %select_n3A_2642 = arith.select %eq3A_2641, %select_n3A_2632, %select_n3A_2631 : vector<64x128xi1>, vector<64x128xf32>
    %select_n3A_2643 = arith.select %eq3A_2641, %select_n3A_2633, %select_n3A_2632 : vector<64x128xi1>, vector<64x128xf32>
    %select_n3A_2644 = arith.select %eq3A_2641, %select_n3A_2634, %select_n3A_2633 : vector<64x128xi1>, vector<64x128xf32>
    %select_n3A_2645 = arith.select %eq3A_2641, %select_n3A_2635, %select_n3A_2634 : vector<64x128xi1>, vector<64x128xf32>
    %select_n3A_2646 = arith.select %eq3A_2641, %select_n3A_2636, %select_n3A_2635 : vector<64x128xi1>, vector<64x128xf32>
    %reduce_max3A_2647 = arith.constant dense<0xFF800000> : vector<64xf32>
    %reduce_max3A_2648 = vector.multi_reduction <maximumf>, %select_n3A_2642, %reduce_max3A_2647 [1] : vector<64x128xf32> to vector<64xf32>
    %broadcast_in_dim3A_2649 = vector.shape_cast %reduce_max3A_2648 : vector<64xf32> to vector<64x1xf32>
    %eq3A_2650 = vector.broadcast %broadcast_in_dim3A_2649 : vector<64x1xf32> to vector<64x128xf32>
    %eq3A_2651 = arith.cmpf oeq, %select_n3A_2642, %eq3A_2650 : vector<64x128xf32>
    %select_n3A_2652 = arith.select %eq3A_2651, %select_n3A_2643, %select_n3A_2642 : vector<64x128xi1>, vector<64x128xf32>
    %select_n3A_2653 = arith.select %eq3A_2651, %select_n3A_2644, %select_n3A_2643 : vector<64x128xi1>, vector<64x128xf32>
    %select_n3A_2654 = arith.select %eq3A_2651, %select_n3A_2645, %select_n3A_2644 : vector<64x128xi1>, vector<64x128xf32>
    %select_n3A_2655 = arith.select %eq3A_2651, %select_n3A_2646, %select_n3A_2645 : vector<64x128xi1>, vector<64x128xf32>
    %reduce_max3A_2656 = arith.constant dense<0xFF800000> : vector<64xf32>
    %reduce_max3A_2657 = vector.multi_reduction <maximumf>, %select_n3A_2652, %reduce_max3A_2656 [1] : vector<64x128xf32> to vector<64xf32>
    %broadcast_in_dim3A_2658 = vector.shape_cast %reduce_max3A_2657 : vector<64xf32> to vector<64x1xf32>
    %eq3A_2659 = vector.broadcast %broadcast_in_dim3A_2658 : vector<64x1xf32> to vector<64x128xf32>
    %eq3A_2660 = arith.cmpf oeq, %select_n3A_2652, %eq3A_2659 : vector<64x128xf32>
    %select_n3A_2661 = arith.select %eq3A_2660, %select_n3A_2653, %select_n3A_2652 : vector<64x128xi1>, vector<64x128xf32>
    %select_n3A_2662 = arith.select %eq3A_2660, %select_n3A_2654, %select_n3A_2653 : vector<64x128xi1>, vector<64x128xf32>
    %select_n3A_2663 = arith.select %eq3A_2660, %select_n3A_2655, %select_n3A_2654 : vector<64x128xi1>, vector<64x128xf32>
    %reduce_max3A_2664 = arith.constant dense<0xFF800000> : vector<64xf32>
    %reduce_max3A_2665 = vector.multi_reduction <maximumf>, %select_n3A_2661, %reduce_max3A_2664 [1] : vector<64x128xf32> to vector<64xf32>
    %broadcast_in_dim3A_2666 = vector.shape_cast %reduce_max3A_2665 : vector<64xf32> to vector<64x1xf32>
    %eq3A_2667 = vector.broadcast %broadcast_in_dim3A_2666 : vector<64x1xf32> to vector<64x128xf32>
    %eq3A_2668 = arith.cmpf oeq, %select_n3A_2661, %eq3A_2667 : vector<64x128xf32>
    %select_n3A_2669 = arith.select %eq3A_2668, %select_n3A_2662, %select_n3A_2661 : vector<64x128xi1>, vector<64x128xf32>
    %select_n3A_2670 = arith.select %eq3A_2668, %select_n3A_2663, %select_n3A_2662 : vector<64x128xi1>, vector<64x128xf32>
    %reduce_max3A_2671 = arith.constant dense<0xFF800000> : vector<64xf32>
    %reduce_max3A_2672 = vector.multi_reduction <maximumf>, %select_n3A_2669, %reduce_max3A_2671 [1] : vector<64x128xf32> to vector<64xf32>
    %broadcast_in_dim3A_2673 = vector.shape_cast %reduce_max3A_2672 : vector<64xf32> to vector<64x1xf32>
    %eq3A_2674 = vector.broadcast %broadcast_in_dim3A_2673 : vector<64x1xf32> to vector<64x128xf32>
    %eq3A_2675 = arith.cmpf oeq, %select_n3A_2669, %eq3A_2674 : vector<64x128xf32>
    %select_n3A_2676 = arith.select %eq3A_2675, %select_n3A_2670, %select_n3A_2669 : vector<64x128xi1>, vector<64x128xf32>
    %reduce_max3A_2677 = arith.constant dense<0xFF800000> : vector<64xf32>
    %reduce_max3A_2678 = vector.multi_reduction <maximumf>, %select_n3A_2676, %reduce_max3A_2677 [1] : vector<64x128xf32> to vector<64xf32>
    %broadcast_in_dim3A_2679 = vector.shape_cast %reduce_max3A_2678 : vector<64xf32> to vector<64x1xf32>
    %slice3A_2680 = vector.extract_strided_slice %dot_general3A_19 {offsets = [896, 0], sizes = [64, 128], strides = [1, 1]} : vector<1024x1024xf32> to vector<64x128xf32>
    %slice3A_2681 = vector.extract_strided_slice %dot_general3A_19 {offsets = [896, 128], sizes = [64, 128], strides = [1, 1]} : vector<1024x1024xf32> to vector<64x128xf32>
    %slice3A_2682 = vector.extract_strided_slice %dot_general3A_19 {offsets = [896, 256], sizes = [64, 128], strides = [1, 1]} : vector<1024x1024xf32> to vector<64x128xf32>
    %slice3A_2683 = vector.extract_strided_slice %dot_general3A_19 {offsets = [896, 384], sizes = [64, 128], strides = [1, 1]} : vector<1024x1024xf32> to vector<64x128xf32>
    %slice3A_2684 = vector.extract_strided_slice %dot_general3A_19 {offsets = [896, 512], sizes = [64, 128], strides = [1, 1]} : vector<1024x1024xf32> to vector<64x128xf32>
    %slice3A_2685 = vector.extract_strided_slice %dot_general3A_19 {offsets = [896, 640], sizes = [64, 128], strides = [1, 1]} : vector<1024x1024xf32> to vector<64x128xf32>
    %slice3A_2686 = vector.extract_strided_slice %dot_general3A_19 {offsets = [896, 768], sizes = [64, 128], strides = [1, 1]} : vector<1024x1024xf32> to vector<64x128xf32>
    %slice3A_2687 = vector.extract_strided_slice %dot_general3A_19 {offsets = [896, 896], sizes = [64, 128], strides = [1, 1]} : vector<1024x1024xf32> to vector<64x128xf32>
    %slice3A_2688 = vector.extract_strided_slice %dot_general3A_24 {offsets = [896, 0], sizes = [64, 128], strides = [1, 1]} : vector<1024x1024xf32> to vector<64x128xf32>
    %slice3A_2689 = vector.extract_strided_slice %dot_general3A_24 {offsets = [896, 128], sizes = [64, 128], strides = [1, 1]} : vector<1024x1024xf32> to vector<64x128xf32>
    %slice3A_2690 = vector.extract_strided_slice %dot_general3A_24 {offsets = [896, 256], sizes = [64, 128], strides = [1, 1]} : vector<1024x1024xf32> to vector<64x128xf32>
    %slice3A_2691 = vector.extract_strided_slice %dot_general3A_24 {offsets = [896, 384], sizes = [64, 128], strides = [1, 1]} : vector<1024x1024xf32> to vector<64x128xf32>
    %slice3A_2692 = vector.extract_strided_slice %dot_general3A_24 {offsets = [896, 512], sizes = [64, 128], strides = [1, 1]} : vector<1024x1024xf32> to vector<64x128xf32>
    %slice3A_2693 = vector.extract_strided_slice %dot_general3A_24 {offsets = [896, 640], sizes = [64, 128], strides = [1, 1]} : vector<1024x1024xf32> to vector<64x128xf32>
    %slice3A_2694 = vector.extract_strided_slice %dot_general3A_24 {offsets = [896, 768], sizes = [64, 128], strides = [1, 1]} : vector<1024x1024xf32> to vector<64x128xf32>
    %slice3A_2695 = vector.extract_strided_slice %dot_general3A_24 {offsets = [896, 896], sizes = [64, 128], strides = [1, 1]} : vector<1024x1024xf32> to vector<64x128xf32>
    %max3A_2696 = arith.maximumf %slice3A_2680, %slice3A_2681 : vector<64x128xf32>
    %min3A_2697 = arith.minimumf %slice3A_2680, %slice3A_2681 : vector<64x128xf32>
    %max3A_2698 = arith.maximumf %slice3A_2682, %slice3A_2683 : vector<64x128xf32>
    %min3A_2699 = arith.minimumf %slice3A_2682, %slice3A_2683 : vector<64x128xf32>
    %max3A_2700 = arith.maximumf %slice3A_2684, %slice3A_2685 : vector<64x128xf32>
    %min3A_2701 = arith.minimumf %slice3A_2684, %slice3A_2685 : vector<64x128xf32>
    %max3A_2702 = arith.maximumf %slice3A_2686, %slice3A_2687 : vector<64x128xf32>
    %min3A_2703 = arith.minimumf %slice3A_2686, %slice3A_2687 : vector<64x128xf32>
    %max3A_2704 = arith.maximumf %max3A_2696, %max3A_2698 : vector<64x128xf32>
    %min3A_2705 = arith.minimumf %max3A_2696, %max3A_2698 : vector<64x128xf32>
    %max3A_2706 = arith.maximumf %min3A_2697, %min3A_2699 : vector<64x128xf32>
    %min3A_2707 = arith.minimumf %min3A_2697, %min3A_2699 : vector<64x128xf32>
    %max3A_2708 = arith.maximumf %max3A_2700, %max3A_2702 : vector<64x128xf32>
    %min3A_2709 = arith.minimumf %max3A_2700, %max3A_2702 : vector<64x128xf32>
    %max3A_2710 = arith.maximumf %min3A_2701, %min3A_2703 : vector<64x128xf32>
    %min3A_2711 = arith.minimumf %min3A_2701, %min3A_2703 : vector<64x128xf32>
    %max3A_2712 = arith.maximumf %max3A_2706, %min3A_2705 : vector<64x128xf32>
    %min3A_2713 = arith.minimumf %max3A_2706, %min3A_2705 : vector<64x128xf32>
    %max3A_2714 = arith.maximumf %max3A_2710, %min3A_2709 : vector<64x128xf32>
    %min3A_2715 = arith.minimumf %max3A_2710, %min3A_2709 : vector<64x128xf32>
    %max3A_2716 = arith.maximumf %max3A_2704, %max3A_2708 : vector<64x128xf32>
    %min3A_2717 = arith.minimumf %max3A_2704, %max3A_2708 : vector<64x128xf32>
    %max3A_2718 = arith.maximumf %max3A_2712, %max3A_2714 : vector<64x128xf32>
    %min3A_2719 = arith.minimumf %max3A_2712, %max3A_2714 : vector<64x128xf32>
    %max3A_2720 = arith.maximumf %min3A_2713, %min3A_2715 : vector<64x128xf32>
    %min3A_2721 = arith.minimumf %min3A_2713, %min3A_2715 : vector<64x128xf32>
    %max3A_2722 = arith.maximumf %min3A_2707, %min3A_2711 : vector<64x128xf32>
    %min3A_2723 = arith.minimumf %min3A_2707, %min3A_2711 : vector<64x128xf32>
    %max3A_2724 = arith.maximumf %max3A_2720, %min3A_2717 : vector<64x128xf32>
    %min3A_2725 = arith.minimumf %max3A_2720, %min3A_2717 : vector<64x128xf32>
    %max3A_2726 = arith.maximumf %max3A_2722, %min3A_2719 : vector<64x128xf32>
    %min3A_2727 = arith.minimumf %max3A_2722, %min3A_2719 : vector<64x128xf32>
    %max3A_2728 = arith.maximumf %max3A_2718, %max3A_2724 : vector<64x128xf32>
    %min3A_2729 = arith.minimumf %max3A_2718, %max3A_2724 : vector<64x128xf32>
    %max3A_2730 = arith.maximumf %max3A_2726, %min3A_2725 : vector<64x128xf32>
    %min3A_2731 = arith.minimumf %max3A_2726, %min3A_2725 : vector<64x128xf32>
    %max3A_2732 = arith.maximumf %min3A_2727, %min3A_2721 : vector<64x128xf32>
    %min3A_2733 = arith.minimumf %min3A_2727, %min3A_2721 : vector<64x128xf32>
    %max3A_2734 = arith.maximumf %slice3A_2688, %slice3A_2689 : vector<64x128xf32>
    %min3A_2735 = arith.minimumf %slice3A_2688, %slice3A_2689 : vector<64x128xf32>
    %max3A_2736 = arith.maximumf %slice3A_2690, %slice3A_2691 : vector<64x128xf32>
    %min3A_2737 = arith.minimumf %slice3A_2690, %slice3A_2691 : vector<64x128xf32>
    %max3A_2738 = arith.maximumf %slice3A_2692, %slice3A_2693 : vector<64x128xf32>
    %min3A_2739 = arith.minimumf %slice3A_2692, %slice3A_2693 : vector<64x128xf32>
    %max3A_2740 = arith.maximumf %slice3A_2694, %slice3A_2695 : vector<64x128xf32>
    %min3A_2741 = arith.minimumf %slice3A_2694, %slice3A_2695 : vector<64x128xf32>
    %max3A_2742 = arith.maximumf %max3A_2734, %max3A_2736 : vector<64x128xf32>
    %min3A_2743 = arith.minimumf %max3A_2734, %max3A_2736 : vector<64x128xf32>
    %max3A_2744 = arith.maximumf %min3A_2735, %min3A_2737 : vector<64x128xf32>
    %min3A_2745 = arith.minimumf %min3A_2735, %min3A_2737 : vector<64x128xf32>
    %max3A_2746 = arith.maximumf %max3A_2738, %max3A_2740 : vector<64x128xf32>
    %min3A_2747 = arith.minimumf %max3A_2738, %max3A_2740 : vector<64x128xf32>
    %max3A_2748 = arith.maximumf %min3A_2739, %min3A_2741 : vector<64x128xf32>
    %min3A_2749 = arith.minimumf %min3A_2739, %min3A_2741 : vector<64x128xf32>
    %max3A_2750 = arith.maximumf %max3A_2744, %min3A_2743 : vector<64x128xf32>
    %min3A_2751 = arith.minimumf %max3A_2744, %min3A_2743 : vector<64x128xf32>
    %max3A_2752 = arith.maximumf %max3A_2748, %min3A_2747 : vector<64x128xf32>
    %min3A_2753 = arith.minimumf %max3A_2748, %min3A_2747 : vector<64x128xf32>
    %max3A_2754 = arith.maximumf %max3A_2742, %max3A_2746 : vector<64x128xf32>
    %min3A_2755 = arith.minimumf %max3A_2742, %max3A_2746 : vector<64x128xf32>
    %max3A_2756 = arith.maximumf %max3A_2750, %max3A_2752 : vector<64x128xf32>
    %min3A_2757 = arith.minimumf %max3A_2750, %max3A_2752 : vector<64x128xf32>
    %max3A_2758 = arith.maximumf %min3A_2751, %min3A_2753 : vector<64x128xf32>
    %min3A_2759 = arith.minimumf %min3A_2751, %min3A_2753 : vector<64x128xf32>
    %max3A_2760 = arith.maximumf %min3A_2745, %min3A_2749 : vector<64x128xf32>
    %min3A_2761 = arith.minimumf %min3A_2745, %min3A_2749 : vector<64x128xf32>
    %max3A_2762 = arith.maximumf %max3A_2758, %min3A_2755 : vector<64x128xf32>
    %min3A_2763 = arith.minimumf %max3A_2758, %min3A_2755 : vector<64x128xf32>
    %max3A_2764 = arith.maximumf %max3A_2760, %min3A_2757 : vector<64x128xf32>
    %min3A_2765 = arith.minimumf %max3A_2760, %min3A_2757 : vector<64x128xf32>
    %max3A_2766 = arith.maximumf %max3A_2756, %max3A_2762 : vector<64x128xf32>
    %min3A_2767 = arith.minimumf %max3A_2756, %max3A_2762 : vector<64x128xf32>
    %max3A_2768 = arith.maximumf %max3A_2764, %min3A_2763 : vector<64x128xf32>
    %min3A_2769 = arith.minimumf %max3A_2764, %min3A_2763 : vector<64x128xf32>
    %max3A_2770 = arith.maximumf %min3A_2765, %min3A_2759 : vector<64x128xf32>
    %min3A_2771 = arith.minimumf %min3A_2765, %min3A_2759 : vector<64x128xf32>
    %max3A_2772 = arith.maximumf %max3A_2716, %min3A_2761 : vector<64x128xf32>
    %max3A_2773 = arith.maximumf %max3A_2728, %min3A_2771 : vector<64x128xf32>
    %max3A_2774 = arith.maximumf %min3A_2729, %max3A_2770 : vector<64x128xf32>
    %max3A_2775 = arith.maximumf %max3A_2730, %min3A_2769 : vector<64x128xf32>
    %max3A_2776 = arith.maximumf %min3A_2731, %max3A_2768 : vector<64x128xf32>
    %max3A_2777 = arith.maximumf %max3A_2732, %min3A_2767 : vector<64x128xf32>
    %max3A_2778 = arith.maximumf %min3A_2733, %max3A_2766 : vector<64x128xf32>
    %max3A_2779 = arith.maximumf %min3A_2723, %max3A_2754 : vector<64x128xf32>
    %max3A_2780 = arith.maximumf %max3A_2772, %max3A_2776 : vector<64x128xf32>
    %min3A_2781 = arith.minimumf %max3A_2772, %max3A_2776 : vector<64x128xf32>
    %max3A_2782 = arith.maximumf %max3A_2773, %max3A_2777 : vector<64x128xf32>
    %min3A_2783 = arith.minimumf %max3A_2773, %max3A_2777 : vector<64x128xf32>
    %max3A_2784 = arith.maximumf %max3A_2774, %max3A_2778 : vector<64x128xf32>
    %min3A_2785 = arith.minimumf %max3A_2774, %max3A_2778 : vector<64x128xf32>
    %max3A_2786 = arith.maximumf %max3A_2775, %max3A_2779 : vector<64x128xf32>
    %min3A_2787 = arith.minimumf %max3A_2775, %max3A_2779 : vector<64x128xf32>
    %max3A_2788 = arith.maximumf %max3A_2780, %max3A_2784 : vector<64x128xf32>
    %min3A_2789 = arith.minimumf %max3A_2780, %max3A_2784 : vector<64x128xf32>
    %max3A_2790 = arith.maximumf %max3A_2782, %max3A_2786 : vector<64x128xf32>
    %min3A_2791 = arith.minimumf %max3A_2782, %max3A_2786 : vector<64x128xf32>
    %max3A_2792 = arith.maximumf %min3A_2781, %min3A_2785 : vector<64x128xf32>
    %min3A_2793 = arith.minimumf %min3A_2781, %min3A_2785 : vector<64x128xf32>
    %max3A_2794 = arith.maximumf %min3A_2783, %min3A_2787 : vector<64x128xf32>
    %min3A_2795 = arith.minimumf %min3A_2783, %min3A_2787 : vector<64x128xf32>
    %max3A_2796 = arith.maximumf %max3A_2788, %max3A_2790 : vector<64x128xf32>
    %min3A_2797 = arith.minimumf %max3A_2788, %max3A_2790 : vector<64x128xf32>
    %max3A_2798 = arith.maximumf %min3A_2789, %min3A_2791 : vector<64x128xf32>
    %min3A_2799 = arith.minimumf %min3A_2789, %min3A_2791 : vector<64x128xf32>
    %max3A_2800 = arith.maximumf %max3A_2792, %max3A_2794 : vector<64x128xf32>
    %min3A_2801 = arith.minimumf %max3A_2792, %max3A_2794 : vector<64x128xf32>
    %max3A_2802 = arith.maximumf %min3A_2793, %min3A_2795 : vector<64x128xf32>
    %min3A_2803 = arith.minimumf %min3A_2793, %min3A_2795 : vector<64x128xf32>
    %reduce_max3A_2804 = arith.constant dense<0xFF800000> : vector<64xf32>
    %reduce_max3A_2805 = vector.multi_reduction <maximumf>, %max3A_2796, %reduce_max3A_2804 [1] : vector<64x128xf32> to vector<64xf32>
    %broadcast_in_dim3A_2806 = vector.shape_cast %reduce_max3A_2805 : vector<64xf32> to vector<64x1xf32>
    %eq3A_2807 = vector.broadcast %broadcast_in_dim3A_2806 : vector<64x1xf32> to vector<64x128xf32>
    %eq3A_2808 = arith.cmpf oeq, %max3A_2796, %eq3A_2807 : vector<64x128xf32>
    %select_n3A_2809 = arith.select %eq3A_2808, %min3A_2797, %max3A_2796 : vector<64x128xi1>, vector<64x128xf32>
    %select_n3A_2810 = arith.select %eq3A_2808, %max3A_2798, %min3A_2797 : vector<64x128xi1>, vector<64x128xf32>
    %select_n3A_2811 = arith.select %eq3A_2808, %min3A_2799, %max3A_2798 : vector<64x128xi1>, vector<64x128xf32>
    %select_n3A_2812 = arith.select %eq3A_2808, %max3A_2800, %min3A_2799 : vector<64x128xi1>, vector<64x128xf32>
    %select_n3A_2813 = arith.select %eq3A_2808, %min3A_2801, %max3A_2800 : vector<64x128xi1>, vector<64x128xf32>
    %select_n3A_2814 = arith.select %eq3A_2808, %max3A_2802, %min3A_2801 : vector<64x128xi1>, vector<64x128xf32>
    %select_n3A_2815 = arith.select %eq3A_2808, %min3A_2803, %max3A_2802 : vector<64x128xi1>, vector<64x128xf32>
    %reduce_max3A_2816 = arith.constant dense<0xFF800000> : vector<64xf32>
    %reduce_max3A_2817 = vector.multi_reduction <maximumf>, %select_n3A_2809, %reduce_max3A_2816 [1] : vector<64x128xf32> to vector<64xf32>
    %broadcast_in_dim3A_2818 = vector.shape_cast %reduce_max3A_2817 : vector<64xf32> to vector<64x1xf32>
    %eq3A_2819 = vector.broadcast %broadcast_in_dim3A_2818 : vector<64x1xf32> to vector<64x128xf32>
    %eq3A_2820 = arith.cmpf oeq, %select_n3A_2809, %eq3A_2819 : vector<64x128xf32>
    %select_n3A_2821 = arith.select %eq3A_2820, %select_n3A_2810, %select_n3A_2809 : vector<64x128xi1>, vector<64x128xf32>
    %select_n3A_2822 = arith.select %eq3A_2820, %select_n3A_2811, %select_n3A_2810 : vector<64x128xi1>, vector<64x128xf32>
    %select_n3A_2823 = arith.select %eq3A_2820, %select_n3A_2812, %select_n3A_2811 : vector<64x128xi1>, vector<64x128xf32>
    %select_n3A_2824 = arith.select %eq3A_2820, %select_n3A_2813, %select_n3A_2812 : vector<64x128xi1>, vector<64x128xf32>
    %select_n3A_2825 = arith.select %eq3A_2820, %select_n3A_2814, %select_n3A_2813 : vector<64x128xi1>, vector<64x128xf32>
    %select_n3A_2826 = arith.select %eq3A_2820, %select_n3A_2815, %select_n3A_2814 : vector<64x128xi1>, vector<64x128xf32>
    %reduce_max3A_2827 = arith.constant dense<0xFF800000> : vector<64xf32>
    %reduce_max3A_2828 = vector.multi_reduction <maximumf>, %select_n3A_2821, %reduce_max3A_2827 [1] : vector<64x128xf32> to vector<64xf32>
    %broadcast_in_dim3A_2829 = vector.shape_cast %reduce_max3A_2828 : vector<64xf32> to vector<64x1xf32>
    %eq3A_2830 = vector.broadcast %broadcast_in_dim3A_2829 : vector<64x1xf32> to vector<64x128xf32>
    %eq3A_2831 = arith.cmpf oeq, %select_n3A_2821, %eq3A_2830 : vector<64x128xf32>
    %select_n3A_2832 = arith.select %eq3A_2831, %select_n3A_2822, %select_n3A_2821 : vector<64x128xi1>, vector<64x128xf32>
    %select_n3A_2833 = arith.select %eq3A_2831, %select_n3A_2823, %select_n3A_2822 : vector<64x128xi1>, vector<64x128xf32>
    %select_n3A_2834 = arith.select %eq3A_2831, %select_n3A_2824, %select_n3A_2823 : vector<64x128xi1>, vector<64x128xf32>
    %select_n3A_2835 = arith.select %eq3A_2831, %select_n3A_2825, %select_n3A_2824 : vector<64x128xi1>, vector<64x128xf32>
    %select_n3A_2836 = arith.select %eq3A_2831, %select_n3A_2826, %select_n3A_2825 : vector<64x128xi1>, vector<64x128xf32>
    %reduce_max3A_2837 = arith.constant dense<0xFF800000> : vector<64xf32>
    %reduce_max3A_2838 = vector.multi_reduction <maximumf>, %select_n3A_2832, %reduce_max3A_2837 [1] : vector<64x128xf32> to vector<64xf32>
    %broadcast_in_dim3A_2839 = vector.shape_cast %reduce_max3A_2838 : vector<64xf32> to vector<64x1xf32>
    %eq3A_2840 = vector.broadcast %broadcast_in_dim3A_2839 : vector<64x1xf32> to vector<64x128xf32>
    %eq3A_2841 = arith.cmpf oeq, %select_n3A_2832, %eq3A_2840 : vector<64x128xf32>
    %select_n3A_2842 = arith.select %eq3A_2841, %select_n3A_2833, %select_n3A_2832 : vector<64x128xi1>, vector<64x128xf32>
    %select_n3A_2843 = arith.select %eq3A_2841, %select_n3A_2834, %select_n3A_2833 : vector<64x128xi1>, vector<64x128xf32>
    %select_n3A_2844 = arith.select %eq3A_2841, %select_n3A_2835, %select_n3A_2834 : vector<64x128xi1>, vector<64x128xf32>
    %select_n3A_2845 = arith.select %eq3A_2841, %select_n3A_2836, %select_n3A_2835 : vector<64x128xi1>, vector<64x128xf32>
    %reduce_max3A_2846 = arith.constant dense<0xFF800000> : vector<64xf32>
    %reduce_max3A_2847 = vector.multi_reduction <maximumf>, %select_n3A_2842, %reduce_max3A_2846 [1] : vector<64x128xf32> to vector<64xf32>
    %broadcast_in_dim3A_2848 = vector.shape_cast %reduce_max3A_2847 : vector<64xf32> to vector<64x1xf32>
    %eq3A_2849 = vector.broadcast %broadcast_in_dim3A_2848 : vector<64x1xf32> to vector<64x128xf32>
    %eq3A_2850 = arith.cmpf oeq, %select_n3A_2842, %eq3A_2849 : vector<64x128xf32>
    %select_n3A_2851 = arith.select %eq3A_2850, %select_n3A_2843, %select_n3A_2842 : vector<64x128xi1>, vector<64x128xf32>
    %select_n3A_2852 = arith.select %eq3A_2850, %select_n3A_2844, %select_n3A_2843 : vector<64x128xi1>, vector<64x128xf32>
    %select_n3A_2853 = arith.select %eq3A_2850, %select_n3A_2845, %select_n3A_2844 : vector<64x128xi1>, vector<64x128xf32>
    %reduce_max3A_2854 = arith.constant dense<0xFF800000> : vector<64xf32>
    %reduce_max3A_2855 = vector.multi_reduction <maximumf>, %select_n3A_2851, %reduce_max3A_2854 [1] : vector<64x128xf32> to vector<64xf32>
    %broadcast_in_dim3A_2856 = vector.shape_cast %reduce_max3A_2855 : vector<64xf32> to vector<64x1xf32>
    %eq3A_2857 = vector.broadcast %broadcast_in_dim3A_2856 : vector<64x1xf32> to vector<64x128xf32>
    %eq3A_2858 = arith.cmpf oeq, %select_n3A_2851, %eq3A_2857 : vector<64x128xf32>
    %select_n3A_2859 = arith.select %eq3A_2858, %select_n3A_2852, %select_n3A_2851 : vector<64x128xi1>, vector<64x128xf32>
    %select_n3A_2860 = arith.select %eq3A_2858, %select_n3A_2853, %select_n3A_2852 : vector<64x128xi1>, vector<64x128xf32>
    %reduce_max3A_2861 = arith.constant dense<0xFF800000> : vector<64xf32>
    %reduce_max3A_2862 = vector.multi_reduction <maximumf>, %select_n3A_2859, %reduce_max3A_2861 [1] : vector<64x128xf32> to vector<64xf32>
    %broadcast_in_dim3A_2863 = vector.shape_cast %reduce_max3A_2862 : vector<64xf32> to vector<64x1xf32>
    %eq3A_2864 = vector.broadcast %broadcast_in_dim3A_2863 : vector<64x1xf32> to vector<64x128xf32>
    %eq3A_2865 = arith.cmpf oeq, %select_n3A_2859, %eq3A_2864 : vector<64x128xf32>
    %select_n3A_2866 = arith.select %eq3A_2865, %select_n3A_2860, %select_n3A_2859 : vector<64x128xi1>, vector<64x128xf32>
    %reduce_max3A_2867 = arith.constant dense<0xFF800000> : vector<64xf32>
    %reduce_max3A_2868 = vector.multi_reduction <maximumf>, %select_n3A_2866, %reduce_max3A_2867 [1] : vector<64x128xf32> to vector<64xf32>
    %broadcast_in_dim3A_2869 = vector.shape_cast %reduce_max3A_2868 : vector<64xf32> to vector<64x1xf32>
    %slice3A_2870 = vector.extract_strided_slice %dot_general3A_19 {offsets = [960, 0], sizes = [64, 128], strides = [1, 1]} : vector<1024x1024xf32> to vector<64x128xf32>
    %slice3A_2871 = vector.extract_strided_slice %dot_general3A_19 {offsets = [960, 128], sizes = [64, 128], strides = [1, 1]} : vector<1024x1024xf32> to vector<64x128xf32>
    %slice3A_2872 = vector.extract_strided_slice %dot_general3A_19 {offsets = [960, 256], sizes = [64, 128], strides = [1, 1]} : vector<1024x1024xf32> to vector<64x128xf32>
    %slice3A_2873 = vector.extract_strided_slice %dot_general3A_19 {offsets = [960, 384], sizes = [64, 128], strides = [1, 1]} : vector<1024x1024xf32> to vector<64x128xf32>
    %slice3A_2874 = vector.extract_strided_slice %dot_general3A_19 {offsets = [960, 512], sizes = [64, 128], strides = [1, 1]} : vector<1024x1024xf32> to vector<64x128xf32>
    %slice3A_2875 = vector.extract_strided_slice %dot_general3A_19 {offsets = [960, 640], sizes = [64, 128], strides = [1, 1]} : vector<1024x1024xf32> to vector<64x128xf32>
    %slice3A_2876 = vector.extract_strided_slice %dot_general3A_19 {offsets = [960, 768], sizes = [64, 128], strides = [1, 1]} : vector<1024x1024xf32> to vector<64x128xf32>
    %slice3A_2877 = vector.extract_strided_slice %dot_general3A_19 {offsets = [960, 896], sizes = [64, 128], strides = [1, 1]} : vector<1024x1024xf32> to vector<64x128xf32>
    %slice3A_2878 = vector.extract_strided_slice %dot_general3A_24 {offsets = [960, 0], sizes = [64, 128], strides = [1, 1]} : vector<1024x1024xf32> to vector<64x128xf32>
    %slice3A_2879 = vector.extract_strided_slice %dot_general3A_24 {offsets = [960, 128], sizes = [64, 128], strides = [1, 1]} : vector<1024x1024xf32> to vector<64x128xf32>
    %slice3A_2880 = vector.extract_strided_slice %dot_general3A_24 {offsets = [960, 256], sizes = [64, 128], strides = [1, 1]} : vector<1024x1024xf32> to vector<64x128xf32>
    %slice3A_2881 = vector.extract_strided_slice %dot_general3A_24 {offsets = [960, 384], sizes = [64, 128], strides = [1, 1]} : vector<1024x1024xf32> to vector<64x128xf32>
    %slice3A_2882 = vector.extract_strided_slice %dot_general3A_24 {offsets = [960, 512], sizes = [64, 128], strides = [1, 1]} : vector<1024x1024xf32> to vector<64x128xf32>
    %slice3A_2883 = vector.extract_strided_slice %dot_general3A_24 {offsets = [960, 640], sizes = [64, 128], strides = [1, 1]} : vector<1024x1024xf32> to vector<64x128xf32>
    %slice3A_2884 = vector.extract_strided_slice %dot_general3A_24 {offsets = [960, 768], sizes = [64, 128], strides = [1, 1]} : vector<1024x1024xf32> to vector<64x128xf32>
    %slice3A_2885 = vector.extract_strided_slice %dot_general3A_24 {offsets = [960, 896], sizes = [64, 128], strides = [1, 1]} : vector<1024x1024xf32> to vector<64x128xf32>
    %max3A_2886 = arith.maximumf %slice3A_2870, %slice3A_2871 : vector<64x128xf32>
    %min3A_2887 = arith.minimumf %slice3A_2870, %slice3A_2871 : vector<64x128xf32>
    %max3A_2888 = arith.maximumf %slice3A_2872, %slice3A_2873 : vector<64x128xf32>
    %min3A_2889 = arith.minimumf %slice3A_2872, %slice3A_2873 : vector<64x128xf32>
    %max3A_2890 = arith.maximumf %slice3A_2874, %slice3A_2875 : vector<64x128xf32>
    %min3A_2891 = arith.minimumf %slice3A_2874, %slice3A_2875 : vector<64x128xf32>
    %max3A_2892 = arith.maximumf %slice3A_2876, %slice3A_2877 : vector<64x128xf32>
    %min3A_2893 = arith.minimumf %slice3A_2876, %slice3A_2877 : vector<64x128xf32>
    %max3A_2894 = arith.maximumf %max3A_2886, %max3A_2888 : vector<64x128xf32>
    %min3A_2895 = arith.minimumf %max3A_2886, %max3A_2888 : vector<64x128xf32>
    %max3A_2896 = arith.maximumf %min3A_2887, %min3A_2889 : vector<64x128xf32>
    %min3A_2897 = arith.minimumf %min3A_2887, %min3A_2889 : vector<64x128xf32>
    %max3A_2898 = arith.maximumf %max3A_2890, %max3A_2892 : vector<64x128xf32>
    %min3A_2899 = arith.minimumf %max3A_2890, %max3A_2892 : vector<64x128xf32>
    %max3A_2900 = arith.maximumf %min3A_2891, %min3A_2893 : vector<64x128xf32>
    %min3A_2901 = arith.minimumf %min3A_2891, %min3A_2893 : vector<64x128xf32>
    %max3A_2902 = arith.maximumf %max3A_2896, %min3A_2895 : vector<64x128xf32>
    %min3A_2903 = arith.minimumf %max3A_2896, %min3A_2895 : vector<64x128xf32>
    %max3A_2904 = arith.maximumf %max3A_2900, %min3A_2899 : vector<64x128xf32>
    %min3A_2905 = arith.minimumf %max3A_2900, %min3A_2899 : vector<64x128xf32>
    %max3A_2906 = arith.maximumf %max3A_2894, %max3A_2898 : vector<64x128xf32>
    %min3A_2907 = arith.minimumf %max3A_2894, %max3A_2898 : vector<64x128xf32>
    %max3A_2908 = arith.maximumf %max3A_2902, %max3A_2904 : vector<64x128xf32>
    %min3A_2909 = arith.minimumf %max3A_2902, %max3A_2904 : vector<64x128xf32>
    %max3A_2910 = arith.maximumf %min3A_2903, %min3A_2905 : vector<64x128xf32>
    %min3A_2911 = arith.minimumf %min3A_2903, %min3A_2905 : vector<64x128xf32>
    %max3A_2912 = arith.maximumf %min3A_2897, %min3A_2901 : vector<64x128xf32>
    %min3A_2913 = arith.minimumf %min3A_2897, %min3A_2901 : vector<64x128xf32>
    %max3A_2914 = arith.maximumf %max3A_2910, %min3A_2907 : vector<64x128xf32>
    %min3A_2915 = arith.minimumf %max3A_2910, %min3A_2907 : vector<64x128xf32>
    %max3A_2916 = arith.maximumf %max3A_2912, %min3A_2909 : vector<64x128xf32>
    %min3A_2917 = arith.minimumf %max3A_2912, %min3A_2909 : vector<64x128xf32>
    %max3A_2918 = arith.maximumf %max3A_2908, %max3A_2914 : vector<64x128xf32>
    %min3A_2919 = arith.minimumf %max3A_2908, %max3A_2914 : vector<64x128xf32>
    %max3A_2920 = arith.maximumf %max3A_2916, %min3A_2915 : vector<64x128xf32>
    %min3A_2921 = arith.minimumf %max3A_2916, %min3A_2915 : vector<64x128xf32>
    %max3A_2922 = arith.maximumf %min3A_2917, %min3A_2911 : vector<64x128xf32>
    %min3A_2923 = arith.minimumf %min3A_2917, %min3A_2911 : vector<64x128xf32>
    %max3A_2924 = arith.maximumf %slice3A_2878, %slice3A_2879 : vector<64x128xf32>
    %min3A_2925 = arith.minimumf %slice3A_2878, %slice3A_2879 : vector<64x128xf32>
    %max3A_2926 = arith.maximumf %slice3A_2880, %slice3A_2881 : vector<64x128xf32>
    %min3A_2927 = arith.minimumf %slice3A_2880, %slice3A_2881 : vector<64x128xf32>
    %max3A_2928 = arith.maximumf %slice3A_2882, %slice3A_2883 : vector<64x128xf32>
    %min3A_2929 = arith.minimumf %slice3A_2882, %slice3A_2883 : vector<64x128xf32>
    %max3A_2930 = arith.maximumf %slice3A_2884, %slice3A_2885 : vector<64x128xf32>
    %min3A_2931 = arith.minimumf %slice3A_2884, %slice3A_2885 : vector<64x128xf32>
    %max3A_2932 = arith.maximumf %max3A_2924, %max3A_2926 : vector<64x128xf32>
    %min3A_2933 = arith.minimumf %max3A_2924, %max3A_2926 : vector<64x128xf32>
    %max3A_2934 = arith.maximumf %min3A_2925, %min3A_2927 : vector<64x128xf32>
    %min3A_2935 = arith.minimumf %min3A_2925, %min3A_2927 : vector<64x128xf32>
    %max3A_2936 = arith.maximumf %max3A_2928, %max3A_2930 : vector<64x128xf32>
    %min3A_2937 = arith.minimumf %max3A_2928, %max3A_2930 : vector<64x128xf32>
    %max3A_2938 = arith.maximumf %min3A_2929, %min3A_2931 : vector<64x128xf32>
    %min3A_2939 = arith.minimumf %min3A_2929, %min3A_2931 : vector<64x128xf32>
    %max3A_2940 = arith.maximumf %max3A_2934, %min3A_2933 : vector<64x128xf32>
    %min3A_2941 = arith.minimumf %max3A_2934, %min3A_2933 : vector<64x128xf32>
    %max3A_2942 = arith.maximumf %max3A_2938, %min3A_2937 : vector<64x128xf32>
    %min3A_2943 = arith.minimumf %max3A_2938, %min3A_2937 : vector<64x128xf32>
    %max3A_2944 = arith.maximumf %max3A_2932, %max3A_2936 : vector<64x128xf32>
    %min3A_2945 = arith.minimumf %max3A_2932, %max3A_2936 : vector<64x128xf32>
    %max3A_2946 = arith.maximumf %max3A_2940, %max3A_2942 : vector<64x128xf32>
    %min3A_2947 = arith.minimumf %max3A_2940, %max3A_2942 : vector<64x128xf32>
    %max3A_2948 = arith.maximumf %min3A_2941, %min3A_2943 : vector<64x128xf32>
    %min3A_2949 = arith.minimumf %min3A_2941, %min3A_2943 : vector<64x128xf32>
    %max3A_2950 = arith.maximumf %min3A_2935, %min3A_2939 : vector<64x128xf32>
    %min3A_2951 = arith.minimumf %min3A_2935, %min3A_2939 : vector<64x128xf32>
    %max3A_2952 = arith.maximumf %max3A_2948, %min3A_2945 : vector<64x128xf32>
    %min3A_2953 = arith.minimumf %max3A_2948, %min3A_2945 : vector<64x128xf32>
    %max3A_2954 = arith.maximumf %max3A_2950, %min3A_2947 : vector<64x128xf32>
    %min3A_2955 = arith.minimumf %max3A_2950, %min3A_2947 : vector<64x128xf32>
    %max3A_2956 = arith.maximumf %max3A_2946, %max3A_2952 : vector<64x128xf32>
    %min3A_2957 = arith.minimumf %max3A_2946, %max3A_2952 : vector<64x128xf32>
    %max3A_2958 = arith.maximumf %max3A_2954, %min3A_2953 : vector<64x128xf32>
    %min3A_2959 = arith.minimumf %max3A_2954, %min3A_2953 : vector<64x128xf32>
    %max3A_2960 = arith.maximumf %min3A_2955, %min3A_2949 : vector<64x128xf32>
    %min3A_2961 = arith.minimumf %min3A_2955, %min3A_2949 : vector<64x128xf32>
    %max3A_2962 = arith.maximumf %max3A_2906, %min3A_2951 : vector<64x128xf32>
    %max3A_2963 = arith.maximumf %max3A_2918, %min3A_2961 : vector<64x128xf32>
    %max3A_2964 = arith.maximumf %min3A_2919, %max3A_2960 : vector<64x128xf32>
    %max3A_2965 = arith.maximumf %max3A_2920, %min3A_2959 : vector<64x128xf32>
    %max3A_2966 = arith.maximumf %min3A_2921, %max3A_2958 : vector<64x128xf32>
    %max3A_2967 = arith.maximumf %max3A_2922, %min3A_2957 : vector<64x128xf32>
    %max3A_2968 = arith.maximumf %min3A_2923, %max3A_2956 : vector<64x128xf32>
    %max3A_2969 = arith.maximumf %min3A_2913, %max3A_2944 : vector<64x128xf32>
    %max3A_2970 = arith.maximumf %max3A_2962, %max3A_2966 : vector<64x128xf32>
    %min3A_2971 = arith.minimumf %max3A_2962, %max3A_2966 : vector<64x128xf32>
    %max3A_2972 = arith.maximumf %max3A_2963, %max3A_2967 : vector<64x128xf32>
    %min3A_2973 = arith.minimumf %max3A_2963, %max3A_2967 : vector<64x128xf32>
    %max3A_2974 = arith.maximumf %max3A_2964, %max3A_2968 : vector<64x128xf32>
    %min3A_2975 = arith.minimumf %max3A_2964, %max3A_2968 : vector<64x128xf32>
    %max3A_2976 = arith.maximumf %max3A_2965, %max3A_2969 : vector<64x128xf32>
    %min3A_2977 = arith.minimumf %max3A_2965, %max3A_2969 : vector<64x128xf32>
    %max3A_2978 = arith.maximumf %max3A_2970, %max3A_2974 : vector<64x128xf32>
    %min3A_2979 = arith.minimumf %max3A_2970, %max3A_2974 : vector<64x128xf32>
    %max3A_2980 = arith.maximumf %max3A_2972, %max3A_2976 : vector<64x128xf32>
    %min3A_2981 = arith.minimumf %max3A_2972, %max3A_2976 : vector<64x128xf32>
    %max3A_2982 = arith.maximumf %min3A_2971, %min3A_2975 : vector<64x128xf32>
    %min3A_2983 = arith.minimumf %min3A_2971, %min3A_2975 : vector<64x128xf32>
    %max3A_2984 = arith.maximumf %min3A_2973, %min3A_2977 : vector<64x128xf32>
    %min3A_2985 = arith.minimumf %min3A_2973, %min3A_2977 : vector<64x128xf32>
    %max3A_2986 = arith.maximumf %max3A_2978, %max3A_2980 : vector<64x128xf32>
    %min3A_2987 = arith.minimumf %max3A_2978, %max3A_2980 : vector<64x128xf32>
    %max3A_2988 = arith.maximumf %min3A_2979, %min3A_2981 : vector<64x128xf32>
    %min3A_2989 = arith.minimumf %min3A_2979, %min3A_2981 : vector<64x128xf32>
    %max3A_2990 = arith.maximumf %max3A_2982, %max3A_2984 : vector<64x128xf32>
    %min3A_2991 = arith.minimumf %max3A_2982, %max3A_2984 : vector<64x128xf32>
    %max3A_2992 = arith.maximumf %min3A_2983, %min3A_2985 : vector<64x128xf32>
    %min3A_2993 = arith.minimumf %min3A_2983, %min3A_2985 : vector<64x128xf32>
    %reduce_max3A_2994 = arith.constant dense<0xFF800000> : vector<64xf32>
    %reduce_max3A_2995 = vector.multi_reduction <maximumf>, %max3A_2986, %reduce_max3A_2994 [1] : vector<64x128xf32> to vector<64xf32>
    %broadcast_in_dim3A_2996 = vector.shape_cast %reduce_max3A_2995 : vector<64xf32> to vector<64x1xf32>
    %eq3A_2997 = vector.broadcast %broadcast_in_dim3A_2996 : vector<64x1xf32> to vector<64x128xf32>
    %eq3A_2998 = arith.cmpf oeq, %max3A_2986, %eq3A_2997 : vector<64x128xf32>
    %select_n3A_2999 = arith.select %eq3A_2998, %min3A_2987, %max3A_2986 : vector<64x128xi1>, vector<64x128xf32>
    %select_n3A_3000 = arith.select %eq3A_2998, %max3A_2988, %min3A_2987 : vector<64x128xi1>, vector<64x128xf32>
    %select_n3A_3001 = arith.select %eq3A_2998, %min3A_2989, %max3A_2988 : vector<64x128xi1>, vector<64x128xf32>
    %select_n3A_3002 = arith.select %eq3A_2998, %max3A_2990, %min3A_2989 : vector<64x128xi1>, vector<64x128xf32>
    %select_n3A_3003 = arith.select %eq3A_2998, %min3A_2991, %max3A_2990 : vector<64x128xi1>, vector<64x128xf32>
    %select_n3A_3004 = arith.select %eq3A_2998, %max3A_2992, %min3A_2991 : vector<64x128xi1>, vector<64x128xf32>
    %select_n3A_3005 = arith.select %eq3A_2998, %min3A_2993, %max3A_2992 : vector<64x128xi1>, vector<64x128xf32>
    %reduce_max3A_3006 = arith.constant dense<0xFF800000> : vector<64xf32>
    %reduce_max3A_3007 = vector.multi_reduction <maximumf>, %select_n3A_2999, %reduce_max3A_3006 [1] : vector<64x128xf32> to vector<64xf32>
    %broadcast_in_dim3A_3008 = vector.shape_cast %reduce_max3A_3007 : vector<64xf32> to vector<64x1xf32>
    %eq3A_3009 = vector.broadcast %broadcast_in_dim3A_3008 : vector<64x1xf32> to vector<64x128xf32>
    %eq3A_3010 = arith.cmpf oeq, %select_n3A_2999, %eq3A_3009 : vector<64x128xf32>
    %select_n3A_3011 = arith.select %eq3A_3010, %select_n3A_3000, %select_n3A_2999 : vector<64x128xi1>, vector<64x128xf32>
    %select_n3A_3012 = arith.select %eq3A_3010, %select_n3A_3001, %select_n3A_3000 : vector<64x128xi1>, vector<64x128xf32>
    %select_n3A_3013 = arith.select %eq3A_3010, %select_n3A_3002, %select_n3A_3001 : vector<64x128xi1>, vector<64x128xf32>
    %select_n3A_3014 = arith.select %eq3A_3010, %select_n3A_3003, %select_n3A_3002 : vector<64x128xi1>, vector<64x128xf32>
    %select_n3A_3015 = arith.select %eq3A_3010, %select_n3A_3004, %select_n3A_3003 : vector<64x128xi1>, vector<64x128xf32>
    %select_n3A_3016 = arith.select %eq3A_3010, %select_n3A_3005, %select_n3A_3004 : vector<64x128xi1>, vector<64x128xf32>
    %reduce_max3A_3017 = arith.constant dense<0xFF800000> : vector<64xf32>
    %reduce_max3A_3018 = vector.multi_reduction <maximumf>, %select_n3A_3011, %reduce_max3A_3017 [1] : vector<64x128xf32> to vector<64xf32>
    %broadcast_in_dim3A_3019 = vector.shape_cast %reduce_max3A_3018 : vector<64xf32> to vector<64x1xf32>
    %eq3A_3020 = vector.broadcast %broadcast_in_dim3A_3019 : vector<64x1xf32> to vector<64x128xf32>
    %eq3A_3021 = arith.cmpf oeq, %select_n3A_3011, %eq3A_3020 : vector<64x128xf32>
    %select_n3A_3022 = arith.select %eq3A_3021, %select_n3A_3012, %select_n3A_3011 : vector<64x128xi1>, vector<64x128xf32>
    %select_n3A_3023 = arith.select %eq3A_3021, %select_n3A_3013, %select_n3A_3012 : vector<64x128xi1>, vector<64x128xf32>
    %select_n3A_3024 = arith.select %eq3A_3021, %select_n3A_3014, %select_n3A_3013 : vector<64x128xi1>, vector<64x128xf32>
    %select_n3A_3025 = arith.select %eq3A_3021, %select_n3A_3015, %select_n3A_3014 : vector<64x128xi1>, vector<64x128xf32>
    %select_n3A_3026 = arith.select %eq3A_3021, %select_n3A_3016, %select_n3A_3015 : vector<64x128xi1>, vector<64x128xf32>
    %reduce_max3A_3027 = arith.constant dense<0xFF800000> : vector<64xf32>
    %reduce_max3A_3028 = vector.multi_reduction <maximumf>, %select_n3A_3022, %reduce_max3A_3027 [1] : vector<64x128xf32> to vector<64xf32>
    %broadcast_in_dim3A_3029 = vector.shape_cast %reduce_max3A_3028 : vector<64xf32> to vector<64x1xf32>
    %eq3A_3030 = vector.broadcast %broadcast_in_dim3A_3029 : vector<64x1xf32> to vector<64x128xf32>
    %eq3A_3031 = arith.cmpf oeq, %select_n3A_3022, %eq3A_3030 : vector<64x128xf32>
    %select_n3A_3032 = arith.select %eq3A_3031, %select_n3A_3023, %select_n3A_3022 : vector<64x128xi1>, vector<64x128xf32>
    %select_n3A_3033 = arith.select %eq3A_3031, %select_n3A_3024, %select_n3A_3023 : vector<64x128xi1>, vector<64x128xf32>
    %select_n3A_3034 = arith.select %eq3A_3031, %select_n3A_3025, %select_n3A_3024 : vector<64x128xi1>, vector<64x128xf32>
    %select_n3A_3035 = arith.select %eq3A_3031, %select_n3A_3026, %select_n3A_3025 : vector<64x128xi1>, vector<64x128xf32>
    %reduce_max3A_3036 = arith.constant dense<0xFF800000> : vector<64xf32>
    %reduce_max3A_3037 = vector.multi_reduction <maximumf>, %select_n3A_3032, %reduce_max3A_3036 [1] : vector<64x128xf32> to vector<64xf32>
    %broadcast_in_dim3A_3038 = vector.shape_cast %reduce_max3A_3037 : vector<64xf32> to vector<64x1xf32>
    %eq3A_3039 = vector.broadcast %broadcast_in_dim3A_3038 : vector<64x1xf32> to vector<64x128xf32>
    %eq3A_3040 = arith.cmpf oeq, %select_n3A_3032, %eq3A_3039 : vector<64x128xf32>
    %select_n3A_3041 = arith.select %eq3A_3040, %select_n3A_3033, %select_n3A_3032 : vector<64x128xi1>, vector<64x128xf32>
    %select_n3A_3042 = arith.select %eq3A_3040, %select_n3A_3034, %select_n3A_3033 : vector<64x128xi1>, vector<64x128xf32>
    %select_n3A_3043 = arith.select %eq3A_3040, %select_n3A_3035, %select_n3A_3034 : vector<64x128xi1>, vector<64x128xf32>
    %reduce_max3A_3044 = arith.constant dense<0xFF800000> : vector<64xf32>
    %reduce_max3A_3045 = vector.multi_reduction <maximumf>, %select_n3A_3041, %reduce_max3A_3044 [1] : vector<64x128xf32> to vector<64xf32>
    %broadcast_in_dim3A_3046 = vector.shape_cast %reduce_max3A_3045 : vector<64xf32> to vector<64x1xf32>
    %eq3A_3047 = vector.broadcast %broadcast_in_dim3A_3046 : vector<64x1xf32> to vector<64x128xf32>
    %eq3A_3048 = arith.cmpf oeq, %select_n3A_3041, %eq3A_3047 : vector<64x128xf32>
    %select_n3A_3049 = arith.select %eq3A_3048, %select_n3A_3042, %select_n3A_3041 : vector<64x128xi1>, vector<64x128xf32>
    %select_n3A_3050 = arith.select %eq3A_3048, %select_n3A_3043, %select_n3A_3042 : vector<64x128xi1>, vector<64x128xf32>
    %reduce_max3A_3051 = arith.constant dense<0xFF800000> : vector<64xf32>
    %reduce_max3A_3052 = vector.multi_reduction <maximumf>, %select_n3A_3049, %reduce_max3A_3051 [1] : vector<64x128xf32> to vector<64xf32>
    %broadcast_in_dim3A_3053 = vector.shape_cast %reduce_max3A_3052 : vector<64xf32> to vector<64x1xf32>
    %eq3A_3054 = vector.broadcast %broadcast_in_dim3A_3053 : vector<64x1xf32> to vector<64x128xf32>
    %eq3A_3055 = arith.cmpf oeq, %select_n3A_3049, %eq3A_3054 : vector<64x128xf32>
    %select_n3A_3056 = arith.select %eq3A_3055, %select_n3A_3050, %select_n3A_3049 : vector<64x128xi1>, vector<64x128xf32>
    %reduce_max3A_3057 = arith.constant dense<0xFF800000> : vector<64xf32>
    %reduce_max3A_3058 = vector.multi_reduction <maximumf>, %select_n3A_3056, %reduce_max3A_3057 [1] : vector<64x128xf32> to vector<64xf32>
    %broadcast_in_dim3A_3059 = vector.shape_cast %reduce_max3A_3058 : vector<64xf32> to vector<64x1xf32>
    %concatenate3A = tpu.concatenate %broadcast_in_dim3A_147, %broadcast_in_dim3A_336, %broadcast_in_dim3A_526, %broadcast_in_dim3A_716, %broadcast_in_dim3A_906, %broadcast_in_dim3A_1096, %broadcast_in_dim3A_1286, %broadcast_in_dim3A_1476, %broadcast_in_dim3A_1666, %broadcast_in_dim3A_1856, %broadcast_in_dim3A_2046, %broadcast_in_dim3A_2236, %broadcast_in_dim3A_2426, %broadcast_in_dim3A_2616, %broadcast_in_dim3A_2806, %broadcast_in_dim3A_2996 in 0 : vector<64x1xf32>, vector<64x1xf32>, vector<64x1xf32>, vector<64x1xf32>, vector<64x1xf32>, vector<64x1xf32>, vector<64x1xf32>, vector<64x1xf32>, vector<64x1xf32>, vector<64x1xf32>, vector<64x1xf32>, vector<64x1xf32>, vector<64x1xf32>, vector<64x1xf32>, vector<64x1xf32>, vector<64x1xf32> -> vector<1024x1xf32>
    %concatenate3A_3060 = tpu.concatenate %broadcast_in_dim3A_158, %broadcast_in_dim3A_348, %broadcast_in_dim3A_538, %broadcast_in_dim3A_728, %broadcast_in_dim3A_918, %broadcast_in_dim3A_1108, %broadcast_in_dim3A_1298, %broadcast_in_dim3A_1488, %broadcast_in_dim3A_1678, %broadcast_in_dim3A_1868, %broadcast_in_dim3A_2058, %broadcast_in_dim3A_2248, %broadcast_in_dim3A_2438, %broadcast_in_dim3A_2628, %broadcast_in_dim3A_2818, %broadcast_in_dim3A_3008 in 0 : vector<64x1xf32>, vector<64x1xf32>, vector<64x1xf32>, vector<64x1xf32>, vector<64x1xf32>, vector<64x1xf32>, vector<64x1xf32>, vector<64x1xf32>, vector<64x1xf32>, vector<64x1xf32>, vector<64x1xf32>, vector<64x1xf32>, vector<64x1xf32>, vector<64x1xf32>, vector<64x1xf32>, vector<64x1xf32> -> vector<1024x1xf32>
    %concatenate3A_3061 = tpu.concatenate %broadcast_in_dim3A_169, %broadcast_in_dim3A_359, %broadcast_in_dim3A_549, %broadcast_in_dim3A_739, %broadcast_in_dim3A_929, %broadcast_in_dim3A_1119, %broadcast_in_dim3A_1309, %broadcast_in_dim3A_1499, %broadcast_in_dim3A_1689, %broadcast_in_dim3A_1879, %broadcast_in_dim3A_2069, %broadcast_in_dim3A_2259, %broadcast_in_dim3A_2449, %broadcast_in_dim3A_2639, %broadcast_in_dim3A_2829, %broadcast_in_dim3A_3019 in 0 : vector<64x1xf32>, vector<64x1xf32>, vector<64x1xf32>, vector<64x1xf32>, vector<64x1xf32>, vector<64x1xf32>, vector<64x1xf32>, vector<64x1xf32>, vector<64x1xf32>, vector<64x1xf32>, vector<64x1xf32>, vector<64x1xf32>, vector<64x1xf32>, vector<64x1xf32>, vector<64x1xf32>, vector<64x1xf32> -> vector<1024x1xf32>
    %concatenate3A_3062 = tpu.concatenate %broadcast_in_dim3A_179, %broadcast_in_dim3A_369, %broadcast_in_dim3A_559, %broadcast_in_dim3A_749, %broadcast_in_dim3A_939, %broadcast_in_dim3A_1129, %broadcast_in_dim3A_1319, %broadcast_in_dim3A_1509, %broadcast_in_dim3A_1699, %broadcast_in_dim3A_1889, %broadcast_in_dim3A_2079, %broadcast_in_dim3A_2269, %broadcast_in_dim3A_2459, %broadcast_in_dim3A_2649, %broadcast_in_dim3A_2839, %broadcast_in_dim3A_3029 in 0 : vector<64x1xf32>, vector<64x1xf32>, vector<64x1xf32>, vector<64x1xf32>, vector<64x1xf32>, vector<64x1xf32>, vector<64x1xf32>, vector<64x1xf32>, vector<64x1xf32>, vector<64x1xf32>, vector<64x1xf32>, vector<64x1xf32>, vector<64x1xf32>, vector<64x1xf32>, vector<64x1xf32>, vector<64x1xf32> -> vector<1024x1xf32>
    %concatenate3A_3063 = tpu.concatenate %broadcast_in_dim3A_188, %broadcast_in_dim3A_378, %broadcast_in_dim3A_568, %broadcast_in_dim3A_758, %broadcast_in_dim3A_948, %broadcast_in_dim3A_1138, %broadcast_in_dim3A_1328, %broadcast_in_dim3A_1518, %broadcast_in_dim3A_1708, %broadcast_in_dim3A_1898, %broadcast_in_dim3A_2088, %broadcast_in_dim3A_2278, %broadcast_in_dim3A_2468, %broadcast_in_dim3A_2658, %broadcast_in_dim3A_2848, %broadcast_in_dim3A_3038 in 0 : vector<64x1xf32>, vector<64x1xf32>, vector<64x1xf32>, vector<64x1xf32>, vector<64x1xf32>, vector<64x1xf32>, vector<64x1xf32>, vector<64x1xf32>, vector<64x1xf32>, vector<64x1xf32>, vector<64x1xf32>, vector<64x1xf32>, vector<64x1xf32>, vector<64x1xf32>, vector<64x1xf32>, vector<64x1xf32> -> vector<1024x1xf32>
    %concatenate3A_3064 = tpu.concatenate %broadcast_in_dim3A_196, %broadcast_in_dim3A_386, %broadcast_in_dim3A_576, %broadcast_in_dim3A_766, %broadcast_in_dim3A_956, %broadcast_in_dim3A_1146, %broadcast_in_dim3A_1336, %broadcast_in_dim3A_1526, %broadcast_in_dim3A_1716, %broadcast_in_dim3A_1906, %broadcast_in_dim3A_2096, %broadcast_in_dim3A_2286, %broadcast_in_dim3A_2476, %broadcast_in_dim3A_2666, %broadcast_in_dim3A_2856, %broadcast_in_dim3A_3046 in 0 : vector<64x1xf32>, vector<64x1xf32>, vector<64x1xf32>, vector<64x1xf32>, vector<64x1xf32>, vector<64x1xf32>, vector<64x1xf32>, vector<64x1xf32>, vector<64x1xf32>, vector<64x1xf32>, vector<64x1xf32>, vector<64x1xf32>, vector<64x1xf32>, vector<64x1xf32>, vector<64x1xf32>, vector<64x1xf32> -> vector<1024x1xf32>
    %concatenate3A_3065 = tpu.concatenate %broadcast_in_dim3A_203, %broadcast_in_dim3A_393, %broadcast_in_dim3A_583, %broadcast_in_dim3A_773, %broadcast_in_dim3A_963, %broadcast_in_dim3A_1153, %broadcast_in_dim3A_1343, %broadcast_in_dim3A_1533, %broadcast_in_dim3A_1723, %broadcast_in_dim3A_1913, %broadcast_in_dim3A_2103, %broadcast_in_dim3A_2293, %broadcast_in_dim3A_2483, %broadcast_in_dim3A_2673, %broadcast_in_dim3A_2863, %broadcast_in_dim3A_3053 in 0 : vector<64x1xf32>, vector<64x1xf32>, vector<64x1xf32>, vector<64x1xf32>, vector<64x1xf32>, vector<64x1xf32>, vector<64x1xf32>, vector<64x1xf32>, vector<64x1xf32>, vector<64x1xf32>, vector<64x1xf32>, vector<64x1xf32>, vector<64x1xf32>, vector<64x1xf32>, vector<64x1xf32>, vector<64x1xf32> -> vector<1024x1xf32>
    %concatenate3A_3066 = tpu.concatenate %broadcast_in_dim3A_209, %broadcast_in_dim3A_399, %broadcast_in_dim3A_589, %broadcast_in_dim3A_779, %broadcast_in_dim3A_969, %broadcast_in_dim3A_1159, %broadcast_in_dim3A_1349, %broadcast_in_dim3A_1539, %broadcast_in_dim3A_1729, %broadcast_in_dim3A_1919, %broadcast_in_dim3A_2109, %broadcast_in_dim3A_2299, %broadcast_in_dim3A_2489, %broadcast_in_dim3A_2679, %broadcast_in_dim3A_2869, %broadcast_in_dim3A_3059 in 0 : vector<64x1xf32>, vector<64x1xf32>, vector<64x1xf32>, vector<64x1xf32>, vector<64x1xf32>, vector<64x1xf32>, vector<64x1xf32>, vector<64x1xf32>, vector<64x1xf32>, vector<64x1xf32>, vector<64x1xf32>, vector<64x1xf32>, vector<64x1xf32>, vector<64x1xf32>, vector<64x1xf32>, vector<64x1xf32> -> vector<1024x1xf32>
    %add3A_3067 = arith.constant 0.000000e+00 : f32
    %add3A_3068 = vector.broadcast %add3A_3067 : f32 to vector<1024x1xf32>
    %add3A_3069 = arith.addf %add3A_3068, %concatenate3A : vector<1024x1xf32>
    %add3A_3070 = arith.addf %add3A_3069, %concatenate3A_3060 : vector<1024x1xf32>
    %add3A_3071 = arith.addf %add3A_3070, %concatenate3A_3061 : vector<1024x1xf32>
    %add3A_3072 = arith.addf %add3A_3071, %concatenate3A_3062 : vector<1024x1xf32>
    %add3A_3073 = arith.addf %add3A_3072, %concatenate3A_3063 : vector<1024x1xf32>
    %add3A_3074 = arith.addf %add3A_3073, %concatenate3A_3064 : vector<1024x1xf32>
    %add3A_3075 = arith.addf %add3A_3074, %concatenate3A_3065 : vector<1024x1xf32>
    %add3A_3076 = arith.addf %add3A_3075, %concatenate3A_3066 : vector<1024x1xf32>
    %div3A_3077 = arith.constant 8.000000e+00 : f32
    %div3A_3078 = vector.broadcast %div3A_3077 : f32 to vector<1024x1xf32>
    %div3A_3079 = arith.divf %add3A_3076, %div3A_3078 : vector<1024x1xf32>
    %sub3A = arith.subf %concatenate3A, %concatenate3A : vector<1024x1xf32>
    %exp3A = math.exp %sub3A : vector<1024x1xf32>
    %sub3A_3080 = arith.subf %concatenate3A_3060, %concatenate3A : vector<1024x1xf32>
    %exp3A_3081 = math.exp %sub3A_3080 : vector<1024x1xf32>
    %sub3A_3082 = arith.subf %concatenate3A_3061, %concatenate3A : vector<1024x1xf32>
    %exp3A_3083 = math.exp %sub3A_3082 : vector<1024x1xf32>
    %sub3A_3084 = arith.subf %concatenate3A_3062, %concatenate3A : vector<1024x1xf32>
    %exp3A_3085 = math.exp %sub3A_3084 : vector<1024x1xf32>
    %sub3A_3086 = arith.subf %concatenate3A_3063, %concatenate3A : vector<1024x1xf32>
    %exp3A_3087 = math.exp %sub3A_3086 : vector<1024x1xf32>
    %sub3A_3088 = arith.subf %concatenate3A_3064, %concatenate3A : vector<1024x1xf32>
    %exp3A_3089 = math.exp %sub3A_3088 : vector<1024x1xf32>
    %sub3A_3090 = arith.subf %concatenate3A_3065, %concatenate3A : vector<1024x1xf32>
    %exp3A_3091 = math.exp %sub3A_3090 : vector<1024x1xf32>
    %sub3A_3092 = arith.subf %concatenate3A_3066, %concatenate3A : vector<1024x1xf32>
    %exp3A_3093 = math.exp %sub3A_3092 : vector<1024x1xf32>
    %add3A_3094 = arith.constant 0.000000e+00 : f32
    %add3A_3095 = vector.broadcast %add3A_3094 : f32 to vector<1024x1xf32>
    %add3A_3096 = arith.addf %add3A_3095, %exp3A : vector<1024x1xf32>
    %add3A_3097 = arith.addf %add3A_3096, %exp3A_3081 : vector<1024x1xf32>
    %add3A_3098 = arith.addf %add3A_3097, %exp3A_3083 : vector<1024x1xf32>
    %add3A_3099 = arith.addf %add3A_3098, %exp3A_3085 : vector<1024x1xf32>
    %add3A_3100 = arith.addf %add3A_3099, %exp3A_3087 : vector<1024x1xf32>
    %add3A_3101 = arith.addf %add3A_3100, %exp3A_3089 : vector<1024x1xf32>
    %add3A_3102 = arith.addf %add3A_3101, %exp3A_3091 : vector<1024x1xf32>
    %add3A_3103 = arith.addf %add3A_3102, %exp3A_3093 : vector<1024x1xf32>
    %mul3A_3104 = arith.mulf %exp3A, %concatenate3A : vector<1024x1xf32>
    %add3A_3105 = arith.constant 0.000000e+00 : f32
    %add3A_3106 = vector.broadcast %add3A_3105 : f32 to vector<1024x1xf32>
    %add3A_3107 = arith.addf %add3A_3106, %mul3A_3104 : vector<1024x1xf32>
    %mul3A_3108 = arith.mulf %exp3A_3081, %concatenate3A_3060 : vector<1024x1xf32>
    %add3A_3109 = arith.addf %add3A_3107, %mul3A_3108 : vector<1024x1xf32>
    %mul3A_3110 = arith.mulf %exp3A_3083, %concatenate3A_3061 : vector<1024x1xf32>
    %add3A_3111 = arith.addf %add3A_3109, %mul3A_3110 : vector<1024x1xf32>
    %mul3A_3112 = arith.mulf %exp3A_3085, %concatenate3A_3062 : vector<1024x1xf32>
    %add3A_3113 = arith.addf %add3A_3111, %mul3A_3112 : vector<1024x1xf32>
    %mul3A_3114 = arith.mulf %exp3A_3087, %concatenate3A_3063 : vector<1024x1xf32>
    %add3A_3115 = arith.addf %add3A_3113, %mul3A_3114 : vector<1024x1xf32>
    %mul3A_3116 = arith.mulf %exp3A_3089, %concatenate3A_3064 : vector<1024x1xf32>
    %add3A_3117 = arith.addf %add3A_3115, %mul3A_3116 : vector<1024x1xf32>
    %mul3A_3118 = arith.mulf %exp3A_3091, %concatenate3A_3065 : vector<1024x1xf32>
    %add3A_3119 = arith.addf %add3A_3117, %mul3A_3118 : vector<1024x1xf32>
    %mul3A_3120 = arith.mulf %exp3A_3093, %concatenate3A_3066 : vector<1024x1xf32>
    %add3A_3121 = arith.addf %add3A_3119, %mul3A_3120 : vector<1024x1xf32>
    %div3A_3122 = arith.divf %add3A_3121, %add3A_3103 : vector<1024x1xf32>
    %gt3A = arith.constant 5.000000e-01 : f32
    %gt3A_3123 = vector.broadcast %gt3A : f32 to vector<1024x1xf32>
    %gt3A_3124 = arith.cmpf ogt, %div3A_3079, %gt3A_3123 : vector<1024x1xf32>
    %convert_element_type3A_3125 = arith.extui %gt3A_3124 : vector<1024x1xi1> to vector<1024x1xi32>
    %convert_element_type3A_3126 = arith.sitofp %convert_element_type3A_3125 : vector<1024x1xi32> to vector<1024x1xf32>
    %ge3A = vector.broadcast %concatenate3A_3066 : vector<1024x1xf32> to vector<1024x1024xf32>
    %ge3A_3127 = arith.cmpf oge, %dot_general3A_19, %ge3A : vector<1024x1024xf32>
    %jit3A = arith.constant 0xFF800000 : f32
    %broadcast_in_dim3A_3128 = vector.broadcast %jit3A : f32 to vector<1024x1024xf32>
    %select_n3A_3129 = arith.select %ge3A_3127, %dot_general3A_19, %broadcast_in_dim3A_3128 : vector<1024x1024xi1>, vector<1024x1024xf32>
    %swap3A_3130 = arith.constant 0 : index
    %swap3A_3131 = arith.constant 0 : index
    %swap3A_3132 = arith.constant 0 : index
    %swap3A_3133 = vector.load %arg3[%swap3A_3130, %swap3A_3131, %swap3A_3132] : memref<1x1024x2048xf32, #tpu.memory_space<vmem>>, vector<1x1024x1024xf32>
    %swap3A_3134 = vector.shape_cast %swap3A_3133 : vector<1x1024x1024xf32> to vector<1024x1024xf32>
    %swap3A_3135 = vector.shape_cast %select_n3A_3129 : vector<1024x1024xf32> to vector<1x1024x1024xf32>
    tpu.vector_store %arg3[%swap3A_3130, %swap3A_3131, %swap3A_3132], %swap3A_3135 {strides = array<i32>} : memref<1x1024x2048xf32, #tpu.memory_space<vmem>>, vector<1x1024x1024xf32>,
    %ge3A_3136 = vector.broadcast %concatenate3A_3066 : vector<1024x1xf32> to vector<1024x1024xf32>
    %ge3A_3137 = arith.cmpf oge, %dot_general3A_24, %ge3A_3136 : vector<1024x1024xf32>
    %jit3A_3138 = arith.constant 0xFF800000 : f32
    %broadcast_in_dim3A_3139 = vector.broadcast %jit3A_3138 : f32 to vector<1024x1024xf32>
    %select_n3A_3140 = arith.select %ge3A_3137, %dot_general3A_24, %broadcast_in_dim3A_3139 : vector<1024x1024xi1>, vector<1024x1024xf32>
    %swap3A_3141 = arith.constant 0 : index
    %swap3A_3142 = arith.constant 0 : index
    %swap3A_3143 = arith.constant 1024 : index
    %swap3A_3144 = vector.load %arg3[%swap3A_3141, %swap3A_3142, %swap3A_3143] : memref<1x1024x2048xf32, #tpu.memory_space<vmem>>, vector<1x1024x1024xf32>
    %swap3A_3145 = vector.shape_cast %swap3A_3144 : vector<1x1024x1024xf32> to vector<1024x1024xf32>
    %swap3A_3146 = vector.shape_cast %select_n3A_3140 : vector<1024x1024xf32> to vector<1x1024x1024xf32>
    tpu.vector_store %arg3[%swap3A_3141, %swap3A_3142, %swap3A_3143], %swap3A_3146 {strides = array<i32>} : memref<1x1024x2048xf32, #tpu.memory_space<vmem>>, vector<1x1024x1024xf32>,
    %swap3A_3147 = arith.constant 0 : index
    %swap3A_3148 = arith.constant 0 : index
    %swap3A_3149 = arith.constant 0 : index
    %swap3A_3150 = vector.load %arg4[%swap3A_3147, %swap3A_3148, %swap3A_3149] : memref<1x1024x1xf32, #tpu.memory_space<vmem>>, vector<1x1024x1xf32>
    %swap3A_3151 = vector.shape_cast %swap3A_3150 : vector<1x1024x1xf32> to vector<1024x1xf32>
    %swap3A_3152 = vector.shape_cast %div3A_3079 : vector<1024x1xf32> to vector<1x1024x1xf32>
    tpu.vector_store %arg4[%swap3A_3147, %swap3A_3148, %swap3A_3149], %swap3A_3152 {strides = array<i32>} : memref<1x1024x1xf32, #tpu.memory_space<vmem>>, vector<1x1024x1xf32>,
    %swap3A_3153 = arith.constant 0 : index
    %swap3A_3154 = arith.constant 0 : index
    %swap3A_3155 = arith.constant 0 : index
    %swap3A_3156 = vector.load %arg5[%swap3A_3153, %swap3A_3154, %swap3A_3155] : memref<1x1024x1xf32, #tpu.memory_space<vmem>>, vector<1x1024x1xf32>
    %swap3A_3157 = vector.shape_cast %swap3A_3156 : vector<1x1024x1xf32> to vector<1024x1xf32>
    %swap3A_3158 = vector.shape_cast %div3A_3122 : vector<1024x1xf32> to vector<1x1024x1xf32>
    tpu.vector_store %arg5[%swap3A_3153, %swap3A_3154, %swap3A_3155], %swap3A_3158 {strides = array<i32>} : memref<1x1024x1xf32, #tpu.memory_space<vmem>>, vector<1x1024x1xf32>,
    %swap3A_3159 = arith.constant 0 : index
    %swap3A_3160 = arith.constant 0 : index
    %swap3A_3161 = arith.constant 0 : index
    %swap3A_3162 = vector.load %arg6[%swap3A_3159, %swap3A_3160, %swap3A_3161] : memref<1x1024x1xf32, #tpu.memory_space<vmem>>, vector<1x1024x1xf32>
    %swap3A_3163 = vector.shape_cast %swap3A_3162 : vector<1x1024x1xf32> to vector<1024x1xf32>
    %swap3A_3164 = vector.shape_cast %convert_element_type3A_3126 : vector<1024x1xf32> to vector<1x1024x1xf32>
    tpu.vector_store %arg6[%swap3A_3159, %swap3A_3160, %swap3A_3161], %swap3A_3164 {strides = array<i32>} : memref<1x1024x1xf32, #tpu.memory_space<vmem>>, vector<1x1024x1xf32>,
    return
  }
  func.func @transform_0(%arg0: i32) -> (i32, i32) {
    %c0_i32 = arith.constant 0 : i32
    %c0_i32_0 = arith.constant 0 : i32
    %c0_i32_1 = arith.constant 0 : i32
    return %c0_i32, %c0_i32_0 : i32, i32
  }
  func.func @transform_1(%arg0: i32) -> (i32, i32, i32) {
    %c0_i32 = arith.constant 0 : i32
    %c0_i32_0 = arith.constant 0 : i32
    %c0_i32_1 = arith.constant 0 : i32
    return %arg0, %c0_i32, %c0_i32_0 : i32, i32, i32
  }
  func.func @transform_2(%arg0: i32) -> (i32, i32, i32) {
    %c0_i32 = arith.constant 0 : i32
    %c0_i32_0 = arith.constant 0 : i32
    %c0_i32_1 = arith.constant 0 : i32
    return %arg0, %c0_i32, %c0_i32_0 : i32, i32, i32
  }
  func.func @transform_3(%arg0: i32) -> (i32, i32, i32) {
    %c0_i32 = arith.constant 0 : i32
    %c0_i32_0 = arith.constant 0 : i32
    %c0_i32_1 = arith.constant 0 : i32
    return %arg0, %c0_i32, %c0_i32_0 : i32, i32, i32
  }
  func.func @transform_4(%arg0: i32) -> (i32, i32, i32) {
    %c0_i32 = arith.constant 0 : i32
    %c0_i32_0 = arith.constant 0 : i32
    %c0_i32_1 = arith.constant 0 : i32
    return %arg0, %c0_i32, %c0_i32_0 : i32, i32, i32
  }
  func.func @transform_5(%arg0: i32) -> (i32, i32, i32) {
    %c0_i32 = arith.constant 0 : i32
    %c0_i32_0 = arith.constant 0 : i32
    %c0_i32_1 = arith.constant 0 : i32
    return %arg0, %c0_i32, %c0_i32_0 : i32, i32, i32
  }
}

</mosaic_0001>

<sc_bundles>
// kernel: kernel.4.cloned.1.call-start
scs
__scs_entry_jumppad:
0x0: {  	(pc) =	sbr.rel $0x88, $3  }
0x1: {  	(tag) =	ssettag $0x0;
	lr =	simm.s32 $0x1  }
0x2: {  	[smem:$0x3F9F] =	sst lr;
	_ =	strace $0xD0000000  }
0x3: {  	_ = 	snop  }
0x4: {  	_ = 	snop  }
0x5: {  	_ = 	snop  }
0x6: {  	_ = 	snop  }
0x7: {  	_ = 	snop  }
__scs_overlays_trampoline_lowered:
0x8: {  	[smem:$0x3FAE] =	sst s0  }
0x9: {  	[smem:$0x3FAF] =	sst s1  }
0xa: {  	[smem:$0x3FB0] =	sst s2  }
0xb: {  	[smem:$0x3FB1] =	sst s3  }
0xc: {  	[smem:$0x3FB2] =	sst s4  }
0xd: {  	[smem:$0x3FB3] =	sst s5  }
0xe: {  	[smem:$0x3FB4] =	sst s6  }
0xf: {  	[smem:$0x3FB5] =	sst s7  }
0x10: {  	[smem:$0x3FB6] =	sst s8  }
0x11: {  	[smem:$0x3FB7] =	sst s9;
	s0 =	simm.s32 @!p0 $0x0  }
0x12: {  	s1 =	sld [smem:$0x3F9D];
	s0 =	simm.s32 @p0 $0x1  }
0x13: {  	[smem:$0x3FB8] =	sst s0;
	s0 =	simm.s32 @!p1 $0x0  }
0x14: {  	s2 =	sld [smem:$0x3F9C];
	s0 =	simm.s32 @p1 $0x1  }
0x15: {  	[smem:$0x3FB9] =	sst s0;
	s0 =	simm.s32 @!p2 $0x0  }
0x16: {  	s3 =	sld [smem:$0x3FDB];
	s0 =	simm.s32 @p2 $0x1  }
0x17: {  	s4 =	simm.s32 $0x1BF5;
	[smem:$0x3FBB] =	sst s0  }
0x18: {  	s0 =	sld [smem:$0x3F9E];
	_ =	swait.ge [sflag:s4], $0x0  }
0x19: {  	s7 =	sld [smem:$0x3F9F]  }
0x1a: {  	s8 =	sadd.s32 $0xFFFFE003, lr  }
0x1b: {  	s9 =	sadd.s32 $0xFFFFFEF7, lr;
	s5 =	simm.s32 $0xFFFFFFFF;
	p2 =	slt.u32 s8, $0xFFFFF086  }
0x1c: {  	p1 =	slt.u32 s9, $0xF7A;
	s5 =	simm.s32 @!p2 $0x0  }
0x1d: {  	s5 =	simm.s32 @p1 $0x1;
	p0 =	seq.s32 s7, s2  }
0x1e: {  	s7 =	smul.u32 @!p0 $0xF7A, s2;
	p2 =	seq.s32 @!p0 s5, $0x0  }
0x1f: {  	s9 =	smul.u32 $0xF7A, s1;
	s8 =	simm.s32 @!p0 $0x1BF5;
	p2 =	por !p2, p0  }
0x20: {  	[sflag:s8] =	ssyncset.s32 @!p0 $0xFFFFF086;
	s6 =	sadd.s32 @!p0 s3, s7;
	s7 =	simm.s32 @!p0 $0x108  }
0x21: {  	s3 =	sadd.s32 s3, s9;
	s6 =	sadd.s32 @!p0 $0x88, s6;
	s7 =	simm.s32 @p2 $0x1082  }
0x22: {  	[simem:s7], [sflag:s8] =	dma.local @!p0 [hbm:s6], $0xF7A  }
0x23: {  	s9 =	sor.u32 $0xD0000000, s2;
	s6 =	simm.s32 $0x108;
	_ =	swait.ge @!p0 [sflag:s8], $0x0  }
0x24: {  	s3 =	sadd.s32 $0x88, s3;
	s6 =	simm.s32 @!p1 $0x1082;
	[sflag:s4] =	ssyncset.s32 $0xFFFFF086  }
0x25: {  	[simem:s6], [sflag:s4] =	dma.local [hbm:s3], $0xF7A  }
0x26: {  	[smem:$0x3F9F] =	sst s1;
	(tag) =	ssettag s2;
	_ =	strace s9  }
0x27: {  	s1 =	sld [smem:$0x3FAF]  }
0x28: {  	s2 =	sld [smem:$0x3FB0]  }
0x29: {  	s4 =	sld [smem:$0x3FB2]  }
0x2a: {  	p0 =	seq.s32 s5, $0x0;
	s5 =	sld [smem:$0x3FB3]  }
0x2b: {  	s6 =	sld [smem:$0x3FB4]  }
0x2c: {  	s7 =	sld [smem:$0x3FB5]  }
0x2d: {  	s3 =	simm.s32 $0x108;
	s8 =	sld [smem:$0x3FB6]  }
0x2e: {  	s3 =	simm.s32 @!p0 $0x1082;
	s9 =	sld [smem:$0x3FB7]  }
0x2f: {  	lr =	sadd.s32 s0, s3;
	s0 =	sld [smem:$0x3FAE]  }
0x30: {  	s3 =	sld [smem:$0x3FB1]  }
0x31: {  	[smem:$0x3FBA] =	sst s10  }
0x32: {  	s10 =	sld [smem:$0x3FB8];
	_ =	sdelay $0x3  }
0x33: {  	p0 =	seq.s32 s10, $0x1;
	s10 =	sld [smem:$0x3FBA];
	_ =	sdelay $0x3  }
0x34: {  	[smem:$0x3FBA] =	sst s10  }
0x35: {  	s10 =	sld [smem:$0x3FB9];
	_ =	sdelay $0x3  }
0x36: {  	p1 =	seq.s32 s10, $0x1;
	s10 =	sld [smem:$0x3FBA];
	_ =	sdelay $0x3  }
0x37: {  	[smem:$0x3FBA] =	sst s10  }
0x38: {  	s10 =	sld [smem:$0x3FBB]  }
0x39: {  	_ = 	snop;
	(pc) =	sbr.ind lr, $3  }
0x3a: {  	_ = 	snop  }
0x3b: {  	_ = 	snop  }
0x3c: {  	p2 =	seq.s32 s10, $0x1;
	s10 =	sld [smem:$0x3FBA]  }
0x3d: {  	_ =	shalt  }
0x3e: {  	_ =	shalt  }
0x3f: {  	_ =	shalt  }
0x40: {  	_ =	shalt  }
0x41: {  	_ =	shalt  }
0x42: {  	_ =	shalt  }
0x43: {  	_ =	shalt  }
0x44: {  	_ =	shalt  }
0x45: {  	_ =	shalt  }
0x46: {  	_ =	shalt  }
0x47: {  	_ =	shalt  }
0x48: {  	_ =	shalt  }
0x49: {  	_ =	shalt  }
0x4a: {  	_ =	shalt  }
0x4b: {  	_ =	shalt  }
0x4c: {  	_ =	shalt  }
0x4d: {  	_ =	shalt  }
0x4e: {  	_ =	shalt  }
0x4f: {  	_ =	shalt  }
0x50: {  	_ =	shalt  }
0x51: {  	_ =	shalt  }
0x52: {  	_ =	shalt  }
0x53: {  	_ =	shalt  }
0x54: {  	_ =	shalt  }
0x55: {  	_ =	shalt  }
0x56: {  	_ =	shalt  }
0x57: {  	_ =	shalt  }
0x58: {  	_ =	shalt  }
0x59: {  	_ =	shalt  }
0x5a: {  	_ =	shalt  }
0x5b: {  	_ =	shalt  }
0x5c: {  	_ =	shalt  }
0x5d: {  	_ =	shalt  }
0x5e: {  	_ =	shalt  }
0x5f: {  	_ =	shalt  }
0x60: {  	_ =	shalt  }
0x61: {  	_ =	shalt  }
0x62: {  	_ =	shalt  }
0x63: {  	_ =	shalt  }
0x64: {  	_ =	shalt  }
0x65: {  	_ =	shalt  }
0x66: {  	_ =	shalt  }
0x67: {  	_ =	shalt  }
0x68: {  	_ =	shalt  }
0x69: {  	_ =	shalt  }
0x6a: {  	_ =	shalt  }
0x6b: {  	_ =	shalt  }
0x6c: {  	_ =	shalt  }
0x6d: {  	_ =	shalt  }
0x6e: {  	_ =	shalt  }
0x6f: {  	_ =	shalt  }
0x70: {  	_ =	shalt  }
0x71: {  	_ =	shalt  }
0x72: {  	_ =	shalt  }
0x73: {  	_ =	shalt  }
0x74: {  	_ =	shalt  }
0x75: {  	_ =	shalt  }
0x76: {  	_ =	shalt  }
0x77: {  	_ =	shalt  }
0x78: {  	_ =	shalt  }
0x79: {  	_ =	shalt  }
0x7a: {  	_ =	shalt  }
0x7b: {  	_ =	shalt  }
0x7c: {  	_ =	shalt  }
0x7d: {  	_ =	shalt  }
0x7e: {  	_ =	shalt  }
0x7f: {  	_ =	shalt  }
0x80: {  	_ =	shalt  }
0x81: {  	_ =	shalt  }
0x82: {  	_ =	shalt  }
0x83: {  	_ =	shalt  }
0x84: {  	_ =	shalt  }
0x85: {  	_ =	shalt  }
0x86: {  	_ =	shalt  }
0x87: {  	_ =	shalt  }
.Lfunc_end0:
.L_simem_size_0:
called_computation_lowered:
.L_overlay_start_0:
0x88: {  	s2 =	sld [smem:$0x3FD9]  }
0x89: {  	s3 =	sld [smem:$0x3FFE];
	_ =	sdelay $0x1  }
0x8a: {  	s1 =	srdreg.scid  }
0x8b: {  	s0 =	sand.u32 $0x1, s1  }
0x8c: {  	s14 =	sshll.u32 s0, $0xA;
	s2 =	sadd.s32 s3, s2  }
0x8d: {  	s2 =	sadd.s32 s2, s14  }
0x8e: {  	[smem:$0x3FC6] =	sst s2  }
0x8f: {  	_ = 	snop  }
0x90: {  	s2 =	sld [smem:$0x3FD0];
	_ =	sdelay $0x2  }
0x91: {  	s15 =	simm.s32 $0xA;
	s4 =	simm.s32 $0x10  }
0x92: {  	[smem:s4], [sflag:s15] =	dma.local [hbm:s2], $0x1  }
0x93: {  	_ =	swait.eq [sflag:s15], $0x1  }
0x94: {  	s16 =	sld [smem:$0x10]  }
0x95: {  	s17 =	sld [smem:$0x11];
	[sflag:s15] =	ssyncset.done $0x0  }
0x96: {  	s5 =	sld [smem:$0x12];
	[sflag:s15] =	ssyncadd.s32 $0xFFFFFFFF  }
0x97: {  	s18 =	sld [smem:$0x13];
	(tm) =	ssettm $0x1  }
0x98: {  	s6 =	sld [smem:$0x3FFB];
	_ =	sdelay $0x3  }
0x99: {  	_ =	strace s6  }
0x9a: {  	s6 =	sld [smem:$0x3FFC];
	_ =	sdelay $0x3  }
0x9b: {  	_ =	strace s6  }
0x9c: {  	s6 =	sld [smem:$0x3FFD];
	_ =	sdelay $0x3  }
0x9d: {  	_ =	strace s6  }
0x9e: {  	_ =	strace $0x8FFFFFFF  }
0x9f: {  	s19 =	sld [smem:$0x3FDB];
	_ =	sdelay $0x1  }
0xa0: {  	s7 =	simm.s32 $_scs_section_size  }
0xa1: {  	s8 =	simm.s32 $_size__tile_overlayer_lowered;
	s9 =	simm.s32 $_tile_overlayer_lowered  }
0xa2: {  	s22 =	simm.s32 $0x1BFF;
	s21 =	sshll.u32 s9, $0x1;
	s6 =	sadd.s32 s7, s19  }
0xa3: {  	s10 =	simm.s32 $0x0;
	s20 =	sshll.u32 s8, $0x1;
	s8 =	sadd.s32 s21, s6  }
0xa4: {  	[timem:s10], [sflag:s22] =	dma.local [hbm:s8], s20  }
0xa5: {  	_ =	swait.ge [sflag:s22], s20  }
0xa6: {  	s7 =	ssub.s32 $0x0, s20;
	[sflag:s22] =	ssyncset.done $0x0  }
0xa7: {  	[sflag:s22] =	ssyncadd.s32 s7;
	_ =	sdelay $0x1  }
0xa8: {  	s23 =	simm.s32 $0x1B8B  }
0xa9: {  	_ =	swait.ge [sflag:s23], $0x1  }
0xaa: {  	[sflag:s23] =	ssyncset.done $0x0  }
0xab: {  	s25 =	simm.s32 $0x1B8E;
	s24 =	sld [smem:$0x3FFE];
	[sflag:s23] =	ssyncadd.s32 $0xFFFFFFFF  }
0xac: {  	s26 =	simm.s32 $execute0_lowered;
	[smem:$0x3FD2] =	sst s25  }
0xad: {  	s8 =	sshll.u32 s26, $0x1;
	_ =	strace $0x80000046;
	[dreg:$0x1] =	wrdreg $0xFFFFFFFF  }
0xae: {  	s28 =	simm.s32 $_size_execute0_lowered;
	s6 =	sadd.s32 s6, s8;
	[dreg:$0x0] =	wrdreg $0x0  }
0xaf: {  	s8 =	sshll.u32 s28, $0x1;
	[dreg:$0x2] =	wrdreg s6  }
0xb0: {  	[dreg:$0x3] =	wrdreg s8  }
0xb1: {  	[dreg:$0x4] =	wrdreg $0xC0  }
0xb2: {  	_ =	task [dreg:s10], $0x5FFFF  }
0xb3: {  	[dreg:$0x1] =	wrdreg $0xFFFFFFFF  }
0xb4: {  	[dreg:$0x0] =	wrdreg $0x60  }
0xb5: {  	[dreg:$0x2] =	wrdreg s24  }
0xb6: {  	[dreg:$0x3] =	wrdreg s16  }
0xb7: {  	[dreg:$0x4] =	wrdreg s17  }
0xb8: {  	[dreg:$0x5] =	wrdreg s5  }
0xb9: {  	[dreg:$0x6] =	wrdreg s18  }
0xba: {  	[dreg:$0x7] =	wrdreg $0x9  }
0xbb: {  	_ =	task.clear_ibuf [dreg:s10], $0x8FFFF;
	_ =	strace $0x90000046  }
0xbc: {  	s29 =	simm.s32 $0x9;
	_ =	strace $0x80000048  }
0xbd: {  	_ =	swait.ge [sflag:s29], $0x1  }
0xbe: {  	[sflag:s29] =	ssyncadd.s32 $0xFFFFFFFF  }
0xbf: {  	_ =	strace $0x90000048  }
0xc0: {  	_ =	sfence  }
0xc1: {  	s30 =	sld [smem:$0x0];
	_ =	sdelay $0x2  }
0xc2: {  	s31 =	sshll.u32 s1, $0xD;
	s1 =	sshrl.u32 s1, $0x2  }
0xc3: {  	s3 =	sand.u32 $0x4000, s31;
	s1 =	sadd.s32 s1, s30  }
0xc4: {  	s0 =	sor.u32 s3, s0;
	s1 =	sshll.u32 s1, $0x11  }
0xc5: {  	s0 =	sor.u32 s1, s0  }
0xc6: {  	s0 =	sadd.s32 $0x8F2B, s0  }
0xc7: {  	[sflag:s0] =	ssyncadd.remote.s32 $0x1  }
0xc8: {  	_ =	sfence.sel $0xFFFF  }
0xc9: {  	[dreg:$0x0] =	wrdreg $0xFFFFFFFF;
	(pc) =	sbr.abs _section_cstart, $3  }
0xca: {  	[dreg:$0x1] =	wrdreg $0xFFFFFFFF  }
0xcb: {  	_ =	task.clear_ibuf [dreg:s10], $0x2FFFF;
	_ =	strace $0x9FFFFFFF  }
0xcc: {  	(tm) =	ssettm $0x7FFFFFFF  }
0xcd: {  	_ =	shalt  }
tec
execute0_lowered:
.L_overlay_start_1:
0x0: {  	(tag) =	ssettag $0x1  }
0x1: {  	s2 =	srdreg.scid  }
0x2: {  	s0 =	stileid.u32;
	s6 =	sand.u32 $0x1, s2  }
0x3: {  	s7 =	rddreg [dreg:$0x0];
	s23 =	sshll.u32 s0, $0x6;
	s5 =	sshll.u32 s6, $0x5  }
0x4: {  	s1 =	rddreg [dreg:$0x1];
	s24 =	sshll.u32 s0, $0x9;
	s8 =	sor.u32 s5, s23  }
0x5: {  	s3 =	rddreg [dreg:$0x2];
	s9 =	sor.u32 s24, s8  }
0x6: {  	s4 =	rddreg [dreg:$0x3];
	s2 =	simm.s32 $0x0;
	s9 =	sand.u32 $0x1C60, s9  }
0x7: {  	s10 =	sadd.s32 $0x60000, s7;
	[smem:$0x7FF] =	sst s2;
	s9 =	sshrl.u32 s9, $0x3  }
0x8: {  	s12 =	sadd.s32 $0x400, s7;
	s5 =	rddreg [dreg:$0x4];
	s11 =	sadd.s32 s10, s9  }
0x9: {  	_ =	strace $0x80000047;
	s25 =	sadd.s32 s7, s9;
	[dreg:$0x6] =	wrdreg s11  }
0xa: {  	s26 =	sadd.s32 s12, s9;
	s13 =	sor.u32 $0x10, s9;
	[dreg:$0x7] =	wrdreg s25  }
0xb: {  	[dreg:$0x8] =	wrdreg s26;
	s0 =	sadd.s32 s10, s13  }
0xc: {  	s14 =	sadd.s32 s7, s13;
	[dreg:$0x9] =	wrdreg s0  }
0xd: {  	s16 =	sor.u32 $0x20, s9;
	s15 =	sadd.s32 s12, s13;
	[dreg:$0xa] =	wrdreg s14  }
0xe: {  	s17 =	sadd.s32 s10, s16;
	[dreg:$0xb] =	wrdreg s15  }
0xf: {  	s28 =	simm.s32 $0xB80;
	s18 =	sadd.s32 s7, s16;
	[dreg:$0xc] =	wrdreg s17  }
0x10: {  	s20 =	sor.u32 $0x30, s9;
	s19 =	sadd.s32 s12, s16;
	[dreg:$0xd] =	wrdreg s18  }
0x11: {  	s29 =	simm.s32 $0xC00;
	s21 =	sadd.s32 s10, s20;
	[dreg:$0xe] =	wrdreg s19  }
0x12: {  	s30 =	simm.s32 $0xC80;
	s22 =	sadd.s32 s7, s20;
	[dreg:$0xf] =	wrdreg s21  }
0x13: {  	s24 =	sor.u32 $0x40, s9;
	s23 =	sadd.s32 s12, s20;
	[dreg:$0x10] =	wrdreg s22  }
0x14: {  	s31 =	simm.s32 $0xD00;
	s25 =	sadd.s32 s10, s24;
	[dreg:$0x11] =	wrdreg s23  }
0x15: {  	s9 =	sor.u32 $0x50, s9;
	s26 =	sadd.s32 s7, s24;
	[dreg:$0x12] =	wrdreg s25  }
0x16: {  	s6 =	ssub.s32 $0x2, s6;
	s13 =	sadd.s32 s10, s9;
	[dreg:$0x13] =	wrdreg s26  }
0x17: {  	s11 =	simm.s32 $0x500;
	s0 =	sadd.s32 s12, s24;
	[dreg:$0x15] =	wrdreg s13  }
0x18: {  	s14 =	sand.u32 $0x60, s8;
	s15 =	sadd.s32 s7, s9;
	[dreg:$0x14] =	wrdreg s0  }
0x19: {  	s9 =	sadd.s32 s12, s9;
	s24 =	sshrl.u32 s6, $0x1;
	[dreg:$0x16] =	wrdreg s15  }
0x1a: {  	s14 =	sshrl.u32 s14, $0x3;
	[dreg:$0x17] =	wrdreg s9;
	s9 =	simm.s32 $0x880  }
0x1b: {  	s15 =	simm.s32 $0x980;
	s13 =	sor.u32 s8, s14;
	s8 =	sshrl.u32 s8, $0x3  }
0x1c: {  	s14 =	simm.s32 $0x580;
	s16 =	sor.u32 $0x60, s13;
	s20 =	sor.u32 $0x70, s13  }
0x1d: {  	s1 =	sadd.s32 s1, s8;
	s23 =	sadd.s32 s3, s8;
	s25 =	sadd.s32 s4, s8  }
0x1e: {  	s3 =	ssub.s32 s6, s24;
	s26 =	sadd.s32 s5, s8;
	s4 =	simm.s32 $0x1  }
0x1f: {  	s5 =	simm.s32 $0x400;
	s6 =	simm.s32 $0x800;
	[dreg:$0x1e] =	wrdreg s1  }
0x20: {  	s8 =	simm.s32 $0x480;
	s13 =	simm.s32 $0x180;
	[dreg:$0x1f] =	wrdreg s23  }
0x21: {  	s24 =	simm.s32 $0xB00;
	s17 =	sadd.s32 s10, s16;
	[smem:$0x7FC] =	sst s25  }
0x22: {  	s18 =	sadd.s32 s7, s16;
	s19 =	sadd.s32 s12, s16;
	[smem:$0x7FD] =	sst s26  }
0x23: {  	s21 =	sadd.s32 s10, s20;
	s7 =	sadd.s32 s7, s20;
	[dreg:$0x18] =	wrdreg s17  }
0x24: {  	s22 =	sadd.s32 s12, s20;
	s3 =	smax.u32 s3, $0x1;
	[dreg:$0x19] =	wrdreg s18  }
0x25: {  	s10 =	simm.s32 $0x100;
	s12 =	simm.s32 $0x900;
	[dreg:$0x1a] =	wrdreg s19  }
0x26: {  	s16 =	simm.s32 $0x200;
	s20 =	simm.s32 $0x680;
	[dreg:$0x1b] =	wrdreg s21  }
0x27: {  	s23 =	simm.s32 $0x700;
	s25 =	simm.s32 $0x380;
	[dreg:$0x1c] =	wrdreg s7  }
0x28: {  	s26 =	simm.s32 $0x780;
	s1 =	simm.s32 $0xD80;
	[dreg:$0x1d] =	wrdreg s22  }
0x29: {  	s7 =	simm.s32 $0x80;
	s17 =	simm.s32 $0x600;
	s18 =	simm.s32 $0xA00  }
0x2a: {  	v0 =	vimm.s32 $0x0;
	s19 =	simm.s32 $0x280;
	s21 =	simm.s32 $0xA80;
	s22 =	simm.s32 $0x300  }
.LBB2_1:
0x2b: {  	s0 =	rddreg [dreg:$0x6]  }
0x2c: {  	[tilespmem:s2], [sflag:$0x1] =	stream.linear.gather [hbm4b:s0+s2], $0x20, $0x38;
	[tilespmem:$0xE00] =	vst v63  }
0x2d: {  	_ =	swait.ge [sflag:s4], $0x20  }
0x2e: {  	[sflag:s4] =	ssyncset.done $0x0  }
0x2f: {  	s0 =	rddreg [dreg:$0x7];
	[sflag:s4] =	ssyncadd.s32 $0xFFFFFFE0  }
0x30: {  	[tilespmem:s5], [sflag:$0x1] =	stream.linear.gather [hbm4b:s0+s2], $0x20, $0x38;
	[tilespmem:$0xE00] =	vst v63  }
0x31: {  	_ =	swait.ge [sflag:s4], $0x20  }
0x32: {  	[sflag:s4] =	ssyncset.done $0x0  }
0x33: {  	s0 =	rddreg [dreg:$0x8];
	[sflag:s4] =	ssyncadd.s32 $0xFFFFFFE0  }
0x34: {  	[tilespmem:s6], [sflag:$0x1] =	stream.linear.gather [hbm4b:s0+s2], $0x20, $0x38;
	[tilespmem:$0xE00] =	vst v63  }
0x35: {  	_ =	swait.ge [sflag:s4], $0x20  }
0x36: {  	[sflag:s4] =	ssyncset.done $0x0  }
0x37: {  	s0 =	rddreg [dreg:$0x9];
	[sflag:s4] =	ssyncadd.s32 $0xFFFFFFE0  }
0x38: {  	[tilespmem:s7], [sflag:$0x1] =	stream.linear.gather [hbm4b:s0+s2], $0x20, $0x38;
	[tilespmem:$0xE00] =	vst v63  }
0x39: {  	_ =	swait.ge [sflag:s4], $0x20  }
0x3a: {  	[sflag:s4] =	ssyncset.done $0x0  }
0x3b: {  	s0 =	rddreg [dreg:$0xa];
	[sflag:s4] =	ssyncadd.s32 $0xFFFFFFE0  }
0x3c: {  	[tilespmem:s8], [sflag:$0x1] =	stream.linear.gather [hbm4b:s0+s2], $0x20, $0x38;
	[tilespmem:$0xE00] =	vst v63  }
0x3d: {  	_ =	swait.ge [sflag:s4], $0x20  }
0x3e: {  	[sflag:s4] =	ssyncset.done $0x0  }
0x3f: {  	s0 =	rddreg [dreg:$0xb];
	[sflag:s4] =	ssyncadd.s32 $0xFFFFFFE0  }
0x40: {  	[tilespmem:s9], [sflag:$0x1] =	stream.linear.gather [hbm4b:s0+s2], $0x20, $0x38;
	[tilespmem:$0xE00] =	vst v63  }
0x41: {  	_ =	swait.ge [sflag:s4], $0x20  }
0x42: {  	[sflag:s4] =	ssyncset.done $0x0  }
0x43: {  	s0 =	rddreg [dreg:$0xc];
	[sflag:s4] =	ssyncadd.s32 $0xFFFFFFE0  }
0x44: {  	[tilespmem:s10], [sflag:$0x1] =	stream.linear.gather [hbm4b:s0+s2], $0x20, $0x38;
	[tilespmem:$0xE00] =	vst v63  }
0x45: {  	_ =	swait.ge [sflag:s4], $0x20  }
0x46: {  	[sflag:s4] =	ssyncset.done $0x0  }
0x47: {  	s0 =	rddreg [dreg:$0xd];
	[sflag:s4] =	ssyncadd.s32 $0xFFFFFFE0  }
0x48: {  	[tilespmem:s11], [sflag:$0x1] =	stream.linear.gather [hbm4b:s0+s2], $0x20, $0x38;
	[tilespmem:$0xE00] =	vst v63  }
0x49: {  	_ =	swait.ge [sflag:s4], $0x20  }
0x4a: {  	[sflag:s4] =	ssyncset.done $0x0  }
0x4b: {  	s0 =	rddreg [dreg:$0xe];
	[sflag:s4] =	ssyncadd.s32 $0xFFFFFFE0  }
0x4c: {  	[tilespmem:s12], [sflag:$0x1] =	stream.linear.gather [hbm4b:s0+s2], $0x20, $0x38;
	[tilespmem:$0xE00] =	vst v63  }
0x4d: {  	_ =	swait.ge [sflag:s4], $0x20  }
0x4e: {  	[sflag:s4] =	ssyncset.done $0x0  }
0x4f: {  	s0 =	rddreg [dreg:$0xf];
	[sflag:s4] =	ssyncadd.s32 $0xFFFFFFE0  }
0x50: {  	[tilespmem:s13], [sflag:$0x1] =	stream.linear.gather [hbm4b:s0+s2], $0x20, $0x38;
	[tilespmem:$0xE00] =	vst v63  }
0x51: {  	_ =	swait.ge [sflag:s4], $0x20  }
0x52: {  	[sflag:s4] =	ssyncset.done $0x0  }
0x53: {  	s0 =	rddreg [dreg:$0x10];
	[sflag:s4] =	ssyncadd.s32 $0xFFFFFFE0  }
0x54: {  	[tilespmem:s14], [sflag:$0x1] =	stream.linear.gather [hbm4b:s0+s2], $0x20, $0x38;
	[tilespmem:$0xE00] =	vst v63  }
0x55: {  	_ =	swait.ge [sflag:s4], $0x20  }
0x56: {  	[sflag:s4] =	ssyncset.done $0x0  }
0x57: {  	s0 =	rddreg [dreg:$0x11];
	[sflag:s4] =	ssyncadd.s32 $0xFFFFFFE0  }
0x58: {  	[tilespmem:s15], [sflag:$0x1] =	stream.linear.gather [hbm4b:s0+s2], $0x20, $0x38;
	[tilespmem:$0xE00] =	vst v63  }
0x59: {  	_ =	swait.ge [sflag:s4], $0x20  }
0x5a: {  	[sflag:s4] =	ssyncset.done $0x0  }
0x5b: {  	s0 =	rddreg [dreg:$0x12];
	[sflag:s4] =	ssyncadd.s32 $0xFFFFFFE0  }
0x5c: {  	[tilespmem:s16], [sflag:$0x1] =	stream.linear.gather [hbm4b:s0+s2], $0x20, $0x38;
	[tilespmem:$0xE00] =	vst v63  }
0x5d: {  	_ =	swait.ge [sflag:s4], $0x20  }
0x5e: {  	[sflag:s4] =	ssyncset.done $0x0  }
0x5f: {  	s0 =	rddreg [dreg:$0x13];
	[sflag:s4] =	ssyncadd.s32 $0xFFFFFFE0  }
0x60: {  	[tilespmem:s17], [sflag:$0x1] =	stream.linear.gather [hbm4b:s0+s2], $0x20, $0x38;
	[tilespmem:$0xE00] =	vst v63  }
0x61: {  	_ =	swait.ge [sflag:s4], $0x20  }
0x62: {  	[sflag:s4] =	ssyncset.done $0x0  }
0x63: {  	s0 =	rddreg [dreg:$0x14];
	[sflag:s4] =	ssyncadd.s32 $0xFFFFFFE0  }
0x64: {  	[tilespmem:s18], [sflag:$0x1] =	stream.linear.gather [hbm4b:s0+s2], $0x20, $0x38;
	[tilespmem:$0xE00] =	vst v63  }
0x65: {  	_ =	swait.ge [sflag:s4], $0x20  }
0x66: {  	[sflag:s4] =	ssyncset.done $0x0  }
0x67: {  	s0 =	rddreg [dreg:$0x15];
	[sflag:s4] =	ssyncadd.s32 $0xFFFFFFE0  }
0x68: {  	[tilespmem:s19], [sflag:$0x1] =	stream.linear.gather [hbm4b:s0+s2], $0x20, $0x38;
	[tilespmem:$0xE00] =	vst v63  }
0x69: {  	_ =	swait.ge [sflag:s4], $0x20  }
0x6a: {  	[sflag:s4] =	ssyncset.done $0x0  }
0x6b: {  	s0 =	rddreg [dreg:$0x16];
	[sflag:s4] =	ssyncadd.s32 $0xFFFFFFE0  }
0x6c: {  	[tilespmem:s20], [sflag:$0x1] =	stream.linear.gather [hbm4b:s0+s2], $0x20, $0x38;
	[tilespmem:$0xE00] =	vst v63  }
0x6d: {  	_ =	swait.ge [sflag:s4], $0x20  }
0x6e: {  	[sflag:s4] =	ssyncset.done $0x0  }
0x6f: {  	s0 =	rddreg [dreg:$0x17];
	[sflag:s4] =	ssyncadd.s32 $0xFFFFFFE0  }
0x70: {  	[tilespmem:s21], [sflag:$0x1] =	stream.linear.gather [hbm4b:s0+s2], $0x20, $0x38;
	[tilespmem:$0xE00] =	vst v63  }
0x71: {  	_ =	swait.ge [sflag:s4], $0x20  }
0x72: {  	[sflag:s4] =	ssyncset.done $0x0  }
0x73: {  	s0 =	rddreg [dreg:$0x18];
	[sflag:s4] =	ssyncadd.s32 $0xFFFFFFE0  }
0x74: {  	[tilespmem:s22], [sflag:$0x1] =	stream.linear.gather [hbm4b:s0+s2], $0x20, $0x38;
	[tilespmem:$0xE00] =	vst v63  }
0x75: {  	_ =	swait.ge [sflag:s4], $0x20  }
0x76: {  	[sflag:s4] =	ssyncset.done $0x0  }
0x77: {  	s0 =	rddreg [dreg:$0x19];
	[sflag:s4] =	ssyncadd.s32 $0xFFFFFFE0  }
0x78: {  	[tilespmem:s23], [sflag:$0x1] =	stream.linear.gather [hbm4b:s0+s2], $0x20, $0x38;
	[tilespmem:$0xE00] =	vst v63  }
0x79: {  	_ =	swait.ge [sflag:s4], $0x20  }
0x7a: {  	[sflag:s4] =	ssyncset.done $0x0  }
0x7b: {  	s0 =	rddreg [dreg:$0x1a];
	[sflag:s4] =	ssyncadd.s32 $0xFFFFFFE0  }
0x7c: {  	[tilespmem:s24], [sflag:$0x1] =	stream.linear.gather [hbm4b:s0+s2], $0x20, $0x38;
	[tilespmem:$0xE00] =	vst v63  }
0x7d: {  	_ =	swait.ge [sflag:s4], $0x20  }
0x7e: {  	[sflag:s4] =	ssyncset.done $0x0  }
0x7f: {  	s0 =	rddreg [dreg:$0x1b];
	[sflag:s4] =	ssyncadd.s32 $0xFFFFFFE0  }
0x80: {  	[tilespmem:s25], [sflag:$0x1] =	stream.linear.gather [hbm4b:s0+s2], $0x20, $0x38;
	[tilespmem:$0xE00] =	vst v63  }
0x81: {  	_ =	swait.ge [sflag:s4], $0x20  }
0x82: {  	[sflag:s4] =	ssyncset.done $0x0  }
0x83: {  	s0 =	rddreg [dreg:$0x1c];
	[sflag:s4] =	ssyncadd.s32 $0xFFFFFFE0  }
0x84: {  	[tilespmem:s26], [sflag:$0x1] =	stream.linear.gather [hbm4b:s0+s2], $0x20, $0x38;
	[tilespmem:$0xE00] =	vst v63  }
0x85: {  	_ =	swait.ge [sflag:s4], $0x20  }
0x86: {  	[sflag:s4] =	ssyncset.done $0x0  }
0x87: {  	s0 =	rddreg [dreg:$0x1d];
	[sflag:s4] =	ssyncadd.s32 $0xFFFFFFE0  }
0x88: {  	[tilespmem:s28], [sflag:$0x1] =	stream.linear.gather [hbm4b:s0+s2], $0x20, $0x38;
	[tilespmem:$0xE00] =	vst v63  }
0x89: {  	_ =	swait.ge [sflag:s4], $0x20  }
0x8a: {  	[sflag:s4] =	ssyncset.done $0x0  }
0x8b: {  	[sflag:s4] =	ssyncadd.s32 $0xFFFFFFE0  }
0x8c: {  	v1 =	vld [tilespmem:$0x0]  }
0x8d: {  	v2 =	vld [tilespmem:$0x400]  }
0x8e: {  	v3 =	vld [tilespmem:$0x800]  }
0x8f: {  	v4 =	vld [tilespmem:$0x80]  }
0x90: {  	v5 =	vld [tilespmem:$0x480]  }
0x91: {  	v6 =	vld [tilespmem:$0x880]  }
0x92: {  	v7 =	vld [tilespmem:$0x100]  }
0x93: {  	v8 =	vld [tilespmem:$0x500]  }
0x94: {  	v9 =	vld [tilespmem:$0x900]  }
0x95: {  	v10 =	vld [tilespmem:$0x180]  }
0x96: {  	v11 =	vld [tilespmem:$0x580]  }
0x97: {  	v12 =	vld [tilespmem:$0x980]  }
0x98: {  	v13 =	vld [tilespmem:$0x200]  }
0x99: {  	v14 =	vld [tilespmem:$0x600]  }
0x9a: {  	v15 =	vld [tilespmem:$0xA00]  }
0x9b: {  	v16 =	vld [tilespmem:$0x280]  }
0x9c: {  	v17 =	vld [tilespmem:$0x680]  }
0x9d: {  	v18 =	vld [tilespmem:$0xA80]  }
0x9e: {  	v19 =	vld [tilespmem:$0x300]  }
0x9f: {  	v20 =	vld [tilespmem:$0x700]  }
0xa0: {  	v21 =	vld [tilespmem:$0xB00]  }
0xa1: {  	v25 =	vld [tilespmem:$0x10]  }
0xa2: {  	v26 =	vld [tilespmem:$0x410]  }
0xa3: {  	v27 =	vld [tilespmem:$0x810]  }
0xa4: {  	v37 =	vld [tilespmem:$0x90]  }
0xa5: {  	v28 =	vld [tilespmem:$0x490]  }
0xa6: {  	v38 =	vld [tilespmem:$0x890]  }
0xa7: {  	v39 =	vld [tilespmem:$0x110]  }
0xa8: {  	v40 =	vld [tilespmem:$0x510];
	vm0 =	vgt.f32 v4, v1  }
0xa9: {  	v41 =	vld [tilespmem:$0x910];
	vm8 =	vgt.f32 v37, v25;
	v1 =	vsel vm0, v4, v1;
	v2 =	vsel vm0, v5, v2  }
0xaa: {  	v43 =	vld [tilespmem:$0x190];
	v3 =	vsel vm0, v6, v3;
	v42 =	vsel vm0, $0x1, v0;
	v4 =	vsel vm8, v37, v25  }
0xab: {  	v22 =	vld [tilespmem:$0x380];
	v51 =	vsel vm8, v28, v26;
	v53 =	vsel vm8, $0x1, v0;
	vm1 =	vgt.f32 v7, v1  }
0xac: {  	v44 =	vld [tilespmem:$0x590];
	vm9 =	vgt.f32 v39, v4;
	v1 =	vsel vm1, v7, v1;
	v2 =	vsel vm1, v8, v2  }
0xad: {  	v46 =	vld [tilespmem:$0x210];
	v3 =	vsel vm1, v9, v3;
	v9 =	vsel vm1, $0x2, v42;
	v4 =	vsel vm9, v39, v4  }
0xae: {  	v23 =	vld [tilespmem:$0x780];
	v7 =	vsel vm8, v38, v27;
	v6 =	vsel vm9, v40, v51;
	v56 =	vsel vm9, $0x2, v53  }
0xaf: {  	v49 =	vld [tilespmem:$0x290];
	vm2 =	vgt.f32 v10, v1;
	vm11 =	vgt.f32 v43, v4;
	v7 =	vsel vm9, v41, v7  }
0xb0: {  	v24 =	vld [tilespmem:$0xB80];
	v1 =	vsel vm2, v10, v1;
	v2 =	vsel vm2, v11, v2;
	v3 =	vsel vm2, v12, v3  }
0xb1: {  	v45 =	vld [tilespmem:$0x990];
	v9 =	vsel vm2, $0x3, v9;
	v4 =	vsel vm11, v43, v4;
	vm3 =	vgt.f32 v13, v1  }
0xb2: {  	v47 =	vld [tilespmem:$0x610];
	v6 =	vsel vm11, v44, v6;
	vm12 =	vgt.f32 v46, v4;
	v1 =	vsel vm3, v13, v1  }
0xb3: {  	v52 =	vld [tilespmem:$0x310];
	v2 =	vsel vm3, v14, v2;
	v3 =	vsel vm3, v15, v3;
	v4 =	vsel vm12, v46, v4  }
0xb4: {  	v48 =	vld [tilespmem:$0xA10];
	v9 =	vsel vm3, $0x4, v9;
	vm6 =	vgt.f32 v16, v1;
	vm13 =	vgt.f32 v49, v4  }
0xb5: {  	v50 =	vld [tilespmem:$0x690];
	v1 =	vsel vm6, v16, v1;
	v2 =	vsel vm6, v17, v2;
	v3 =	vsel vm6, v18, v3  }
0xb6: {  	v55 =	vld [tilespmem:$0x390];
	v9 =	vsel vm6, $0x5, v9;
	v17 =	vsel vm11, $0x3, v56;
	vm7 =	vgt.f32 v19, v1  }
0xb7: {  	v54 =	vld [tilespmem:$0xA90];
	v4 =	vsel vm13, v49, v4;
	v59 =	vsel vm12, $0x4, v17;
	v1 =	vsel vm7, v19, v1  }
0xb8: {  	v57 =	vld [tilespmem:$0x710];
	vm14 =	vgt.f32 v52, v4;
	v9 =	vsel vm7, $0x6, v9;
	vm10 =	vgt.f32 v22, v1  }
0xb9: {  	v58 =	vld [tilespmem:$0xB10];
	v2 =	vsel vm7, v20, v2;
	v3 =	vsel vm7, v21, v3;
	v9 =	vsel vm10, $0x7, v9  }
0xba: {  	v60 =	vld [tilespmem:$0x790];
	v61 =	vsel vm13, $0x5, v59;
	v4 =	vsel vm14, v52, v4;
	v1 =	vsel vm10, v22, v1;
	[tilespmem:$0xC00] =	vst v9  }
0xbb: {  	v62 =	vld [tilespmem:$0xB90];
	v63 =	vsel vm14, $0x6, v61;
	vm15 =	vgt.f32 v55, v4;
	v2 =	vsel vm10, v23, v2;
	[tilespmem:$0xC80] =	vst v1  }
0xbc: {  	v3 =	vsel vm10, v24, v3;
	v1 =	vsel vm11, v45, v7;
	[tilespmem:$0xD00] =	vst v2;
	v2 =	vsel vm12, v47, v6  }
0xbd: {  	v4 =	vsel vm15, v55, v4;
	[tilespmem:$0xD80] =	vst v3;
	v1 =	vsel vm12, v48, v1;
	v2 =	vsel vm13, v50, v2  }
0xbe: {  	v3 =	vsel vm15, $0x7, v63;
	[tilespmem:$0xC90] =	vst v4;
	v1 =	vsel vm13, v54, v1;
	v2 =	vsel vm14, v57, v2  }
0xbf: {  	[tilespmem:$0xC10] =	vst v3;
	v1 =	vsel vm14, v58, v1;
	v2 =	vsel vm15, v60, v2  }
0xc0: {  	v1 =	vsel vm15, v62, v1;
	[tilespmem:$0xD10] =	vst v2  }
0xc1: {  	s0 =	rddreg [dreg:$0x1e];
	[tilespmem:$0xD90] =	vst v1  }
0xc2: {  	[hbm4b:s0+s2] =	stream.linear.scatter [tilespmem:s29], [sflag:$0x1], $0x20, $0x38;
	[tilespmem:$0xE00] =	vst v63  }
0xc3: {  	_ =	swait.ge [sflag:s4], $0x20  }
0xc4: {  	[sflag:s4] =	ssyncset.done $0x0  }
0xc5: {  	s0 =	rddreg [dreg:$0x1f];
	[sflag:s4] =	ssyncadd.s32 $0xFFFFFFE0  }
0xc6: {  	[hbm4b:s0+s2] =	stream.linear.scatter [tilespmem:s30], [sflag:$0x1], $0x20, $0x38;
	[tilespmem:$0xE00] =	vst v63  }
0xc7: {  	_ =	swait.ge [sflag:s4], $0x20  }
0xc8: {  	s0 =	sld [smem:$0x7FC]  }
0xc9: {  	[sflag:s4] =	ssyncset.done $0x0  }
0xca: {  	[sflag:s4] =	ssyncadd.s32 $0xFFFFFFE0  }
0xcb: {  	[hbm4b:s0+s2] =	stream.linear.scatter [tilespmem:s31], [sflag:$0x1], $0x20, $0x38;
	[tilespmem:$0xE00] =	vst v63  }
0xcc: {  	_ =	swait.ge [sflag:s4], $0x20  }
0xcd: {  	s0 =	sld [smem:$0x7FD]  }
0xce: {  	p0 =	sne.s32 s3, $0x1;
	[sflag:s4] =	ssyncset.done $0x0  }
.Ltmp0:
0xcf: {  	[sflag:s4] =	ssyncadd.s32 $0xFFFFFFE0;
	(pc) =	sbr.rel @p0 .LBB2_1-.Ltmp0, $4  }
0xd0: {  	[hbm4b:s0+s2] =	stream.linear.scatter [tilespmem:s1], [sflag:$0x1], $0x20, $0x38;
	[tilespmem:$0xE00] =	vst v63  }
0xd1: {  	_ =	swait.ge [sflag:s4], $0x20  }
0xd2: {  	[sflag:s4] =	ssyncset.done $0x0  }
0xd3: {  	s3 =	sadd.s32 $0xFFFFFFFF, s3;
	[sflag:s4] =	ssyncadd.s32 $0xFFFFFFE0  }
0xd4: {  	_ =	sfence.sel $0x180000  }
0xd5: {  	[bflag:$0x0] =	sbarrier.arrive $0xFFFF  }
0xd6: {  	_ =	strace $0x90000047  }
0xd7: {  	s0 =	stileid.u32;
	[bflag:$0x2] =	sbarrier.arrive $0xFFFF  }
0xd8: {  	p0 =	sne.s32 s0, $0x0;
	s0 =	rddreg [dreg:$0x5]  }
0xd9: {  	s0 =	sadd.s32 @!p0 $0x100000, s0  }
0xda: {  	[sflag:s0] =	ssyncadd.tile.s32 @!p0 $0x1;
	_ =	shalt  }
.Lfunc_end2:
_tile_overlayer_lowered:
.L_overlay_start_2:
0xdb: {  	(tag) =	ssettag $0x2  }
0xdc: {  	s0 =	rddreg [dreg:$0x0];
	s2 =	stileid.u32  }
0xdd: {  	s1 =	rddreg [dreg:$0x1];
	p0 =	sne.s32 s2, $0x0  }
0xde: {  	s3 =	rddreg [dreg:$0x2];
	[bflag:$0x3] =	sbarrier.arrive $0xFFFF;
	s2 =	simm.s32 @!p0 $0x1C01  }
0xdf: {  	[timem:s3], [sflag:s2] =	dma.local @!p0 [hbm:s0], s1  }
0xe0: {  	s0 =	simm.s32 @!p0 $0x1  }
0xe1: {  	_ =	swait.ge @!p0 [sflag:s0], s1  }
0xe2: {  	s1 =	ssub.s32 @!p0 $0x0, s1;
	[sflag:s0] =	ssyncset.done @!p0 $0x0  }
0xe3: {  	[sflag:s0] =	ssyncadd.s32 @!p0 s1  }
0xe4: {  	[bflag:$0x3] =	sbarrier.arrive $0xFFFF  }
0xe5: {  	_ =	shalt  }

</sc_bundles>
